<compile_context>
chip_gen: v7x
topology: tpu7x:2x2x1
jax: 0.10.2.dev20260603
libtpu: 0.0.44.dev20260713+nightly
codegen_flags: <defaults>
</compile_context>

<pallas_src>
import functools

import jax
import jax.numpy as jnp
from jax import lax
from jax.experimental import pallas as pl
from jax.experimental.pallas import tpu as pltpu
from jax.experimental.pallas import tpu_sc as plsc

N = 8192
K = 16
NB = 16
NK = N * K
EPS = 1e-5
_D1 = 128
_D2 = 128

_INTERPRET = False


_KR = 128


_W = 2048
_WS = 1024
_WALIGN = 128


def _knn_body(pos_ref, post_ref, brow_ref, bcol_ref, idx_ref):
    p = pos_ref[...]
    brow = brow_ref[...]
    bcol = bcol_ref[...]
    sqi = jnp.sum(p * p, axis=1, keepdims=True)
    big = jnp.int32(2 ** 30)

    def extract(d, cols):
        js = []
        for _ in range(K):
            m = jnp.min(d, axis=1, keepdims=True)
            j = jnp.min(jnp.where(d == m, cols, big), axis=1)
            js.append(j)
            d = jnp.where(cols == j[:, None], jnp.float32(3e38), d)
        idx_ref[...] = jnp.stack(js, axis=1)

    colsN = lax.broadcasted_iota(jnp.int32, (1, N), 1)
    b0 = brow_ref[0, 0]
    b1 = brow_ref[_KR - 1, 0]
    c_lo = jnp.min(jnp.where(bcol >= b0, colsN, big))
    c_hi = jnp.max(jnp.where(bcol <= b1, colsN + 1, 0))
    cnt = jnp.sum((brow == bcol).astype(jnp.int32), axis=1)
    enough = jnp.min(cnt) >= K

    def window_path(w0, w):
        ptw = post_ref[:, pl.ds(w0, w)]
        bw = bcol_ref[:, pl.ds(w0, w)]
        sqj = jnp.sum(ptw * ptw, axis=0, keepdims=True)
        d = sqi + sqj - 2.0 * jnp.dot(p, ptw,
                                      preferred_element_type=jnp.float32)
        d = jnp.where(brow != bw, 1e10, d)
        cols = lax.broadcasted_iota(jnp.int32, (_KR, w), 1) + w0
        extract(d, cols)

    au = jnp.maximum(c_lo // _WALIGN, 0)
    w0s = jnp.minimum(au, (N - _WS) // _WALIGN) * _WALIGN
    w0 = jnp.minimum(au, (N - _W) // _WALIGN) * _WALIGN
    ok_s = jnp.logical_and(enough, c_hi - w0s <= _WS)
    ok_w = jnp.logical_and(jnp.logical_not(ok_s),
                           jnp.logical_and(enough, c_hi - w0 <= _W))

    @pl.when(ok_s)
    def _():
        window_path(w0s, _WS)

    @pl.when(ok_w)
    def _():
        window_path(w0, _W)

    @pl.when(jnp.logical_not(jnp.logical_or(ok_s, ok_w)))
    def _():
        pt = post_ref[...]
        sqj = jnp.sum(pt * pt, axis=0, keepdims=True)
        d = sqi + sqj - 2.0 * jnp.dot(p, pt,
                                      preferred_element_type=jnp.float32)
        d = jnp.where(brow != bcol, 1e10, d)
        cols = lax.broadcasted_iota(jnp.int32, (_KR, N), 1)
        extract(d, cols)


def _knn(pos_pad, batch):
    brow = batch.reshape(N, 1)
    bcol = batch.reshape(1, N)
    post = pos_pad.T
    grid = N // _KR
    return pl.pallas_call(
        _knn_body,
        grid=(grid,),
        in_specs=[
            pl.BlockSpec((_KR, 8), lambda i: (i, 0)),
            pl.BlockSpec((8, N), lambda i: (0, 0)),
            pl.BlockSpec((_KR, 1), lambda i: (i, 0)),
            pl.BlockSpec((1, N), lambda i: (0, 0)),
        ],
        out_specs=pl.BlockSpec((_KR, K), lambda i: (i, 0)),
        out_shape=jax.ShapeDtypeStruct((N, K), jnp.int32),
        interpret=_INTERPRET,
    )(pos_pad, post, brow, bcol)



_SC_NC = 2
_SC_NS = 16
_NW = _SC_NC * _SC_NS
_BPW = NK // _NW
_GCH = 128
_GGRP = 4
_GROWS = _GCH * _GGRP
_NGRP = _BPW // _GROWS


def _sc_gather(table, idx2d, width):
    mesh = plsc.VectorSubcoreMesh(core_axis_name="c", subcore_axis_name="s")

    @functools.partial(
        pl.kernel,
        mesh=mesh,
        out_type=jax.ShapeDtypeStruct((NK, width), jnp.float32),
        scratch_types=[
            pltpu.VMEM((_BPW // _GCH, _GCH), jnp.int32),
            pltpu.VMEM((_GROWS, width), jnp.float32),
            pltpu.SemaphoreType.DMA,
        ],
    )
    def gk(table_hbm, idx_hbm, out_hbm, idx_v, rows_v, sem):
        wid = lax.axis_index("s") * _SC_NC + lax.axis_index("c")
        row0 = wid * (_BPW // _GCH)
        pltpu.sync_copy(idx_hbm.at[pl.ds(row0, _BPW // _GCH), :], idx_v)
        for g in range(_NGRP):
            cps = []
            for s in range(_GGRP):
                cps.append(pltpu.async_copy(
                    table_hbm.at[idx_v.at[g * _GGRP + s]],
                    rows_v.at[pl.ds(s * _GCH, _GCH)],
                    sem))
            for cp in cps:
                cp.wait()
            pltpu.sync_copy(
                rows_v,
                out_hbm.at[pl.ds(wid * _BPW + g * _GROWS, _GROWS), :])

    return gk(table, idx2d)



_SP = 512


def _stats_body(g_ref, z_ref, w_ref, b_ref, o_ref, *, width):
    @pl.when(pl.program_id(0) == 0)
    def _():
        o_ref[...] = jnp.zeros_like(o_ref)
    m = (g_ref[...].reshape(_SP, K, width)
         - z_ref[...][:, None, :]).reshape(_SP * K, width)
    pre = jnp.dot(m, w_ref[...], preferred_element_type=jnp.float32) \
        + b_ref[...]
    s = jnp.sum(pre, axis=0, keepdims=True)
    s2 = jnp.sum(pre * pre, axis=0, keepdims=True)
    o_ref[...] += jnp.concatenate(
        [s, s2, jnp.zeros((6, 64), jnp.float32)], axis=0)


def _stats(gath, ztab, w, b, width):
    grid = N // _SP
    return pl.pallas_call(
        functools.partial(_stats_body, width=width),
        grid=(grid,),
        in_specs=[
            pl.BlockSpec((_SP * K, width), lambda i: (i, 0)),
            pl.BlockSpec((_SP, width), lambda i: (i, 0)),
            pl.BlockSpec((width, 64), lambda i: (0, 0)),
            pl.BlockSpec((1, 64), lambda i: (0, 0)),
        ],
        out_specs=pl.BlockSpec((8, 64), lambda i: (0, 0)),
        out_shape=jax.ShapeDtypeStruct((8, 64), jnp.float32),
        compiler_params=pltpu.CompilerParams(
            dimension_semantics=("arbitrary",)),
        interpret=_INTERPRET,
    )(gath, ztab, w, b)


def _mv(st_ref):
    s = st_ref[0:1, :]
    s2 = st_ref[1:2, :]
    mu = s * (1.0 / NK)
    var = s2 * (1.0 / NK) - mu * mu
    return mu, var


def _bn_apply(pre, st, g, be):
    mu, var = _mv(st)
    return g * (pre - mu) / jnp.sqrt(var + EPS) + be




def _conv1_body(g_ref, z_ref, wa_ref, ba_ref, st_ref, g1a_ref, be1a_ref,
                w1b_ref, b1b_ref, pp_ref, o_ref):
    m = (g_ref[...].reshape(_SP, K, _D1)
         - z_ref[...][:, None, :]).reshape(_SP * K, _D1)
    pre = jnp.dot(m, wa_ref[...], preferred_element_type=jnp.float32) \
        + ba_ref[...]
    h = jnp.maximum(_bn_apply(pre, st_ref, g1a_ref[...], be1a_ref[...]), 0.0)
    hw = jnp.dot(h, w1b_ref[...], preferred_element_type=jnp.float32) \
        + b1b_ref[...]
    x = jnp.max(hw.reshape(_SP, K, 64), axis=1)
    o_ref[:, 0:64] = x
    o_ref[:, 64:72] = pp_ref[...]
    o_ref[:, 72:_D2] = jnp.zeros((_SP, _D2 - 72), jnp.float32)


def _conv1(g1, z1, wa, ba, st1, g1a, be1a, w1b, b1b, pos_pad):
    grid = N // _SP
    return pl.pallas_call(
        _conv1_body,
        grid=(grid,),
        in_specs=[
            pl.BlockSpec((_SP * K, _D1), lambda i: (i, 0)),
            pl.BlockSpec((_SP, _D1), lambda i: (i, 0)),
            pl.BlockSpec((_D1, 64), lambda i: (0, 0)),
            pl.BlockSpec((1, 64), lambda i: (0, 0)),
            pl.BlockSpec((8, 64), lambda i: (0, 0)),
            pl.BlockSpec((1, 64), lambda i: (0, 0)),
            pl.BlockSpec((1, 64), lambda i: (0, 0)),
            pl.BlockSpec((64, 64), lambda i: (0, 0)),
            pl.BlockSpec((1, 64), lambda i: (0, 0)),
            pl.BlockSpec((_SP, 8), lambda i: (i, 0)),
        ],
        out_specs=pl.BlockSpec((_SP, _D2), lambda i: (i, 0)),
        out_shape=jax.ShapeDtypeStruct((N, _D2), jnp.float32),
        interpret=_INTERPRET,
    )(g1, z1, wa, ba, st1, g1a, be1a, w1b, b1b, pos_pad)




def _stats2b_body(g_ref, z_ref, wa_ref, ba_ref, sa_ref, g2a_ref, be2a_ref,
                  w2b_ref, b2b_ref, o_ref):
    @pl.when(pl.program_id(0) == 0)
    def _():
        o_ref[...] = jnp.zeros_like(o_ref)
    m = (g_ref[...].reshape(_SP, K, _D2)
         - z_ref[...][:, None, :]).reshape(_SP * K, _D2)
    pre = jnp.dot(m, wa_ref[...], preferred_element_type=jnp.float32) \
        + ba_ref[...]
    h = jnp.maximum(_bn_apply(pre, sa_ref, g2a_ref[...], be2a_ref[...]), 0.0)
    hb = jnp.dot(h, w2b_ref[...], preferred_element_type=jnp.float32) \
        + b2b_ref[...]
    s = jnp.sum(hb, axis=0, keepdims=True)
    s2 = jnp.sum(hb * hb, axis=0, keepdims=True)
    o_ref[...] += jnp.concatenate(
        [s, s2, jnp.zeros((6, 128), jnp.float32)], axis=0)


def _stats2b(g2, xz, wa, ba, sa, g2a, be2a, w2b, b2b):
    grid = N // _SP
    return pl.pallas_call(
        _stats2b_body,
        grid=(grid,),
        in_specs=[
            pl.BlockSpec((_SP * K, _D2), lambda i: (i, 0)),
            pl.BlockSpec((_SP, _D2), lambda i: (i, 0)),
            pl.BlockSpec((_D2, 64), lambda i: (0, 0)),
            pl.BlockSpec((1, 64), lambda i: (0, 0)),
            pl.BlockSpec((8, 64), lambda i: (0, 0)),
            pl.BlockSpec((1, 64), lambda i: (0, 0)),
            pl.BlockSpec((1, 64), lambda i: (0, 0)),
            pl.BlockSpec((64, 128), lambda i: (0, 0)),
            pl.BlockSpec((1, 128), lambda i: (0, 0)),
        ],
        out_specs=pl.BlockSpec((8, 128), lambda i: (0, 0)),
        out_shape=jax.ShapeDtypeStruct((8, 128), jnp.float32),
        compiler_params=pltpu.CompilerParams(
            dimension_semantics=("arbitrary",)),
        interpret=_INTERPRET,
    )(g2, xz, wa, ba, sa, g2a, be2a, w2b, b2b)



_CP = 128


def _conv2_body(g_ref, z_ref, wa_ref, ba_ref, sa_ref, sb_ref, g2a_ref,
                be2a_ref, w2b_ref, b2b_ref, g2b_ref, be2b_ref, w2c_ref,
                b2c_ref, m_ref, w3_ref, b3_ref, g3_ref, be3_ref,
                o_ref, pool_ref):
    i = pl.program_id(0)

    @pl.when(i == 0)
    def _():
        pool_ref[...] = jnp.full((NB, 1024), -jnp.inf, jnp.float32)

    m = (g_ref[...].reshape(_CP, K, _D2)
         - z_ref[...][:, None, :]).reshape(_CP * K, _D2)
    pre = jnp.dot(m, wa_ref[...], preferred_element_type=jnp.float32) \
        + ba_ref[...]
    h = jnp.maximum(_bn_apply(pre, sa_ref, g2a_ref[...], be2a_ref[...]), 0.0)
    hb = jnp.dot(h, w2b_ref[...], preferred_element_type=jnp.float32) \
        + b2b_ref[...]
    hb = jnp.maximum(_bn_apply(hb, sb_ref, g2b_ref[...], be2b_ref[...]), 0.0)
    hc = jnp.dot(hb, w2c_ref[...], preferred_element_type=jnp.float32) \
        + b2c_ref[...]
    xk = jnp.max(hc.reshape(_CP, K, 1024), axis=1)
    msk = m_ref[...] > 0.5
    for b in range(NB):
        cur = jnp.max(jnp.where(msk[:, b:b + 1], xk, -jnp.inf),
                      axis=0, keepdims=True)
        pool_ref[b:b + 1, :] = jnp.maximum(pool_ref[b:b + 1, :], cur)

    @pl.when(i == (N // _CP) - 1)
    def _():
        pooled = pool_ref[...]
        z = jnp.dot(pooled, w3_ref[...],
                    preferred_element_type=jnp.float32) + b3_ref[...]
        mu = jnp.mean(z, axis=0, keepdims=True)
        var = jnp.mean((z - mu) * (z - mu), axis=0, keepdims=True)
        o_ref[...] = jnp.maximum(
            g3_ref[...] * (z - mu) / jnp.sqrt(var + EPS) + be3_ref[...], 0.0)


def _conv2(g2, xz, wa, ba, sa, sb, g2a, be2a, w2b, b2b, g2b, be2b, w2c, b2c,
           segmask, w3, b3, g3, be3):
    grid = N // _CP
    return pl.pallas_call(
        _conv2_body,
        grid=(grid,),
        in_specs=[
            pl.BlockSpec((_CP * K, _D2), lambda i: (i, 0)),
            pl.BlockSpec((_CP, _D2), lambda i: (i, 0)),
            pl.BlockSpec((_D2, 64), lambda i: (0, 0)),
            pl.BlockSpec((1, 64), lambda i: (0, 0)),
            pl.BlockSpec((8, 64), lambda i: (0, 0)),
            pl.BlockSpec((8, 128), lambda i: (0, 0)),
            pl.BlockSpec((1, 64), lambda i: (0, 0)),
            pl.BlockSpec((1, 64), lambda i: (0, 0)),
            pl.BlockSpec((64, 128), lambda i: (0, 0)),
            pl.BlockSpec((1, 128), lambda i: (0, 0)),
            pl.BlockSpec((1, 128), lambda i: (0, 0)),
            pl.BlockSpec((1, 128), lambda i: (0, 0)),
            pl.BlockSpec((128, 1024), lambda i: (0, 0)),
            pl.BlockSpec((1, 1024), lambda i: (0, 0)),
            pl.BlockSpec((_CP, NB), lambda i: (i, 0)),
            pl.BlockSpec((1024, 256), lambda i: (0, 0)),
            pl.BlockSpec((1, 256), lambda i: (0, 0)),
            pl.BlockSpec((1, 256), lambda i: (0, 0)),
            pl.BlockSpec((1, 256), lambda i: (0, 0)),
        ],
        out_specs=pl.BlockSpec((NB, 256), lambda i: (0, 0)),
        out_shape=jax.ShapeDtypeStruct((NB, 256), jnp.float32),
        scratch_shapes=[pltpu.VMEM((NB, 1024), jnp.float32)],
        compiler_params=pltpu.CompilerParams(
            dimension_semantics=("arbitrary",)),
        interpret=_INTERPRET,
    )(g2, xz, wa, ba, sa, sb, g2a, be2a, w2b, b2b, g2b, be2b, w2c, b2c,
      segmask, w3, b3, g3, be3)




def kernel(pos, batch, W1a, b1a, g1a, be1a, W1b, b1b, W2a, b2a, g2a, be2a,
           W2b, b2b, g2b, be2b, W2c, b2c, W3, b3, g3, be3):
    f32 = jnp.float32
    zN3 = jnp.zeros((N, 3), f32)
    pos_pad = jnp.pad(pos, ((0, 0), (0, 5)))
    tbl1 = jnp.concatenate([pos, pos, jnp.zeros((N, _D1 - 6), f32)], axis=1)
    z1 = jnp.concatenate([zN3, pos, jnp.zeros((N, _D1 - 6), f32)], axis=1)
    xz = jnp.concatenate([jnp.zeros((N, 64), f32), pos,
                          jnp.zeros((N, _D2 - 67), f32)], axis=1)
    wa1 = jnp.pad(W1a, ((0, _D1 - 6), (0, 0)))
    wa2 = jnp.pad(W2a, ((0, _D2 - 67), (0, 0)))

    idx = _knn(pos_pad, batch)
    idx2d = idx.reshape(NK // _GCH, _GCH)

    g1 = _sc_gather(tbl1, idx2d, _D1)
    st1 = _stats(g1, z1, wa1, b1a.reshape(1, 64), _D1)
    tbl2 = _conv1(g1, z1, wa1, b1a.reshape(1, 64), st1,
                  g1a.reshape(1, 64), be1a.reshape(1, 64),
                  W1b, b1b.reshape(1, 64), pos_pad)

    g2 = _sc_gather(tbl2, idx2d, _D2)
    sa = _stats(g2, xz, wa2, b2a.reshape(1, 64), _D2)
    sb = _stats2b(g2, xz, wa2, b2a.reshape(1, 64), sa,
                  g2a.reshape(1, 64), be2a.reshape(1, 64),
                  W2b, b2b.reshape(1, 128))

    segmask = (batch[:, None] == jnp.arange(NB, dtype=jnp.int32)[None, :]
               ).astype(f32)
    out = _conv2(g2, xz, wa2, b2a.reshape(1, 64), sa, sb,
                 g2a.reshape(1, 64), be2a.reshape(1, 64),
                 W2b, b2b.reshape(1, 128), g2b.reshape(1, 128),
                 be2b.reshape(1, 128), W2c, b2c.reshape(1, 1024),
                 segmask, W3, b3.reshape(1, 256), g3.reshape(1, 256),
                 be3.reshape(1, 256))
    return out

# --- scband reference (transcript-rebuilt; emitter-appended) ---
"""Pipeline reference for scband-encoder-4234837753929 (READ-ONLY COPY).

The authoritative reference and input builder live on the scoring server;
editing this copy changes nothing except your own understanding.
"""

import jax, jax.numpy as jnp
import numpy as np

N = 8192
B = 16
K = 16
LATENT = 256
EPS = 1e-5

def _init(key, shape):
    return (jax.random.normal(key, shape, dtype=jnp.float32) * (1.0 / np.sqrt(shape[0]))).astype(jnp.float32)

def setup_inputs(seed: int = 0):
    key = jax.random.key(seed)
    ks = jax.random.split(key, 24)
    pos = jax.random.normal(ks[0], (N, 3), dtype=jnp.float32)
    batch = jnp.sort(jax.random.randint(ks[1], (N,), 0, B)).astype(jnp.int32)
    p = {}
    p['W1a'] = _init(ks[2], (6, 64)); p['b1a'] = jnp.zeros((64,), jnp.float32)
    p['g1a'] = jnp.ones((64,), jnp.float32); p['be1a'] = jnp.zeros((64,), jnp.float32)
    p['W1b'] = _init(ks[3], (64, 64)); p['b1b'] = jnp.zeros((64,), jnp.float32)
    p['W2a'] = _init(ks[4], (67, 64)); p['b2a'] = jnp.zeros((64,), jnp.float32)
    p['g2a'] = jnp.ones((64,), jnp.float32); p['be2a'] = jnp.zeros((64,), jnp.float32)
    p['W2b'] = _init(ks[5], (64, 128)); p['b2b'] = jnp.zeros((128,), jnp.float32)
    p['g2b'] = jnp.ones((128,), jnp.float32); p['be2b'] = jnp.zeros((128,), jnp.float32)
    p['W2c'] = _init(ks[6], (128, 1024)); p['b2c'] = jnp.zeros((1024,), jnp.float32)
    p['W3'] = _init(ks[7], (1024, LATENT)); p['b3'] = jnp.zeros((LATENT,), jnp.float32)
    p['g3'] = jnp.ones((LATENT,), jnp.float32); p['be3'] = jnp.zeros((LATENT,), jnp.float32)
    out = {'pos': pos, 'batch': batch}
    out.update(p)
    return out

def _bn(h, g, b):
    mu = jnp.mean(h, axis=0, keepdims=True)
    var = jnp.var(h, axis=0, keepdims=True)
    return g * (h - mu) / jnp.sqrt(var + EPS) + b

def _knn_idx(pos, batch, k):
    sq = jnp.sum(pos * pos, axis=-1)
    d = sq[:, None] + sq[None, :] - 2.0 * (pos @ pos.T)
    d = jnp.where(batch[:, None] != batch[None, :], 1e10, d)
    return jax.lax.top_k(-d, k)[1]

def reference(pos, batch, W1a, b1a, g1a, be1a, W1b, b1b, W2a, b2a, g2a, be2a, W2b, b2b, g2b, be2b, W2c, b2c, W3, b3, g3, be3):
    # PointNet encoder: knn_graph(k=16, loop=True) -> PointNetConv(MLP[6,64,64]) -> PointNetConv(MLP[67,64,128,1024]) -> global_max_pool -> MLP([1024, latent], plain_last=False)
    idx = _knn_idx(pos, batch, K)  # [N, K] neighbors incl. self (loop=True)
    rel = pos[idx] - pos[:, None, :]  # [N, K, 3] relative positions (pos_j - pos_i)
    # conv1: message = MLP(concat(x_j, pos_j - pos_i)) with x := pos, aggregate max
    m = jnp.concatenate([pos[idx], rel], axis=-1).reshape(N * K, 6)
    h = jax.nn.relu(_bn(m @ W1a + b1a, g1a, be1a))
    h = h @ W1b + b1b
    x = h.reshape(N, K, 64).max(axis=1)
    # conv2
    m = jnp.concatenate([x[idx], rel], axis=-1).reshape(N * K, 67)
    h = jax.nn.relu(_bn(m @ W2a + b2a, g2a, be2a))
    h = jax.nn.relu(_bn(h @ W2b + b2b, g2b, be2b))
    h = h @ W2c + b2c
    x = h.reshape(N, K, 1024).max(axis=1)
    pooled = jax.ops.segment_max(x, batch, num_segments=B)
    out = jax.nn.relu(_bn(pooled @ W3 + b3, g3, be3))
    return out

if __name__ == "__main__":
    import jax
    _d = setup_inputs()
    print(jax.jit(kernel)(*tuple(_d.values())))

</pallas_src>

<mosaic_0001>
#map = affine_map<(d0, d1) -> (0, 0)>
module attributes {stable_mosaic.version = 14 : i64} {
  func.func @gk(%arg0: i32, %arg1: i32, %arg2: memref<8192x128xf32, #tpu.memory_space<hbm>>, %arg3: memref<1024x128xi32, #tpu.memory_space<hbm>>, %arg4: memref<131072x128xf32, #tpu.memory_space<hbm>>, %arg5: memref<32x128xi32, #tpu.memory_space<vmem>>, %arg6: memref<512x128xf32, #tpu.memory_space<vmem>>, %arg7: memref<!tpu.dma_semaphore, #tpu.memory_space<semaphore_mem>>) attributes {dimension_semantics = [#tpu.dimension_semantics<core_parallel>, #tpu.dimension_semantics<subcore_parallel>], iteration_bounds = array<i64: 2, 16>, scalar_prefetch = 0 : i64, scratch_operands = 3 : i64, tpu.core_type = #tpu.core_type<sc_vector_subcore>, window_params = [{transform_indices = #map}, {transform_indices = #map}, {transform_indices = #map}]} {
    %mul3A = arith.constant 2 : i32
    %mul3A_0 = arith.muli %arg1, %mul3A : i32
    %add3A = arith.addi %mul3A_0, %arg0 : i32
    %mul3A_1 = arith.constant 32 : i32
    %mul3A_2 = arith.muli %add3A, %mul3A_1 : i32
    "tpu.region"() ({
      %run_scoped3A = tpu.sem_alloc : memref<!tpu.dma_semaphore, #tpu.memory_space<semaphore_mem>>
      %dma_start3A_673 = arith.constant 0 : i32
      %dma_start3A_674 = tpu.memref_slice %arg3[%mul3A_2, %dma_start3A_673] : memref<1024x128xi32, #tpu.memory_space<hbm>> -> memref<32x128xi32, #tpu.memory_space<hbm>>
      %dma_start3A_675 = arith.constant 0 : i32
      %dma_start3A_676 = tpu.memref_slice %arg3[%mul3A_2, %dma_start3A_675] : memref<1024x128xi32, #tpu.memory_space<hbm>> -> memref<32x128xi32, #tpu.memory_space<hbm>>
      tpu.enqueue_dma source(%dma_start3A_676 : memref<32x128xi32, #tpu.memory_space<hbm>>) target(%arg5 : memref<32x128xi32, #tpu.memory_space<vmem>>) target_semaphore(%run_scoped3A : memref<!tpu.dma_semaphore, #tpu.memory_space<semaphore_mem>>)
      %dma_wait3A_677 = arith.constant 0 : i32
      %dma_wait3A_678 = tpu.memref_slice %arg3[%mul3A_2, %dma_wait3A_677] : memref<1024x128xi32, #tpu.memory_space<hbm>> -> memref<32x128xi32, #tpu.memory_space<hbm>>
      %dma_wait3A_679 = arith.constant 0 : i32
      %dma_wait3A_680 = tpu.memref_slice %arg3[%mul3A_2, %dma_wait3A_679] : memref<1024x128xi32, #tpu.memory_space<hbm>> -> memref<32x128xi32, #tpu.memory_space<hbm>>
      tpu.wait_dma2 semaphore(%run_scoped3A : memref<!tpu.dma_semaphore, #tpu.memory_space<semaphore_mem>>) src(%dma_wait3A_680 : memref<32x128xi32, #tpu.memory_space<hbm>>) dst(%arg5 : memref<32x128xi32, #tpu.memory_space<vmem>>)
      tpu.yield
    }) : () -> ()
    %dma_start3A = arith.constant 0 : i32
    %dma_start3A_3 = arith.constant 0 : i32
    %dma_start3A_4 = arith.constant 0 : i32
    %dma_start3A_5 = tpu.memref_slice %arg6[%dma_start3A_3, %dma_start3A_4] : memref<512x128xf32, #tpu.memory_space<vmem>> -> memref<128x128xf32, #tpu.memory_space<vmem>>
    %dma_start3A_6 = arith.constant 0 : i32
    %dma_start3A_7 = tpu.memref_slice %arg5[%dma_start3A, %dma_start3A_6] : memref<32x128xi32, #tpu.memory_space<vmem>> -> memref<1x128xi32, #tpu.memory_space<vmem>>
    %dma_start3A_8 = tpu.memref_squeeze %dma_start3A_7 : memref<1x128xi32, #tpu.memory_space<vmem>> -> memref<128xi32, #tpu.memory_space<vmem>>
    %dma_start3A_9 = arith.constant 0 : i32
    %dma_start3A_10 = arith.constant 0 : i32
    %dma_start3A_11 = tpu.memref_slice %arg2[%dma_start3A_9, %dma_start3A_10] : memref<8192x128xf32, #tpu.memory_space<hbm>> -> memref<8192x128xf32, #tpu.memory_space<hbm>>
    tpu.enqueue_indirect_dma source(%dma_start3A_11 : memref<8192x128xf32, #tpu.memory_space<hbm>>) target(%dma_start3A_5 : memref<128x128xf32, #tpu.memory_space<vmem>>) offsets(%dma_start3A_8 : memref<128xi32, #tpu.memory_space<vmem>>) semaphore(%arg7 : memref<!tpu.dma_semaphore, #tpu.memory_space<semaphore_mem>>)
    %dma_start3A_12 = arith.constant 1 : i32
    %dma_start3A_13 = arith.constant 128 : i32
    %dma_start3A_14 = arith.constant 0 : i32
    %dma_start3A_15 = tpu.memref_slice %arg6[%dma_start3A_13, %dma_start3A_14] : memref<512x128xf32, #tpu.memory_space<vmem>> -> memref<128x128xf32, #tpu.memory_space<vmem>>
    %dma_start3A_16 = arith.constant 0 : i32
    %dma_start3A_17 = tpu.memref_slice %arg5[%dma_start3A_12, %dma_start3A_16] : memref<32x128xi32, #tpu.memory_space<vmem>> -> memref<1x128xi32, #tpu.memory_space<vmem>>
    %dma_start3A_18 = tpu.memref_squeeze %dma_start3A_17 : memref<1x128xi32, #tpu.memory_space<vmem>> -> memref<128xi32, #tpu.memory_space<vmem>>
    %dma_start3A_19 = arith.constant 0 : i32
    %dma_start3A_20 = arith.constant 0 : i32
    %dma_start3A_21 = tpu.memref_slice %arg2[%dma_start3A_19, %dma_start3A_20] : memref<8192x128xf32, #tpu.memory_space<hbm>> -> memref<8192x128xf32, #tpu.memory_space<hbm>>
    tpu.enqueue_indirect_dma source(%dma_start3A_21 : memref<8192x128xf32, #tpu.memory_space<hbm>>) target(%dma_start3A_15 : memref<128x128xf32, #tpu.memory_space<vmem>>) offsets(%dma_start3A_18 : memref<128xi32, #tpu.memory_space<vmem>>) semaphore(%arg7 : memref<!tpu.dma_semaphore, #tpu.memory_space<semaphore_mem>>)
    %dma_start3A_22 = arith.constant 2 : i32
    %dma_start3A_23 = arith.constant 256 : i32
    %dma_start3A_24 = arith.constant 0 : i32
    %dma_start3A_25 = tpu.memref_slice %arg6[%dma_start3A_23, %dma_start3A_24] : memref<512x128xf32, #tpu.memory_space<vmem>> -> memref<128x128xf32, #tpu.memory_space<vmem>>
    %dma_start3A_26 = arith.constant 0 : i32
    %dma_start3A_27 = tpu.memref_slice %arg5[%dma_start3A_22, %dma_start3A_26] : memref<32x128xi32, #tpu.memory_space<vmem>> -> memref<1x128xi32, #tpu.memory_space<vmem>>
    %dma_start3A_28 = tpu.memref_squeeze %dma_start3A_27 : memref<1x128xi32, #tpu.memory_space<vmem>> -> memref<128xi32, #tpu.memory_space<vmem>>
    %dma_start3A_29 = arith.constant 0 : i32
    %dma_start3A_30 = arith.constant 0 : i32
    %dma_start3A_31 = tpu.memref_slice %arg2[%dma_start3A_29, %dma_start3A_30] : memref<8192x128xf32, #tpu.memory_space<hbm>> -> memref<8192x128xf32, #tpu.memory_space<hbm>>
    tpu.enqueue_indirect_dma source(%dma_start3A_31 : memref<8192x128xf32, #tpu.memory_space<hbm>>) target(%dma_start3A_25 : memref<128x128xf32, #tpu.memory_space<vmem>>) offsets(%dma_start3A_28 : memref<128xi32, #tpu.memory_space<vmem>>) semaphore(%arg7 : memref<!tpu.dma_semaphore, #tpu.memory_space<semaphore_mem>>)
    %dma_start3A_32 = arith.constant 3 : i32
    %dma_start3A_33 = arith.constant 384 : i32
    %dma_start3A_34 = arith.constant 0 : i32
    %dma_start3A_35 = tpu.memref_slice %arg6[%dma_start3A_33, %dma_start3A_34] : memref<512x128xf32, #tpu.memory_space<vmem>> -> memref<128x128xf32, #tpu.memory_space<vmem>>
    %dma_start3A_36 = arith.constant 0 : i32
    %dma_start3A_37 = tpu.memref_slice %arg5[%dma_start3A_32, %dma_start3A_36] : memref<32x128xi32, #tpu.memory_space<vmem>> -> memref<1x128xi32, #tpu.memory_space<vmem>>
    %dma_start3A_38 = tpu.memref_squeeze %dma_start3A_37 : memref<1x128xi32, #tpu.memory_space<vmem>> -> memref<128xi32, #tpu.memory_space<vmem>>
    %dma_start3A_39 = arith.constant 0 : i32
    %dma_start3A_40 = arith.constant 0 : i32
    %dma_start3A_41 = tpu.memref_slice %arg2[%dma_start3A_39, %dma_start3A_40] : memref<8192x128xf32, #tpu.memory_space<hbm>> -> memref<8192x128xf32, #tpu.memory_space<hbm>>
    tpu.enqueue_indirect_dma source(%dma_start3A_41 : memref<8192x128xf32, #tpu.memory_space<hbm>>) target(%dma_start3A_35 : memref<128x128xf32, #tpu.memory_space<vmem>>) offsets(%dma_start3A_38 : memref<128xi32, #tpu.memory_space<vmem>>) semaphore(%arg7 : memref<!tpu.dma_semaphore, #tpu.memory_space<semaphore_mem>>)
    %dma_wait3A = arith.constant 0 : i32
    %dma_wait3A_42 = arith.constant 0 : i32
    %dma_wait3A_43 = arith.constant 0 : i32
    %dma_wait3A_44 = tpu.memref_slice %arg6[%dma_wait3A_42, %dma_wait3A_43] : memref<512x128xf32, #tpu.memory_space<vmem>> -> memref<128x128xf32, #tpu.memory_space<vmem>>
    %dma_wait3A_45 = arith.constant 0 : i32
    %dma_wait3A_46 = tpu.memref_slice %arg5[%dma_wait3A, %dma_wait3A_45] : memref<32x128xi32, #tpu.memory_space<vmem>> -> memref<1x128xi32, #tpu.memory_space<vmem>>
    %dma_wait3A_47 = tpu.memref_squeeze %dma_wait3A_46 : memref<1x128xi32, #tpu.memory_space<vmem>> -> memref<128xi32, #tpu.memory_space<vmem>>
    %dma_wait3A_48 = arith.constant 0 : i32
    %dma_wait3A_49 = arith.constant 0 : i32
    %dma_wait3A_50 = tpu.memref_slice %arg2[%dma_wait3A_48, %dma_wait3A_49] : memref<8192x128xf32, #tpu.memory_space<hbm>> -> memref<8192x128xf32, #tpu.memory_space<hbm>>
    tpu.wait_indirect_dma semaphore(%arg7 : memref<!tpu.dma_semaphore, #tpu.memory_space<semaphore_mem>>) src(%dma_wait3A_50 : memref<8192x128xf32, #tpu.memory_space<hbm>>) dst(%dma_wait3A_44 : memref<128x128xf32, #tpu.memory_space<vmem>>)
    %dma_wait3A_51 = arith.constant 1 : i32
    %dma_wait3A_52 = arith.constant 128 : i32
    %dma_wait3A_53 = arith.constant 0 : i32
    %dma_wait3A_54 = tpu.memref_slice %arg6[%dma_wait3A_52, %dma_wait3A_53] : memref<512x128xf32, #tpu.memory_space<vmem>> -> memref<128x128xf32, #tpu.memory_space<vmem>>
    %dma_wait3A_55 = arith.constant 0 : i32
    %dma_wait3A_56 = tpu.memref_slice %arg5[%dma_wait3A_51, %dma_wait3A_55] : memref<32x128xi32, #tpu.memory_space<vmem>> -> memref<1x128xi32, #tpu.memory_space<vmem>>
    %dma_wait3A_57 = tpu.memref_squeeze %dma_wait3A_56 : memref<1x128xi32, #tpu.memory_space<vmem>> -> memref<128xi32, #tpu.memory_space<vmem>>
    %dma_wait3A_58 = arith.constant 0 : i32
    %dma_wait3A_59 = arith.constant 0 : i32
    %dma_wait3A_60 = tpu.memref_slice %arg2[%dma_wait3A_58, %dma_wait3A_59] : memref<8192x128xf32, #tpu.memory_space<hbm>> -> memref<8192x128xf32, #tpu.memory_space<hbm>>
    tpu.wait_indirect_dma semaphore(%arg7 : memref<!tpu.dma_semaphore, #tpu.memory_space<semaphore_mem>>) src(%dma_wait3A_60 : memref<8192x128xf32, #tpu.memory_space<hbm>>) dst(%dma_wait3A_54 : memref<128x128xf32, #tpu.memory_space<vmem>>)
    %dma_wait3A_61 = arith.constant 2 : i32
    %dma_wait3A_62 = arith.constant 256 : i32
    %dma_wait3A_63 = arith.constant 0 : i32
    %dma_wait3A_64 = tpu.memref_slice %arg6[%dma_wait3A_62, %dma_wait3A_63] : memref<512x128xf32, #tpu.memory_space<vmem>> -> memref<128x128xf32, #tpu.memory_space<vmem>>
    %dma_wait3A_65 = arith.constant 0 : i32
    %dma_wait3A_66 = tpu.memref_slice %arg5[%dma_wait3A_61, %dma_wait3A_65] : memref<32x128xi32, #tpu.memory_space<vmem>> -> memref<1x128xi32, #tpu.memory_space<vmem>>
    %dma_wait3A_67 = tpu.memref_squeeze %dma_wait3A_66 : memref<1x128xi32, #tpu.memory_space<vmem>> -> memref<128xi32, #tpu.memory_space<vmem>>
    %dma_wait3A_68 = arith.constant 0 : i32
    %dma_wait3A_69 = arith.constant 0 : i32
    %dma_wait3A_70 = tpu.memref_slice %arg2[%dma_wait3A_68, %dma_wait3A_69] : memref<8192x128xf32, #tpu.memory_space<hbm>> -> memref<8192x128xf32, #tpu.memory_space<hbm>>
    tpu.wait_indirect_dma semaphore(%arg7 : memref<!tpu.dma_semaphore, #tpu.memory_space<semaphore_mem>>) src(%dma_wait3A_70 : memref<8192x128xf32, #tpu.memory_space<hbm>>) dst(%dma_wait3A_64 : memref<128x128xf32, #tpu.memory_space<vmem>>)
    %dma_wait3A_71 = arith.constant 3 : i32
    %dma_wait3A_72 = arith.constant 384 : i32
    %dma_wait3A_73 = arith.constant 0 : i32
    %dma_wait3A_74 = tpu.memref_slice %arg6[%dma_wait3A_72, %dma_wait3A_73] : memref<512x128xf32, #tpu.memory_space<vmem>> -> memref<128x128xf32, #tpu.memory_space<vmem>>
    %dma_wait3A_75 = arith.constant 0 : i32
    %dma_wait3A_76 = tpu.memref_slice %arg5[%dma_wait3A_71, %dma_wait3A_75] : memref<32x128xi32, #tpu.memory_space<vmem>> -> memref<1x128xi32, #tpu.memory_space<vmem>>
    %dma_wait3A_77 = tpu.memref_squeeze %dma_wait3A_76 : memref<1x128xi32, #tpu.memory_space<vmem>> -> memref<128xi32, #tpu.memory_space<vmem>>
    %dma_wait3A_78 = arith.constant 0 : i32
    %dma_wait3A_79 = arith.constant 0 : i32
    %dma_wait3A_80 = tpu.memref_slice %arg2[%dma_wait3A_78, %dma_wait3A_79] : memref<8192x128xf32, #tpu.memory_space<hbm>> -> memref<8192x128xf32, #tpu.memory_space<hbm>>
    tpu.wait_indirect_dma semaphore(%arg7 : memref<!tpu.dma_semaphore, #tpu.memory_space<semaphore_mem>>) src(%dma_wait3A_80 : memref<8192x128xf32, #tpu.memory_space<hbm>>) dst(%dma_wait3A_74 : memref<128x128xf32, #tpu.memory_space<vmem>>)
    %mul3A_81 = arith.constant 4096 : i32
    %mul3A_82 = arith.muli %add3A, %mul3A_81 : i32
    %add3A_83 = arith.constant 0 : i32
    %add3A_84 = arith.addi %mul3A_82, %add3A_83 : i32
    "tpu.region"() ({
      %run_scoped3A = tpu.sem_alloc : memref<!tpu.dma_semaphore, #tpu.memory_space<semaphore_mem>>
      %dma_start3A_673 = arith.constant 0 : i32
      %dma_start3A_674 = tpu.memref_slice %arg4[%add3A_84, %dma_start3A_673] : memref<131072x128xf32, #tpu.memory_space<hbm>> -> memref<512x128xf32, #tpu.memory_space<hbm>>
      %dma_start3A_675 = arith.constant 0 : i32
      %dma_start3A_676 = tpu.memref_slice %arg4[%add3A_84, %dma_start3A_675] : memref<131072x128xf32, #tpu.memory_space<hbm>> -> memref<512x128xf32, #tpu.memory_space<hbm>>
      tpu.enqueue_dma source(%arg6 : memref<512x128xf32, #tpu.memory_space<vmem>>) target(%dma_start3A_676 : memref<512x128xf32, #tpu.memory_space<hbm>>) target_semaphore(%run_scoped3A : memref<!tpu.dma_semaphore, #tpu.memory_space<semaphore_mem>>)
      %dma_wait3A_677 = arith.constant 0 : i32
      %dma_wait3A_678 = tpu.memref_slice %arg4[%add3A_84, %dma_wait3A_677] : memref<131072x128xf32, #tpu.memory_space<hbm>> -> memref<512x128xf32, #tpu.memory_space<hbm>>
      %dma_wait3A_679 = arith.constant 0 : i32
      %dma_wait3A_680 = tpu.memref_slice %arg4[%add3A_84, %dma_wait3A_679] : memref<131072x128xf32, #tpu.memory_space<hbm>> -> memref<512x128xf32, #tpu.memory_space<hbm>>
      tpu.wait_dma2 semaphore(%run_scoped3A : memref<!tpu.dma_semaphore, #tpu.memory_space<semaphore_mem>>) src(%arg6 : memref<512x128xf32, #tpu.memory_space<vmem>>) dst(%dma_wait3A_680 : memref<512x128xf32, #tpu.memory_space<hbm>>)
      tpu.yield
    }) : () -> ()
    %dma_start3A_85 = arith.constant 4 : i32
    %dma_start3A_86 = arith.constant 0 : i32
    %dma_start3A_87 = arith.constant 0 : i32
    %dma_start3A_88 = tpu.memref_slice %arg6[%dma_start3A_86, %dma_start3A_87] : memref<512x128xf32, #tpu.memory_space<vmem>> -> memref<128x128xf32, #tpu.memory_space<vmem>>
    %dma_start3A_89 = arith.constant 0 : i32
    %dma_start3A_90 = tpu.memref_slice %arg5[%dma_start3A_85, %dma_start3A_89] : memref<32x128xi32, #tpu.memory_space<vmem>> -> memref<1x128xi32, #tpu.memory_space<vmem>>
    %dma_start3A_91 = tpu.memref_squeeze %dma_start3A_90 : memref<1x128xi32, #tpu.memory_space<vmem>> -> memref<128xi32, #tpu.memory_space<vmem>>
    %dma_start3A_92 = arith.constant 0 : i32
    %dma_start3A_93 = arith.constant 0 : i32
    %dma_start3A_94 = tpu.memref_slice %arg2[%dma_start3A_92, %dma_start3A_93] : memref<8192x128xf32, #tpu.memory_space<hbm>> -> memref<8192x128xf32, #tpu.memory_space<hbm>>
    tpu.enqueue_indirect_dma source(%dma_start3A_94 : memref<8192x128xf32, #tpu.memory_space<hbm>>) target(%dma_start3A_88 : memref<128x128xf32, #tpu.memory_space<vmem>>) offsets(%dma_start3A_91 : memref<128xi32, #tpu.memory_space<vmem>>) semaphore(%arg7 : memref<!tpu.dma_semaphore, #tpu.memory_space<semaphore_mem>>)
    %dma_start3A_95 = arith.constant 5 : i32
    %dma_start3A_96 = arith.constant 128 : i32
    %dma_start3A_97 = arith.constant 0 : i32
    %dma_start3A_98 = tpu.memref_slice %arg6[%dma_start3A_96, %dma_start3A_97] : memref<512x128xf32, #tpu.memory_space<vmem>> -> memref<128x128xf32, #tpu.memory_space<vmem>>
    %dma_start3A_99 = arith.constant 0 : i32
    %dma_start3A_100 = tpu.memref_slice %arg5[%dma_start3A_95, %dma_start3A_99] : memref<32x128xi32, #tpu.memory_space<vmem>> -> memref<1x128xi32, #tpu.memory_space<vmem>>
    %dma_start3A_101 = tpu.memref_squeeze %dma_start3A_100 : memref<1x128xi32, #tpu.memory_space<vmem>> -> memref<128xi32, #tpu.memory_space<vmem>>
    %dma_start3A_102 = arith.constant 0 : i32
    %dma_start3A_103 = arith.constant 0 : i32
    %dma_start3A_104 = tpu.memref_slice %arg2[%dma_start3A_102, %dma_start3A_103] : memref<8192x128xf32, #tpu.memory_space<hbm>> -> memref<8192x128xf32, #tpu.memory_space<hbm>>
    tpu.enqueue_indirect_dma source(%dma_start3A_104 : memref<8192x128xf32, #tpu.memory_space<hbm>>) target(%dma_start3A_98 : memref<128x128xf32, #tpu.memory_space<vmem>>) offsets(%dma_start3A_101 : memref<128xi32, #tpu.memory_space<vmem>>) semaphore(%arg7 : memref<!tpu.dma_semaphore, #tpu.memory_space<semaphore_mem>>)
    %dma_start3A_105 = arith.constant 6 : i32
    %dma_start3A_106 = arith.constant 256 : i32
    %dma_start3A_107 = arith.constant 0 : i32
    %dma_start3A_108 = tpu.memref_slice %arg6[%dma_start3A_106, %dma_start3A_107] : memref<512x128xf32, #tpu.memory_space<vmem>> -> memref<128x128xf32, #tpu.memory_space<vmem>>
    %dma_start3A_109 = arith.constant 0 : i32
    %dma_start3A_110 = tpu.memref_slice %arg5[%dma_start3A_105, %dma_start3A_109] : memref<32x128xi32, #tpu.memory_space<vmem>> -> memref<1x128xi32, #tpu.memory_space<vmem>>
    %dma_start3A_111 = tpu.memref_squeeze %dma_start3A_110 : memref<1x128xi32, #tpu.memory_space<vmem>> -> memref<128xi32, #tpu.memory_space<vmem>>
    %dma_start3A_112 = arith.constant 0 : i32
    %dma_start3A_113 = arith.constant 0 : i32
    %dma_start3A_114 = tpu.memref_slice %arg2[%dma_start3A_112, %dma_start3A_113] : memref<8192x128xf32, #tpu.memory_space<hbm>> -> memref<8192x128xf32, #tpu.memory_space<hbm>>
    tpu.enqueue_indirect_dma source(%dma_start3A_114 : memref<8192x128xf32, #tpu.memory_space<hbm>>) target(%dma_start3A_108 : memref<128x128xf32, #tpu.memory_space<vmem>>) offsets(%dma_start3A_111 : memref<128xi32, #tpu.memory_space<vmem>>) semaphore(%arg7 : memref<!tpu.dma_semaphore, #tpu.memory_space<semaphore_mem>>)
    %dma_start3A_115 = arith.constant 7 : i32
    %dma_start3A_116 = arith.constant 384 : i32
    %dma_start3A_117 = arith.constant 0 : i32
    %dma_start3A_118 = tpu.memref_slice %arg6[%dma_start3A_116, %dma_start3A_117] : memref<512x128xf32, #tpu.memory_space<vmem>> -> memref<128x128xf32, #tpu.memory_space<vmem>>
    %dma_start3A_119 = arith.constant 0 : i32
    %dma_start3A_120 = tpu.memref_slice %arg5[%dma_start3A_115, %dma_start3A_119] : memref<32x128xi32, #tpu.memory_space<vmem>> -> memref<1x128xi32, #tpu.memory_space<vmem>>
    %dma_start3A_121 = tpu.memref_squeeze %dma_start3A_120 : memref<1x128xi32, #tpu.memory_space<vmem>> -> memref<128xi32, #tpu.memory_space<vmem>>
    %dma_start3A_122 = arith.constant 0 : i32
    %dma_start3A_123 = arith.constant 0 : i32
    %dma_start3A_124 = tpu.memref_slice %arg2[%dma_start3A_122, %dma_start3A_123] : memref<8192x128xf32, #tpu.memory_space<hbm>> -> memref<8192x128xf32, #tpu.memory_space<hbm>>
    tpu.enqueue_indirect_dma source(%dma_start3A_124 : memref<8192x128xf32, #tpu.memory_space<hbm>>) target(%dma_start3A_118 : memref<128x128xf32, #tpu.memory_space<vmem>>) offsets(%dma_start3A_121 : memref<128xi32, #tpu.memory_space<vmem>>) semaphore(%arg7 : memref<!tpu.dma_semaphore, #tpu.memory_space<semaphore_mem>>)
    %dma_wait3A_125 = arith.constant 4 : i32
    %dma_wait3A_126 = arith.constant 0 : i32
    %dma_wait3A_127 = arith.constant 0 : i32
    %dma_wait3A_128 = tpu.memref_slice %arg6[%dma_wait3A_126, %dma_wait3A_127] : memref<512x128xf32, #tpu.memory_space<vmem>> -> memref<128x128xf32, #tpu.memory_space<vmem>>
    %dma_wait3A_129 = arith.constant 0 : i32
    %dma_wait3A_130 = tpu.memref_slice %arg5[%dma_wait3A_125, %dma_wait3A_129] : memref<32x128xi32, #tpu.memory_space<vmem>> -> memref<1x128xi32, #tpu.memory_space<vmem>>
    %dma_wait3A_131 = tpu.memref_squeeze %dma_wait3A_130 : memref<1x128xi32, #tpu.memory_space<vmem>> -> memref<128xi32, #tpu.memory_space<vmem>>
    %dma_wait3A_132 = arith.constant 0 : i32
    %dma_wait3A_133 = arith.constant 0 : i32
    %dma_wait3A_134 = tpu.memref_slice %arg2[%dma_wait3A_132, %dma_wait3A_133] : memref<8192x128xf32, #tpu.memory_space<hbm>> -> memref<8192x128xf32, #tpu.memory_space<hbm>>
    tpu.wait_indirect_dma semaphore(%arg7 : memref<!tpu.dma_semaphore, #tpu.memory_space<semaphore_mem>>) src(%dma_wait3A_134 : memref<8192x128xf32, #tpu.memory_space<hbm>>) dst(%dma_wait3A_128 : memref<128x128xf32, #tpu.memory_space<vmem>>)
    %dma_wait3A_135 = arith.constant 5 : i32
    %dma_wait3A_136 = arith.constant 128 : i32
    %dma_wait3A_137 = arith.constant 0 : i32
    %dma_wait3A_138 = tpu.memref_slice %arg6[%dma_wait3A_136, %dma_wait3A_137] : memref<512x128xf32, #tpu.memory_space<vmem>> -> memref<128x128xf32, #tpu.memory_space<vmem>>
    %dma_wait3A_139 = arith.constant 0 : i32
    %dma_wait3A_140 = tpu.memref_slice %arg5[%dma_wait3A_135, %dma_wait3A_139] : memref<32x128xi32, #tpu.memory_space<vmem>> -> memref<1x128xi32, #tpu.memory_space<vmem>>
    %dma_wait3A_141 = tpu.memref_squeeze %dma_wait3A_140 : memref<1x128xi32, #tpu.memory_space<vmem>> -> memref<128xi32, #tpu.memory_space<vmem>>
    %dma_wait3A_142 = arith.constant 0 : i32
    %dma_wait3A_143 = arith.constant 0 : i32
    %dma_wait3A_144 = tpu.memref_slice %arg2[%dma_wait3A_142, %dma_wait3A_143] : memref<8192x128xf32, #tpu.memory_space<hbm>> -> memref<8192x128xf32, #tpu.memory_space<hbm>>
    tpu.wait_indirect_dma semaphore(%arg7 : memref<!tpu.dma_semaphore, #tpu.memory_space<semaphore_mem>>) src(%dma_wait3A_144 : memref<8192x128xf32, #tpu.memory_space<hbm>>) dst(%dma_wait3A_138 : memref<128x128xf32, #tpu.memory_space<vmem>>)
    %dma_wait3A_145 = arith.constant 6 : i32
    %dma_wait3A_146 = arith.constant 256 : i32
    %dma_wait3A_147 = arith.constant 0 : i32
    %dma_wait3A_148 = tpu.memref_slice %arg6[%dma_wait3A_146, %dma_wait3A_147] : memref<512x128xf32, #tpu.memory_space<vmem>> -> memref<128x128xf32, #tpu.memory_space<vmem>>
    %dma_wait3A_149 = arith.constant 0 : i32
    %dma_wait3A_150 = tpu.memref_slice %arg5[%dma_wait3A_145, %dma_wait3A_149] : memref<32x128xi32, #tpu.memory_space<vmem>> -> memref<1x128xi32, #tpu.memory_space<vmem>>
    %dma_wait3A_151 = tpu.memref_squeeze %dma_wait3A_150 : memref<1x128xi32, #tpu.memory_space<vmem>> -> memref<128xi32, #tpu.memory_space<vmem>>
    %dma_wait3A_152 = arith.constant 0 : i32
    %dma_wait3A_153 = arith.constant 0 : i32
    %dma_wait3A_154 = tpu.memref_slice %arg2[%dma_wait3A_152, %dma_wait3A_153] : memref<8192x128xf32, #tpu.memory_space<hbm>> -> memref<8192x128xf32, #tpu.memory_space<hbm>>
    tpu.wait_indirect_dma semaphore(%arg7 : memref<!tpu.dma_semaphore, #tpu.memory_space<semaphore_mem>>) src(%dma_wait3A_154 : memref<8192x128xf32, #tpu.memory_space<hbm>>) dst(%dma_wait3A_148 : memref<128x128xf32, #tpu.memory_space<vmem>>)
    %dma_wait3A_155 = arith.constant 7 : i32
    %dma_wait3A_156 = arith.constant 384 : i32
    %dma_wait3A_157 = arith.constant 0 : i32
    %dma_wait3A_158 = tpu.memref_slice %arg6[%dma_wait3A_156, %dma_wait3A_157] : memref<512x128xf32, #tpu.memory_space<vmem>> -> memref<128x128xf32, #tpu.memory_space<vmem>>
    %dma_wait3A_159 = arith.constant 0 : i32
    %dma_wait3A_160 = tpu.memref_slice %arg5[%dma_wait3A_155, %dma_wait3A_159] : memref<32x128xi32, #tpu.memory_space<vmem>> -> memref<1x128xi32, #tpu.memory_space<vmem>>
    %dma_wait3A_161 = tpu.memref_squeeze %dma_wait3A_160 : memref<1x128xi32, #tpu.memory_space<vmem>> -> memref<128xi32, #tpu.memory_space<vmem>>
    %dma_wait3A_162 = arith.constant 0 : i32
    %dma_wait3A_163 = arith.constant 0 : i32
    %dma_wait3A_164 = tpu.memref_slice %arg2[%dma_wait3A_162, %dma_wait3A_163] : memref<8192x128xf32, #tpu.memory_space<hbm>> -> memref<8192x128xf32, #tpu.memory_space<hbm>>
    tpu.wait_indirect_dma semaphore(%arg7 : memref<!tpu.dma_semaphore, #tpu.memory_space<semaphore_mem>>) src(%dma_wait3A_164 : memref<8192x128xf32, #tpu.memory_space<hbm>>) dst(%dma_wait3A_158 : memref<128x128xf32, #tpu.memory_space<vmem>>)
    %mul3A_165 = arith.constant 4096 : i32
    %mul3A_166 = arith.muli %add3A, %mul3A_165 : i32
    %add3A_167 = arith.constant 512 : i32
    %add3A_168 = arith.addi %mul3A_166, %add3A_167 : i32
    "tpu.region"() ({
      %run_scoped3A = tpu.sem_alloc : memref<!tpu.dma_semaphore, #tpu.memory_space<semaphore_mem>>
      %dma_start3A_673 = arith.constant 0 : i32
      %dma_start3A_674 = tpu.memref_slice %arg4[%add3A_168, %dma_start3A_673] : memref<131072x128xf32, #tpu.memory_space<hbm>> -> memref<512x128xf32, #tpu.memory_space<hbm>>
      %dma_start3A_675 = arith.constant 0 : i32
      %dma_start3A_676 = tpu.memref_slice %arg4[%add3A_168, %dma_start3A_675] : memref<131072x128xf32, #tpu.memory_space<hbm>> -> memref<512x128xf32, #tpu.memory_space<hbm>>
      tpu.enqueue_dma source(%arg6 : memref<512x128xf32, #tpu.memory_space<vmem>>) target(%dma_start3A_676 : memref<512x128xf32, #tpu.memory_space<hbm>>) target_semaphore(%run_scoped3A : memref<!tpu.dma_semaphore, #tpu.memory_space<semaphore_mem>>)
      %dma_wait3A_677 = arith.constant 0 : i32
      %dma_wait3A_678 = tpu.memref_slice %arg4[%add3A_168, %dma_wait3A_677] : memref<131072x128xf32, #tpu.memory_space<hbm>> -> memref<512x128xf32, #tpu.memory_space<hbm>>
      %dma_wait3A_679 = arith.constant 0 : i32
      %dma_wait3A_680 = tpu.memref_slice %arg4[%add3A_168, %dma_wait3A_679] : memref<131072x128xf32, #tpu.memory_space<hbm>> -> memref<512x128xf32, #tpu.memory_space<hbm>>
      tpu.wait_dma2 semaphore(%run_scoped3A : memref<!tpu.dma_semaphore, #tpu.memory_space<semaphore_mem>>) src(%arg6 : memref<512x128xf32, #tpu.memory_space<vmem>>) dst(%dma_wait3A_680 : memref<512x128xf32, #tpu.memory_space<hbm>>)
      tpu.yield
    }) : () -> ()
    %dma_start3A_169 = arith.constant 8 : i32
    %dma_start3A_170 = arith.constant 0 : i32
    %dma_start3A_171 = arith.constant 0 : i32
    %dma_start3A_172 = tpu.memref_slice %arg6[%dma_start3A_170, %dma_start3A_171] : memref<512x128xf32, #tpu.memory_space<vmem>> -> memref<128x128xf32, #tpu.memory_space<vmem>>
    %dma_start3A_173 = arith.constant 0 : i32
    %dma_start3A_174 = tpu.memref_slice %arg5[%dma_start3A_169, %dma_start3A_173] : memref<32x128xi32, #tpu.memory_space<vmem>> -> memref<1x128xi32, #tpu.memory_space<vmem>>
    %dma_start3A_175 = tpu.memref_squeeze %dma_start3A_174 : memref<1x128xi32, #tpu.memory_space<vmem>> -> memref<128xi32, #tpu.memory_space<vmem>>
    %dma_start3A_176 = arith.constant 0 : i32
    %dma_start3A_177 = arith.constant 0 : i32
    %dma_start3A_178 = tpu.memref_slice %arg2[%dma_start3A_176, %dma_start3A_177] : memref<8192x128xf32, #tpu.memory_space<hbm>> -> memref<8192x128xf32, #tpu.memory_space<hbm>>
    tpu.enqueue_indirect_dma source(%dma_start3A_178 : memref<8192x128xf32, #tpu.memory_space<hbm>>) target(%dma_start3A_172 : memref<128x128xf32, #tpu.memory_space<vmem>>) offsets(%dma_start3A_175 : memref<128xi32, #tpu.memory_space<vmem>>) semaphore(%arg7 : memref<!tpu.dma_semaphore, #tpu.memory_space<semaphore_mem>>)
    %dma_start3A_179 = arith.constant 9 : i32
    %dma_start3A_180 = arith.constant 128 : i32
    %dma_start3A_181 = arith.constant 0 : i32
    %dma_start3A_182 = tpu.memref_slice %arg6[%dma_start3A_180, %dma_start3A_181] : memref<512x128xf32, #tpu.memory_space<vmem>> -> memref<128x128xf32, #tpu.memory_space<vmem>>
    %dma_start3A_183 = arith.constant 0 : i32
    %dma_start3A_184 = tpu.memref_slice %arg5[%dma_start3A_179, %dma_start3A_183] : memref<32x128xi32, #tpu.memory_space<vmem>> -> memref<1x128xi32, #tpu.memory_space<vmem>>
    %dma_start3A_185 = tpu.memref_squeeze %dma_start3A_184 : memref<1x128xi32, #tpu.memory_space<vmem>> -> memref<128xi32, #tpu.memory_space<vmem>>
    %dma_start3A_186 = arith.constant 0 : i32
    %dma_start3A_187 = arith.constant 0 : i32
    %dma_start3A_188 = tpu.memref_slice %arg2[%dma_start3A_186, %dma_start3A_187] : memref<8192x128xf32, #tpu.memory_space<hbm>> -> memref<8192x128xf32, #tpu.memory_space<hbm>>
    tpu.enqueue_indirect_dma source(%dma_start3A_188 : memref<8192x128xf32, #tpu.memory_space<hbm>>) target(%dma_start3A_182 : memref<128x128xf32, #tpu.memory_space<vmem>>) offsets(%dma_start3A_185 : memref<128xi32, #tpu.memory_space<vmem>>) semaphore(%arg7 : memref<!tpu.dma_semaphore, #tpu.memory_space<semaphore_mem>>)
    %dma_start3A_189 = arith.constant 10 : i32
    %dma_start3A_190 = arith.constant 256 : i32
    %dma_start3A_191 = arith.constant 0 : i32
    %dma_start3A_192 = tpu.memref_slice %arg6[%dma_start3A_190, %dma_start3A_191] : memref<512x128xf32, #tpu.memory_space<vmem>> -> memref<128x128xf32, #tpu.memory_space<vmem>>
    %dma_start3A_193 = arith.constant 0 : i32
    %dma_start3A_194 = tpu.memref_slice %arg5[%dma_start3A_189, %dma_start3A_193] : memref<32x128xi32, #tpu.memory_space<vmem>> -> memref<1x128xi32, #tpu.memory_space<vmem>>
    %dma_start3A_195 = tpu.memref_squeeze %dma_start3A_194 : memref<1x128xi32, #tpu.memory_space<vmem>> -> memref<128xi32, #tpu.memory_space<vmem>>
    %dma_start3A_196 = arith.constant 0 : i32
    %dma_start3A_197 = arith.constant 0 : i32
    %dma_start3A_198 = tpu.memref_slice %arg2[%dma_start3A_196, %dma_start3A_197] : memref<8192x128xf32, #tpu.memory_space<hbm>> -> memref<8192x128xf32, #tpu.memory_space<hbm>>
    tpu.enqueue_indirect_dma source(%dma_start3A_198 : memref<8192x128xf32, #tpu.memory_space<hbm>>) target(%dma_start3A_192 : memref<128x128xf32, #tpu.memory_space<vmem>>) offsets(%dma_start3A_195 : memref<128xi32, #tpu.memory_space<vmem>>) semaphore(%arg7 : memref<!tpu.dma_semaphore, #tpu.memory_space<semaphore_mem>>)
    %dma_start3A_199 = arith.constant 11 : i32
    %dma_start3A_200 = arith.constant 384 : i32
    %dma_start3A_201 = arith.constant 0 : i32
    %dma_start3A_202 = tpu.memref_slice %arg6[%dma_start3A_200, %dma_start3A_201] : memref<512x128xf32, #tpu.memory_space<vmem>> -> memref<128x128xf32, #tpu.memory_space<vmem>>
    %dma_start3A_203 = arith.constant 0 : i32
    %dma_start3A_204 = tpu.memref_slice %arg5[%dma_start3A_199, %dma_start3A_203] : memref<32x128xi32, #tpu.memory_space<vmem>> -> memref<1x128xi32, #tpu.memory_space<vmem>>
    %dma_start3A_205 = tpu.memref_squeeze %dma_start3A_204 : memref<1x128xi32, #tpu.memory_space<vmem>> -> memref<128xi32, #tpu.memory_space<vmem>>
    %dma_start3A_206 = arith.constant 0 : i32
    %dma_start3A_207 = arith.constant 0 : i32
    %dma_start3A_208 = tpu.memref_slice %arg2[%dma_start3A_206, %dma_start3A_207] : memref<8192x128xf32, #tpu.memory_space<hbm>> -> memref<8192x128xf32, #tpu.memory_space<hbm>>
    tpu.enqueue_indirect_dma source(%dma_start3A_208 : memref<8192x128xf32, #tpu.memory_space<hbm>>) target(%dma_start3A_202 : memref<128x128xf32, #tpu.memory_space<vmem>>) offsets(%dma_start3A_205 : memref<128xi32, #tpu.memory_space<vmem>>) semaphore(%arg7 : memref<!tpu.dma_semaphore, #tpu.memory_space<semaphore_mem>>)
    %dma_wait3A_209 = arith.constant 8 : i32
    %dma_wait3A_210 = arith.constant 0 : i32
    %dma_wait3A_211 = arith.constant 0 : i32
    %dma_wait3A_212 = tpu.memref_slice %arg6[%dma_wait3A_210, %dma_wait3A_211] : memref<512x128xf32, #tpu.memory_space<vmem>> -> memref<128x128xf32, #tpu.memory_space<vmem>>
    %dma_wait3A_213 = arith.constant 0 : i32
    %dma_wait3A_214 = tpu.memref_slice %arg5[%dma_wait3A_209, %dma_wait3A_213] : memref<32x128xi32, #tpu.memory_space<vmem>> -> memref<1x128xi32, #tpu.memory_space<vmem>>
    %dma_wait3A_215 = tpu.memref_squeeze %dma_wait3A_214 : memref<1x128xi32, #tpu.memory_space<vmem>> -> memref<128xi32, #tpu.memory_space<vmem>>
    %dma_wait3A_216 = arith.constant 0 : i32
    %dma_wait3A_217 = arith.constant 0 : i32
    %dma_wait3A_218 = tpu.memref_slice %arg2[%dma_wait3A_216, %dma_wait3A_217] : memref<8192x128xf32, #tpu.memory_space<hbm>> -> memref<8192x128xf32, #tpu.memory_space<hbm>>
    tpu.wait_indirect_dma semaphore(%arg7 : memref<!tpu.dma_semaphore, #tpu.memory_space<semaphore_mem>>) src(%dma_wait3A_218 : memref<8192x128xf32, #tpu.memory_space<hbm>>) dst(%dma_wait3A_212 : memref<128x128xf32, #tpu.memory_space<vmem>>)
    %dma_wait3A_219 = arith.constant 9 : i32
    %dma_wait3A_220 = arith.constant 128 : i32
    %dma_wait3A_221 = arith.constant 0 : i32
    %dma_wait3A_222 = tpu.memref_slice %arg6[%dma_wait3A_220, %dma_wait3A_221] : memref<512x128xf32, #tpu.memory_space<vmem>> -> memref<128x128xf32, #tpu.memory_space<vmem>>
    %dma_wait3A_223 = arith.constant 0 : i32
    %dma_wait3A_224 = tpu.memref_slice %arg5[%dma_wait3A_219, %dma_wait3A_223] : memref<32x128xi32, #tpu.memory_space<vmem>> -> memref<1x128xi32, #tpu.memory_space<vmem>>
    %dma_wait3A_225 = tpu.memref_squeeze %dma_wait3A_224 : memref<1x128xi32, #tpu.memory_space<vmem>> -> memref<128xi32, #tpu.memory_space<vmem>>
    %dma_wait3A_226 = arith.constant 0 : i32
    %dma_wait3A_227 = arith.constant 0 : i32
    %dma_wait3A_228 = tpu.memref_slice %arg2[%dma_wait3A_226, %dma_wait3A_227] : memref<8192x128xf32, #tpu.memory_space<hbm>> -> memref<8192x128xf32, #tpu.memory_space<hbm>>
    tpu.wait_indirect_dma semaphore(%arg7 : memref<!tpu.dma_semaphore, #tpu.memory_space<semaphore_mem>>) src(%dma_wait3A_228 : memref<8192x128xf32, #tpu.memory_space<hbm>>) dst(%dma_wait3A_222 : memref<128x128xf32, #tpu.memory_space<vmem>>)
    %dma_wait3A_229 = arith.constant 10 : i32
    %dma_wait3A_230 = arith.constant 256 : i32
    %dma_wait3A_231 = arith.constant 0 : i32
    %dma_wait3A_232 = tpu.memref_slice %arg6[%dma_wait3A_230, %dma_wait3A_231] : memref<512x128xf32, #tpu.memory_space<vmem>> -> memref<128x128xf32, #tpu.memory_space<vmem>>
    %dma_wait3A_233 = arith.constant 0 : i32
    %dma_wait3A_234 = tpu.memref_slice %arg5[%dma_wait3A_229, %dma_wait3A_233] : memref<32x128xi32, #tpu.memory_space<vmem>> -> memref<1x128xi32, #tpu.memory_space<vmem>>
    %dma_wait3A_235 = tpu.memref_squeeze %dma_wait3A_234 : memref<1x128xi32, #tpu.memory_space<vmem>> -> memref<128xi32, #tpu.memory_space<vmem>>
    %dma_wait3A_236 = arith.constant 0 : i32
    %dma_wait3A_237 = arith.constant 0 : i32
    %dma_wait3A_238 = tpu.memref_slice %arg2[%dma_wait3A_236, %dma_wait3A_237] : memref<8192x128xf32, #tpu.memory_space<hbm>> -> memref<8192x128xf32, #tpu.memory_space<hbm>>
    tpu.wait_indirect_dma semaphore(%arg7 : memref<!tpu.dma_semaphore, #tpu.memory_space<semaphore_mem>>) src(%dma_wait3A_238 : memref<8192x128xf32, #tpu.memory_space<hbm>>) dst(%dma_wait3A_232 : memref<128x128xf32, #tpu.memory_space<vmem>>)
    %dma_wait3A_239 = arith.constant 11 : i32
    %dma_wait3A_240 = arith.constant 384 : i32
    %dma_wait3A_241 = arith.constant 0 : i32
    %dma_wait3A_242 = tpu.memref_slice %arg6[%dma_wait3A_240, %dma_wait3A_241] : memref<512x128xf32, #tpu.memory_space<vmem>> -> memref<128x128xf32, #tpu.memory_space<vmem>>
    %dma_wait3A_243 = arith.constant 0 : i32
    %dma_wait3A_244 = tpu.memref_slice %arg5[%dma_wait3A_239, %dma_wait3A_243] : memref<32x128xi32, #tpu.memory_space<vmem>> -> memref<1x128xi32, #tpu.memory_space<vmem>>
    %dma_wait3A_245 = tpu.memref_squeeze %dma_wait3A_244 : memref<1x128xi32, #tpu.memory_space<vmem>> -> memref<128xi32, #tpu.memory_space<vmem>>
    %dma_wait3A_246 = arith.constant 0 : i32
    %dma_wait3A_247 = arith.constant 0 : i32
    %dma_wait3A_248 = tpu.memref_slice %arg2[%dma_wait3A_246, %dma_wait3A_247] : memref<8192x128xf32, #tpu.memory_space<hbm>> -> memref<8192x128xf32, #tpu.memory_space<hbm>>
    tpu.wait_indirect_dma semaphore(%arg7 : memref<!tpu.dma_semaphore, #tpu.memory_space<semaphore_mem>>) src(%dma_wait3A_248 : memref<8192x128xf32, #tpu.memory_space<hbm>>) dst(%dma_wait3A_242 : memref<128x128xf32, #tpu.memory_space<vmem>>)
    %mul3A_249 = arith.constant 4096 : i32
    %mul3A_250 = arith.muli %add3A, %mul3A_249 : i32
    %add3A_251 = arith.constant 1024 : i32
    %add3A_252 = arith.addi %mul3A_250, %add3A_251 : i32
    "tpu.region"() ({
      %run_scoped3A = tpu.sem_alloc : memref<!tpu.dma_semaphore, #tpu.memory_space<semaphore_mem>>
      %dma_start3A_673 = arith.constant 0 : i32
      %dma_start3A_674 = tpu.memref_slice %arg4[%add3A_252, %dma_start3A_673] : memref<131072x128xf32, #tpu.memory_space<hbm>> -> memref<512x128xf32, #tpu.memory_space<hbm>>
      %dma_start3A_675 = arith.constant 0 : i32
      %dma_start3A_676 = tpu.memref_slice %arg4[%add3A_252, %dma_start3A_675] : memref<131072x128xf32, #tpu.memory_space<hbm>> -> memref<512x128xf32, #tpu.memory_space<hbm>>
      tpu.enqueue_dma source(%arg6 : memref<512x128xf32, #tpu.memory_space<vmem>>) target(%dma_start3A_676 : memref<512x128xf32, #tpu.memory_space<hbm>>) target_semaphore(%run_scoped3A : memref<!tpu.dma_semaphore, #tpu.memory_space<semaphore_mem>>)
      %dma_wait3A_677 = arith.constant 0 : i32
      %dma_wait3A_678 = tpu.memref_slice %arg4[%add3A_252, %dma_wait3A_677] : memref<131072x128xf32, #tpu.memory_space<hbm>> -> memref<512x128xf32, #tpu.memory_space<hbm>>
      %dma_wait3A_679 = arith.constant 0 : i32
      %dma_wait3A_680 = tpu.memref_slice %arg4[%add3A_252, %dma_wait3A_679] : memref<131072x128xf32, #tpu.memory_space<hbm>> -> memref<512x128xf32, #tpu.memory_space<hbm>>
      tpu.wait_dma2 semaphore(%run_scoped3A : memref<!tpu.dma_semaphore, #tpu.memory_space<semaphore_mem>>) src(%arg6 : memref<512x128xf32, #tpu.memory_space<vmem>>) dst(%dma_wait3A_680 : memref<512x128xf32, #tpu.memory_space<hbm>>)
      tpu.yield
    }) : () -> ()
    %dma_start3A_253 = arith.constant 12 : i32
    %dma_start3A_254 = arith.constant 0 : i32
    %dma_start3A_255 = arith.constant 0 : i32
    %dma_start3A_256 = tpu.memref_slice %arg6[%dma_start3A_254, %dma_start3A_255] : memref<512x128xf32, #tpu.memory_space<vmem>> -> memref<128x128xf32, #tpu.memory_space<vmem>>
    %dma_start3A_257 = arith.constant 0 : i32
    %dma_start3A_258 = tpu.memref_slice %arg5[%dma_start3A_253, %dma_start3A_257] : memref<32x128xi32, #tpu.memory_space<vmem>> -> memref<1x128xi32, #tpu.memory_space<vmem>>
    %dma_start3A_259 = tpu.memref_squeeze %dma_start3A_258 : memref<1x128xi32, #tpu.memory_space<vmem>> -> memref<128xi32, #tpu.memory_space<vmem>>
    %dma_start3A_260 = arith.constant 0 : i32
    %dma_start3A_261 = arith.constant 0 : i32
    %dma_start3A_262 = tpu.memref_slice %arg2[%dma_start3A_260, %dma_start3A_261] : memref<8192x128xf32, #tpu.memory_space<hbm>> -> memref<8192x128xf32, #tpu.memory_space<hbm>>
    tpu.enqueue_indirect_dma source(%dma_start3A_262 : memref<8192x128xf32, #tpu.memory_space<hbm>>) target(%dma_start3A_256 : memref<128x128xf32, #tpu.memory_space<vmem>>) offsets(%dma_start3A_259 : memref<128xi32, #tpu.memory_space<vmem>>) semaphore(%arg7 : memref<!tpu.dma_semaphore, #tpu.memory_space<semaphore_mem>>)
    %dma_start3A_263 = arith.constant 13 : i32
    %dma_start3A_264 = arith.constant 128 : i32
    %dma_start3A_265 = arith.constant 0 : i32
    %dma_start3A_266 = tpu.memref_slice %arg6[%dma_start3A_264, %dma_start3A_265] : memref<512x128xf32, #tpu.memory_space<vmem>> -> memref<128x128xf32, #tpu.memory_space<vmem>>
    %dma_start3A_267 = arith.constant 0 : i32
    %dma_start3A_268 = tpu.memref_slice %arg5[%dma_start3A_263, %dma_start3A_267] : memref<32x128xi32, #tpu.memory_space<vmem>> -> memref<1x128xi32, #tpu.memory_space<vmem>>
    %dma_start3A_269 = tpu.memref_squeeze %dma_start3A_268 : memref<1x128xi32, #tpu.memory_space<vmem>> -> memref<128xi32, #tpu.memory_space<vmem>>
    %dma_start3A_270 = arith.constant 0 : i32
    %dma_start3A_271 = arith.constant 0 : i32
    %dma_start3A_272 = tpu.memref_slice %arg2[%dma_start3A_270, %dma_start3A_271] : memref<8192x128xf32, #tpu.memory_space<hbm>> -> memref<8192x128xf32, #tpu.memory_space<hbm>>
    tpu.enqueue_indirect_dma source(%dma_start3A_272 : memref<8192x128xf32, #tpu.memory_space<hbm>>) target(%dma_start3A_266 : memref<128x128xf32, #tpu.memory_space<vmem>>) offsets(%dma_start3A_269 : memref<128xi32, #tpu.memory_space<vmem>>) semaphore(%arg7 : memref<!tpu.dma_semaphore, #tpu.memory_space<semaphore_mem>>)
    %dma_start3A_273 = arith.constant 14 : i32
    %dma_start3A_274 = arith.constant 256 : i32
    %dma_start3A_275 = arith.constant 0 : i32
    %dma_start3A_276 = tpu.memref_slice %arg6[%dma_start3A_274, %dma_start3A_275] : memref<512x128xf32, #tpu.memory_space<vmem>> -> memref<128x128xf32, #tpu.memory_space<vmem>>
    %dma_start3A_277 = arith.constant 0 : i32
    %dma_start3A_278 = tpu.memref_slice %arg5[%dma_start3A_273, %dma_start3A_277] : memref<32x128xi32, #tpu.memory_space<vmem>> -> memref<1x128xi32, #tpu.memory_space<vmem>>
    %dma_start3A_279 = tpu.memref_squeeze %dma_start3A_278 : memref<1x128xi32, #tpu.memory_space<vmem>> -> memref<128xi32, #tpu.memory_space<vmem>>
    %dma_start3A_280 = arith.constant 0 : i32
    %dma_start3A_281 = arith.constant 0 : i32
    %dma_start3A_282 = tpu.memref_slice %arg2[%dma_start3A_280, %dma_start3A_281] : memref<8192x128xf32, #tpu.memory_space<hbm>> -> memref<8192x128xf32, #tpu.memory_space<hbm>>
    tpu.enqueue_indirect_dma source(%dma_start3A_282 : memref<8192x128xf32, #tpu.memory_space<hbm>>) target(%dma_start3A_276 : memref<128x128xf32, #tpu.memory_space<vmem>>) offsets(%dma_start3A_279 : memref<128xi32, #tpu.memory_space<vmem>>) semaphore(%arg7 : memref<!tpu.dma_semaphore, #tpu.memory_space<semaphore_mem>>)
    %dma_start3A_283 = arith.constant 15 : i32
    %dma_start3A_284 = arith.constant 384 : i32
    %dma_start3A_285 = arith.constant 0 : i32
    %dma_start3A_286 = tpu.memref_slice %arg6[%dma_start3A_284, %dma_start3A_285] : memref<512x128xf32, #tpu.memory_space<vmem>> -> memref<128x128xf32, #tpu.memory_space<vmem>>
    %dma_start3A_287 = arith.constant 0 : i32
    %dma_start3A_288 = tpu.memref_slice %arg5[%dma_start3A_283, %dma_start3A_287] : memref<32x128xi32, #tpu.memory_space<vmem>> -> memref<1x128xi32, #tpu.memory_space<vmem>>
    %dma_start3A_289 = tpu.memref_squeeze %dma_start3A_288 : memref<1x128xi32, #tpu.memory_space<vmem>> -> memref<128xi32, #tpu.memory_space<vmem>>
    %dma_start3A_290 = arith.constant 0 : i32
    %dma_start3A_291 = arith.constant 0 : i32
    %dma_start3A_292 = tpu.memref_slice %arg2[%dma_start3A_290, %dma_start3A_291] : memref<8192x128xf32, #tpu.memory_space<hbm>> -> memref<8192x128xf32, #tpu.memory_space<hbm>>
    tpu.enqueue_indirect_dma source(%dma_start3A_292 : memref<8192x128xf32, #tpu.memory_space<hbm>>) target(%dma_start3A_286 : memref<128x128xf32, #tpu.memory_space<vmem>>) offsets(%dma_start3A_289 : memref<128xi32, #tpu.memory_space<vmem>>) semaphore(%arg7 : memref<!tpu.dma_semaphore, #tpu.memory_space<semaphore_mem>>)
    %dma_wait3A_293 = arith.constant 12 : i32
    %dma_wait3A_294 = arith.constant 0 : i32
    %dma_wait3A_295 = arith.constant 0 : i32
    %dma_wait3A_296 = tpu.memref_slice %arg6[%dma_wait3A_294, %dma_wait3A_295] : memref<512x128xf32, #tpu.memory_space<vmem>> -> memref<128x128xf32, #tpu.memory_space<vmem>>
    %dma_wait3A_297 = arith.constant 0 : i32
    %dma_wait3A_298 = tpu.memref_slice %arg5[%dma_wait3A_293, %dma_wait3A_297] : memref<32x128xi32, #tpu.memory_space<vmem>> -> memref<1x128xi32, #tpu.memory_space<vmem>>
    %dma_wait3A_299 = tpu.memref_squeeze %dma_wait3A_298 : memref<1x128xi32, #tpu.memory_space<vmem>> -> memref<128xi32, #tpu.memory_space<vmem>>
    %dma_wait3A_300 = arith.constant 0 : i32
    %dma_wait3A_301 = arith.constant 0 : i32
    %dma_wait3A_302 = tpu.memref_slice %arg2[%dma_wait3A_300, %dma_wait3A_301] : memref<8192x128xf32, #tpu.memory_space<hbm>> -> memref<8192x128xf32, #tpu.memory_space<hbm>>
    tpu.wait_indirect_dma semaphore(%arg7 : memref<!tpu.dma_semaphore, #tpu.memory_space<semaphore_mem>>) src(%dma_wait3A_302 : memref<8192x128xf32, #tpu.memory_space<hbm>>) dst(%dma_wait3A_296 : memref<128x128xf32, #tpu.memory_space<vmem>>)
    %dma_wait3A_303 = arith.constant 13 : i32
    %dma_wait3A_304 = arith.constant 128 : i32
    %dma_wait3A_305 = arith.constant 0 : i32
    %dma_wait3A_306 = tpu.memref_slice %arg6[%dma_wait3A_304, %dma_wait3A_305] : memref<512x128xf32, #tpu.memory_space<vmem>> -> memref<128x128xf32, #tpu.memory_space<vmem>>
    %dma_wait3A_307 = arith.constant 0 : i32
    %dma_wait3A_308 = tpu.memref_slice %arg5[%dma_wait3A_303, %dma_wait3A_307] : memref<32x128xi32, #tpu.memory_space<vmem>> -> memref<1x128xi32, #tpu.memory_space<vmem>>
    %dma_wait3A_309 = tpu.memref_squeeze %dma_wait3A_308 : memref<1x128xi32, #tpu.memory_space<vmem>> -> memref<128xi32, #tpu.memory_space<vmem>>
    %dma_wait3A_310 = arith.constant 0 : i32
    %dma_wait3A_311 = arith.constant 0 : i32
    %dma_wait3A_312 = tpu.memref_slice %arg2[%dma_wait3A_310, %dma_wait3A_311] : memref<8192x128xf32, #tpu.memory_space<hbm>> -> memref<8192x128xf32, #tpu.memory_space<hbm>>
    tpu.wait_indirect_dma semaphore(%arg7 : memref<!tpu.dma_semaphore, #tpu.memory_space<semaphore_mem>>) src(%dma_wait3A_312 : memref<8192x128xf32, #tpu.memory_space<hbm>>) dst(%dma_wait3A_306 : memref<128x128xf32, #tpu.memory_space<vmem>>)
    %dma_wait3A_313 = arith.constant 14 : i32
    %dma_wait3A_314 = arith.constant 256 : i32
    %dma_wait3A_315 = arith.constant 0 : i32
    %dma_wait3A_316 = tpu.memref_slice %arg6[%dma_wait3A_314, %dma_wait3A_315] : memref<512x128xf32, #tpu.memory_space<vmem>> -> memref<128x128xf32, #tpu.memory_space<vmem>>
    %dma_wait3A_317 = arith.constant 0 : i32
    %dma_wait3A_318 = tpu.memref_slice %arg5[%dma_wait3A_313, %dma_wait3A_317] : memref<32x128xi32, #tpu.memory_space<vmem>> -> memref<1x128xi32, #tpu.memory_space<vmem>>
    %dma_wait3A_319 = tpu.memref_squeeze %dma_wait3A_318 : memref<1x128xi32, #tpu.memory_space<vmem>> -> memref<128xi32, #tpu.memory_space<vmem>>
    %dma_wait3A_320 = arith.constant 0 : i32
    %dma_wait3A_321 = arith.constant 0 : i32
    %dma_wait3A_322 = tpu.memref_slice %arg2[%dma_wait3A_320, %dma_wait3A_321] : memref<8192x128xf32, #tpu.memory_space<hbm>> -> memref<8192x128xf32, #tpu.memory_space<hbm>>
    tpu.wait_indirect_dma semaphore(%arg7 : memref<!tpu.dma_semaphore, #tpu.memory_space<semaphore_mem>>) src(%dma_wait3A_322 : memref<8192x128xf32, #tpu.memory_space<hbm>>) dst(%dma_wait3A_316 : memref<128x128xf32, #tpu.memory_space<vmem>>)
    %dma_wait3A_323 = arith.constant 15 : i32
    %dma_wait3A_324 = arith.constant 384 : i32
    %dma_wait3A_325 = arith.constant 0 : i32
    %dma_wait3A_326 = tpu.memref_slice %arg6[%dma_wait3A_324, %dma_wait3A_325] : memref<512x128xf32, #tpu.memory_space<vmem>> -> memref<128x128xf32, #tpu.memory_space<vmem>>
    %dma_wait3A_327 = arith.constant 0 : i32
    %dma_wait3A_328 = tpu.memref_slice %arg5[%dma_wait3A_323, %dma_wait3A_327] : memref<32x128xi32, #tpu.memory_space<vmem>> -> memref<1x128xi32, #tpu.memory_space<vmem>>
    %dma_wait3A_329 = tpu.memref_squeeze %dma_wait3A_328 : memref<1x128xi32, #tpu.memory_space<vmem>> -> memref<128xi32, #tpu.memory_space<vmem>>
    %dma_wait3A_330 = arith.constant 0 : i32
    %dma_wait3A_331 = arith.constant 0 : i32
    %dma_wait3A_332 = tpu.memref_slice %arg2[%dma_wait3A_330, %dma_wait3A_331] : memref<8192x128xf32, #tpu.memory_space<hbm>> -> memref<8192x128xf32, #tpu.memory_space<hbm>>
    tpu.wait_indirect_dma semaphore(%arg7 : memref<!tpu.dma_semaphore, #tpu.memory_space<semaphore_mem>>) src(%dma_wait3A_332 : memref<8192x128xf32, #tpu.memory_space<hbm>>) dst(%dma_wait3A_326 : memref<128x128xf32, #tpu.memory_space<vmem>>)
    %mul3A_333 = arith.constant 4096 : i32
    %mul3A_334 = arith.muli %add3A, %mul3A_333 : i32
    %add3A_335 = arith.constant 1536 : i32
    %add3A_336 = arith.addi %mul3A_334, %add3A_335 : i32
    "tpu.region"() ({
      %run_scoped3A = tpu.sem_alloc : memref<!tpu.dma_semaphore, #tpu.memory_space<semaphore_mem>>
      %dma_start3A_673 = arith.constant 0 : i32
      %dma_start3A_674 = tpu.memref_slice %arg4[%add3A_336, %dma_start3A_673] : memref<131072x128xf32, #tpu.memory_space<hbm>> -> memref<512x128xf32, #tpu.memory_space<hbm>>
      %dma_start3A_675 = arith.constant 0 : i32
      %dma_start3A_676 = tpu.memref_slice %arg4[%add3A_336, %dma_start3A_675] : memref<131072x128xf32, #tpu.memory_space<hbm>> -> memref<512x128xf32, #tpu.memory_space<hbm>>
      tpu.enqueue_dma source(%arg6 : memref<512x128xf32, #tpu.memory_space<vmem>>) target(%dma_start3A_676 : memref<512x128xf32, #tpu.memory_space<hbm>>) target_semaphore(%run_scoped3A : memref<!tpu.dma_semaphore, #tpu.memory_space<semaphore_mem>>)
      %dma_wait3A_677 = arith.constant 0 : i32
      %dma_wait3A_678 = tpu.memref_slice %arg4[%add3A_336, %dma_wait3A_677] : memref<131072x128xf32, #tpu.memory_space<hbm>> -> memref<512x128xf32, #tpu.memory_space<hbm>>
      %dma_wait3A_679 = arith.constant 0 : i32
      %dma_wait3A_680 = tpu.memref_slice %arg4[%add3A_336, %dma_wait3A_679] : memref<131072x128xf32, #tpu.memory_space<hbm>> -> memref<512x128xf32, #tpu.memory_space<hbm>>
      tpu.wait_dma2 semaphore(%run_scoped3A : memref<!tpu.dma_semaphore, #tpu.memory_space<semaphore_mem>>) src(%arg6 : memref<512x128xf32, #tpu.memory_space<vmem>>) dst(%dma_wait3A_680 : memref<512x128xf32, #tpu.memory_space<hbm>>)
      tpu.yield
    }) : () -> ()
    %dma_start3A_337 = arith.constant 16 : i32
    %dma_start3A_338 = arith.constant 0 : i32
    %dma_start3A_339 = arith.constant 0 : i32
    %dma_start3A_340 = tpu.memref_slice %arg6[%dma_start3A_338, %dma_start3A_339] : memref<512x128xf32, #tpu.memory_space<vmem>> -> memref<128x128xf32, #tpu.memory_space<vmem>>
    %dma_start3A_341 = arith.constant 0 : i32
    %dma_start3A_342 = tpu.memref_slice %arg5[%dma_start3A_337, %dma_start3A_341] : memref<32x128xi32, #tpu.memory_space<vmem>> -> memref<1x128xi32, #tpu.memory_space<vmem>>
    %dma_start3A_343 = tpu.memref_squeeze %dma_start3A_342 : memref<1x128xi32, #tpu.memory_space<vmem>> -> memref<128xi32, #tpu.memory_space<vmem>>
    %dma_start3A_344 = arith.constant 0 : i32
    %dma_start3A_345 = arith.constant 0 : i32
    %dma_start3A_346 = tpu.memref_slice %arg2[%dma_start3A_344, %dma_start3A_345] : memref<8192x128xf32, #tpu.memory_space<hbm>> -> memref<8192x128xf32, #tpu.memory_space<hbm>>
    tpu.enqueue_indirect_dma source(%dma_start3A_346 : memref<8192x128xf32, #tpu.memory_space<hbm>>) target(%dma_start3A_340 : memref<128x128xf32, #tpu.memory_space<vmem>>) offsets(%dma_start3A_343 : memref<128xi32, #tpu.memory_space<vmem>>) semaphore(%arg7 : memref<!tpu.dma_semaphore, #tpu.memory_space<semaphore_mem>>)
    %dma_start3A_347 = arith.constant 17 : i32
    %dma_start3A_348 = arith.constant 128 : i32
    %dma_start3A_349 = arith.constant 0 : i32
    %dma_start3A_350 = tpu.memref_slice %arg6[%dma_start3A_348, %dma_start3A_349] : memref<512x128xf32, #tpu.memory_space<vmem>> -> memref<128x128xf32, #tpu.memory_space<vmem>>
    %dma_start3A_351 = arith.constant 0 : i32
    %dma_start3A_352 = tpu.memref_slice %arg5[%dma_start3A_347, %dma_start3A_351] : memref<32x128xi32, #tpu.memory_space<vmem>> -> memref<1x128xi32, #tpu.memory_space<vmem>>
    %dma_start3A_353 = tpu.memref_squeeze %dma_start3A_352 : memref<1x128xi32, #tpu.memory_space<vmem>> -> memref<128xi32, #tpu.memory_space<vmem>>
    %dma_start3A_354 = arith.constant 0 : i32
    %dma_start3A_355 = arith.constant 0 : i32
    %dma_start3A_356 = tpu.memref_slice %arg2[%dma_start3A_354, %dma_start3A_355] : memref<8192x128xf32, #tpu.memory_space<hbm>> -> memref<8192x128xf32, #tpu.memory_space<hbm>>
    tpu.enqueue_indirect_dma source(%dma_start3A_356 : memref<8192x128xf32, #tpu.memory_space<hbm>>) target(%dma_start3A_350 : memref<128x128xf32, #tpu.memory_space<vmem>>) offsets(%dma_start3A_353 : memref<128xi32, #tpu.memory_space<vmem>>) semaphore(%arg7 : memref<!tpu.dma_semaphore, #tpu.memory_space<semaphore_mem>>)
    %dma_start3A_357 = arith.constant 18 : i32
    %dma_start3A_358 = arith.constant 256 : i32
    %dma_start3A_359 = arith.constant 0 : i32
    %dma_start3A_360 = tpu.memref_slice %arg6[%dma_start3A_358, %dma_start3A_359] : memref<512x128xf32, #tpu.memory_space<vmem>> -> memref<128x128xf32, #tpu.memory_space<vmem>>
    %dma_start3A_361 = arith.constant 0 : i32
    %dma_start3A_362 = tpu.memref_slice %arg5[%dma_start3A_357, %dma_start3A_361] : memref<32x128xi32, #tpu.memory_space<vmem>> -> memref<1x128xi32, #tpu.memory_space<vmem>>
    %dma_start3A_363 = tpu.memref_squeeze %dma_start3A_362 : memref<1x128xi32, #tpu.memory_space<vmem>> -> memref<128xi32, #tpu.memory_space<vmem>>
    %dma_start3A_364 = arith.constant 0 : i32
    %dma_start3A_365 = arith.constant 0 : i32
    %dma_start3A_366 = tpu.memref_slice %arg2[%dma_start3A_364, %dma_start3A_365] : memref<8192x128xf32, #tpu.memory_space<hbm>> -> memref<8192x128xf32, #tpu.memory_space<hbm>>
    tpu.enqueue_indirect_dma source(%dma_start3A_366 : memref<8192x128xf32, #tpu.memory_space<hbm>>) target(%dma_start3A_360 : memref<128x128xf32, #tpu.memory_space<vmem>>) offsets(%dma_start3A_363 : memref<128xi32, #tpu.memory_space<vmem>>) semaphore(%arg7 : memref<!tpu.dma_semaphore, #tpu.memory_space<semaphore_mem>>)
    %dma_start3A_367 = arith.constant 19 : i32
    %dma_start3A_368 = arith.constant 384 : i32
    %dma_start3A_369 = arith.constant 0 : i32
    %dma_start3A_370 = tpu.memref_slice %arg6[%dma_start3A_368, %dma_start3A_369] : memref<512x128xf32, #tpu.memory_space<vmem>> -> memref<128x128xf32, #tpu.memory_space<vmem>>
    %dma_start3A_371 = arith.constant 0 : i32
    %dma_start3A_372 = tpu.memref_slice %arg5[%dma_start3A_367, %dma_start3A_371] : memref<32x128xi32, #tpu.memory_space<vmem>> -> memref<1x128xi32, #tpu.memory_space<vmem>>
    %dma_start3A_373 = tpu.memref_squeeze %dma_start3A_372 : memref<1x128xi32, #tpu.memory_space<vmem>> -> memref<128xi32, #tpu.memory_space<vmem>>
    %dma_start3A_374 = arith.constant 0 : i32
    %dma_start3A_375 = arith.constant 0 : i32
    %dma_start3A_376 = tpu.memref_slice %arg2[%dma_start3A_374, %dma_start3A_375] : memref<8192x128xf32, #tpu.memory_space<hbm>> -> memref<8192x128xf32, #tpu.memory_space<hbm>>
    tpu.enqueue_indirect_dma source(%dma_start3A_376 : memref<8192x128xf32, #tpu.memory_space<hbm>>) target(%dma_start3A_370 : memref<128x128xf32, #tpu.memory_space<vmem>>) offsets(%dma_start3A_373 : memref<128xi32, #tpu.memory_space<vmem>>) semaphore(%arg7 : memref<!tpu.dma_semaphore, #tpu.memory_space<semaphore_mem>>)
    %dma_wait3A_377 = arith.constant 16 : i32
    %dma_wait3A_378 = arith.constant 0 : i32
    %dma_wait3A_379 = arith.constant 0 : i32
    %dma_wait3A_380 = tpu.memref_slice %arg6[%dma_wait3A_378, %dma_wait3A_379] : memref<512x128xf32, #tpu.memory_space<vmem>> -> memref<128x128xf32, #tpu.memory_space<vmem>>
    %dma_wait3A_381 = arith.constant 0 : i32
    %dma_wait3A_382 = tpu.memref_slice %arg5[%dma_wait3A_377, %dma_wait3A_381] : memref<32x128xi32, #tpu.memory_space<vmem>> -> memref<1x128xi32, #tpu.memory_space<vmem>>
    %dma_wait3A_383 = tpu.memref_squeeze %dma_wait3A_382 : memref<1x128xi32, #tpu.memory_space<vmem>> -> memref<128xi32, #tpu.memory_space<vmem>>
    %dma_wait3A_384 = arith.constant 0 : i32
    %dma_wait3A_385 = arith.constant 0 : i32
    %dma_wait3A_386 = tpu.memref_slice %arg2[%dma_wait3A_384, %dma_wait3A_385] : memref<8192x128xf32, #tpu.memory_space<hbm>> -> memref<8192x128xf32, #tpu.memory_space<hbm>>
    tpu.wait_indirect_dma semaphore(%arg7 : memref<!tpu.dma_semaphore, #tpu.memory_space<semaphore_mem>>) src(%dma_wait3A_386 : memref<8192x128xf32, #tpu.memory_space<hbm>>) dst(%dma_wait3A_380 : memref<128x128xf32, #tpu.memory_space<vmem>>)
    %dma_wait3A_387 = arith.constant 17 : i32
    %dma_wait3A_388 = arith.constant 128 : i32
    %dma_wait3A_389 = arith.constant 0 : i32
    %dma_wait3A_390 = tpu.memref_slice %arg6[%dma_wait3A_388, %dma_wait3A_389] : memref<512x128xf32, #tpu.memory_space<vmem>> -> memref<128x128xf32, #tpu.memory_space<vmem>>
    %dma_wait3A_391 = arith.constant 0 : i32
    %dma_wait3A_392 = tpu.memref_slice %arg5[%dma_wait3A_387, %dma_wait3A_391] : memref<32x128xi32, #tpu.memory_space<vmem>> -> memref<1x128xi32, #tpu.memory_space<vmem>>
    %dma_wait3A_393 = tpu.memref_squeeze %dma_wait3A_392 : memref<1x128xi32, #tpu.memory_space<vmem>> -> memref<128xi32, #tpu.memory_space<vmem>>
    %dma_wait3A_394 = arith.constant 0 : i32
    %dma_wait3A_395 = arith.constant 0 : i32
    %dma_wait3A_396 = tpu.memref_slice %arg2[%dma_wait3A_394, %dma_wait3A_395] : memref<8192x128xf32, #tpu.memory_space<hbm>> -> memref<8192x128xf32, #tpu.memory_space<hbm>>
    tpu.wait_indirect_dma semaphore(%arg7 : memref<!tpu.dma_semaphore, #tpu.memory_space<semaphore_mem>>) src(%dma_wait3A_396 : memref<8192x128xf32, #tpu.memory_space<hbm>>) dst(%dma_wait3A_390 : memref<128x128xf32, #tpu.memory_space<vmem>>)
    %dma_wait3A_397 = arith.constant 18 : i32
    %dma_wait3A_398 = arith.constant 256 : i32
    %dma_wait3A_399 = arith.constant 0 : i32
    %dma_wait3A_400 = tpu.memref_slice %arg6[%dma_wait3A_398, %dma_wait3A_399] : memref<512x128xf32, #tpu.memory_space<vmem>> -> memref<128x128xf32, #tpu.memory_space<vmem>>
    %dma_wait3A_401 = arith.constant 0 : i32
    %dma_wait3A_402 = tpu.memref_slice %arg5[%dma_wait3A_397, %dma_wait3A_401] : memref<32x128xi32, #tpu.memory_space<vmem>> -> memref<1x128xi32, #tpu.memory_space<vmem>>
    %dma_wait3A_403 = tpu.memref_squeeze %dma_wait3A_402 : memref<1x128xi32, #tpu.memory_space<vmem>> -> memref<128xi32, #tpu.memory_space<vmem>>
    %dma_wait3A_404 = arith.constant 0 : i32
    %dma_wait3A_405 = arith.constant 0 : i32
    %dma_wait3A_406 = tpu.memref_slice %arg2[%dma_wait3A_404, %dma_wait3A_405] : memref<8192x128xf32, #tpu.memory_space<hbm>> -> memref<8192x128xf32, #tpu.memory_space<hbm>>
    tpu.wait_indirect_dma semaphore(%arg7 : memref<!tpu.dma_semaphore, #tpu.memory_space<semaphore_mem>>) src(%dma_wait3A_406 : memref<8192x128xf32, #tpu.memory_space<hbm>>) dst(%dma_wait3A_400 : memref<128x128xf32, #tpu.memory_space<vmem>>)
    %dma_wait3A_407 = arith.constant 19 : i32
    %dma_wait3A_408 = arith.constant 384 : i32
    %dma_wait3A_409 = arith.constant 0 : i32
    %dma_wait3A_410 = tpu.memref_slice %arg6[%dma_wait3A_408, %dma_wait3A_409] : memref<512x128xf32, #tpu.memory_space<vmem>> -> memref<128x128xf32, #tpu.memory_space<vmem>>
    %dma_wait3A_411 = arith.constant 0 : i32
    %dma_wait3A_412 = tpu.memref_slice %arg5[%dma_wait3A_407, %dma_wait3A_411] : memref<32x128xi32, #tpu.memory_space<vmem>> -> memref<1x128xi32, #tpu.memory_space<vmem>>
    %dma_wait3A_413 = tpu.memref_squeeze %dma_wait3A_412 : memref<1x128xi32, #tpu.memory_space<vmem>> -> memref<128xi32, #tpu.memory_space<vmem>>
    %dma_wait3A_414 = arith.constant 0 : i32
    %dma_wait3A_415 = arith.constant 0 : i32
    %dma_wait3A_416 = tpu.memref_slice %arg2[%dma_wait3A_414, %dma_wait3A_415] : memref<8192x128xf32, #tpu.memory_space<hbm>> -> memref<8192x128xf32, #tpu.memory_space<hbm>>
    tpu.wait_indirect_dma semaphore(%arg7 : memref<!tpu.dma_semaphore, #tpu.memory_space<semaphore_mem>>) src(%dma_wait3A_416 : memref<8192x128xf32, #tpu.memory_space<hbm>>) dst(%dma_wait3A_410 : memref<128x128xf32, #tpu.memory_space<vmem>>)
    %mul3A_417 = arith.constant 4096 : i32
    %mul3A_418 = arith.muli %add3A, %mul3A_417 : i32
    %add3A_419 = arith.constant 2048 : i32
    %add3A_420 = arith.addi %mul3A_418, %add3A_419 : i32
    "tpu.region"() ({
      %run_scoped3A = tpu.sem_alloc : memref<!tpu.dma_semaphore, #tpu.memory_space<semaphore_mem>>
      %dma_start3A_673 = arith.constant 0 : i32
      %dma_start3A_674 = tpu.memref_slice %arg4[%add3A_420, %dma_start3A_673] : memref<131072x128xf32, #tpu.memory_space<hbm>> -> memref<512x128xf32, #tpu.memory_space<hbm>>
      %dma_start3A_675 = arith.constant 0 : i32
      %dma_start3A_676 = tpu.memref_slice %arg4[%add3A_420, %dma_start3A_675] : memref<131072x128xf32, #tpu.memory_space<hbm>> -> memref<512x128xf32, #tpu.memory_space<hbm>>
      tpu.enqueue_dma source(%arg6 : memref<512x128xf32, #tpu.memory_space<vmem>>) target(%dma_start3A_676 : memref<512x128xf32, #tpu.memory_space<hbm>>) target_semaphore(%run_scoped3A : memref<!tpu.dma_semaphore, #tpu.memory_space<semaphore_mem>>)
      %dma_wait3A_677 = arith.constant 0 : i32
      %dma_wait3A_678 = tpu.memref_slice %arg4[%add3A_420, %dma_wait3A_677] : memref<131072x128xf32, #tpu.memory_space<hbm>> -> memref<512x128xf32, #tpu.memory_space<hbm>>
      %dma_wait3A_679 = arith.constant 0 : i32
      %dma_wait3A_680 = tpu.memref_slice %arg4[%add3A_420, %dma_wait3A_679] : memref<131072x128xf32, #tpu.memory_space<hbm>> -> memref<512x128xf32, #tpu.memory_space<hbm>>
      tpu.wait_dma2 semaphore(%run_scoped3A : memref<!tpu.dma_semaphore, #tpu.memory_space<semaphore_mem>>) src(%arg6 : memref<512x128xf32, #tpu.memory_space<vmem>>) dst(%dma_wait3A_680 : memref<512x128xf32, #tpu.memory_space<hbm>>)
      tpu.yield
    }) : () -> ()
    %dma_start3A_421 = arith.constant 20 : i32
    %dma_start3A_422 = arith.constant 0 : i32
    %dma_start3A_423 = arith.constant 0 : i32
    %dma_start3A_424 = tpu.memref_slice %arg6[%dma_start3A_422, %dma_start3A_423] : memref<512x128xf32, #tpu.memory_space<vmem>> -> memref<128x128xf32, #tpu.memory_space<vmem>>
    %dma_start3A_425 = arith.constant 0 : i32
    %dma_start3A_426 = tpu.memref_slice %arg5[%dma_start3A_421, %dma_start3A_425] : memref<32x128xi32, #tpu.memory_space<vmem>> -> memref<1x128xi32, #tpu.memory_space<vmem>>
    %dma_start3A_427 = tpu.memref_squeeze %dma_start3A_426 : memref<1x128xi32, #tpu.memory_space<vmem>> -> memref<128xi32, #tpu.memory_space<vmem>>
    %dma_start3A_428 = arith.constant 0 : i32
    %dma_start3A_429 = arith.constant 0 : i32
    %dma_start3A_430 = tpu.memref_slice %arg2[%dma_start3A_428, %dma_start3A_429] : memref<8192x128xf32, #tpu.memory_space<hbm>> -> memref<8192x128xf32, #tpu.memory_space<hbm>>
    tpu.enqueue_indirect_dma source(%dma_start3A_430 : memref<8192x128xf32, #tpu.memory_space<hbm>>) target(%dma_start3A_424 : memref<128x128xf32, #tpu.memory_space<vmem>>) offsets(%dma_start3A_427 : memref<128xi32, #tpu.memory_space<vmem>>) semaphore(%arg7 : memref<!tpu.dma_semaphore, #tpu.memory_space<semaphore_mem>>)
    %dma_start3A_431 = arith.constant 21 : i32
    %dma_start3A_432 = arith.constant 128 : i32
    %dma_start3A_433 = arith.constant 0 : i32
    %dma_start3A_434 = tpu.memref_slice %arg6[%dma_start3A_432, %dma_start3A_433] : memref<512x128xf32, #tpu.memory_space<vmem>> -> memref<128x128xf32, #tpu.memory_space<vmem>>
    %dma_start3A_435 = arith.constant 0 : i32
    %dma_start3A_436 = tpu.memref_slice %arg5[%dma_start3A_431, %dma_start3A_435] : memref<32x128xi32, #tpu.memory_space<vmem>> -> memref<1x128xi32, #tpu.memory_space<vmem>>
    %dma_start3A_437 = tpu.memref_squeeze %dma_start3A_436 : memref<1x128xi32, #tpu.memory_space<vmem>> -> memref<128xi32, #tpu.memory_space<vmem>>
    %dma_start3A_438 = arith.constant 0 : i32
    %dma_start3A_439 = arith.constant 0 : i32
    %dma_start3A_440 = tpu.memref_slice %arg2[%dma_start3A_438, %dma_start3A_439] : memref<8192x128xf32, #tpu.memory_space<hbm>> -> memref<8192x128xf32, #tpu.memory_space<hbm>>
    tpu.enqueue_indirect_dma source(%dma_start3A_440 : memref<8192x128xf32, #tpu.memory_space<hbm>>) target(%dma_start3A_434 : memref<128x128xf32, #tpu.memory_space<vmem>>) offsets(%dma_start3A_437 : memref<128xi32, #tpu.memory_space<vmem>>) semaphore(%arg7 : memref<!tpu.dma_semaphore, #tpu.memory_space<semaphore_mem>>)
    %dma_start3A_441 = arith.constant 22 : i32
    %dma_start3A_442 = arith.constant 256 : i32
    %dma_start3A_443 = arith.constant 0 : i32
    %dma_start3A_444 = tpu.memref_slice %arg6[%dma_start3A_442, %dma_start3A_443] : memref<512x128xf32, #tpu.memory_space<vmem>> -> memref<128x128xf32, #tpu.memory_space<vmem>>
    %dma_start3A_445 = arith.constant 0 : i32
    %dma_start3A_446 = tpu.memref_slice %arg5[%dma_start3A_441, %dma_start3A_445] : memref<32x128xi32, #tpu.memory_space<vmem>> -> memref<1x128xi32, #tpu.memory_space<vmem>>
    %dma_start3A_447 = tpu.memref_squeeze %dma_start3A_446 : memref<1x128xi32, #tpu.memory_space<vmem>> -> memref<128xi32, #tpu.memory_space<vmem>>
    %dma_start3A_448 = arith.constant 0 : i32
    %dma_start3A_449 = arith.constant 0 : i32
    %dma_start3A_450 = tpu.memref_slice %arg2[%dma_start3A_448, %dma_start3A_449] : memref<8192x128xf32, #tpu.memory_space<hbm>> -> memref<8192x128xf32, #tpu.memory_space<hbm>>
    tpu.enqueue_indirect_dma source(%dma_start3A_450 : memref<8192x128xf32, #tpu.memory_space<hbm>>) target(%dma_start3A_444 : memref<128x128xf32, #tpu.memory_space<vmem>>) offsets(%dma_start3A_447 : memref<128xi32, #tpu.memory_space<vmem>>) semaphore(%arg7 : memref<!tpu.dma_semaphore, #tpu.memory_space<semaphore_mem>>)
    %dma_start3A_451 = arith.constant 23 : i32
    %dma_start3A_452 = arith.constant 384 : i32
    %dma_start3A_453 = arith.constant 0 : i32
    %dma_start3A_454 = tpu.memref_slice %arg6[%dma_start3A_452, %dma_start3A_453] : memref<512x128xf32, #tpu.memory_space<vmem>> -> memref<128x128xf32, #tpu.memory_space<vmem>>
    %dma_start3A_455 = arith.constant 0 : i32
    %dma_start3A_456 = tpu.memref_slice %arg5[%dma_start3A_451, %dma_start3A_455] : memref<32x128xi32, #tpu.memory_space<vmem>> -> memref<1x128xi32, #tpu.memory_space<vmem>>
    %dma_start3A_457 = tpu.memref_squeeze %dma_start3A_456 : memref<1x128xi32, #tpu.memory_space<vmem>> -> memref<128xi32, #tpu.memory_space<vmem>>
    %dma_start3A_458 = arith.constant 0 : i32
    %dma_start3A_459 = arith.constant 0 : i32
    %dma_start3A_460 = tpu.memref_slice %arg2[%dma_start3A_458, %dma_start3A_459] : memref<8192x128xf32, #tpu.memory_space<hbm>> -> memref<8192x128xf32, #tpu.memory_space<hbm>>
    tpu.enqueue_indirect_dma source(%dma_start3A_460 : memref<8192x128xf32, #tpu.memory_space<hbm>>) target(%dma_start3A_454 : memref<128x128xf32, #tpu.memory_space<vmem>>) offsets(%dma_start3A_457 : memref<128xi32, #tpu.memory_space<vmem>>) semaphore(%arg7 : memref<!tpu.dma_semaphore, #tpu.memory_space<semaphore_mem>>)
    %dma_wait3A_461 = arith.constant 20 : i32
    %dma_wait3A_462 = arith.constant 0 : i32
    %dma_wait3A_463 = arith.constant 0 : i32
    %dma_wait3A_464 = tpu.memref_slice %arg6[%dma_wait3A_462, %dma_wait3A_463] : memref<512x128xf32, #tpu.memory_space<vmem>> -> memref<128x128xf32, #tpu.memory_space<vmem>>
    %dma_wait3A_465 = arith.constant 0 : i32
    %dma_wait3A_466 = tpu.memref_slice %arg5[%dma_wait3A_461, %dma_wait3A_465] : memref<32x128xi32, #tpu.memory_space<vmem>> -> memref<1x128xi32, #tpu.memory_space<vmem>>
    %dma_wait3A_467 = tpu.memref_squeeze %dma_wait3A_466 : memref<1x128xi32, #tpu.memory_space<vmem>> -> memref<128xi32, #tpu.memory_space<vmem>>
    %dma_wait3A_468 = arith.constant 0 : i32
    %dma_wait3A_469 = arith.constant 0 : i32
    %dma_wait3A_470 = tpu.memref_slice %arg2[%dma_wait3A_468, %dma_wait3A_469] : memref<8192x128xf32, #tpu.memory_space<hbm>> -> memref<8192x128xf32, #tpu.memory_space<hbm>>
    tpu.wait_indirect_dma semaphore(%arg7 : memref<!tpu.dma_semaphore, #tpu.memory_space<semaphore_mem>>) src(%dma_wait3A_470 : memref<8192x128xf32, #tpu.memory_space<hbm>>) dst(%dma_wait3A_464 : memref<128x128xf32, #tpu.memory_space<vmem>>)
    %dma_wait3A_471 = arith.constant 21 : i32
    %dma_wait3A_472 = arith.constant 128 : i32
    %dma_wait3A_473 = arith.constant 0 : i32
    %dma_wait3A_474 = tpu.memref_slice %arg6[%dma_wait3A_472, %dma_wait3A_473] : memref<512x128xf32, #tpu.memory_space<vmem>> -> memref<128x128xf32, #tpu.memory_space<vmem>>
    %dma_wait3A_475 = arith.constant 0 : i32
    %dma_wait3A_476 = tpu.memref_slice %arg5[%dma_wait3A_471, %dma_wait3A_475] : memref<32x128xi32, #tpu.memory_space<vmem>> -> memref<1x128xi32, #tpu.memory_space<vmem>>
    %dma_wait3A_477 = tpu.memref_squeeze %dma_wait3A_476 : memref<1x128xi32, #tpu.memory_space<vmem>> -> memref<128xi32, #tpu.memory_space<vmem>>
    %dma_wait3A_478 = arith.constant 0 : i32
    %dma_wait3A_479 = arith.constant 0 : i32
    %dma_wait3A_480 = tpu.memref_slice %arg2[%dma_wait3A_478, %dma_wait3A_479] : memref<8192x128xf32, #tpu.memory_space<hbm>> -> memref<8192x128xf32, #tpu.memory_space<hbm>>
    tpu.wait_indirect_dma semaphore(%arg7 : memref<!tpu.dma_semaphore, #tpu.memory_space<semaphore_mem>>) src(%dma_wait3A_480 : memref<8192x128xf32, #tpu.memory_space<hbm>>) dst(%dma_wait3A_474 : memref<128x128xf32, #tpu.memory_space<vmem>>)
    %dma_wait3A_481 = arith.constant 22 : i32
    %dma_wait3A_482 = arith.constant 256 : i32
    %dma_wait3A_483 = arith.constant 0 : i32
    %dma_wait3A_484 = tpu.memref_slice %arg6[%dma_wait3A_482, %dma_wait3A_483] : memref<512x128xf32, #tpu.memory_space<vmem>> -> memref<128x128xf32, #tpu.memory_space<vmem>>
    %dma_wait3A_485 = arith.constant 0 : i32
    %dma_wait3A_486 = tpu.memref_slice %arg5[%dma_wait3A_481, %dma_wait3A_485] : memref<32x128xi32, #tpu.memory_space<vmem>> -> memref<1x128xi32, #tpu.memory_space<vmem>>
    %dma_wait3A_487 = tpu.memref_squeeze %dma_wait3A_486 : memref<1x128xi32, #tpu.memory_space<vmem>> -> memref<128xi32, #tpu.memory_space<vmem>>
    %dma_wait3A_488 = arith.constant 0 : i32
    %dma_wait3A_489 = arith.constant 0 : i32
    %dma_wait3A_490 = tpu.memref_slice %arg2[%dma_wait3A_488, %dma_wait3A_489] : memref<8192x128xf32, #tpu.memory_space<hbm>> -> memref<8192x128xf32, #tpu.memory_space<hbm>>
    tpu.wait_indirect_dma semaphore(%arg7 : memref<!tpu.dma_semaphore, #tpu.memory_space<semaphore_mem>>) src(%dma_wait3A_490 : memref<8192x128xf32, #tpu.memory_space<hbm>>) dst(%dma_wait3A_484 : memref<128x128xf32, #tpu.memory_space<vmem>>)
    %dma_wait3A_491 = arith.constant 23 : i32
    %dma_wait3A_492 = arith.constant 384 : i32
    %dma_wait3A_493 = arith.constant 0 : i32
    %dma_wait3A_494 = tpu.memref_slice %arg6[%dma_wait3A_492, %dma_wait3A_493] : memref<512x128xf32, #tpu.memory_space<vmem>> -> memref<128x128xf32, #tpu.memory_space<vmem>>
    %dma_wait3A_495 = arith.constant 0 : i32
    %dma_wait3A_496 = tpu.memref_slice %arg5[%dma_wait3A_491, %dma_wait3A_495] : memref<32x128xi32, #tpu.memory_space<vmem>> -> memref<1x128xi32, #tpu.memory_space<vmem>>
    %dma_wait3A_497 = tpu.memref_squeeze %dma_wait3A_496 : memref<1x128xi32, #tpu.memory_space<vmem>> -> memref<128xi32, #tpu.memory_space<vmem>>
    %dma_wait3A_498 = arith.constant 0 : i32
    %dma_wait3A_499 = arith.constant 0 : i32
    %dma_wait3A_500 = tpu.memref_slice %arg2[%dma_wait3A_498, %dma_wait3A_499] : memref<8192x128xf32, #tpu.memory_space<hbm>> -> memref<8192x128xf32, #tpu.memory_space<hbm>>
    tpu.wait_indirect_dma semaphore(%arg7 : memref<!tpu.dma_semaphore, #tpu.memory_space<semaphore_mem>>) src(%dma_wait3A_500 : memref<8192x128xf32, #tpu.memory_space<hbm>>) dst(%dma_wait3A_494 : memref<128x128xf32, #tpu.memory_space<vmem>>)
    %mul3A_501 = arith.constant 4096 : i32
    %mul3A_502 = arith.muli %add3A, %mul3A_501 : i32
    %add3A_503 = arith.constant 2560 : i32
    %add3A_504 = arith.addi %mul3A_502, %add3A_503 : i32
    "tpu.region"() ({
      %run_scoped3A = tpu.sem_alloc : memref<!tpu.dma_semaphore, #tpu.memory_space<semaphore_mem>>
      %dma_start3A_673 = arith.constant 0 : i32
      %dma_start3A_674 = tpu.memref_slice %arg4[%add3A_504, %dma_start3A_673] : memref<131072x128xf32, #tpu.memory_space<hbm>> -> memref<512x128xf32, #tpu.memory_space<hbm>>
      %dma_start3A_675 = arith.constant 0 : i32
      %dma_start3A_676 = tpu.memref_slice %arg4[%add3A_504, %dma_start3A_675] : memref<131072x128xf32, #tpu.memory_space<hbm>> -> memref<512x128xf32, #tpu.memory_space<hbm>>
      tpu.enqueue_dma source(%arg6 : memref<512x128xf32, #tpu.memory_space<vmem>>) target(%dma_start3A_676 : memref<512x128xf32, #tpu.memory_space<hbm>>) target_semaphore(%run_scoped3A : memref<!tpu.dma_semaphore, #tpu.memory_space<semaphore_mem>>)
      %dma_wait3A_677 = arith.constant 0 : i32
      %dma_wait3A_678 = tpu.memref_slice %arg4[%add3A_504, %dma_wait3A_677] : memref<131072x128xf32, #tpu.memory_space<hbm>> -> memref<512x128xf32, #tpu.memory_space<hbm>>
      %dma_wait3A_679 = arith.constant 0 : i32
      %dma_wait3A_680 = tpu.memref_slice %arg4[%add3A_504, %dma_wait3A_679] : memref<131072x128xf32, #tpu.memory_space<hbm>> -> memref<512x128xf32, #tpu.memory_space<hbm>>
      tpu.wait_dma2 semaphore(%run_scoped3A : memref<!tpu.dma_semaphore, #tpu.memory_space<semaphore_mem>>) src(%arg6 : memref<512x128xf32, #tpu.memory_space<vmem>>) dst(%dma_wait3A_680 : memref<512x128xf32, #tpu.memory_space<hbm>>)
      tpu.yield
    }) : () -> ()
    %dma_start3A_505 = arith.constant 24 : i32
    %dma_start3A_506 = arith.constant 0 : i32
    %dma_start3A_507 = arith.constant 0 : i32
    %dma_start3A_508 = tpu.memref_slice %arg6[%dma_start3A_506, %dma_start3A_507] : memref<512x128xf32, #tpu.memory_space<vmem>> -> memref<128x128xf32, #tpu.memory_space<vmem>>
    %dma_start3A_509 = arith.constant 0 : i32
    %dma_start3A_510 = tpu.memref_slice %arg5[%dma_start3A_505, %dma_start3A_509] : memref<32x128xi32, #tpu.memory_space<vmem>> -> memref<1x128xi32, #tpu.memory_space<vmem>>
    %dma_start3A_511 = tpu.memref_squeeze %dma_start3A_510 : memref<1x128xi32, #tpu.memory_space<vmem>> -> memref<128xi32, #tpu.memory_space<vmem>>
    %dma_start3A_512 = arith.constant 0 : i32
    %dma_start3A_513 = arith.constant 0 : i32
    %dma_start3A_514 = tpu.memref_slice %arg2[%dma_start3A_512, %dma_start3A_513] : memref<8192x128xf32, #tpu.memory_space<hbm>> -> memref<8192x128xf32, #tpu.memory_space<hbm>>
    tpu.enqueue_indirect_dma source(%dma_start3A_514 : memref<8192x128xf32, #tpu.memory_space<hbm>>) target(%dma_start3A_508 : memref<128x128xf32, #tpu.memory_space<vmem>>) offsets(%dma_start3A_511 : memref<128xi32, #tpu.memory_space<vmem>>) semaphore(%arg7 : memref<!tpu.dma_semaphore, #tpu.memory_space<semaphore_mem>>)
    %dma_start3A_515 = arith.constant 25 : i32
    %dma_start3A_516 = arith.constant 128 : i32
    %dma_start3A_517 = arith.constant 0 : i32
    %dma_start3A_518 = tpu.memref_slice %arg6[%dma_start3A_516, %dma_start3A_517] : memref<512x128xf32, #tpu.memory_space<vmem>> -> memref<128x128xf32, #tpu.memory_space<vmem>>
    %dma_start3A_519 = arith.constant 0 : i32
    %dma_start3A_520 = tpu.memref_slice %arg5[%dma_start3A_515, %dma_start3A_519] : memref<32x128xi32, #tpu.memory_space<vmem>> -> memref<1x128xi32, #tpu.memory_space<vmem>>
    %dma_start3A_521 = tpu.memref_squeeze %dma_start3A_520 : memref<1x128xi32, #tpu.memory_space<vmem>> -> memref<128xi32, #tpu.memory_space<vmem>>
    %dma_start3A_522 = arith.constant 0 : i32
    %dma_start3A_523 = arith.constant 0 : i32
    %dma_start3A_524 = tpu.memref_slice %arg2[%dma_start3A_522, %dma_start3A_523] : memref<8192x128xf32, #tpu.memory_space<hbm>> -> memref<8192x128xf32, #tpu.memory_space<hbm>>
    tpu.enqueue_indirect_dma source(%dma_start3A_524 : memref<8192x128xf32, #tpu.memory_space<hbm>>) target(%dma_start3A_518 : memref<128x128xf32, #tpu.memory_space<vmem>>) offsets(%dma_start3A_521 : memref<128xi32, #tpu.memory_space<vmem>>) semaphore(%arg7 : memref<!tpu.dma_semaphore, #tpu.memory_space<semaphore_mem>>)
    %dma_start3A_525 = arith.constant 26 : i32
    %dma_start3A_526 = arith.constant 256 : i32
    %dma_start3A_527 = arith.constant 0 : i32
    %dma_start3A_528 = tpu.memref_slice %arg6[%dma_start3A_526, %dma_start3A_527] : memref<512x128xf32, #tpu.memory_space<vmem>> -> memref<128x128xf32, #tpu.memory_space<vmem>>
    %dma_start3A_529 = arith.constant 0 : i32
    %dma_start3A_530 = tpu.memref_slice %arg5[%dma_start3A_525, %dma_start3A_529] : memref<32x128xi32, #tpu.memory_space<vmem>> -> memref<1x128xi32, #tpu.memory_space<vmem>>
    %dma_start3A_531 = tpu.memref_squeeze %dma_start3A_530 : memref<1x128xi32, #tpu.memory_space<vmem>> -> memref<128xi32, #tpu.memory_space<vmem>>
    %dma_start3A_532 = arith.constant 0 : i32
    %dma_start3A_533 = arith.constant 0 : i32
    %dma_start3A_534 = tpu.memref_slice %arg2[%dma_start3A_532, %dma_start3A_533] : memref<8192x128xf32, #tpu.memory_space<hbm>> -> memref<8192x128xf32, #tpu.memory_space<hbm>>
    tpu.enqueue_indirect_dma source(%dma_start3A_534 : memref<8192x128xf32, #tpu.memory_space<hbm>>) target(%dma_start3A_528 : memref<128x128xf32, #tpu.memory_space<vmem>>) offsets(%dma_start3A_531 : memref<128xi32, #tpu.memory_space<vmem>>) semaphore(%arg7 : memref<!tpu.dma_semaphore, #tpu.memory_space<semaphore_mem>>)
    %dma_start3A_535 = arith.constant 27 : i32
    %dma_start3A_536 = arith.constant 384 : i32
    %dma_start3A_537 = arith.constant 0 : i32
    %dma_start3A_538 = tpu.memref_slice %arg6[%dma_start3A_536, %dma_start3A_537] : memref<512x128xf32, #tpu.memory_space<vmem>> -> memref<128x128xf32, #tpu.memory_space<vmem>>
    %dma_start3A_539 = arith.constant 0 : i32
    %dma_start3A_540 = tpu.memref_slice %arg5[%dma_start3A_535, %dma_start3A_539] : memref<32x128xi32, #tpu.memory_space<vmem>> -> memref<1x128xi32, #tpu.memory_space<vmem>>
    %dma_start3A_541 = tpu.memref_squeeze %dma_start3A_540 : memref<1x128xi32, #tpu.memory_space<vmem>> -> memref<128xi32, #tpu.memory_space<vmem>>
    %dma_start3A_542 = arith.constant 0 : i32
    %dma_start3A_543 = arith.constant 0 : i32
    %dma_start3A_544 = tpu.memref_slice %arg2[%dma_start3A_542, %dma_start3A_543] : memref<8192x128xf32, #tpu.memory_space<hbm>> -> memref<8192x128xf32, #tpu.memory_space<hbm>>
    tpu.enqueue_indirect_dma source(%dma_start3A_544 : memref<8192x128xf32, #tpu.memory_space<hbm>>) target(%dma_start3A_538 : memref<128x128xf32, #tpu.memory_space<vmem>>) offsets(%dma_start3A_541 : memref<128xi32, #tpu.memory_space<vmem>>) semaphore(%arg7 : memref<!tpu.dma_semaphore, #tpu.memory_space<semaphore_mem>>)
    %dma_wait3A_545 = arith.constant 24 : i32
    %dma_wait3A_546 = arith.constant 0 : i32
    %dma_wait3A_547 = arith.constant 0 : i32
    %dma_wait3A_548 = tpu.memref_slice %arg6[%dma_wait3A_546, %dma_wait3A_547] : memref<512x128xf32, #tpu.memory_space<vmem>> -> memref<128x128xf32, #tpu.memory_space<vmem>>
    %dma_wait3A_549 = arith.constant 0 : i32
    %dma_wait3A_550 = tpu.memref_slice %arg5[%dma_wait3A_545, %dma_wait3A_549] : memref<32x128xi32, #tpu.memory_space<vmem>> -> memref<1x128xi32, #tpu.memory_space<vmem>>
    %dma_wait3A_551 = tpu.memref_squeeze %dma_wait3A_550 : memref<1x128xi32, #tpu.memory_space<vmem>> -> memref<128xi32, #tpu.memory_space<vmem>>
    %dma_wait3A_552 = arith.constant 0 : i32
    %dma_wait3A_553 = arith.constant 0 : i32
    %dma_wait3A_554 = tpu.memref_slice %arg2[%dma_wait3A_552, %dma_wait3A_553] : memref<8192x128xf32, #tpu.memory_space<hbm>> -> memref<8192x128xf32, #tpu.memory_space<hbm>>
    tpu.wait_indirect_dma semaphore(%arg7 : memref<!tpu.dma_semaphore, #tpu.memory_space<semaphore_mem>>) src(%dma_wait3A_554 : memref<8192x128xf32, #tpu.memory_space<hbm>>) dst(%dma_wait3A_548 : memref<128x128xf32, #tpu.memory_space<vmem>>)
    %dma_wait3A_555 = arith.constant 25 : i32
    %dma_wait3A_556 = arith.constant 128 : i32
    %dma_wait3A_557 = arith.constant 0 : i32
    %dma_wait3A_558 = tpu.memref_slice %arg6[%dma_wait3A_556, %dma_wait3A_557] : memref<512x128xf32, #tpu.memory_space<vmem>> -> memref<128x128xf32, #tpu.memory_space<vmem>>
    %dma_wait3A_559 = arith.constant 0 : i32
    %dma_wait3A_560 = tpu.memref_slice %arg5[%dma_wait3A_555, %dma_wait3A_559] : memref<32x128xi32, #tpu.memory_space<vmem>> -> memref<1x128xi32, #tpu.memory_space<vmem>>
    %dma_wait3A_561 = tpu.memref_squeeze %dma_wait3A_560 : memref<1x128xi32, #tpu.memory_space<vmem>> -> memref<128xi32, #tpu.memory_space<vmem>>
    %dma_wait3A_562 = arith.constant 0 : i32
    %dma_wait3A_563 = arith.constant 0 : i32
    %dma_wait3A_564 = tpu.memref_slice %arg2[%dma_wait3A_562, %dma_wait3A_563] : memref<8192x128xf32, #tpu.memory_space<hbm>> -> memref<8192x128xf32, #tpu.memory_space<hbm>>
    tpu.wait_indirect_dma semaphore(%arg7 : memref<!tpu.dma_semaphore, #tpu.memory_space<semaphore_mem>>) src(%dma_wait3A_564 : memref<8192x128xf32, #tpu.memory_space<hbm>>) dst(%dma_wait3A_558 : memref<128x128xf32, #tpu.memory_space<vmem>>)
    %dma_wait3A_565 = arith.constant 26 : i32
    %dma_wait3A_566 = arith.constant 256 : i32
    %dma_wait3A_567 = arith.constant 0 : i32
    %dma_wait3A_568 = tpu.memref_slice %arg6[%dma_wait3A_566, %dma_wait3A_567] : memref<512x128xf32, #tpu.memory_space<vmem>> -> memref<128x128xf32, #tpu.memory_space<vmem>>
    %dma_wait3A_569 = arith.constant 0 : i32
    %dma_wait3A_570 = tpu.memref_slice %arg5[%dma_wait3A_565, %dma_wait3A_569] : memref<32x128xi32, #tpu.memory_space<vmem>> -> memref<1x128xi32, #tpu.memory_space<vmem>>
    %dma_wait3A_571 = tpu.memref_squeeze %dma_wait3A_570 : memref<1x128xi32, #tpu.memory_space<vmem>> -> memref<128xi32, #tpu.memory_space<vmem>>
    %dma_wait3A_572 = arith.constant 0 : i32
    %dma_wait3A_573 = arith.constant 0 : i32
    %dma_wait3A_574 = tpu.memref_slice %arg2[%dma_wait3A_572, %dma_wait3A_573] : memref<8192x128xf32, #tpu.memory_space<hbm>> -> memref<8192x128xf32, #tpu.memory_space<hbm>>
    tpu.wait_indirect_dma semaphore(%arg7 : memref<!tpu.dma_semaphore, #tpu.memory_space<semaphore_mem>>) src(%dma_wait3A_574 : memref<8192x128xf32, #tpu.memory_space<hbm>>) dst(%dma_wait3A_568 : memref<128x128xf32, #tpu.memory_space<vmem>>)
    %dma_wait3A_575 = arith.constant 27 : i32
    %dma_wait3A_576 = arith.constant 384 : i32
    %dma_wait3A_577 = arith.constant 0 : i32
    %dma_wait3A_578 = tpu.memref_slice %arg6[%dma_wait3A_576, %dma_wait3A_577] : memref<512x128xf32, #tpu.memory_space<vmem>> -> memref<128x128xf32, #tpu.memory_space<vmem>>
    %dma_wait3A_579 = arith.constant 0 : i32
    %dma_wait3A_580 = tpu.memref_slice %arg5[%dma_wait3A_575, %dma_wait3A_579] : memref<32x128xi32, #tpu.memory_space<vmem>> -> memref<1x128xi32, #tpu.memory_space<vmem>>
    %dma_wait3A_581 = tpu.memref_squeeze %dma_wait3A_580 : memref<1x128xi32, #tpu.memory_space<vmem>> -> memref<128xi32, #tpu.memory_space<vmem>>
    %dma_wait3A_582 = arith.constant 0 : i32
    %dma_wait3A_583 = arith.constant 0 : i32
    %dma_wait3A_584 = tpu.memref_slice %arg2[%dma_wait3A_582, %dma_wait3A_583] : memref<8192x128xf32, #tpu.memory_space<hbm>> -> memref<8192x128xf32, #tpu.memory_space<hbm>>
    tpu.wait_indirect_dma semaphore(%arg7 : memref<!tpu.dma_semaphore, #tpu.memory_space<semaphore_mem>>) src(%dma_wait3A_584 : memref<8192x128xf32, #tpu.memory_space<hbm>>) dst(%dma_wait3A_578 : memref<128x128xf32, #tpu.memory_space<vmem>>)
    %mul3A_585 = arith.constant 4096 : i32
    %mul3A_586 = arith.muli %add3A, %mul3A_585 : i32
    %add3A_587 = arith.constant 3072 : i32
    %add3A_588 = arith.addi %mul3A_586, %add3A_587 : i32
    "tpu.region"() ({
      %run_scoped3A = tpu.sem_alloc : memref<!tpu.dma_semaphore, #tpu.memory_space<semaphore_mem>>
      %dma_start3A_673 = arith.constant 0 : i32
      %dma_start3A_674 = tpu.memref_slice %arg4[%add3A_588, %dma_start3A_673] : memref<131072x128xf32, #tpu.memory_space<hbm>> -> memref<512x128xf32, #tpu.memory_space<hbm>>
      %dma_start3A_675 = arith.constant 0 : i32
      %dma_start3A_676 = tpu.memref_slice %arg4[%add3A_588, %dma_start3A_675] : memref<131072x128xf32, #tpu.memory_space<hbm>> -> memref<512x128xf32, #tpu.memory_space<hbm>>
      tpu.enqueue_dma source(%arg6 : memref<512x128xf32, #tpu.memory_space<vmem>>) target(%dma_start3A_676 : memref<512x128xf32, #tpu.memory_space<hbm>>) target_semaphore(%run_scoped3A : memref<!tpu.dma_semaphore, #tpu.memory_space<semaphore_mem>>)
      %dma_wait3A_677 = arith.constant 0 : i32
      %dma_wait3A_678 = tpu.memref_slice %arg4[%add3A_588, %dma_wait3A_677] : memref<131072x128xf32, #tpu.memory_space<hbm>> -> memref<512x128xf32, #tpu.memory_space<hbm>>
      %dma_wait3A_679 = arith.constant 0 : i32
      %dma_wait3A_680 = tpu.memref_slice %arg4[%add3A_588, %dma_wait3A_679] : memref<131072x128xf32, #tpu.memory_space<hbm>> -> memref<512x128xf32, #tpu.memory_space<hbm>>
      tpu.wait_dma2 semaphore(%run_scoped3A : memref<!tpu.dma_semaphore, #tpu.memory_space<semaphore_mem>>) src(%arg6 : memref<512x128xf32, #tpu.memory_space<vmem>>) dst(%dma_wait3A_680 : memref<512x128xf32, #tpu.memory_space<hbm>>)
      tpu.yield
    }) : () -> ()
    %dma_start3A_589 = arith.constant 28 : i32
    %dma_start3A_590 = arith.constant 0 : i32
    %dma_start3A_591 = arith.constant 0 : i32
    %dma_start3A_592 = tpu.memref_slice %arg6[%dma_start3A_590, %dma_start3A_591] : memref<512x128xf32, #tpu.memory_space<vmem>> -> memref<128x128xf32, #tpu.memory_space<vmem>>
    %dma_start3A_593 = arith.constant 0 : i32
    %dma_start3A_594 = tpu.memref_slice %arg5[%dma_start3A_589, %dma_start3A_593] : memref<32x128xi32, #tpu.memory_space<vmem>> -> memref<1x128xi32, #tpu.memory_space<vmem>>
    %dma_start3A_595 = tpu.memref_squeeze %dma_start3A_594 : memref<1x128xi32, #tpu.memory_space<vmem>> -> memref<128xi32, #tpu.memory_space<vmem>>
    %dma_start3A_596 = arith.constant 0 : i32
    %dma_start3A_597 = arith.constant 0 : i32
    %dma_start3A_598 = tpu.memref_slice %arg2[%dma_start3A_596, %dma_start3A_597] : memref<8192x128xf32, #tpu.memory_space<hbm>> -> memref<8192x128xf32, #tpu.memory_space<hbm>>
    tpu.enqueue_indirect_dma source(%dma_start3A_598 : memref<8192x128xf32, #tpu.memory_space<hbm>>) target(%dma_start3A_592 : memref<128x128xf32, #tpu.memory_space<vmem>>) offsets(%dma_start3A_595 : memref<128xi32, #tpu.memory_space<vmem>>) semaphore(%arg7 : memref<!tpu.dma_semaphore, #tpu.memory_space<semaphore_mem>>)
    %dma_start3A_599 = arith.constant 29 : i32
    %dma_start3A_600 = arith.constant 128 : i32
    %dma_start3A_601 = arith.constant 0 : i32
    %dma_start3A_602 = tpu.memref_slice %arg6[%dma_start3A_600, %dma_start3A_601] : memref<512x128xf32, #tpu.memory_space<vmem>> -> memref<128x128xf32, #tpu.memory_space<vmem>>
    %dma_start3A_603 = arith.constant 0 : i32
    %dma_start3A_604 = tpu.memref_slice %arg5[%dma_start3A_599, %dma_start3A_603] : memref<32x128xi32, #tpu.memory_space<vmem>> -> memref<1x128xi32, #tpu.memory_space<vmem>>
    %dma_start3A_605 = tpu.memref_squeeze %dma_start3A_604 : memref<1x128xi32, #tpu.memory_space<vmem>> -> memref<128xi32, #tpu.memory_space<vmem>>
    %dma_start3A_606 = arith.constant 0 : i32
    %dma_start3A_607 = arith.constant 0 : i32
    %dma_start3A_608 = tpu.memref_slice %arg2[%dma_start3A_606, %dma_start3A_607] : memref<8192x128xf32, #tpu.memory_space<hbm>> -> memref<8192x128xf32, #tpu.memory_space<hbm>>
    tpu.enqueue_indirect_dma source(%dma_start3A_608 : memref<8192x128xf32, #tpu.memory_space<hbm>>) target(%dma_start3A_602 : memref<128x128xf32, #tpu.memory_space<vmem>>) offsets(%dma_start3A_605 : memref<128xi32, #tpu.memory_space<vmem>>) semaphore(%arg7 : memref<!tpu.dma_semaphore, #tpu.memory_space<semaphore_mem>>)
    %dma_start3A_609 = arith.constant 30 : i32
    %dma_start3A_610 = arith.constant 256 : i32
    %dma_start3A_611 = arith.constant 0 : i32
    %dma_start3A_612 = tpu.memref_slice %arg6[%dma_start3A_610, %dma_start3A_611] : memref<512x128xf32, #tpu.memory_space<vmem>> -> memref<128x128xf32, #tpu.memory_space<vmem>>
    %dma_start3A_613 = arith.constant 0 : i32
    %dma_start3A_614 = tpu.memref_slice %arg5[%dma_start3A_609, %dma_start3A_613] : memref<32x128xi32, #tpu.memory_space<vmem>> -> memref<1x128xi32, #tpu.memory_space<vmem>>
    %dma_start3A_615 = tpu.memref_squeeze %dma_start3A_614 : memref<1x128xi32, #tpu.memory_space<vmem>> -> memref<128xi32, #tpu.memory_space<vmem>>
    %dma_start3A_616 = arith.constant 0 : i32
    %dma_start3A_617 = arith.constant 0 : i32
    %dma_start3A_618 = tpu.memref_slice %arg2[%dma_start3A_616, %dma_start3A_617] : memref<8192x128xf32, #tpu.memory_space<hbm>> -> memref<8192x128xf32, #tpu.memory_space<hbm>>
    tpu.enqueue_indirect_dma source(%dma_start3A_618 : memref<8192x128xf32, #tpu.memory_space<hbm>>) target(%dma_start3A_612 : memref<128x128xf32, #tpu.memory_space<vmem>>) offsets(%dma_start3A_615 : memref<128xi32, #tpu.memory_space<vmem>>) semaphore(%arg7 : memref<!tpu.dma_semaphore, #tpu.memory_space<semaphore_mem>>)
    %dma_start3A_619 = arith.constant 31 : i32
    %dma_start3A_620 = arith.constant 384 : i32
    %dma_start3A_621 = arith.constant 0 : i32
    %dma_start3A_622 = tpu.memref_slice %arg6[%dma_start3A_620, %dma_start3A_621] : memref<512x128xf32, #tpu.memory_space<vmem>> -> memref<128x128xf32, #tpu.memory_space<vmem>>
    %dma_start3A_623 = arith.constant 0 : i32
    %dma_start3A_624 = tpu.memref_slice %arg5[%dma_start3A_619, %dma_start3A_623] : memref<32x128xi32, #tpu.memory_space<vmem>> -> memref<1x128xi32, #tpu.memory_space<vmem>>
    %dma_start3A_625 = tpu.memref_squeeze %dma_start3A_624 : memref<1x128xi32, #tpu.memory_space<vmem>> -> memref<128xi32, #tpu.memory_space<vmem>>
    %dma_start3A_626 = arith.constant 0 : i32
    %dma_start3A_627 = arith.constant 0 : i32
    %dma_start3A_628 = tpu.memref_slice %arg2[%dma_start3A_626, %dma_start3A_627] : memref<8192x128xf32, #tpu.memory_space<hbm>> -> memref<8192x128xf32, #tpu.memory_space<hbm>>
    tpu.enqueue_indirect_dma source(%dma_start3A_628 : memref<8192x128xf32, #tpu.memory_space<hbm>>) target(%dma_start3A_622 : memref<128x128xf32, #tpu.memory_space<vmem>>) offsets(%dma_start3A_625 : memref<128xi32, #tpu.memory_space<vmem>>) semaphore(%arg7 : memref<!tpu.dma_semaphore, #tpu.memory_space<semaphore_mem>>)
    %dma_wait3A_629 = arith.constant 28 : i32
    %dma_wait3A_630 = arith.constant 0 : i32
    %dma_wait3A_631 = arith.constant 0 : i32
    %dma_wait3A_632 = tpu.memref_slice %arg6[%dma_wait3A_630, %dma_wait3A_631] : memref<512x128xf32, #tpu.memory_space<vmem>> -> memref<128x128xf32, #tpu.memory_space<vmem>>
    %dma_wait3A_633 = arith.constant 0 : i32
    %dma_wait3A_634 = tpu.memref_slice %arg5[%dma_wait3A_629, %dma_wait3A_633] : memref<32x128xi32, #tpu.memory_space<vmem>> -> memref<1x128xi32, #tpu.memory_space<vmem>>
    %dma_wait3A_635 = tpu.memref_squeeze %dma_wait3A_634 : memref<1x128xi32, #tpu.memory_space<vmem>> -> memref<128xi32, #tpu.memory_space<vmem>>
    %dma_wait3A_636 = arith.constant 0 : i32
    %dma_wait3A_637 = arith.constant 0 : i32
    %dma_wait3A_638 = tpu.memref_slice %arg2[%dma_wait3A_636, %dma_wait3A_637] : memref<8192x128xf32, #tpu.memory_space<hbm>> -> memref<8192x128xf32, #tpu.memory_space<hbm>>
    tpu.wait_indirect_dma semaphore(%arg7 : memref<!tpu.dma_semaphore, #tpu.memory_space<semaphore_mem>>) src(%dma_wait3A_638 : memref<8192x128xf32, #tpu.memory_space<hbm>>) dst(%dma_wait3A_632 : memref<128x128xf32, #tpu.memory_space<vmem>>)
    %dma_wait3A_639 = arith.constant 29 : i32
    %dma_wait3A_640 = arith.constant 128 : i32
    %dma_wait3A_641 = arith.constant 0 : i32
    %dma_wait3A_642 = tpu.memref_slice %arg6[%dma_wait3A_640, %dma_wait3A_641] : memref<512x128xf32, #tpu.memory_space<vmem>> -> memref<128x128xf32, #tpu.memory_space<vmem>>
    %dma_wait3A_643 = arith.constant 0 : i32
    %dma_wait3A_644 = tpu.memref_slice %arg5[%dma_wait3A_639, %dma_wait3A_643] : memref<32x128xi32, #tpu.memory_space<vmem>> -> memref<1x128xi32, #tpu.memory_space<vmem>>
    %dma_wait3A_645 = tpu.memref_squeeze %dma_wait3A_644 : memref<1x128xi32, #tpu.memory_space<vmem>> -> memref<128xi32, #tpu.memory_space<vmem>>
    %dma_wait3A_646 = arith.constant 0 : i32
    %dma_wait3A_647 = arith.constant 0 : i32
    %dma_wait3A_648 = tpu.memref_slice %arg2[%dma_wait3A_646, %dma_wait3A_647] : memref<8192x128xf32, #tpu.memory_space<hbm>> -> memref<8192x128xf32, #tpu.memory_space<hbm>>
    tpu.wait_indirect_dma semaphore(%arg7 : memref<!tpu.dma_semaphore, #tpu.memory_space<semaphore_mem>>) src(%dma_wait3A_648 : memref<8192x128xf32, #tpu.memory_space<hbm>>) dst(%dma_wait3A_642 : memref<128x128xf32, #tpu.memory_space<vmem>>)
    %dma_wait3A_649 = arith.constant 30 : i32
    %dma_wait3A_650 = arith.constant 256 : i32
    %dma_wait3A_651 = arith.constant 0 : i32
    %dma_wait3A_652 = tpu.memref_slice %arg6[%dma_wait3A_650, %dma_wait3A_651] : memref<512x128xf32, #tpu.memory_space<vmem>> -> memref<128x128xf32, #tpu.memory_space<vmem>>
    %dma_wait3A_653 = arith.constant 0 : i32
    %dma_wait3A_654 = tpu.memref_slice %arg5[%dma_wait3A_649, %dma_wait3A_653] : memref<32x128xi32, #tpu.memory_space<vmem>> -> memref<1x128xi32, #tpu.memory_space<vmem>>
    %dma_wait3A_655 = tpu.memref_squeeze %dma_wait3A_654 : memref<1x128xi32, #tpu.memory_space<vmem>> -> memref<128xi32, #tpu.memory_space<vmem>>
    %dma_wait3A_656 = arith.constant 0 : i32
    %dma_wait3A_657 = arith.constant 0 : i32
    %dma_wait3A_658 = tpu.memref_slice %arg2[%dma_wait3A_656, %dma_wait3A_657] : memref<8192x128xf32, #tpu.memory_space<hbm>> -> memref<8192x128xf32, #tpu.memory_space<hbm>>
    tpu.wait_indirect_dma semaphore(%arg7 : memref<!tpu.dma_semaphore, #tpu.memory_space<semaphore_mem>>) src(%dma_wait3A_658 : memref<8192x128xf32, #tpu.memory_space<hbm>>) dst(%dma_wait3A_652 : memref<128x128xf32, #tpu.memory_space<vmem>>)
    %dma_wait3A_659 = arith.constant 31 : i32
    %dma_wait3A_660 = arith.constant 384 : i32
    %dma_wait3A_661 = arith.constant 0 : i32
    %dma_wait3A_662 = tpu.memref_slice %arg6[%dma_wait3A_660, %dma_wait3A_661] : memref<512x128xf32, #tpu.memory_space<vmem>> -> memref<128x128xf32, #tpu.memory_space<vmem>>
    %dma_wait3A_663 = arith.constant 0 : i32
    %dma_wait3A_664 = tpu.memref_slice %arg5[%dma_wait3A_659, %dma_wait3A_663] : memref<32x128xi32, #tpu.memory_space<vmem>> -> memref<1x128xi32, #tpu.memory_space<vmem>>
    %dma_wait3A_665 = tpu.memref_squeeze %dma_wait3A_664 : memref<1x128xi32, #tpu.memory_space<vmem>> -> memref<128xi32, #tpu.memory_space<vmem>>
    %dma_wait3A_666 = arith.constant 0 : i32
    %dma_wait3A_667 = arith.constant 0 : i32
    %dma_wait3A_668 = tpu.memref_slice %arg2[%dma_wait3A_666, %dma_wait3A_667] : memref<8192x128xf32, #tpu.memory_space<hbm>> -> memref<8192x128xf32, #tpu.memory_space<hbm>>
    tpu.wait_indirect_dma semaphore(%arg7 : memref<!tpu.dma_semaphore, #tpu.memory_space<semaphore_mem>>) src(%dma_wait3A_668 : memref<8192x128xf32, #tpu.memory_space<hbm>>) dst(%dma_wait3A_662 : memref<128x128xf32, #tpu.memory_space<vmem>>)
    %mul3A_669 = arith.constant 4096 : i32
    %mul3A_670 = arith.muli %add3A, %mul3A_669 : i32
    %add3A_671 = arith.constant 3584 : i32
    %add3A_672 = arith.addi %mul3A_670, %add3A_671 : i32
    "tpu.region"() ({
      %run_scoped3A = tpu.sem_alloc : memref<!tpu.dma_semaphore, #tpu.memory_space<semaphore_mem>>
      %dma_start3A_673 = arith.constant 0 : i32
      %dma_start3A_674 = tpu.memref_slice %arg4[%add3A_672, %dma_start3A_673] : memref<131072x128xf32, #tpu.memory_space<hbm>> -> memref<512x128xf32, #tpu.memory_space<hbm>>
      %dma_start3A_675 = arith.constant 0 : i32
      %dma_start3A_676 = tpu.memref_slice %arg4[%add3A_672, %dma_start3A_675] : memref<131072x128xf32, #tpu.memory_space<hbm>> -> memref<512x128xf32, #tpu.memory_space<hbm>>
      tpu.enqueue_dma source(%arg6 : memref<512x128xf32, #tpu.memory_space<vmem>>) target(%dma_start3A_676 : memref<512x128xf32, #tpu.memory_space<hbm>>) target_semaphore(%run_scoped3A : memref<!tpu.dma_semaphore, #tpu.memory_space<semaphore_mem>>)
      %dma_wait3A_677 = arith.constant 0 : i32
      %dma_wait3A_678 = tpu.memref_slice %arg4[%add3A_672, %dma_wait3A_677] : memref<131072x128xf32, #tpu.memory_space<hbm>> -> memref<512x128xf32, #tpu.memory_space<hbm>>
      %dma_wait3A_679 = arith.constant 0 : i32
      %dma_wait3A_680 = tpu.memref_slice %arg4[%add3A_672, %dma_wait3A_679] : memref<131072x128xf32, #tpu.memory_space<hbm>> -> memref<512x128xf32, #tpu.memory_space<hbm>>
      tpu.wait_dma2 semaphore(%run_scoped3A : memref<!tpu.dma_semaphore, #tpu.memory_space<semaphore_mem>>) src(%arg6 : memref<512x128xf32, #tpu.memory_space<vmem>>) dst(%dma_wait3A_680 : memref<512x128xf32, #tpu.memory_space<hbm>>)
      tpu.yield
    }) : () -> ()
    return
  }
}

#map = affine_map<(d0, d1) -> (0, 0)>
module attributes {stable_mosaic.version = 14 : i64} {
  func.func @gk(%arg0: i32, %arg1: i32, %arg2: memref<8192x128xf32, #tpu.memory_space<hbm>>, %arg3: memref<1024x128xi32, #tpu.memory_space<hbm>>, %arg4: memref<131072x128xf32, #tpu.memory_space<hbm>>, %arg5: memref<32x128xi32, #tpu.memory_space<vmem>>, %arg6: memref<512x128xf32, #tpu.memory_space<vmem>>, %arg7: memref<!tpu.dma_semaphore, #tpu.memory_space<semaphore_mem>>) attributes {dimension_semantics = [#tpu.dimension_semantics<core_parallel>, #tpu.dimension_semantics<subcore_parallel>], iteration_bounds = array<i64: 2, 16>, scalar_prefetch = 0 : i64, scratch_operands = 3 : i64, tpu.core_type = #tpu.core_type<sc_vector_subcore>, window_params = [{transform_indices = #map}, {transform_indices = #map}, {transform_indices = #map}]} {
    %mul3A = arith.constant 2 : i32
    %mul3A_0 = arith.muli %arg1, %mul3A : i32
    %add3A = arith.addi %mul3A_0, %arg0 : i32
    %mul3A_1 = arith.constant 32 : i32
    %mul3A_2 = arith.muli %add3A, %mul3A_1 : i32
    "tpu.region"() ({
      %run_scoped3A = tpu.sem_alloc : memref<!tpu.dma_semaphore, #tpu.memory_space<semaphore_mem>>
      %dma_start3A_673 = arith.constant 0 : i32
      %dma_start3A_674 = tpu.memref_slice %arg3[%mul3A_2, %dma_start3A_673] : memref<1024x128xi32, #tpu.memory_space<hbm>> -> memref<32x128xi32, #tpu.memory_space<hbm>>
      %dma_start3A_675 = arith.constant 0 : i32
      %dma_start3A_676 = tpu.memref_slice %arg3[%mul3A_2, %dma_start3A_675] : memref<1024x128xi32, #tpu.memory_space<hbm>> -> memref<32x128xi32, #tpu.memory_space<hbm>>
      tpu.enqueue_dma source(%dma_start3A_676 : memref<32x128xi32, #tpu.memory_space<hbm>>) target(%arg5 : memref<32x128xi32, #tpu.memory_space<vmem>>) target_semaphore(%run_scoped3A : memref<!tpu.dma_semaphore, #tpu.memory_space<semaphore_mem>>)
      %dma_wait3A_677 = arith.constant 0 : i32
      %dma_wait3A_678 = tpu.memref_slice %arg3[%mul3A_2, %dma_wait3A_677] : memref<1024x128xi32, #tpu.memory_space<hbm>> -> memref<32x128xi32, #tpu.memory_space<hbm>>
      %dma_wait3A_679 = arith.constant 0 : i32
      %dma_wait3A_680 = tpu.memref_slice %arg3[%mul3A_2, %dma_wait3A_679] : memref<1024x128xi32, #tpu.memory_space<hbm>> -> memref<32x128xi32, #tpu.memory_space<hbm>>
      tpu.wait_dma2 semaphore(%run_scoped3A : memref<!tpu.dma_semaphore, #tpu.memory_space<semaphore_mem>>) src(%dma_wait3A_680 : memref<32x128xi32, #tpu.memory_space<hbm>>) dst(%arg5 : memref<32x128xi32, #tpu.memory_space<vmem>>)
      tpu.yield
    }) : () -> ()
    %dma_start3A = arith.constant 0 : i32
    %dma_start3A_3 = arith.constant 0 : i32
    %dma_start3A_4 = arith.constant 0 : i32
    %dma_start3A_5 = tpu.memref_slice %arg6[%dma_start3A_3, %dma_start3A_4] : memref<512x128xf32, #tpu.memory_space<vmem>> -> memref<128x128xf32, #tpu.memory_space<vmem>>
    %dma_start3A_6 = arith.constant 0 : i32
    %dma_start3A_7 = tpu.memref_slice %arg5[%dma_start3A, %dma_start3A_6] : memref<32x128xi32, #tpu.memory_space<vmem>> -> memref<1x128xi32, #tpu.memory_space<vmem>>
    %dma_start3A_8 = tpu.memref_squeeze %dma_start3A_7 : memref<1x128xi32, #tpu.memory_space<vmem>> -> memref<128xi32, #tpu.memory_space<vmem>>
    %dma_start3A_9 = arith.constant 0 : i32
    %dma_start3A_10 = arith.constant 0 : i32
    %dma_start3A_11 = tpu.memref_slice %arg2[%dma_start3A_9, %dma_start3A_10] : memref<8192x128xf32, #tpu.memory_space<hbm>> -> memref<8192x128xf32, #tpu.memory_space<hbm>>
    tpu.enqueue_indirect_dma source(%dma_start3A_11 : memref<8192x128xf32, #tpu.memory_space<hbm>>) target(%dma_start3A_5 : memref<128x128xf32, #tpu.memory_space<vmem>>) offsets(%dma_start3A_8 : memref<128xi32, #tpu.memory_space<vmem>>) semaphore(%arg7 : memref<!tpu.dma_semaphore, #tpu.memory_space<semaphore_mem>>)
    %dma_start3A_12 = arith.constant 1 : i32
    %dma_start3A_13 = arith.constant 128 : i32
    %dma_start3A_14 = arith.constant 0 : i32
    %dma_start3A_15 = tpu.memref_slice %arg6[%dma_start3A_13, %dma_start3A_14] : memref<512x128xf32, #tpu.memory_space<vmem>> -> memref<128x128xf32, #tpu.memory_space<vmem>>
    %dma_start3A_16 = arith.constant 0 : i32
    %dma_start3A_17 = tpu.memref_slice %arg5[%dma_start3A_12, %dma_start3A_16] : memref<32x128xi32, #tpu.memory_space<vmem>> -> memref<1x128xi32, #tpu.memory_space<vmem>>
    %dma_start3A_18 = tpu.memref_squeeze %dma_start3A_17 : memref<1x128xi32, #tpu.memory_space<vmem>> -> memref<128xi32, #tpu.memory_space<vmem>>
    %dma_start3A_19 = arith.constant 0 : i32
    %dma_start3A_20 = arith.constant 0 : i32
    %dma_start3A_21 = tpu.memref_slice %arg2[%dma_start3A_19, %dma_start3A_20] : memref<8192x128xf32, #tpu.memory_space<hbm>> -> memref<8192x128xf32, #tpu.memory_space<hbm>>
    tpu.enqueue_indirect_dma source(%dma_start3A_21 : memref<8192x128xf32, #tpu.memory_space<hbm>>) target(%dma_start3A_15 : memref<128x128xf32, #tpu.memory_space<vmem>>) offsets(%dma_start3A_18 : memref<128xi32, #tpu.memory_space<vmem>>) semaphore(%arg7 : memref<!tpu.dma_semaphore, #tpu.memory_space<semaphore_mem>>)
    %dma_start3A_22 = arith.constant 2 : i32
    %dma_start3A_23 = arith.constant 256 : i32
    %dma_start3A_24 = arith.constant 0 : i32
    %dma_start3A_25 = tpu.memref_slice %arg6[%dma_start3A_23, %dma_start3A_24] : memref<512x128xf32, #tpu.memory_space<vmem>> -> memref<128x128xf32, #tpu.memory_space<vmem>>
    %dma_start3A_26 = arith.constant 0 : i32
    %dma_start3A_27 = tpu.memref_slice %arg5[%dma_start3A_22, %dma_start3A_26] : memref<32x128xi32, #tpu.memory_space<vmem>> -> memref<1x128xi32, #tpu.memory_space<vmem>>
    %dma_start3A_28 = tpu.memref_squeeze %dma_start3A_27 : memref<1x128xi32, #tpu.memory_space<vmem>> -> memref<128xi32, #tpu.memory_space<vmem>>
    %dma_start3A_29 = arith.constant 0 : i32
    %dma_start3A_30 = arith.constant 0 : i32
    %dma_start3A_31 = tpu.memref_slice %arg2[%dma_start3A_29, %dma_start3A_30] : memref<8192x128xf32, #tpu.memory_space<hbm>> -> memref<8192x128xf32, #tpu.memory_space<hbm>>
    tpu.enqueue_indirect_dma source(%dma_start3A_31 : memref<8192x128xf32, #tpu.memory_space<hbm>>) target(%dma_start3A_25 : memref<128x128xf32, #tpu.memory_space<vmem>>) offsets(%dma_start3A_28 : memref<128xi32, #tpu.memory_space<vmem>>) semaphore(%arg7 : memref<!tpu.dma_semaphore, #tpu.memory_space<semaphore_mem>>)
    %dma_start3A_32 = arith.constant 3 : i32
    %dma_start3A_33 = arith.constant 384 : i32
    %dma_start3A_34 = arith.constant 0 : i32
    %dma_start3A_35 = tpu.memref_slice %arg6[%dma_start3A_33, %dma_start3A_34] : memref<512x128xf32, #tpu.memory_space<vmem>> -> memref<128x128xf32, #tpu.memory_space<vmem>>
    %dma_start3A_36 = arith.constant 0 : i32
    %dma_start3A_37 = tpu.memref_slice %arg5[%dma_start3A_32, %dma_start3A_36] : memref<32x128xi32, #tpu.memory_space<vmem>> -> memref<1x128xi32, #tpu.memory_space<vmem>>
    %dma_start3A_38 = tpu.memref_squeeze %dma_start3A_37 : memref<1x128xi32, #tpu.memory_space<vmem>> -> memref<128xi32, #tpu.memory_space<vmem>>
    %dma_start3A_39 = arith.constant 0 : i32
    %dma_start3A_40 = arith.constant 0 : i32
    %dma_start3A_41 = tpu.memref_slice %arg2[%dma_start3A_39, %dma_start3A_40] : memref<8192x128xf32, #tpu.memory_space<hbm>> -> memref<8192x128xf32, #tpu.memory_space<hbm>>
    tpu.enqueue_indirect_dma source(%dma_start3A_41 : memref<8192x128xf32, #tpu.memory_space<hbm>>) target(%dma_start3A_35 : memref<128x128xf32, #tpu.memory_space<vmem>>) offsets(%dma_start3A_38 : memref<128xi32, #tpu.memory_space<vmem>>) semaphore(%arg7 : memref<!tpu.dma_semaphore, #tpu.memory_space<semaphore_mem>>)
    %dma_wait3A = arith.constant 0 : i32
    %dma_wait3A_42 = arith.constant 0 : i32
    %dma_wait3A_43 = arith.constant 0 : i32
    %dma_wait3A_44 = tpu.memref_slice %arg6[%dma_wait3A_42, %dma_wait3A_43] : memref<512x128xf32, #tpu.memory_space<vmem>> -> memref<128x128xf32, #tpu.memory_space<vmem>>
    %dma_wait3A_45 = arith.constant 0 : i32
    %dma_wait3A_46 = tpu.memref_slice %arg5[%dma_wait3A, %dma_wait3A_45] : memref<32x128xi32, #tpu.memory_space<vmem>> -> memref<1x128xi32, #tpu.memory_space<vmem>>
    %dma_wait3A_47 = tpu.memref_squeeze %dma_wait3A_46 : memref<1x128xi32, #tpu.memory_space<vmem>> -> memref<128xi32, #tpu.memory_space<vmem>>
    %dma_wait3A_48 = arith.constant 0 : i32
    %dma_wait3A_49 = arith.constant 0 : i32
    %dma_wait3A_50 = tpu.memref_slice %arg2[%dma_wait3A_48, %dma_wait3A_49] : memref<8192x128xf32, #tpu.memory_space<hbm>> -> memref<8192x128xf32, #tpu.memory_space<hbm>>
    tpu.wait_indirect_dma semaphore(%arg7 : memref<!tpu.dma_semaphore, #tpu.memory_space<semaphore_mem>>) src(%dma_wait3A_50 : memref<8192x128xf32, #tpu.memory_space<hbm>>) dst(%dma_wait3A_44 : memref<128x128xf32, #tpu.memory_space<vmem>>)
    %dma_wait3A_51 = arith.constant 1 : i32
    %dma_wait3A_52 = arith.constant 128 : i32
    %dma_wait3A_53 = arith.constant 0 : i32
    %dma_wait3A_54 = tpu.memref_slice %arg6[%dma_wait3A_52, %dma_wait3A_53] : memref<512x128xf32, #tpu.memory_space<vmem>> -> memref<128x128xf32, #tpu.memory_space<vmem>>
    %dma_wait3A_55 = arith.constant 0 : i32
    %dma_wait3A_56 = tpu.memref_slice %arg5[%dma_wait3A_51, %dma_wait3A_55] : memref<32x128xi32, #tpu.memory_space<vmem>> -> memref<1x128xi32, #tpu.memory_space<vmem>>
    %dma_wait3A_57 = tpu.memref_squeeze %dma_wait3A_56 : memref<1x128xi32, #tpu.memory_space<vmem>> -> memref<128xi32, #tpu.memory_space<vmem>>
    %dma_wait3A_58 = arith.constant 0 : i32
    %dma_wait3A_59 = arith.constant 0 : i32
    %dma_wait3A_60 = tpu.memref_slice %arg2[%dma_wait3A_58, %dma_wait3A_59] : memref<8192x128xf32, #tpu.memory_space<hbm>> -> memref<8192x128xf32, #tpu.memory_space<hbm>>
    tpu.wait_indirect_dma semaphore(%arg7 : memref<!tpu.dma_semaphore, #tpu.memory_space<semaphore_mem>>) src(%dma_wait3A_60 : memref<8192x128xf32, #tpu.memory_space<hbm>>) dst(%dma_wait3A_54 : memref<128x128xf32, #tpu.memory_space<vmem>>)
    %dma_wait3A_61 = arith.constant 2 : i32
    %dma_wait3A_62 = arith.constant 256 : i32
    %dma_wait3A_63 = arith.constant 0 : i32
    %dma_wait3A_64 = tpu.memref_slice %arg6[%dma_wait3A_62, %dma_wait3A_63] : memref<512x128xf32, #tpu.memory_space<vmem>> -> memref<128x128xf32, #tpu.memory_space<vmem>>
    %dma_wait3A_65 = arith.constant 0 : i32
    %dma_wait3A_66 = tpu.memref_slice %arg5[%dma_wait3A_61, %dma_wait3A_65] : memref<32x128xi32, #tpu.memory_space<vmem>> -> memref<1x128xi32, #tpu.memory_space<vmem>>
    %dma_wait3A_67 = tpu.memref_squeeze %dma_wait3A_66 : memref<1x128xi32, #tpu.memory_space<vmem>> -> memref<128xi32, #tpu.memory_space<vmem>>
    %dma_wait3A_68 = arith.constant 0 : i32
    %dma_wait3A_69 = arith.constant 0 : i32
    %dma_wait3A_70 = tpu.memref_slice %arg2[%dma_wait3A_68, %dma_wait3A_69] : memref<8192x128xf32, #tpu.memory_space<hbm>> -> memref<8192x128xf32, #tpu.memory_space<hbm>>
    tpu.wait_indirect_dma semaphore(%arg7 : memref<!tpu.dma_semaphore, #tpu.memory_space<semaphore_mem>>) src(%dma_wait3A_70 : memref<8192x128xf32, #tpu.memory_space<hbm>>) dst(%dma_wait3A_64 : memref<128x128xf32, #tpu.memory_space<vmem>>)
    %dma_wait3A_71 = arith.constant 3 : i32
    %dma_wait3A_72 = arith.constant 384 : i32
    %dma_wait3A_73 = arith.constant 0 : i32
    %dma_wait3A_74 = tpu.memref_slice %arg6[%dma_wait3A_72, %dma_wait3A_73] : memref<512x128xf32, #tpu.memory_space<vmem>> -> memref<128x128xf32, #tpu.memory_space<vmem>>
    %dma_wait3A_75 = arith.constant 0 : i32
    %dma_wait3A_76 = tpu.memref_slice %arg5[%dma_wait3A_71, %dma_wait3A_75] : memref<32x128xi32, #tpu.memory_space<vmem>> -> memref<1x128xi32, #tpu.memory_space<vmem>>
    %dma_wait3A_77 = tpu.memref_squeeze %dma_wait3A_76 : memref<1x128xi32, #tpu.memory_space<vmem>> -> memref<128xi32, #tpu.memory_space<vmem>>
    %dma_wait3A_78 = arith.constant 0 : i32
    %dma_wait3A_79 = arith.constant 0 : i32
    %dma_wait3A_80 = tpu.memref_slice %arg2[%dma_wait3A_78, %dma_wait3A_79] : memref<8192x128xf32, #tpu.memory_space<hbm>> -> memref<8192x128xf32, #tpu.memory_space<hbm>>
    tpu.wait_indirect_dma semaphore(%arg7 : memref<!tpu.dma_semaphore, #tpu.memory_space<semaphore_mem>>) src(%dma_wait3A_80 : memref<8192x128xf32, #tpu.memory_space<hbm>>) dst(%dma_wait3A_74 : memref<128x128xf32, #tpu.memory_space<vmem>>)
    %mul3A_81 = arith.constant 4096 : i32
    %mul3A_82 = arith.muli %add3A, %mul3A_81 : i32
    %add3A_83 = arith.constant 0 : i32
    %add3A_84 = arith.addi %mul3A_82, %add3A_83 : i32
    "tpu.region"() ({
      %run_scoped3A = tpu.sem_alloc : memref<!tpu.dma_semaphore, #tpu.memory_space<semaphore_mem>>
      %dma_start3A_673 = arith.constant 0 : i32
      %dma_start3A_674 = tpu.memref_slice %arg4[%add3A_84, %dma_start3A_673] : memref<131072x128xf32, #tpu.memory_space<hbm>> -> memref<512x128xf32, #tpu.memory_space<hbm>>
      %dma_start3A_675 = arith.constant 0 : i32
      %dma_start3A_676 = tpu.memref_slice %arg4[%add3A_84, %dma_start3A_675] : memref<131072x128xf32, #tpu.memory_space<hbm>> -> memref<512x128xf32, #tpu.memory_space<hbm>>
      tpu.enqueue_dma source(%arg6 : memref<512x128xf32, #tpu.memory_space<vmem>>) target(%dma_start3A_676 : memref<512x128xf32, #tpu.memory_space<hbm>>) target_semaphore(%run_scoped3A : memref<!tpu.dma_semaphore, #tpu.memory_space<semaphore_mem>>)
      %dma_wait3A_677 = arith.constant 0 : i32
      %dma_wait3A_678 = tpu.memref_slice %arg4[%add3A_84, %dma_wait3A_677] : memref<131072x128xf32, #tpu.memory_space<hbm>> -> memref<512x128xf32, #tpu.memory_space<hbm>>
      %dma_wait3A_679 = arith.constant 0 : i32
      %dma_wait3A_680 = tpu.memref_slice %arg4[%add3A_84, %dma_wait3A_679] : memref<131072x128xf32, #tpu.memory_space<hbm>> -> memref<512x128xf32, #tpu.memory_space<hbm>>
      tpu.wait_dma2 semaphore(%run_scoped3A : memref<!tpu.dma_semaphore, #tpu.memory_space<semaphore_mem>>) src(%arg6 : memref<512x128xf32, #tpu.memory_space<vmem>>) dst(%dma_wait3A_680 : memref<512x128xf32, #tpu.memory_space<hbm>>)
      tpu.yield
    }) : () -> ()
    %dma_start3A_85 = arith.constant 4 : i32
    %dma_start3A_86 = arith.constant 0 : i32
    %dma_start3A_87 = arith.constant 0 : i32
    %dma_start3A_88 = tpu.memref_slice %arg6[%dma_start3A_86, %dma_start3A_87] : memref<512x128xf32, #tpu.memory_space<vmem>> -> memref<128x128xf32, #tpu.memory_space<vmem>>
    %dma_start3A_89 = arith.constant 0 : i32
    %dma_start3A_90 = tpu.memref_slice %arg5[%dma_start3A_85, %dma_start3A_89] : memref<32x128xi32, #tpu.memory_space<vmem>> -> memref<1x128xi32, #tpu.memory_space<vmem>>
    %dma_start3A_91 = tpu.memref_squeeze %dma_start3A_90 : memref<1x128xi32, #tpu.memory_space<vmem>> -> memref<128xi32, #tpu.memory_space<vmem>>
    %dma_start3A_92 = arith.constant 0 : i32
    %dma_start3A_93 = arith.constant 0 : i32
    %dma_start3A_94 = tpu.memref_slice %arg2[%dma_start3A_92, %dma_start3A_93] : memref<8192x128xf32, #tpu.memory_space<hbm>> -> memref<8192x128xf32, #tpu.memory_space<hbm>>
    tpu.enqueue_indirect_dma source(%dma_start3A_94 : memref<8192x128xf32, #tpu.memory_space<hbm>>) target(%dma_start3A_88 : memref<128x128xf32, #tpu.memory_space<vmem>>) offsets(%dma_start3A_91 : memref<128xi32, #tpu.memory_space<vmem>>) semaphore(%arg7 : memref<!tpu.dma_semaphore, #tpu.memory_space<semaphore_mem>>)
    %dma_start3A_95 = arith.constant 5 : i32
    %dma_start3A_96 = arith.constant 128 : i32
    %dma_start3A_97 = arith.constant 0 : i32
    %dma_start3A_98 = tpu.memref_slice %arg6[%dma_start3A_96, %dma_start3A_97] : memref<512x128xf32, #tpu.memory_space<vmem>> -> memref<128x128xf32, #tpu.memory_space<vmem>>
    %dma_start3A_99 = arith.constant 0 : i32
    %dma_start3A_100 = tpu.memref_slice %arg5[%dma_start3A_95, %dma_start3A_99] : memref<32x128xi32, #tpu.memory_space<vmem>> -> memref<1x128xi32, #tpu.memory_space<vmem>>
    %dma_start3A_101 = tpu.memref_squeeze %dma_start3A_100 : memref<1x128xi32, #tpu.memory_space<vmem>> -> memref<128xi32, #tpu.memory_space<vmem>>
    %dma_start3A_102 = arith.constant 0 : i32
    %dma_start3A_103 = arith.constant 0 : i32
    %dma_start3A_104 = tpu.memref_slice %arg2[%dma_start3A_102, %dma_start3A_103] : memref<8192x128xf32, #tpu.memory_space<hbm>> -> memref<8192x128xf32, #tpu.memory_space<hbm>>
    tpu.enqueue_indirect_dma source(%dma_start3A_104 : memref<8192x128xf32, #tpu.memory_space<hbm>>) target(%dma_start3A_98 : memref<128x128xf32, #tpu.memory_space<vmem>>) offsets(%dma_start3A_101 : memref<128xi32, #tpu.memory_space<vmem>>) semaphore(%arg7 : memref<!tpu.dma_semaphore, #tpu.memory_space<semaphore_mem>>)
    %dma_start3A_105 = arith.constant 6 : i32
    %dma_start3A_106 = arith.constant 256 : i32
    %dma_start3A_107 = arith.constant 0 : i32
    %dma_start3A_108 = tpu.memref_slice %arg6[%dma_start3A_106, %dma_start3A_107] : memref<512x128xf32, #tpu.memory_space<vmem>> -> memref<128x128xf32, #tpu.memory_space<vmem>>
    %dma_start3A_109 = arith.constant 0 : i32
    %dma_start3A_110 = tpu.memref_slice %arg5[%dma_start3A_105, %dma_start3A_109] : memref<32x128xi32, #tpu.memory_space<vmem>> -> memref<1x128xi32, #tpu.memory_space<vmem>>
    %dma_start3A_111 = tpu.memref_squeeze %dma_start3A_110 : memref<1x128xi32, #tpu.memory_space<vmem>> -> memref<128xi32, #tpu.memory_space<vmem>>
    %dma_start3A_112 = arith.constant 0 : i32
    %dma_start3A_113 = arith.constant 0 : i32
    %dma_start3A_114 = tpu.memref_slice %arg2[%dma_start3A_112, %dma_start3A_113] : memref<8192x128xf32, #tpu.memory_space<hbm>> -> memref<8192x128xf32, #tpu.memory_space<hbm>>
    tpu.enqueue_indirect_dma source(%dma_start3A_114 : memref<8192x128xf32, #tpu.memory_space<hbm>>) target(%dma_start3A_108 : memref<128x128xf32, #tpu.memory_space<vmem>>) offsets(%dma_start3A_111 : memref<128xi32, #tpu.memory_space<vmem>>) semaphore(%arg7 : memref<!tpu.dma_semaphore, #tpu.memory_space<semaphore_mem>>)
    %dma_start3A_115 = arith.constant 7 : i32
    %dma_start3A_116 = arith.constant 384 : i32
    %dma_start3A_117 = arith.constant 0 : i32
    %dma_start3A_118 = tpu.memref_slice %arg6[%dma_start3A_116, %dma_start3A_117] : memref<512x128xf32, #tpu.memory_space<vmem>> -> memref<128x128xf32, #tpu.memory_space<vmem>>
    %dma_start3A_119 = arith.constant 0 : i32
    %dma_start3A_120 = tpu.memref_slice %arg5[%dma_start3A_115, %dma_start3A_119] : memref<32x128xi32, #tpu.memory_space<vmem>> -> memref<1x128xi32, #tpu.memory_space<vmem>>
    %dma_start3A_121 = tpu.memref_squeeze %dma_start3A_120 : memref<1x128xi32, #tpu.memory_space<vmem>> -> memref<128xi32, #tpu.memory_space<vmem>>
    %dma_start3A_122 = arith.constant 0 : i32
    %dma_start3A_123 = arith.constant 0 : i32
    %dma_start3A_124 = tpu.memref_slice %arg2[%dma_start3A_122, %dma_start3A_123] : memref<8192x128xf32, #tpu.memory_space<hbm>> -> memref<8192x128xf32, #tpu.memory_space<hbm>>
    tpu.enqueue_indirect_dma source(%dma_start3A_124 : memref<8192x128xf32, #tpu.memory_space<hbm>>) target(%dma_start3A_118 : memref<128x128xf32, #tpu.memory_space<vmem>>) offsets(%dma_start3A_121 : memref<128xi32, #tpu.memory_space<vmem>>) semaphore(%arg7 : memref<!tpu.dma_semaphore, #tpu.memory_space<semaphore_mem>>)
    %dma_wait3A_125 = arith.constant 4 : i32
    %dma_wait3A_126 = arith.constant 0 : i32
    %dma_wait3A_127 = arith.constant 0 : i32
    %dma_wait3A_128 = tpu.memref_slice %arg6[%dma_wait3A_126, %dma_wait3A_127] : memref<512x128xf32, #tpu.memory_space<vmem>> -> memref<128x128xf32, #tpu.memory_space<vmem>>
    %dma_wait3A_129 = arith.constant 0 : i32
    %dma_wait3A_130 = tpu.memref_slice %arg5[%dma_wait3A_125, %dma_wait3A_129] : memref<32x128xi32, #tpu.memory_space<vmem>> -> memref<1x128xi32, #tpu.memory_space<vmem>>
    %dma_wait3A_131 = tpu.memref_squeeze %dma_wait3A_130 : memref<1x128xi32, #tpu.memory_space<vmem>> -> memref<128xi32, #tpu.memory_space<vmem>>
    %dma_wait3A_132 = arith.constant 0 : i32
    %dma_wait3A_133 = arith.constant 0 : i32
    %dma_wait3A_134 = tpu.memref_slice %arg2[%dma_wait3A_132, %dma_wait3A_133] : memref<8192x128xf32, #tpu.memory_space<hbm>> -> memref<8192x128xf32, #tpu.memory_space<hbm>>
    tpu.wait_indirect_dma semaphore(%arg7 : memref<!tpu.dma_semaphore, #tpu.memory_space<semaphore_mem>>) src(%dma_wait3A_134 : memref<8192x128xf32, #tpu.memory_space<hbm>>) dst(%dma_wait3A_128 : memref<128x128xf32, #tpu.memory_space<vmem>>)
    %dma_wait3A_135 = arith.constant 5 : i32
    %dma_wait3A_136 = arith.constant 128 : i32
    %dma_wait3A_137 = arith.constant 0 : i32
    %dma_wait3A_138 = tpu.memref_slice %arg6[%dma_wait3A_136, %dma_wait3A_137] : memref<512x128xf32, #tpu.memory_space<vmem>> -> memref<128x128xf32, #tpu.memory_space<vmem>>
    %dma_wait3A_139 = arith.constant 0 : i32
    %dma_wait3A_140 = tpu.memref_slice %arg5[%dma_wait3A_135, %dma_wait3A_139] : memref<32x128xi32, #tpu.memory_space<vmem>> -> memref<1x128xi32, #tpu.memory_space<vmem>>
    %dma_wait3A_141 = tpu.memref_squeeze %dma_wait3A_140 : memref<1x128xi32, #tpu.memory_space<vmem>> -> memref<128xi32, #tpu.memory_space<vmem>>
    %dma_wait3A_142 = arith.constant 0 : i32
    %dma_wait3A_143 = arith.constant 0 : i32
    %dma_wait3A_144 = tpu.memref_slice %arg2[%dma_wait3A_142, %dma_wait3A_143] : memref<8192x128xf32, #tpu.memory_space<hbm>> -> memref<8192x128xf32, #tpu.memory_space<hbm>>
    tpu.wait_indirect_dma semaphore(%arg7 : memref<!tpu.dma_semaphore, #tpu.memory_space<semaphore_mem>>) src(%dma_wait3A_144 : memref<8192x128xf32, #tpu.memory_space<hbm>>) dst(%dma_wait3A_138 : memref<128x128xf32, #tpu.memory_space<vmem>>)
    %dma_wait3A_145 = arith.constant 6 : i32
    %dma_wait3A_146 = arith.constant 256 : i32
    %dma_wait3A_147 = arith.constant 0 : i32
    %dma_wait3A_148 = tpu.memref_slice %arg6[%dma_wait3A_146, %dma_wait3A_147] : memref<512x128xf32, #tpu.memory_space<vmem>> -> memref<128x128xf32, #tpu.memory_space<vmem>>
    %dma_wait3A_149 = arith.constant 0 : i32
    %dma_wait3A_150 = tpu.memref_slice %arg5[%dma_wait3A_145, %dma_wait3A_149] : memref<32x128xi32, #tpu.memory_space<vmem>> -> memref<1x128xi32, #tpu.memory_space<vmem>>
    %dma_wait3A_151 = tpu.memref_squeeze %dma_wait3A_150 : memref<1x128xi32, #tpu.memory_space<vmem>> -> memref<128xi32, #tpu.memory_space<vmem>>
    %dma_wait3A_152 = arith.constant 0 : i32
    %dma_wait3A_153 = arith.constant 0 : i32
    %dma_wait3A_154 = tpu.memref_slice %arg2[%dma_wait3A_152, %dma_wait3A_153] : memref<8192x128xf32, #tpu.memory_space<hbm>> -> memref<8192x128xf32, #tpu.memory_space<hbm>>
    tpu.wait_indirect_dma semaphore(%arg7 : memref<!tpu.dma_semaphore, #tpu.memory_space<semaphore_mem>>) src(%dma_wait3A_154 : memref<8192x128xf32, #tpu.memory_space<hbm>>) dst(%dma_wait3A_148 : memref<128x128xf32, #tpu.memory_space<vmem>>)
    %dma_wait3A_155 = arith.constant 7 : i32
    %dma_wait3A_156 = arith.constant 384 : i32
    %dma_wait3A_157 = arith.constant 0 : i32
    %dma_wait3A_158 = tpu.memref_slice %arg6[%dma_wait3A_156, %dma_wait3A_157] : memref<512x128xf32, #tpu.memory_space<vmem>> -> memref<128x128xf32, #tpu.memory_space<vmem>>
    %dma_wait3A_159 = arith.constant 0 : i32
    %dma_wait3A_160 = tpu.memref_slice %arg5[%dma_wait3A_155, %dma_wait3A_159] : memref<32x128xi32, #tpu.memory_space<vmem>> -> memref<1x128xi32, #tpu.memory_space<vmem>>
    %dma_wait3A_161 = tpu.memref_squeeze %dma_wait3A_160 : memref<1x128xi32, #tpu.memory_space<vmem>> -> memref<128xi32, #tpu.memory_space<vmem>>
    %dma_wait3A_162 = arith.constant 0 : i32
    %dma_wait3A_163 = arith.constant 0 : i32
    %dma_wait3A_164 = tpu.memref_slice %arg2[%dma_wait3A_162, %dma_wait3A_163] : memref<8192x128xf32, #tpu.memory_space<hbm>> -> memref<8192x128xf32, #tpu.memory_space<hbm>>
    tpu.wait_indirect_dma semaphore(%arg7 : memref<!tpu.dma_semaphore, #tpu.memory_space<semaphore_mem>>) src(%dma_wait3A_164 : memref<8192x128xf32, #tpu.memory_space<hbm>>) dst(%dma_wait3A_158 : memref<128x128xf32, #tpu.memory_space<vmem>>)
    %mul3A_165 = arith.constant 4096 : i32
    %mul3A_166 = arith.muli %add3A, %mul3A_165 : i32
    %add3A_167 = arith.constant 512 : i32
    %add3A_168 = arith.addi %mul3A_166, %add3A_167 : i32
    "tpu.region"() ({
      %run_scoped3A = tpu.sem_alloc : memref<!tpu.dma_semaphore, #tpu.memory_space<semaphore_mem>>
      %dma_start3A_673 = arith.constant 0 : i32
      %dma_start3A_674 = tpu.memref_slice %arg4[%add3A_168, %dma_start3A_673] : memref<131072x128xf32, #tpu.memory_space<hbm>> -> memref<512x128xf32, #tpu.memory_space<hbm>>
      %dma_start3A_675 = arith.constant 0 : i32
      %dma_start3A_676 = tpu.memref_slice %arg4[%add3A_168, %dma_start3A_675] : memref<131072x128xf32, #tpu.memory_space<hbm>> -> memref<512x128xf32, #tpu.memory_space<hbm>>
      tpu.enqueue_dma source(%arg6 : memref<512x128xf32, #tpu.memory_space<vmem>>) target(%dma_start3A_676 : memref<512x128xf32, #tpu.memory_space<hbm>>) target_semaphore(%run_scoped3A : memref<!tpu.dma_semaphore, #tpu.memory_space<semaphore_mem>>)
      %dma_wait3A_677 = arith.constant 0 : i32
      %dma_wait3A_678 = tpu.memref_slice %arg4[%add3A_168, %dma_wait3A_677] : memref<131072x128xf32, #tpu.memory_space<hbm>> -> memref<512x128xf32, #tpu.memory_space<hbm>>
      %dma_wait3A_679 = arith.constant 0 : i32
      %dma_wait3A_680 = tpu.memref_slice %arg4[%add3A_168, %dma_wait3A_679] : memref<131072x128xf32, #tpu.memory_space<hbm>> -> memref<512x128xf32, #tpu.memory_space<hbm>>
      tpu.wait_dma2 semaphore(%run_scoped3A : memref<!tpu.dma_semaphore, #tpu.memory_space<semaphore_mem>>) src(%arg6 : memref<512x128xf32, #tpu.memory_space<vmem>>) dst(%dma_wait3A_680 : memref<512x128xf32, #tpu.memory_space<hbm>>)
      tpu.yield
    }) : () -> ()
    %dma_start3A_169 = arith.constant 8 : i32
    %dma_start3A_170 = arith.constant 0 : i32
    %dma_start3A_171 = arith.constant 0 : i32
    %dma_start3A_172 = tpu.memref_slice %arg6[%dma_start3A_170, %dma_start3A_171] : memref<512x128xf32, #tpu.memory_space<vmem>> -> memref<128x128xf32, #tpu.memory_space<vmem>>
    %dma_start3A_173 = arith.constant 0 : i32
    %dma_start3A_174 = tpu.memref_slice %arg5[%dma_start3A_169, %dma_start3A_173] : memref<32x128xi32, #tpu.memory_space<vmem>> -> memref<1x128xi32, #tpu.memory_space<vmem>>
    %dma_start3A_175 = tpu.memref_squeeze %dma_start3A_174 : memref<1x128xi32, #tpu.memory_space<vmem>> -> memref<128xi32, #tpu.memory_space<vmem>>
    %dma_start3A_176 = arith.constant 0 : i32
    %dma_start3A_177 = arith.constant 0 : i32
    %dma_start3A_178 = tpu.memref_slice %arg2[%dma_start3A_176, %dma_start3A_177] : memref<8192x128xf32, #tpu.memory_space<hbm>> -> memref<8192x128xf32, #tpu.memory_space<hbm>>
    tpu.enqueue_indirect_dma source(%dma_start3A_178 : memref<8192x128xf32, #tpu.memory_space<hbm>>) target(%dma_start3A_172 : memref<128x128xf32, #tpu.memory_space<vmem>>) offsets(%dma_start3A_175 : memref<128xi32, #tpu.memory_space<vmem>>) semaphore(%arg7 : memref<!tpu.dma_semaphore, #tpu.memory_space<semaphore_mem>>)
    %dma_start3A_179 = arith.constant 9 : i32
    %dma_start3A_180 = arith.constant 128 : i32
    %dma_start3A_181 = arith.constant 0 : i32
    %dma_start3A_182 = tpu.memref_slice %arg6[%dma_start3A_180, %dma_start3A_181] : memref<512x128xf32, #tpu.memory_space<vmem>> -> memref<128x128xf32, #tpu.memory_space<vmem>>
    %dma_start3A_183 = arith.constant 0 : i32
    %dma_start3A_184 = tpu.memref_slice %arg5[%dma_start3A_179, %dma_start3A_183] : memref<32x128xi32, #tpu.memory_space<vmem>> -> memref<1x128xi32, #tpu.memory_space<vmem>>
    %dma_start3A_185 = tpu.memref_squeeze %dma_start3A_184 : memref<1x128xi32, #tpu.memory_space<vmem>> -> memref<128xi32, #tpu.memory_space<vmem>>
    %dma_start3A_186 = arith.constant 0 : i32
    %dma_start3A_187 = arith.constant 0 : i32
    %dma_start3A_188 = tpu.memref_slice %arg2[%dma_start3A_186, %dma_start3A_187] : memref<8192x128xf32, #tpu.memory_space<hbm>> -> memref<8192x128xf32, #tpu.memory_space<hbm>>
    tpu.enqueue_indirect_dma source(%dma_start3A_188 : memref<8192x128xf32, #tpu.memory_space<hbm>>) target(%dma_start3A_182 : memref<128x128xf32, #tpu.memory_space<vmem>>) offsets(%dma_start3A_185 : memref<128xi32, #tpu.memory_space<vmem>>) semaphore(%arg7 : memref<!tpu.dma_semaphore, #tpu.memory_space<semaphore_mem>>)
    %dma_start3A_189 = arith.constant 10 : i32
    %dma_start3A_190 = arith.constant 256 : i32
    %dma_start3A_191 = arith.constant 0 : i32
    %dma_start3A_192 = tpu.memref_slice %arg6[%dma_start3A_190, %dma_start3A_191] : memref<512x128xf32, #tpu.memory_space<vmem>> -> memref<128x128xf32, #tpu.memory_space<vmem>>
    %dma_start3A_193 = arith.constant 0 : i32
    %dma_start3A_194 = tpu.memref_slice %arg5[%dma_start3A_189, %dma_start3A_193] : memref<32x128xi32, #tpu.memory_space<vmem>> -> memref<1x128xi32, #tpu.memory_space<vmem>>
    %dma_start3A_195 = tpu.memref_squeeze %dma_start3A_194 : memref<1x128xi32, #tpu.memory_space<vmem>> -> memref<128xi32, #tpu.memory_space<vmem>>
    %dma_start3A_196 = arith.constant 0 : i32
    %dma_start3A_197 = arith.constant 0 : i32
    %dma_start3A_198 = tpu.memref_slice %arg2[%dma_start3A_196, %dma_start3A_197] : memref<8192x128xf32, #tpu.memory_space<hbm>> -> memref<8192x128xf32, #tpu.memory_space<hbm>>
    tpu.enqueue_indirect_dma source(%dma_start3A_198 : memref<8192x128xf32, #tpu.memory_space<hbm>>) target(%dma_start3A_192 : memref<128x128xf32, #tpu.memory_space<vmem>>) offsets(%dma_start3A_195 : memref<128xi32, #tpu.memory_space<vmem>>) semaphore(%arg7 : memref<!tpu.dma_semaphore, #tpu.memory_space<semaphore_mem>>)
    %dma_start3A_199 = arith.constant 11 : i32
    %dma_start3A_200 = arith.constant 384 : i32
    %dma_start3A_201 = arith.constant 0 : i32
    %dma_start3A_202 = tpu.memref_slice %arg6[%dma_start3A_200, %dma_start3A_201] : memref<512x128xf32, #tpu.memory_space<vmem>> -> memref<128x128xf32, #tpu.memory_space<vmem>>
    %dma_start3A_203 = arith.constant 0 : i32
    %dma_start3A_204 = tpu.memref_slice %arg5[%dma_start3A_199, %dma_start3A_203] : memref<32x128xi32, #tpu.memory_space<vmem>> -> memref<1x128xi32, #tpu.memory_space<vmem>>
    %dma_start3A_205 = tpu.memref_squeeze %dma_start3A_204 : memref<1x128xi32, #tpu.memory_space<vmem>> -> memref<128xi32, #tpu.memory_space<vmem>>
    %dma_start3A_206 = arith.constant 0 : i32
    %dma_start3A_207 = arith.constant 0 : i32
    %dma_start3A_208 = tpu.memref_slice %arg2[%dma_start3A_206, %dma_start3A_207] : memref<8192x128xf32, #tpu.memory_space<hbm>> -> memref<8192x128xf32, #tpu.memory_space<hbm>>
    tpu.enqueue_indirect_dma source(%dma_start3A_208 : memref<8192x128xf32, #tpu.memory_space<hbm>>) target(%dma_start3A_202 : memref<128x128xf32, #tpu.memory_space<vmem>>) offsets(%dma_start3A_205 : memref<128xi32, #tpu.memory_space<vmem>>) semaphore(%arg7 : memref<!tpu.dma_semaphore, #tpu.memory_space<semaphore_mem>>)
    %dma_wait3A_209 = arith.constant 8 : i32
    %dma_wait3A_210 = arith.constant 0 : i32
    %dma_wait3A_211 = arith.constant 0 : i32
    %dma_wait3A_212 = tpu.memref_slice %arg6[%dma_wait3A_210, %dma_wait3A_211] : memref<512x128xf32, #tpu.memory_space<vmem>> -> memref<128x128xf32, #tpu.memory_space<vmem>>
    %dma_wait3A_213 = arith.constant 0 : i32
    %dma_wait3A_214 = tpu.memref_slice %arg5[%dma_wait3A_209, %dma_wait3A_213] : memref<32x128xi32, #tpu.memory_space<vmem>> -> memref<1x128xi32, #tpu.memory_space<vmem>>
    %dma_wait3A_215 = tpu.memref_squeeze %dma_wait3A_214 : memref<1x128xi32, #tpu.memory_space<vmem>> -> memref<128xi32, #tpu.memory_space<vmem>>
    %dma_wait3A_216 = arith.constant 0 : i32
    %dma_wait3A_217 = arith.constant 0 : i32
    %dma_wait3A_218 = tpu.memref_slice %arg2[%dma_wait3A_216, %dma_wait3A_217] : memref<8192x128xf32, #tpu.memory_space<hbm>> -> memref<8192x128xf32, #tpu.memory_space<hbm>>
    tpu.wait_indirect_dma semaphore(%arg7 : memref<!tpu.dma_semaphore, #tpu.memory_space<semaphore_mem>>) src(%dma_wait3A_218 : memref<8192x128xf32, #tpu.memory_space<hbm>>) dst(%dma_wait3A_212 : memref<128x128xf32, #tpu.memory_space<vmem>>)
    %dma_wait3A_219 = arith.constant 9 : i32
    %dma_wait3A_220 = arith.constant 128 : i32
    %dma_wait3A_221 = arith.constant 0 : i32
    %dma_wait3A_222 = tpu.memref_slice %arg6[%dma_wait3A_220, %dma_wait3A_221] : memref<512x128xf32, #tpu.memory_space<vmem>> -> memref<128x128xf32, #tpu.memory_space<vmem>>
    %dma_wait3A_223 = arith.constant 0 : i32
    %dma_wait3A_224 = tpu.memref_slice %arg5[%dma_wait3A_219, %dma_wait3A_223] : memref<32x128xi32, #tpu.memory_space<vmem>> -> memref<1x128xi32, #tpu.memory_space<vmem>>
    %dma_wait3A_225 = tpu.memref_squeeze %dma_wait3A_224 : memref<1x128xi32, #tpu.memory_space<vmem>> -> memref<128xi32, #tpu.memory_space<vmem>>
    %dma_wait3A_226 = arith.constant 0 : i32
    %dma_wait3A_227 = arith.constant 0 : i32
    %dma_wait3A_228 = tpu.memref_slice %arg2[%dma_wait3A_226, %dma_wait3A_227] : memref<8192x128xf32, #tpu.memory_space<hbm>> -> memref<8192x128xf32, #tpu.memory_space<hbm>>
    tpu.wait_indirect_dma semaphore(%arg7 : memref<!tpu.dma_semaphore, #tpu.memory_space<semaphore_mem>>) src(%dma_wait3A_228 : memref<8192x128xf32, #tpu.memory_space<hbm>>) dst(%dma_wait3A_222 : memref<128x128xf32, #tpu.memory_space<vmem>>)
    %dma_wait3A_229 = arith.constant 10 : i32
    %dma_wait3A_230 = arith.constant 256 : i32
    %dma_wait3A_231 = arith.constant 0 : i32
    %dma_wait3A_232 = tpu.memref_slice %arg6[%dma_wait3A_230, %dma_wait3A_231] : memref<512x128xf32, #tpu.memory_space<vmem>> -> memref<128x128xf32, #tpu.memory_space<vmem>>
    %dma_wait3A_233 = arith.constant 0 : i32
    %dma_wait3A_234 = tpu.memref_slice %arg5[%dma_wait3A_229, %dma_wait3A_233] : memref<32x128xi32, #tpu.memory_space<vmem>> -> memref<1x128xi32, #tpu.memory_space<vmem>>
    %dma_wait3A_235 = tpu.memref_squeeze %dma_wait3A_234 : memref<1x128xi32, #tpu.memory_space<vmem>> -> memref<128xi32, #tpu.memory_space<vmem>>
    %dma_wait3A_236 = arith.constant 0 : i32
    %dma_wait3A_237 = arith.constant 0 : i32
    %dma_wait3A_238 = tpu.memref_slice %arg2[%dma_wait3A_236, %dma_wait3A_237] : memref<8192x128xf32, #tpu.memory_space<hbm>> -> memref<8192x128xf32, #tpu.memory_space<hbm>>
    tpu.wait_indirect_dma semaphore(%arg7 : memref<!tpu.dma_semaphore, #tpu.memory_space<semaphore_mem>>) src(%dma_wait3A_238 : memref<8192x128xf32, #tpu.memory_space<hbm>>) dst(%dma_wait3A_232 : memref<128x128xf32, #tpu.memory_space<vmem>>)
    %dma_wait3A_239 = arith.constant 11 : i32
    %dma_wait3A_240 = arith.constant 384 : i32
    %dma_wait3A_241 = arith.constant 0 : i32
    %dma_wait3A_242 = tpu.memref_slice %arg6[%dma_wait3A_240, %dma_wait3A_241] : memref<512x128xf32, #tpu.memory_space<vmem>> -> memref<128x128xf32, #tpu.memory_space<vmem>>
    %dma_wait3A_243 = arith.constant 0 : i32
    %dma_wait3A_244 = tpu.memref_slice %arg5[%dma_wait3A_239, %dma_wait3A_243] : memref<32x128xi32, #tpu.memory_space<vmem>> -> memref<1x128xi32, #tpu.memory_space<vmem>>
    %dma_wait3A_245 = tpu.memref_squeeze %dma_wait3A_244 : memref<1x128xi32, #tpu.memory_space<vmem>> -> memref<128xi32, #tpu.memory_space<vmem>>
    %dma_wait3A_246 = arith.constant 0 : i32
    %dma_wait3A_247 = arith.constant 0 : i32
    %dma_wait3A_248 = tpu.memref_slice %arg2[%dma_wait3A_246, %dma_wait3A_247] : memref<8192x128xf32, #tpu.memory_space<hbm>> -> memref<8192x128xf32, #tpu.memory_space<hbm>>
    tpu.wait_indirect_dma semaphore(%arg7 : memref<!tpu.dma_semaphore, #tpu.memory_space<semaphore_mem>>) src(%dma_wait3A_248 : memref<8192x128xf32, #tpu.memory_space<hbm>>) dst(%dma_wait3A_242 : memref<128x128xf32, #tpu.memory_space<vmem>>)
    %mul3A_249 = arith.constant 4096 : i32
    %mul3A_250 = arith.muli %add3A, %mul3A_249 : i32
    %add3A_251 = arith.constant 1024 : i32
    %add3A_252 = arith.addi %mul3A_250, %add3A_251 : i32
    "tpu.region"() ({
      %run_scoped3A = tpu.sem_alloc : memref<!tpu.dma_semaphore, #tpu.memory_space<semaphore_mem>>
      %dma_start3A_673 = arith.constant 0 : i32
      %dma_start3A_674 = tpu.memref_slice %arg4[%add3A_252, %dma_start3A_673] : memref<131072x128xf32, #tpu.memory_space<hbm>> -> memref<512x128xf32, #tpu.memory_space<hbm>>
      %dma_start3A_675 = arith.constant 0 : i32
      %dma_start3A_676 = tpu.memref_slice %arg4[%add3A_252, %dma_start3A_675] : memref<131072x128xf32, #tpu.memory_space<hbm>> -> memref<512x128xf32, #tpu.memory_space<hbm>>
      tpu.enqueue_dma source(%arg6 : memref<512x128xf32, #tpu.memory_space<vmem>>) target(%dma_start3A_676 : memref<512x128xf32, #tpu.memory_space<hbm>>) target_semaphore(%run_scoped3A : memref<!tpu.dma_semaphore, #tpu.memory_space<semaphore_mem>>)
      %dma_wait3A_677 = arith.constant 0 : i32
      %dma_wait3A_678 = tpu.memref_slice %arg4[%add3A_252, %dma_wait3A_677] : memref<131072x128xf32, #tpu.memory_space<hbm>> -> memref<512x128xf32, #tpu.memory_space<hbm>>
      %dma_wait3A_679 = arith.constant 0 : i32
      %dma_wait3A_680 = tpu.memref_slice %arg4[%add3A_252, %dma_wait3A_679] : memref<131072x128xf32, #tpu.memory_space<hbm>> -> memref<512x128xf32, #tpu.memory_space<hbm>>
      tpu.wait_dma2 semaphore(%run_scoped3A : memref<!tpu.dma_semaphore, #tpu.memory_space<semaphore_mem>>) src(%arg6 : memref<512x128xf32, #tpu.memory_space<vmem>>) dst(%dma_wait3A_680 : memref<512x128xf32, #tpu.memory_space<hbm>>)
      tpu.yield
    }) : () -> ()
    %dma_start3A_253 = arith.constant 12 : i32
    %dma_start3A_254 = arith.constant 0 : i32
    %dma_start3A_255 = arith.constant 0 : i32
    %dma_start3A_256 = tpu.memref_slice %arg6[%dma_start3A_254, %dma_start3A_255] : memref<512x128xf32, #tpu.memory_space<vmem>> -> memref<128x128xf32, #tpu.memory_space<vmem>>
    %dma_start3A_257 = arith.constant 0 : i32
    %dma_start3A_258 = tpu.memref_slice %arg5[%dma_start3A_253, %dma_start3A_257] : memref<32x128xi32, #tpu.memory_space<vmem>> -> memref<1x128xi32, #tpu.memory_space<vmem>>
    %dma_start3A_259 = tpu.memref_squeeze %dma_start3A_258 : memref<1x128xi32, #tpu.memory_space<vmem>> -> memref<128xi32, #tpu.memory_space<vmem>>
    %dma_start3A_260 = arith.constant 0 : i32
    %dma_start3A_261 = arith.constant 0 : i32
    %dma_start3A_262 = tpu.memref_slice %arg2[%dma_start3A_260, %dma_start3A_261] : memref<8192x128xf32, #tpu.memory_space<hbm>> -> memref<8192x128xf32, #tpu.memory_space<hbm>>
    tpu.enqueue_indirect_dma source(%dma_start3A_262 : memref<8192x128xf32, #tpu.memory_space<hbm>>) target(%dma_start3A_256 : memref<128x128xf32, #tpu.memory_space<vmem>>) offsets(%dma_start3A_259 : memref<128xi32, #tpu.memory_space<vmem>>) semaphore(%arg7 : memref<!tpu.dma_semaphore, #tpu.memory_space<semaphore_mem>>)
    %dma_start3A_263 = arith.constant 13 : i32
    %dma_start3A_264 = arith.constant 128 : i32
    %dma_start3A_265 = arith.constant 0 : i32
    %dma_start3A_266 = tpu.memref_slice %arg6[%dma_start3A_264, %dma_start3A_265] : memref<512x128xf32, #tpu.memory_space<vmem>> -> memref<128x128xf32, #tpu.memory_space<vmem>>
    %dma_start3A_267 = arith.constant 0 : i32
    %dma_start3A_268 = tpu.memref_slice %arg5[%dma_start3A_263, %dma_start3A_267] : memref<32x128xi32, #tpu.memory_space<vmem>> -> memref<1x128xi32, #tpu.memory_space<vmem>>
    %dma_start3A_269 = tpu.memref_squeeze %dma_start3A_268 : memref<1x128xi32, #tpu.memory_space<vmem>> -> memref<128xi32, #tpu.memory_space<vmem>>
    %dma_start3A_270 = arith.constant 0 : i32
    %dma_start3A_271 = arith.constant 0 : i32
    %dma_start3A_272 = tpu.memref_slice %arg2[%dma_start3A_270, %dma_start3A_271] : memref<8192x128xf32, #tpu.memory_space<hbm>> -> memref<8192x128xf32, #tpu.memory_space<hbm>>
    tpu.enqueue_indirect_dma source(%dma_start3A_272 : memref<8192x128xf32, #tpu.memory_space<hbm>>) target(%dma_start3A_266 : memref<128x128xf32, #tpu.memory_space<vmem>>) offsets(%dma_start3A_269 : memref<128xi32, #tpu.memory_space<vmem>>) semaphore(%arg7 : memref<!tpu.dma_semaphore, #tpu.memory_space<semaphore_mem>>)
    %dma_start3A_273 = arith.constant 14 : i32
    %dma_start3A_274 = arith.constant 256 : i32
    %dma_start3A_275 = arith.constant 0 : i32
    %dma_start3A_276 = tpu.memref_slice %arg6[%dma_start3A_274, %dma_start3A_275] : memref<512x128xf32, #tpu.memory_space<vmem>> -> memref<128x128xf32, #tpu.memory_space<vmem>>
    %dma_start3A_277 = arith.constant 0 : i32
    %dma_start3A_278 = tpu.memref_slice %arg5[%dma_start3A_273, %dma_start3A_277] : memref<32x128xi32, #tpu.memory_space<vmem>> -> memref<1x128xi32, #tpu.memory_space<vmem>>
    %dma_start3A_279 = tpu.memref_squeeze %dma_start3A_278 : memref<1x128xi32, #tpu.memory_space<vmem>> -> memref<128xi32, #tpu.memory_space<vmem>>
    %dma_start3A_280 = arith.constant 0 : i32
    %dma_start3A_281 = arith.constant 0 : i32
    %dma_start3A_282 = tpu.memref_slice %arg2[%dma_start3A_280, %dma_start3A_281] : memref<8192x128xf32, #tpu.memory_space<hbm>> -> memref<8192x128xf32, #tpu.memory_space<hbm>>
    tpu.enqueue_indirect_dma source(%dma_start3A_282 : memref<8192x128xf32, #tpu.memory_space<hbm>>) target(%dma_start3A_276 : memref<128x128xf32, #tpu.memory_space<vmem>>) offsets(%dma_start3A_279 : memref<128xi32, #tpu.memory_space<vmem>>) semaphore(%arg7 : memref<!tpu.dma_semaphore, #tpu.memory_space<semaphore_mem>>)
    %dma_start3A_283 = arith.constant 15 : i32
    %dma_start3A_284 = arith.constant 384 : i32
    %dma_start3A_285 = arith.constant 0 : i32
    %dma_start3A_286 = tpu.memref_slice %arg6[%dma_start3A_284, %dma_start3A_285] : memref<512x128xf32, #tpu.memory_space<vmem>> -> memref<128x128xf32, #tpu.memory_space<vmem>>
    %dma_start3A_287 = arith.constant 0 : i32
    %dma_start3A_288 = tpu.memref_slice %arg5[%dma_start3A_283, %dma_start3A_287] : memref<32x128xi32, #tpu.memory_space<vmem>> -> memref<1x128xi32, #tpu.memory_space<vmem>>
    %dma_start3A_289 = tpu.memref_squeeze %dma_start3A_288 : memref<1x128xi32, #tpu.memory_space<vmem>> -> memref<128xi32, #tpu.memory_space<vmem>>
    %dma_start3A_290 = arith.constant 0 : i32
    %dma_start3A_291 = arith.constant 0 : i32
    %dma_start3A_292 = tpu.memref_slice %arg2[%dma_start3A_290, %dma_start3A_291] : memref<8192x128xf32, #tpu.memory_space<hbm>> -> memref<8192x128xf32, #tpu.memory_space<hbm>>
    tpu.enqueue_indirect_dma source(%dma_start3A_292 : memref<8192x128xf32, #tpu.memory_space<hbm>>) target(%dma_start3A_286 : memref<128x128xf32, #tpu.memory_space<vmem>>) offsets(%dma_start3A_289 : memref<128xi32, #tpu.memory_space<vmem>>) semaphore(%arg7 : memref<!tpu.dma_semaphore, #tpu.memory_space<semaphore_mem>>)
    %dma_wait3A_293 = arith.constant 12 : i32
    %dma_wait3A_294 = arith.constant 0 : i32
    %dma_wait3A_295 = arith.constant 0 : i32
    %dma_wait3A_296 = tpu.memref_slice %arg6[%dma_wait3A_294, %dma_wait3A_295] : memref<512x128xf32, #tpu.memory_space<vmem>> -> memref<128x128xf32, #tpu.memory_space<vmem>>
    %dma_wait3A_297 = arith.constant 0 : i32
    %dma_wait3A_298 = tpu.memref_slice %arg5[%dma_wait3A_293, %dma_wait3A_297] : memref<32x128xi32, #tpu.memory_space<vmem>> -> memref<1x128xi32, #tpu.memory_space<vmem>>
    %dma_wait3A_299 = tpu.memref_squeeze %dma_wait3A_298 : memref<1x128xi32, #tpu.memory_space<vmem>> -> memref<128xi32, #tpu.memory_space<vmem>>
    %dma_wait3A_300 = arith.constant 0 : i32
    %dma_wait3A_301 = arith.constant 0 : i32
    %dma_wait3A_302 = tpu.memref_slice %arg2[%dma_wait3A_300, %dma_wait3A_301] : memref<8192x128xf32, #tpu.memory_space<hbm>> -> memref<8192x128xf32, #tpu.memory_space<hbm>>
    tpu.wait_indirect_dma semaphore(%arg7 : memref<!tpu.dma_semaphore, #tpu.memory_space<semaphore_mem>>) src(%dma_wait3A_302 : memref<8192x128xf32, #tpu.memory_space<hbm>>) dst(%dma_wait3A_296 : memref<128x128xf32, #tpu.memory_space<vmem>>)
    %dma_wait3A_303 = arith.constant 13 : i32
    %dma_wait3A_304 = arith.constant 128 : i32
    %dma_wait3A_305 = arith.constant 0 : i32
    %dma_wait3A_306 = tpu.memref_slice %arg6[%dma_wait3A_304, %dma_wait3A_305] : memref<512x128xf32, #tpu.memory_space<vmem>> -> memref<128x128xf32, #tpu.memory_space<vmem>>
    %dma_wait3A_307 = arith.constant 0 : i32
    %dma_wait3A_308 = tpu.memref_slice %arg5[%dma_wait3A_303, %dma_wait3A_307] : memref<32x128xi32, #tpu.memory_space<vmem>> -> memref<1x128xi32, #tpu.memory_space<vmem>>
    %dma_wait3A_309 = tpu.memref_squeeze %dma_wait3A_308 : memref<1x128xi32, #tpu.memory_space<vmem>> -> memref<128xi32, #tpu.memory_space<vmem>>
    %dma_wait3A_310 = arith.constant 0 : i32
    %dma_wait3A_311 = arith.constant 0 : i32
    %dma_wait3A_312 = tpu.memref_slice %arg2[%dma_wait3A_310, %dma_wait3A_311] : memref<8192x128xf32, #tpu.memory_space<hbm>> -> memref<8192x128xf32, #tpu.memory_space<hbm>>
    tpu.wait_indirect_dma semaphore(%arg7 : memref<!tpu.dma_semaphore, #tpu.memory_space<semaphore_mem>>) src(%dma_wait3A_312 : memref<8192x128xf32, #tpu.memory_space<hbm>>) dst(%dma_wait3A_306 : memref<128x128xf32, #tpu.memory_space<vmem>>)
    %dma_wait3A_313 = arith.constant 14 : i32
    %dma_wait3A_314 = arith.constant 256 : i32
    %dma_wait3A_315 = arith.constant 0 : i32
    %dma_wait3A_316 = tpu.memref_slice %arg6[%dma_wait3A_314, %dma_wait3A_315] : memref<512x128xf32, #tpu.memory_space<vmem>> -> memref<128x128xf32, #tpu.memory_space<vmem>>
    %dma_wait3A_317 = arith.constant 0 : i32
    %dma_wait3A_318 = tpu.memref_slice %arg5[%dma_wait3A_313, %dma_wait3A_317] : memref<32x128xi32, #tpu.memory_space<vmem>> -> memref<1x128xi32, #tpu.memory_space<vmem>>
    %dma_wait3A_319 = tpu.memref_squeeze %dma_wait3A_318 : memref<1x128xi32, #tpu.memory_space<vmem>> -> memref<128xi32, #tpu.memory_space<vmem>>
    %dma_wait3A_320 = arith.constant 0 : i32
    %dma_wait3A_321 = arith.constant 0 : i32
    %dma_wait3A_322 = tpu.memref_slice %arg2[%dma_wait3A_320, %dma_wait3A_321] : memref<8192x128xf32, #tpu.memory_space<hbm>> -> memref<8192x128xf32, #tpu.memory_space<hbm>>
    tpu.wait_indirect_dma semaphore(%arg7 : memref<!tpu.dma_semaphore, #tpu.memory_space<semaphore_mem>>) src(%dma_wait3A_322 : memref<8192x128xf32, #tpu.memory_space<hbm>>) dst(%dma_wait3A_316 : memref<128x128xf32, #tpu.memory_space<vmem>>)
    %dma_wait3A_323 = arith.constant 15 : i32
    %dma_wait3A_324 = arith.constant 384 : i32
    %dma_wait3A_325 = arith.constant 0 : i32
    %dma_wait3A_326 = tpu.memref_slice %arg6[%dma_wait3A_324, %dma_wait3A_325] : memref<512x128xf32, #tpu.memory_space<vmem>> -> memref<128x128xf32, #tpu.memory_space<vmem>>
    %dma_wait3A_327 = arith.constant 0 : i32
    %dma_wait3A_328 = tpu.memref_slice %arg5[%dma_wait3A_323, %dma_wait3A_327] : memref<32x128xi32, #tpu.memory_space<vmem>> -> memref<1x128xi32, #tpu.memory_space<vmem>>
    %dma_wait3A_329 = tpu.memref_squeeze %dma_wait3A_328 : memref<1x128xi32, #tpu.memory_space<vmem>> -> memref<128xi32, #tpu.memory_space<vmem>>
    %dma_wait3A_330 = arith.constant 0 : i32
    %dma_wait3A_331 = arith.constant 0 : i32
    %dma_wait3A_332 = tpu.memref_slice %arg2[%dma_wait3A_330, %dma_wait3A_331] : memref<8192x128xf32, #tpu.memory_space<hbm>> -> memref<8192x128xf32, #tpu.memory_space<hbm>>
    tpu.wait_indirect_dma semaphore(%arg7 : memref<!tpu.dma_semaphore, #tpu.memory_space<semaphore_mem>>) src(%dma_wait3A_332 : memref<8192x128xf32, #tpu.memory_space<hbm>>) dst(%dma_wait3A_326 : memref<128x128xf32, #tpu.memory_space<vmem>>)
    %mul3A_333 = arith.constant 4096 : i32
    %mul3A_334 = arith.muli %add3A, %mul3A_333 : i32
    %add3A_335 = arith.constant 1536 : i32
    %add3A_336 = arith.addi %mul3A_334, %add3A_335 : i32
    "tpu.region"() ({
      %run_scoped3A = tpu.sem_alloc : memref<!tpu.dma_semaphore, #tpu.memory_space<semaphore_mem>>
      %dma_start3A_673 = arith.constant 0 : i32
      %dma_start3A_674 = tpu.memref_slice %arg4[%add3A_336, %dma_start3A_673] : memref<131072x128xf32, #tpu.memory_space<hbm>> -> memref<512x128xf32, #tpu.memory_space<hbm>>
      %dma_start3A_675 = arith.constant 0 : i32
      %dma_start3A_676 = tpu.memref_slice %arg4[%add3A_336, %dma_start3A_675] : memref<131072x128xf32, #tpu.memory_space<hbm>> -> memref<512x128xf32, #tpu.memory_space<hbm>>
      tpu.enqueue_dma source(%arg6 : memref<512x128xf32, #tpu.memory_space<vmem>>) target(%dma_start3A_676 : memref<512x128xf32, #tpu.memory_space<hbm>>) target_semaphore(%run_scoped3A : memref<!tpu.dma_semaphore, #tpu.memory_space<semaphore_mem>>)
      %dma_wait3A_677 = arith.constant 0 : i32
      %dma_wait3A_678 = tpu.memref_slice %arg4[%add3A_336, %dma_wait3A_677] : memref<131072x128xf32, #tpu.memory_space<hbm>> -> memref<512x128xf32, #tpu.memory_space<hbm>>
      %dma_wait3A_679 = arith.constant 0 : i32
      %dma_wait3A_680 = tpu.memref_slice %arg4[%add3A_336, %dma_wait3A_679] : memref<131072x128xf32, #tpu.memory_space<hbm>> -> memref<512x128xf32, #tpu.memory_space<hbm>>
      tpu.wait_dma2 semaphore(%run_scoped3A : memref<!tpu.dma_semaphore, #tpu.memory_space<semaphore_mem>>) src(%arg6 : memref<512x128xf32, #tpu.memory_space<vmem>>) dst(%dma_wait3A_680 : memref<512x128xf32, #tpu.memory_space<hbm>>)
      tpu.yield
    }) : () -> ()
    %dma_start3A_337 = arith.constant 16 : i32
    %dma_start3A_338 = arith.constant 0 : i32
    %dma_start3A_339 = arith.constant 0 : i32
    %dma_start3A_340 = tpu.memref_slice %arg6[%dma_start3A_338, %dma_start3A_339] : memref<512x128xf32, #tpu.memory_space<vmem>> -> memref<128x128xf32, #tpu.memory_space<vmem>>
    %dma_start3A_341 = arith.constant 0 : i32
    %dma_start3A_342 = tpu.memref_slice %arg5[%dma_start3A_337, %dma_start3A_341] : memref<32x128xi32, #tpu.memory_space<vmem>> -> memref<1x128xi32, #tpu.memory_space<vmem>>
    %dma_start3A_343 = tpu.memref_squeeze %dma_start3A_342 : memref<1x128xi32, #tpu.memory_space<vmem>> -> memref<128xi32, #tpu.memory_space<vmem>>
    %dma_start3A_344 = arith.constant 0 : i32
    %dma_start3A_345 = arith.constant 0 : i32
    %dma_start3A_346 = tpu.memref_slice %arg2[%dma_start3A_344, %dma_start3A_345] : memref<8192x128xf32, #tpu.memory_space<hbm>> -> memref<8192x128xf32, #tpu.memory_space<hbm>>
    tpu.enqueue_indirect_dma source(%dma_start3A_346 : memref<8192x128xf32, #tpu.memory_space<hbm>>) target(%dma_start3A_340 : memref<128x128xf32, #tpu.memory_space<vmem>>) offsets(%dma_start3A_343 : memref<128xi32, #tpu.memory_space<vmem>>) semaphore(%arg7 : memref<!tpu.dma_semaphore, #tpu.memory_space<semaphore_mem>>)
    %dma_start3A_347 = arith.constant 17 : i32
    %dma_start3A_348 = arith.constant 128 : i32
    %dma_start3A_349 = arith.constant 0 : i32
    %dma_start3A_350 = tpu.memref_slice %arg6[%dma_start3A_348, %dma_start3A_349] : memref<512x128xf32, #tpu.memory_space<vmem>> -> memref<128x128xf32, #tpu.memory_space<vmem>>
    %dma_start3A_351 = arith.constant 0 : i32
    %dma_start3A_352 = tpu.memref_slice %arg5[%dma_start3A_347, %dma_start3A_351] : memref<32x128xi32, #tpu.memory_space<vmem>> -> memref<1x128xi32, #tpu.memory_space<vmem>>
    %dma_start3A_353 = tpu.memref_squeeze %dma_start3A_352 : memref<1x128xi32, #tpu.memory_space<vmem>> -> memref<128xi32, #tpu.memory_space<vmem>>
    %dma_start3A_354 = arith.constant 0 : i32
    %dma_start3A_355 = arith.constant 0 : i32
    %dma_start3A_356 = tpu.memref_slice %arg2[%dma_start3A_354, %dma_start3A_355] : memref<8192x128xf32, #tpu.memory_space<hbm>> -> memref<8192x128xf32, #tpu.memory_space<hbm>>
    tpu.enqueue_indirect_dma source(%dma_start3A_356 : memref<8192x128xf32, #tpu.memory_space<hbm>>) target(%dma_start3A_350 : memref<128x128xf32, #tpu.memory_space<vmem>>) offsets(%dma_start3A_353 : memref<128xi32, #tpu.memory_space<vmem>>) semaphore(%arg7 : memref<!tpu.dma_semaphore, #tpu.memory_space<semaphore_mem>>)
    %dma_start3A_357 = arith.constant 18 : i32
    %dma_start3A_358 = arith.constant 256 : i32
    %dma_start3A_359 = arith.constant 0 : i32
    %dma_start3A_360 = tpu.memref_slice %arg6[%dma_start3A_358, %dma_start3A_359] : memref<512x128xf32, #tpu.memory_space<vmem>> -> memref<128x128xf32, #tpu.memory_space<vmem>>
    %dma_start3A_361 = arith.constant 0 : i32
    %dma_start3A_362 = tpu.memref_slice %arg5[%dma_start3A_357, %dma_start3A_361] : memref<32x128xi32, #tpu.memory_space<vmem>> -> memref<1x128xi32, #tpu.memory_space<vmem>>
    %dma_start3A_363 = tpu.memref_squeeze %dma_start3A_362 : memref<1x128xi32, #tpu.memory_space<vmem>> -> memref<128xi32, #tpu.memory_space<vmem>>
    %dma_start3A_364 = arith.constant 0 : i32
    %dma_start3A_365 = arith.constant 0 : i32
    %dma_start3A_366 = tpu.memref_slice %arg2[%dma_start3A_364, %dma_start3A_365] : memref<8192x128xf32, #tpu.memory_space<hbm>> -> memref<8192x128xf32, #tpu.memory_space<hbm>>
    tpu.enqueue_indirect_dma source(%dma_start3A_366 : memref<8192x128xf32, #tpu.memory_space<hbm>>) target(%dma_start3A_360 : memref<128x128xf32, #tpu.memory_space<vmem>>) offsets(%dma_start3A_363 : memref<128xi32, #tpu.memory_space<vmem>>) semaphore(%arg7 : memref<!tpu.dma_semaphore, #tpu.memory_space<semaphore_mem>>)
    %dma_start3A_367 = arith.constant 19 : i32
    %dma_start3A_368 = arith.constant 384 : i32
    %dma_start3A_369 = arith.constant 0 : i32
    %dma_start3A_370 = tpu.memref_slice %arg6[%dma_start3A_368, %dma_start3A_369] : memref<512x128xf32, #tpu.memory_space<vmem>> -> memref<128x128xf32, #tpu.memory_space<vmem>>
    %dma_start3A_371 = arith.constant 0 : i32
    %dma_start3A_372 = tpu.memref_slice %arg5[%dma_start3A_367, %dma_start3A_371] : memref<32x128xi32, #tpu.memory_space<vmem>> -> memref<1x128xi32, #tpu.memory_space<vmem>>
    %dma_start3A_373 = tpu.memref_squeeze %dma_start3A_372 : memref<1x128xi32, #tpu.memory_space<vmem>> -> memref<128xi32, #tpu.memory_space<vmem>>
    %dma_start3A_374 = arith.constant 0 : i32
    %dma_start3A_375 = arith.constant 0 : i32
    %dma_start3A_376 = tpu.memref_slice %arg2[%dma_start3A_374, %dma_start3A_375] : memref<8192x128xf32, #tpu.memory_space<hbm>> -> memref<8192x128xf32, #tpu.memory_space<hbm>>
    tpu.enqueue_indirect_dma source(%dma_start3A_376 : memref<8192x128xf32, #tpu.memory_space<hbm>>) target(%dma_start3A_370 : memref<128x128xf32, #tpu.memory_space<vmem>>) offsets(%dma_start3A_373 : memref<128xi32, #tpu.memory_space<vmem>>) semaphore(%arg7 : memref<!tpu.dma_semaphore, #tpu.memory_space<semaphore_mem>>)
    %dma_wait3A_377 = arith.constant 16 : i32
    %dma_wait3A_378 = arith.constant 0 : i32
    %dma_wait3A_379 = arith.constant 0 : i32
    %dma_wait3A_380 = tpu.memref_slice %arg6[%dma_wait3A_378, %dma_wait3A_379] : memref<512x128xf32, #tpu.memory_space<vmem>> -> memref<128x128xf32, #tpu.memory_space<vmem>>
    %dma_wait3A_381 = arith.constant 0 : i32
    %dma_wait3A_382 = tpu.memref_slice %arg5[%dma_wait3A_377, %dma_wait3A_381] : memref<32x128xi32, #tpu.memory_space<vmem>> -> memref<1x128xi32, #tpu.memory_space<vmem>>
    %dma_wait3A_383 = tpu.memref_squeeze %dma_wait3A_382 : memref<1x128xi32, #tpu.memory_space<vmem>> -> memref<128xi32, #tpu.memory_space<vmem>>
    %dma_wait3A_384 = arith.constant 0 : i32
    %dma_wait3A_385 = arith.constant 0 : i32
    %dma_wait3A_386 = tpu.memref_slice %arg2[%dma_wait3A_384, %dma_wait3A_385] : memref<8192x128xf32, #tpu.memory_space<hbm>> -> memref<8192x128xf32, #tpu.memory_space<hbm>>
    tpu.wait_indirect_dma semaphore(%arg7 : memref<!tpu.dma_semaphore, #tpu.memory_space<semaphore_mem>>) src(%dma_wait3A_386 : memref<8192x128xf32, #tpu.memory_space<hbm>>) dst(%dma_wait3A_380 : memref<128x128xf32, #tpu.memory_space<vmem>>)
    %dma_wait3A_387 = arith.constant 17 : i32
    %dma_wait3A_388 = arith.constant 128 : i32
    %dma_wait3A_389 = arith.constant 0 : i32
    %dma_wait3A_390 = tpu.memref_slice %arg6[%dma_wait3A_388, %dma_wait3A_389] : memref<512x128xf32, #tpu.memory_space<vmem>> -> memref<128x128xf32, #tpu.memory_space<vmem>>
    %dma_wait3A_391 = arith.constant 0 : i32
    %dma_wait3A_392 = tpu.memref_slice %arg5[%dma_wait3A_387, %dma_wait3A_391] : memref<32x128xi32, #tpu.memory_space<vmem>> -> memref<1x128xi32, #tpu.memory_space<vmem>>
    %dma_wait3A_393 = tpu.memref_squeeze %dma_wait3A_392 : memref<1x128xi32, #tpu.memory_space<vmem>> -> memref<128xi32, #tpu.memory_space<vmem>>
    %dma_wait3A_394 = arith.constant 0 : i32
    %dma_wait3A_395 = arith.constant 0 : i32
    %dma_wait3A_396 = tpu.memref_slice %arg2[%dma_wait3A_394, %dma_wait3A_395] : memref<8192x128xf32, #tpu.memory_space<hbm>> -> memref<8192x128xf32, #tpu.memory_space<hbm>>
    tpu.wait_indirect_dma semaphore(%arg7 : memref<!tpu.dma_semaphore, #tpu.memory_space<semaphore_mem>>) src(%dma_wait3A_396 : memref<8192x128xf32, #tpu.memory_space<hbm>>) dst(%dma_wait3A_390 : memref<128x128xf32, #tpu.memory_space<vmem>>)
    %dma_wait3A_397 = arith.constant 18 : i32
    %dma_wait3A_398 = arith.constant 256 : i32
    %dma_wait3A_399 = arith.constant 0 : i32
    %dma_wait3A_400 = tpu.memref_slice %arg6[%dma_wait3A_398, %dma_wait3A_399] : memref<512x128xf32, #tpu.memory_space<vmem>> -> memref<128x128xf32, #tpu.memory_space<vmem>>
    %dma_wait3A_401 = arith.constant 0 : i32
    %dma_wait3A_402 = tpu.memref_slice %arg5[%dma_wait3A_397, %dma_wait3A_401] : memref<32x128xi32, #tpu.memory_space<vmem>> -> memref<1x128xi32, #tpu.memory_space<vmem>>
    %dma_wait3A_403 = tpu.memref_squeeze %dma_wait3A_402 : memref<1x128xi32, #tpu.memory_space<vmem>> -> memref<128xi32, #tpu.memory_space<vmem>>
    %dma_wait3A_404 = arith.constant 0 : i32
    %dma_wait3A_405 = arith.constant 0 : i32
    %dma_wait3A_406 = tpu.memref_slice %arg2[%dma_wait3A_404, %dma_wait3A_405] : memref<8192x128xf32, #tpu.memory_space<hbm>> -> memref<8192x128xf32, #tpu.memory_space<hbm>>
    tpu.wait_indirect_dma semaphore(%arg7 : memref<!tpu.dma_semaphore, #tpu.memory_space<semaphore_mem>>) src(%dma_wait3A_406 : memref<8192x128xf32, #tpu.memory_space<hbm>>) dst(%dma_wait3A_400 : memref<128x128xf32, #tpu.memory_space<vmem>>)
    %dma_wait3A_407 = arith.constant 19 : i32
    %dma_wait3A_408 = arith.constant 384 : i32
    %dma_wait3A_409 = arith.constant 0 : i32
    %dma_wait3A_410 = tpu.memref_slice %arg6[%dma_wait3A_408, %dma_wait3A_409] : memref<512x128xf32, #tpu.memory_space<vmem>> -> memref<128x128xf32, #tpu.memory_space<vmem>>
    %dma_wait3A_411 = arith.constant 0 : i32
    %dma_wait3A_412 = tpu.memref_slice %arg5[%dma_wait3A_407, %dma_wait3A_411] : memref<32x128xi32, #tpu.memory_space<vmem>> -> memref<1x128xi32, #tpu.memory_space<vmem>>
    %dma_wait3A_413 = tpu.memref_squeeze %dma_wait3A_412 : memref<1x128xi32, #tpu.memory_space<vmem>> -> memref<128xi32, #tpu.memory_space<vmem>>
    %dma_wait3A_414 = arith.constant 0 : i32
    %dma_wait3A_415 = arith.constant 0 : i32
    %dma_wait3A_416 = tpu.memref_slice %arg2[%dma_wait3A_414, %dma_wait3A_415] : memref<8192x128xf32, #tpu.memory_space<hbm>> -> memref<8192x128xf32, #tpu.memory_space<hbm>>
    tpu.wait_indirect_dma semaphore(%arg7 : memref<!tpu.dma_semaphore, #tpu.memory_space<semaphore_mem>>) src(%dma_wait3A_416 : memref<8192x128xf32, #tpu.memory_space<hbm>>) dst(%dma_wait3A_410 : memref<128x128xf32, #tpu.memory_space<vmem>>)
    %mul3A_417 = arith.constant 4096 : i32
    %mul3A_418 = arith.muli %add3A, %mul3A_417 : i32
    %add3A_419 = arith.constant 2048 : i32
    %add3A_420 = arith.addi %mul3A_418, %add3A_419 : i32
    "tpu.region"() ({
      %run_scoped3A = tpu.sem_alloc : memref<!tpu.dma_semaphore, #tpu.memory_space<semaphore_mem>>
      %dma_start3A_673 = arith.constant 0 : i32
      %dma_start3A_674 = tpu.memref_slice %arg4[%add3A_420, %dma_start3A_673] : memref<131072x128xf32, #tpu.memory_space<hbm>> -> memref<512x128xf32, #tpu.memory_space<hbm>>
      %dma_start3A_675 = arith.constant 0 : i32
      %dma_start3A_676 = tpu.memref_slice %arg4[%add3A_420, %dma_start3A_675] : memref<131072x128xf32, #tpu.memory_space<hbm>> -> memref<512x128xf32, #tpu.memory_space<hbm>>
      tpu.enqueue_dma source(%arg6 : memref<512x128xf32, #tpu.memory_space<vmem>>) target(%dma_start3A_676 : memref<512x128xf32, #tpu.memory_space<hbm>>) target_semaphore(%run_scoped3A : memref<!tpu.dma_semaphore, #tpu.memory_space<semaphore_mem>>)
      %dma_wait3A_677 = arith.constant 0 : i32
      %dma_wait3A_678 = tpu.memref_slice %arg4[%add3A_420, %dma_wait3A_677] : memref<131072x128xf32, #tpu.memory_space<hbm>> -> memref<512x128xf32, #tpu.memory_space<hbm>>
      %dma_wait3A_679 = arith.constant 0 : i32
      %dma_wait3A_680 = tpu.memref_slice %arg4[%add3A_420, %dma_wait3A_679] : memref<131072x128xf32, #tpu.memory_space<hbm>> -> memref<512x128xf32, #tpu.memory_space<hbm>>
      tpu.wait_dma2 semaphore(%run_scoped3A : memref<!tpu.dma_semaphore, #tpu.memory_space<semaphore_mem>>) src(%arg6 : memref<512x128xf32, #tpu.memory_space<vmem>>) dst(%dma_wait3A_680 : memref<512x128xf32, #tpu.memory_space<hbm>>)
      tpu.yield
    }) : () -> ()
    %dma_start3A_421 = arith.constant 20 : i32
    %dma_start3A_422 = arith.constant 0 : i32
    %dma_start3A_423 = arith.constant 0 : i32
    %dma_start3A_424 = tpu.memref_slice %arg6[%dma_start3A_422, %dma_start3A_423] : memref<512x128xf32, #tpu.memory_space<vmem>> -> memref<128x128xf32, #tpu.memory_space<vmem>>
    %dma_start3A_425 = arith.constant 0 : i32
    %dma_start3A_426 = tpu.memref_slice %arg5[%dma_start3A_421, %dma_start3A_425] : memref<32x128xi32, #tpu.memory_space<vmem>> -> memref<1x128xi32, #tpu.memory_space<vmem>>
    %dma_start3A_427 = tpu.memref_squeeze %dma_start3A_426 : memref<1x128xi32, #tpu.memory_space<vmem>> -> memref<128xi32, #tpu.memory_space<vmem>>
    %dma_start3A_428 = arith.constant 0 : i32
    %dma_start3A_429 = arith.constant 0 : i32
    %dma_start3A_430 = tpu.memref_slice %arg2[%dma_start3A_428, %dma_start3A_429] : memref<8192x128xf32, #tpu.memory_space<hbm>> -> memref<8192x128xf32, #tpu.memory_space<hbm>>
    tpu.enqueue_indirect_dma source(%dma_start3A_430 : memref<8192x128xf32, #tpu.memory_space<hbm>>) target(%dma_start3A_424 : memref<128x128xf32, #tpu.memory_space<vmem>>) offsets(%dma_start3A_427 : memref<128xi32, #tpu.memory_space<vmem>>) semaphore(%arg7 : memref<!tpu.dma_semaphore, #tpu.memory_space<semaphore_mem>>)
    %dma_start3A_431 = arith.constant 21 : i32
    %dma_start3A_432 = arith.constant 128 : i32
    %dma_start3A_433 = arith.constant 0 : i32
    %dma_start3A_434 = tpu.memref_slice %arg6[%dma_start3A_432, %dma_start3A_433] : memref<512x128xf32, #tpu.memory_space<vmem>> -> memref<128x128xf32, #tpu.memory_space<vmem>>
    %dma_start3A_435 = arith.constant 0 : i32
    %dma_start3A_436 = tpu.memref_slice %arg5[%dma_start3A_431, %dma_start3A_435] : memref<32x128xi32, #tpu.memory_space<vmem>> -> memref<1x128xi32, #tpu.memory_space<vmem>>
    %dma_start3A_437 = tpu.memref_squeeze %dma_start3A_436 : memref<1x128xi32, #tpu.memory_space<vmem>> -> memref<128xi32, #tpu.memory_space<vmem>>
    %dma_start3A_438 = arith.constant 0 : i32
    %dma_start3A_439 = arith.constant 0 : i32
    %dma_start3A_440 = tpu.memref_slice %arg2[%dma_start3A_438, %dma_start3A_439] : memref<8192x128xf32, #tpu.memory_space<hbm>> -> memref<8192x128xf32, #tpu.memory_space<hbm>>
    tpu.enqueue_indirect_dma source(%dma_start3A_440 : memref<8192x128xf32, #tpu.memory_space<hbm>>) target(%dma_start3A_434 : memref<128x128xf32, #tpu.memory_space<vmem>>) offsets(%dma_start3A_437 : memref<128xi32, #tpu.memory_space<vmem>>) semaphore(%arg7 : memref<!tpu.dma_semaphore, #tpu.memory_space<semaphore_mem>>)
    %dma_start3A_441 = arith.constant 22 : i32
    %dma_start3A_442 = arith.constant 256 : i32
    %dma_start3A_443 = arith.constant 0 : i32
    %dma_start3A_444 = tpu.memref_slice %arg6[%dma_start3A_442, %dma_start3A_443] : memref<512x128xf32, #tpu.memory_space<vmem>> -> memref<128x128xf32, #tpu.memory_space<vmem>>
    %dma_start3A_445 = arith.constant 0 : i32
    %dma_start3A_446 = tpu.memref_slice %arg5[%dma_start3A_441, %dma_start3A_445] : memref<32x128xi32, #tpu.memory_space<vmem>> -> memref<1x128xi32, #tpu.memory_space<vmem>>
    %dma_start3A_447 = tpu.memref_squeeze %dma_start3A_446 : memref<1x128xi32, #tpu.memory_space<vmem>> -> memref<128xi32, #tpu.memory_space<vmem>>
    %dma_start3A_448 = arith.constant 0 : i32
    %dma_start3A_449 = arith.constant 0 : i32
    %dma_start3A_450 = tpu.memref_slice %arg2[%dma_start3A_448, %dma_start3A_449] : memref<8192x128xf32, #tpu.memory_space<hbm>> -> memref<8192x128xf32, #tpu.memory_space<hbm>>
    tpu.enqueue_indirect_dma source(%dma_start3A_450 : memref<8192x128xf32, #tpu.memory_space<hbm>>) target(%dma_start3A_444 : memref<128x128xf32, #tpu.memory_space<vmem>>) offsets(%dma_start3A_447 : memref<128xi32, #tpu.memory_space<vmem>>) semaphore(%arg7 : memref<!tpu.dma_semaphore, #tpu.memory_space<semaphore_mem>>)
    %dma_start3A_451 = arith.constant 23 : i32
    %dma_start3A_452 = arith.constant 384 : i32
    %dma_start3A_453 = arith.constant 0 : i32
    %dma_start3A_454 = tpu.memref_slice %arg6[%dma_start3A_452, %dma_start3A_453] : memref<512x128xf32, #tpu.memory_space<vmem>> -> memref<128x128xf32, #tpu.memory_space<vmem>>
    %dma_start3A_455 = arith.constant 0 : i32
    %dma_start3A_456 = tpu.memref_slice %arg5[%dma_start3A_451, %dma_start3A_455] : memref<32x128xi32, #tpu.memory_space<vmem>> -> memref<1x128xi32, #tpu.memory_space<vmem>>
    %dma_start3A_457 = tpu.memref_squeeze %dma_start3A_456 : memref<1x128xi32, #tpu.memory_space<vmem>> -> memref<128xi32, #tpu.memory_space<vmem>>
    %dma_start3A_458 = arith.constant 0 : i32
    %dma_start3A_459 = arith.constant 0 : i32
    %dma_start3A_460 = tpu.memref_slice %arg2[%dma_start3A_458, %dma_start3A_459] : memref<8192x128xf32, #tpu.memory_space<hbm>> -> memref<8192x128xf32, #tpu.memory_space<hbm>>
    tpu.enqueue_indirect_dma source(%dma_start3A_460 : memref<8192x128xf32, #tpu.memory_space<hbm>>) target(%dma_start3A_454 : memref<128x128xf32, #tpu.memory_space<vmem>>) offsets(%dma_start3A_457 : memref<128xi32, #tpu.memory_space<vmem>>) semaphore(%arg7 : memref<!tpu.dma_semaphore, #tpu.memory_space<semaphore_mem>>)
    %dma_wait3A_461 = arith.constant 20 : i32
    %dma_wait3A_462 = arith.constant 0 : i32
    %dma_wait3A_463 = arith.constant 0 : i32
    %dma_wait3A_464 = tpu.memref_slice %arg6[%dma_wait3A_462, %dma_wait3A_463] : memref<512x128xf32, #tpu.memory_space<vmem>> -> memref<128x128xf32, #tpu.memory_space<vmem>>
    %dma_wait3A_465 = arith.constant 0 : i32
    %dma_wait3A_466 = tpu.memref_slice %arg5[%dma_wait3A_461, %dma_wait3A_465] : memref<32x128xi32, #tpu.memory_space<vmem>> -> memref<1x128xi32, #tpu.memory_space<vmem>>
    %dma_wait3A_467 = tpu.memref_squeeze %dma_wait3A_466 : memref<1x128xi32, #tpu.memory_space<vmem>> -> memref<128xi32, #tpu.memory_space<vmem>>
    %dma_wait3A_468 = arith.constant 0 : i32
    %dma_wait3A_469 = arith.constant 0 : i32
    %dma_wait3A_470 = tpu.memref_slice %arg2[%dma_wait3A_468, %dma_wait3A_469] : memref<8192x128xf32, #tpu.memory_space<hbm>> -> memref<8192x128xf32, #tpu.memory_space<hbm>>
    tpu.wait_indirect_dma semaphore(%arg7 : memref<!tpu.dma_semaphore, #tpu.memory_space<semaphore_mem>>) src(%dma_wait3A_470 : memref<8192x128xf32, #tpu.memory_space<hbm>>) dst(%dma_wait3A_464 : memref<128x128xf32, #tpu.memory_space<vmem>>)
    %dma_wait3A_471 = arith.constant 21 : i32
    %dma_wait3A_472 = arith.constant 128 : i32
    %dma_wait3A_473 = arith.constant 0 : i32
    %dma_wait3A_474 = tpu.memref_slice %arg6[%dma_wait3A_472, %dma_wait3A_473] : memref<512x128xf32, #tpu.memory_space<vmem>> -> memref<128x128xf32, #tpu.memory_space<vmem>>
    %dma_wait3A_475 = arith.constant 0 : i32
    %dma_wait3A_476 = tpu.memref_slice %arg5[%dma_wait3A_471, %dma_wait3A_475] : memref<32x128xi32, #tpu.memory_space<vmem>> -> memref<1x128xi32, #tpu.memory_space<vmem>>
    %dma_wait3A_477 = tpu.memref_squeeze %dma_wait3A_476 : memref<1x128xi32, #tpu.memory_space<vmem>> -> memref<128xi32, #tpu.memory_space<vmem>>
    %dma_wait3A_478 = arith.constant 0 : i32
    %dma_wait3A_479 = arith.constant 0 : i32
    %dma_wait3A_480 = tpu.memref_slice %arg2[%dma_wait3A_478, %dma_wait3A_479] : memref<8192x128xf32, #tpu.memory_space<hbm>> -> memref<8192x128xf32, #tpu.memory_space<hbm>>
    tpu.wait_indirect_dma semaphore(%arg7 : memref<!tpu.dma_semaphore, #tpu.memory_space<semaphore_mem>>) src(%dma_wait3A_480 : memref<8192x128xf32, #tpu.memory_space<hbm>>) dst(%dma_wait3A_474 : memref<128x128xf32, #tpu.memory_space<vmem>>)
    %dma_wait3A_481 = arith.constant 22 : i32
    %dma_wait3A_482 = arith.constant 256 : i32
    %dma_wait3A_483 = arith.constant 0 : i32
    %dma_wait3A_484 = tpu.memref_slice %arg6[%dma_wait3A_482, %dma_wait3A_483] : memref<512x128xf32, #tpu.memory_space<vmem>> -> memref<128x128xf32, #tpu.memory_space<vmem>>
    %dma_wait3A_485 = arith.constant 0 : i32
    %dma_wait3A_486 = tpu.memref_slice %arg5[%dma_wait3A_481, %dma_wait3A_485] : memref<32x128xi32, #tpu.memory_space<vmem>> -> memref<1x128xi32, #tpu.memory_space<vmem>>
    %dma_wait3A_487 = tpu.memref_squeeze %dma_wait3A_486 : memref<1x128xi32, #tpu.memory_space<vmem>> -> memref<128xi32, #tpu.memory_space<vmem>>
    %dma_wait3A_488 = arith.constant 0 : i32
    %dma_wait3A_489 = arith.constant 0 : i32
    %dma_wait3A_490 = tpu.memref_slice %arg2[%dma_wait3A_488, %dma_wait3A_489] : memref<8192x128xf32, #tpu.memory_space<hbm>> -> memref<8192x128xf32, #tpu.memory_space<hbm>>
    tpu.wait_indirect_dma semaphore(%arg7 : memref<!tpu.dma_semaphore, #tpu.memory_space<semaphore_mem>>) src(%dma_wait3A_490 : memref<8192x128xf32, #tpu.memory_space<hbm>>) dst(%dma_wait3A_484 : memref<128x128xf32, #tpu.memory_space<vmem>>)
    %dma_wait3A_491 = arith.constant 23 : i32
    %dma_wait3A_492 = arith.constant 384 : i32
    %dma_wait3A_493 = arith.constant 0 : i32
    %dma_wait3A_494 = tpu.memref_slice %arg6[%dma_wait3A_492, %dma_wait3A_493] : memref<512x128xf32, #tpu.memory_space<vmem>> -> memref<128x128xf32, #tpu.memory_space<vmem>>
    %dma_wait3A_495 = arith.constant 0 : i32
    %dma_wait3A_496 = tpu.memref_slice %arg5[%dma_wait3A_491, %dma_wait3A_495] : memref<32x128xi32, #tpu.memory_space<vmem>> -> memref<1x128xi32, #tpu.memory_space<vmem>>
    %dma_wait3A_497 = tpu.memref_squeeze %dma_wait3A_496 : memref<1x128xi32, #tpu.memory_space<vmem>> -> memref<128xi32, #tpu.memory_space<vmem>>
    %dma_wait3A_498 = arith.constant 0 : i32
    %dma_wait3A_499 = arith.constant 0 : i32
    %dma_wait3A_500 = tpu.memref_slice %arg2[%dma_wait3A_498, %dma_wait3A_499] : memref<8192x128xf32, #tpu.memory_space<hbm>> -> memref<8192x128xf32, #tpu.memory_space<hbm>>
    tpu.wait_indirect_dma semaphore(%arg7 : memref<!tpu.dma_semaphore, #tpu.memory_space<semaphore_mem>>) src(%dma_wait3A_500 : memref<8192x128xf32, #tpu.memory_space<hbm>>) dst(%dma_wait3A_494 : memref<128x128xf32, #tpu.memory_space<vmem>>)
    %mul3A_501 = arith.constant 4096 : i32
    %mul3A_502 = arith.muli %add3A, %mul3A_501 : i32
    %add3A_503 = arith.constant 2560 : i32
    %add3A_504 = arith.addi %mul3A_502, %add3A_503 : i32
    "tpu.region"() ({
      %run_scoped3A = tpu.sem_alloc : memref<!tpu.dma_semaphore, #tpu.memory_space<semaphore_mem>>
      %dma_start3A_673 = arith.constant 0 : i32
      %dma_start3A_674 = tpu.memref_slice %arg4[%add3A_504, %dma_start3A_673] : memref<131072x128xf32, #tpu.memory_space<hbm>> -> memref<512x128xf32, #tpu.memory_space<hbm>>
      %dma_start3A_675 = arith.constant 0 : i32
      %dma_start3A_676 = tpu.memref_slice %arg4[%add3A_504, %dma_start3A_675] : memref<131072x128xf32, #tpu.memory_space<hbm>> -> memref<512x128xf32, #tpu.memory_space<hbm>>
      tpu.enqueue_dma source(%arg6 : memref<512x128xf32, #tpu.memory_space<vmem>>) target(%dma_start3A_676 : memref<512x128xf32, #tpu.memory_space<hbm>>) target_semaphore(%run_scoped3A : memref<!tpu.dma_semaphore, #tpu.memory_space<semaphore_mem>>)
      %dma_wait3A_677 = arith.constant 0 : i32
      %dma_wait3A_678 = tpu.memref_slice %arg4[%add3A_504, %dma_wait3A_677] : memref<131072x128xf32, #tpu.memory_space<hbm>> -> memref<512x128xf32, #tpu.memory_space<hbm>>
      %dma_wait3A_679 = arith.constant 0 : i32
      %dma_wait3A_680 = tpu.memref_slice %arg4[%add3A_504, %dma_wait3A_679] : memref<131072x128xf32, #tpu.memory_space<hbm>> -> memref<512x128xf32, #tpu.memory_space<hbm>>
      tpu.wait_dma2 semaphore(%run_scoped3A : memref<!tpu.dma_semaphore, #tpu.memory_space<semaphore_mem>>) src(%arg6 : memref<512x128xf32, #tpu.memory_space<vmem>>) dst(%dma_wait3A_680 : memref<512x128xf32, #tpu.memory_space<hbm>>)
      tpu.yield
    }) : () -> ()
    %dma_start3A_505 = arith.constant 24 : i32
    %dma_start3A_506 = arith.constant 0 : i32
    %dma_start3A_507 = arith.constant 0 : i32
    %dma_start3A_508 = tpu.memref_slice %arg6[%dma_start3A_506, %dma_start3A_507] : memref<512x128xf32, #tpu.memory_space<vmem>> -> memref<128x128xf32, #tpu.memory_space<vmem>>
    %dma_start3A_509 = arith.constant 0 : i32
    %dma_start3A_510 = tpu.memref_slice %arg5[%dma_start3A_505, %dma_start3A_509] : memref<32x128xi32, #tpu.memory_space<vmem>> -> memref<1x128xi32, #tpu.memory_space<vmem>>
    %dma_start3A_511 = tpu.memref_squeeze %dma_start3A_510 : memref<1x128xi32, #tpu.memory_space<vmem>> -> memref<128xi32, #tpu.memory_space<vmem>>
    %dma_start3A_512 = arith.constant 0 : i32
    %dma_start3A_513 = arith.constant 0 : i32
    %dma_start3A_514 = tpu.memref_slice %arg2[%dma_start3A_512, %dma_start3A_513] : memref<8192x128xf32, #tpu.memory_space<hbm>> -> memref<8192x128xf32, #tpu.memory_space<hbm>>
    tpu.enqueue_indirect_dma source(%dma_start3A_514 : memref<8192x128xf32, #tpu.memory_space<hbm>>) target(%dma_start3A_508 : memref<128x128xf32, #tpu.memory_space<vmem>>) offsets(%dma_start3A_511 : memref<128xi32, #tpu.memory_space<vmem>>) semaphore(%arg7 : memref<!tpu.dma_semaphore, #tpu.memory_space<semaphore_mem>>)
    %dma_start3A_515 = arith.constant 25 : i32
    %dma_start3A_516 = arith.constant 128 : i32
    %dma_start3A_517 = arith.constant 0 : i32
    %dma_start3A_518 = tpu.memref_slice %arg6[%dma_start3A_516, %dma_start3A_517] : memref<512x128xf32, #tpu.memory_space<vmem>> -> memref<128x128xf32, #tpu.memory_space<vmem>>
    %dma_start3A_519 = arith.constant 0 : i32
    %dma_start3A_520 = tpu.memref_slice %arg5[%dma_start3A_515, %dma_start3A_519] : memref<32x128xi32, #tpu.memory_space<vmem>> -> memref<1x128xi32, #tpu.memory_space<vmem>>
    %dma_start3A_521 = tpu.memref_squeeze %dma_start3A_520 : memref<1x128xi32, #tpu.memory_space<vmem>> -> memref<128xi32, #tpu.memory_space<vmem>>
    %dma_start3A_522 = arith.constant 0 : i32
    %dma_start3A_523 = arith.constant 0 : i32
    %dma_start3A_524 = tpu.memref_slice %arg2[%dma_start3A_522, %dma_start3A_523] : memref<8192x128xf32, #tpu.memory_space<hbm>> -> memref<8192x128xf32, #tpu.memory_space<hbm>>
    tpu.enqueue_indirect_dma source(%dma_start3A_524 : memref<8192x128xf32, #tpu.memory_space<hbm>>) target(%dma_start3A_518 : memref<128x128xf32, #tpu.memory_space<vmem>>) offsets(%dma_start3A_521 : memref<128xi32, #tpu.memory_space<vmem>>) semaphore(%arg7 : memref<!tpu.dma_semaphore, #tpu.memory_space<semaphore_mem>>)
    %dma_start3A_525 = arith.constant 26 : i32
    %dma_start3A_526 = arith.constant 256 : i32
    %dma_start3A_527 = arith.constant 0 : i32
    %dma_start3A_528 = tpu.memref_slice %arg6[%dma_start3A_526, %dma_start3A_527] : memref<512x128xf32, #tpu.memory_space<vmem>> -> memref<128x128xf32, #tpu.memory_space<vmem>>
    %dma_start3A_529 = arith.constant 0 : i32
    %dma_start3A_530 = tpu.memref_slice %arg5[%dma_start3A_525, %dma_start3A_529] : memref<32x128xi32, #tpu.memory_space<vmem>> -> memref<1x128xi32, #tpu.memory_space<vmem>>
    %dma_start3A_531 = tpu.memref_squeeze %dma_start3A_530 : memref<1x128xi32, #tpu.memory_space<vmem>> -> memref<128xi32, #tpu.memory_space<vmem>>
    %dma_start3A_532 = arith.constant 0 : i32
    %dma_start3A_533 = arith.constant 0 : i32
    %dma_start3A_534 = tpu.memref_slice %arg2[%dma_start3A_532, %dma_start3A_533] : memref<8192x128xf32, #tpu.memory_space<hbm>> -> memref<8192x128xf32, #tpu.memory_space<hbm>>
    tpu.enqueue_indirect_dma source(%dma_start3A_534 : memref<8192x128xf32, #tpu.memory_space<hbm>>) target(%dma_start3A_528 : memref<128x128xf32, #tpu.memory_space<vmem>>) offsets(%dma_start3A_531 : memref<128xi32, #tpu.memory_space<vmem>>) semaphore(%arg7 : memref<!tpu.dma_semaphore, #tpu.memory_space<semaphore_mem>>)
    %dma_start3A_535 = arith.constant 27 : i32
    %dma_start3A_536 = arith.constant 384 : i32
    %dma_start3A_537 = arith.constant 0 : i32
    %dma_start3A_538 = tpu.memref_slice %arg6[%dma_start3A_536, %dma_start3A_537] : memref<512x128xf32, #tpu.memory_space<vmem>> -> memref<128x128xf32, #tpu.memory_space<vmem>>
    %dma_start3A_539 = arith.constant 0 : i32
    %dma_start3A_540 = tpu.memref_slice %arg5[%dma_start3A_535, %dma_start3A_539] : memref<32x128xi32, #tpu.memory_space<vmem>> -> memref<1x128xi32, #tpu.memory_space<vmem>>
    %dma_start3A_541 = tpu.memref_squeeze %dma_start3A_540 : memref<1x128xi32, #tpu.memory_space<vmem>> -> memref<128xi32, #tpu.memory_space<vmem>>
    %dma_start3A_542 = arith.constant 0 : i32
    %dma_start3A_543 = arith.constant 0 : i32
    %dma_start3A_544 = tpu.memref_slice %arg2[%dma_start3A_542, %dma_start3A_543] : memref<8192x128xf32, #tpu.memory_space<hbm>> -> memref<8192x128xf32, #tpu.memory_space<hbm>>
    tpu.enqueue_indirect_dma source(%dma_start3A_544 : memref<8192x128xf32, #tpu.memory_space<hbm>>) target(%dma_start3A_538 : memref<128x128xf32, #tpu.memory_space<vmem>>) offsets(%dma_start3A_541 : memref<128xi32, #tpu.memory_space<vmem>>) semaphore(%arg7 : memref<!tpu.dma_semaphore, #tpu.memory_space<semaphore_mem>>)
    %dma_wait3A_545 = arith.constant 24 : i32
    %dma_wait3A_546 = arith.constant 0 : i32
    %dma_wait3A_547 = arith.constant 0 : i32
    %dma_wait3A_548 = tpu.memref_slice %arg6[%dma_wait3A_546, %dma_wait3A_547] : memref<512x128xf32, #tpu.memory_space<vmem>> -> memref<128x128xf32, #tpu.memory_space<vmem>>
    %dma_wait3A_549 = arith.constant 0 : i32
    %dma_wait3A_550 = tpu.memref_slice %arg5[%dma_wait3A_545, %dma_wait3A_549] : memref<32x128xi32, #tpu.memory_space<vmem>> -> memref<1x128xi32, #tpu.memory_space<vmem>>
    %dma_wait3A_551 = tpu.memref_squeeze %dma_wait3A_550 : memref<1x128xi32, #tpu.memory_space<vmem>> -> memref<128xi32, #tpu.memory_space<vmem>>
    %dma_wait3A_552 = arith.constant 0 : i32
    %dma_wait3A_553 = arith.constant 0 : i32
    %dma_wait3A_554 = tpu.memref_slice %arg2[%dma_wait3A_552, %dma_wait3A_553] : memref<8192x128xf32, #tpu.memory_space<hbm>> -> memref<8192x128xf32, #tpu.memory_space<hbm>>
    tpu.wait_indirect_dma semaphore(%arg7 : memref<!tpu.dma_semaphore, #tpu.memory_space<semaphore_mem>>) src(%dma_wait3A_554 : memref<8192x128xf32, #tpu.memory_space<hbm>>) dst(%dma_wait3A_548 : memref<128x128xf32, #tpu.memory_space<vmem>>)
    %dma_wait3A_555 = arith.constant 25 : i32
    %dma_wait3A_556 = arith.constant 128 : i32
    %dma_wait3A_557 = arith.constant 0 : i32
    %dma_wait3A_558 = tpu.memref_slice %arg6[%dma_wait3A_556, %dma_wait3A_557] : memref<512x128xf32, #tpu.memory_space<vmem>> -> memref<128x128xf32, #tpu.memory_space<vmem>>
    %dma_wait3A_559 = arith.constant 0 : i32
    %dma_wait3A_560 = tpu.memref_slice %arg5[%dma_wait3A_555, %dma_wait3A_559] : memref<32x128xi32, #tpu.memory_space<vmem>> -> memref<1x128xi32, #tpu.memory_space<vmem>>
    %dma_wait3A_561 = tpu.memref_squeeze %dma_wait3A_560 : memref<1x128xi32, #tpu.memory_space<vmem>> -> memref<128xi32, #tpu.memory_space<vmem>>
    %dma_wait3A_562 = arith.constant 0 : i32
    %dma_wait3A_563 = arith.constant 0 : i32
    %dma_wait3A_564 = tpu.memref_slice %arg2[%dma_wait3A_562, %dma_wait3A_563] : memref<8192x128xf32, #tpu.memory_space<hbm>> -> memref<8192x128xf32, #tpu.memory_space<hbm>>
    tpu.wait_indirect_dma semaphore(%arg7 : memref<!tpu.dma_semaphore, #tpu.memory_space<semaphore_mem>>) src(%dma_wait3A_564 : memref<8192x128xf32, #tpu.memory_space<hbm>>) dst(%dma_wait3A_558 : memref<128x128xf32, #tpu.memory_space<vmem>>)
    %dma_wait3A_565 = arith.constant 26 : i32
    %dma_wait3A_566 = arith.constant 256 : i32
    %dma_wait3A_567 = arith.constant 0 : i32
    %dma_wait3A_568 = tpu.memref_slice %arg6[%dma_wait3A_566, %dma_wait3A_567] : memref<512x128xf32, #tpu.memory_space<vmem>> -> memref<128x128xf32, #tpu.memory_space<vmem>>
    %dma_wait3A_569 = arith.constant 0 : i32
    %dma_wait3A_570 = tpu.memref_slice %arg5[%dma_wait3A_565, %dma_wait3A_569] : memref<32x128xi32, #tpu.memory_space<vmem>> -> memref<1x128xi32, #tpu.memory_space<vmem>>
    %dma_wait3A_571 = tpu.memref_squeeze %dma_wait3A_570 : memref<1x128xi32, #tpu.memory_space<vmem>> -> memref<128xi32, #tpu.memory_space<vmem>>
    %dma_wait3A_572 = arith.constant 0 : i32
    %dma_wait3A_573 = arith.constant 0 : i32
    %dma_wait3A_574 = tpu.memref_slice %arg2[%dma_wait3A_572, %dma_wait3A_573] : memref<8192x128xf32, #tpu.memory_space<hbm>> -> memref<8192x128xf32, #tpu.memory_space<hbm>>
    tpu.wait_indirect_dma semaphore(%arg7 : memref<!tpu.dma_semaphore, #tpu.memory_space<semaphore_mem>>) src(%dma_wait3A_574 : memref<8192x128xf32, #tpu.memory_space<hbm>>) dst(%dma_wait3A_568 : memref<128x128xf32, #tpu.memory_space<vmem>>)
    %dma_wait3A_575 = arith.constant 27 : i32
    %dma_wait3A_576 = arith.constant 384 : i32
    %dma_wait3A_577 = arith.constant 0 : i32
    %dma_wait3A_578 = tpu.memref_slice %arg6[%dma_wait3A_576, %dma_wait3A_577] : memref<512x128xf32, #tpu.memory_space<vmem>> -> memref<128x128xf32, #tpu.memory_space<vmem>>
    %dma_wait3A_579 = arith.constant 0 : i32
    %dma_wait3A_580 = tpu.memref_slice %arg5[%dma_wait3A_575, %dma_wait3A_579] : memref<32x128xi32, #tpu.memory_space<vmem>> -> memref<1x128xi32, #tpu.memory_space<vmem>>
    %dma_wait3A_581 = tpu.memref_squeeze %dma_wait3A_580 : memref<1x128xi32, #tpu.memory_space<vmem>> -> memref<128xi32, #tpu.memory_space<vmem>>
    %dma_wait3A_582 = arith.constant 0 : i32
    %dma_wait3A_583 = arith.constant 0 : i32
    %dma_wait3A_584 = tpu.memref_slice %arg2[%dma_wait3A_582, %dma_wait3A_583] : memref<8192x128xf32, #tpu.memory_space<hbm>> -> memref<8192x128xf32, #tpu.memory_space<hbm>>
    tpu.wait_indirect_dma semaphore(%arg7 : memref<!tpu.dma_semaphore, #tpu.memory_space<semaphore_mem>>) src(%dma_wait3A_584 : memref<8192x128xf32, #tpu.memory_space<hbm>>) dst(%dma_wait3A_578 : memref<128x128xf32, #tpu.memory_space<vmem>>)
    %mul3A_585 = arith.constant 4096 : i32
    %mul3A_586 = arith.muli %add3A, %mul3A_585 : i32
    %add3A_587 = arith.constant 3072 : i32
    %add3A_588 = arith.addi %mul3A_586, %add3A_587 : i32
    "tpu.region"() ({
      %run_scoped3A = tpu.sem_alloc : memref<!tpu.dma_semaphore, #tpu.memory_space<semaphore_mem>>
      %dma_start3A_673 = arith.constant 0 : i32
      %dma_start3A_674 = tpu.memref_slice %arg4[%add3A_588, %dma_start3A_673] : memref<131072x128xf32, #tpu.memory_space<hbm>> -> memref<512x128xf32, #tpu.memory_space<hbm>>
      %dma_start3A_675 = arith.constant 0 : i32
      %dma_start3A_676 = tpu.memref_slice %arg4[%add3A_588, %dma_start3A_675] : memref<131072x128xf32, #tpu.memory_space<hbm>> -> memref<512x128xf32, #tpu.memory_space<hbm>>
      tpu.enqueue_dma source(%arg6 : memref<512x128xf32, #tpu.memory_space<vmem>>) target(%dma_start3A_676 : memref<512x128xf32, #tpu.memory_space<hbm>>) target_semaphore(%run_scoped3A : memref<!tpu.dma_semaphore, #tpu.memory_space<semaphore_mem>>)
      %dma_wait3A_677 = arith.constant 0 : i32
      %dma_wait3A_678 = tpu.memref_slice %arg4[%add3A_588, %dma_wait3A_677] : memref<131072x128xf32, #tpu.memory_space<hbm>> -> memref<512x128xf32, #tpu.memory_space<hbm>>
      %dma_wait3A_679 = arith.constant 0 : i32
      %dma_wait3A_680 = tpu.memref_slice %arg4[%add3A_588, %dma_wait3A_679] : memref<131072x128xf32, #tpu.memory_space<hbm>> -> memref<512x128xf32, #tpu.memory_space<hbm>>
      tpu.wait_dma2 semaphore(%run_scoped3A : memref<!tpu.dma_semaphore, #tpu.memory_space<semaphore_mem>>) src(%arg6 : memref<512x128xf32, #tpu.memory_space<vmem>>) dst(%dma_wait3A_680 : memref<512x128xf32, #tpu.memory_space<hbm>>)
      tpu.yield
    }) : () -> ()
    %dma_start3A_589 = arith.constant 28 : i32
    %dma_start3A_590 = arith.constant 0 : i32
    %dma_start3A_591 = arith.constant 0 : i32
    %dma_start3A_592 = tpu.memref_slice %arg6[%dma_start3A_590, %dma_start3A_591] : memref<512x128xf32, #tpu.memory_space<vmem>> -> memref<128x128xf32, #tpu.memory_space<vmem>>
    %dma_start3A_593 = arith.constant 0 : i32
    %dma_start3A_594 = tpu.memref_slice %arg5[%dma_start3A_589, %dma_start3A_593] : memref<32x128xi32, #tpu.memory_space<vmem>> -> memref<1x128xi32, #tpu.memory_space<vmem>>
    %dma_start3A_595 = tpu.memref_squeeze %dma_start3A_594 : memref<1x128xi32, #tpu.memory_space<vmem>> -> memref<128xi32, #tpu.memory_space<vmem>>
    %dma_start3A_596 = arith.constant 0 : i32
    %dma_start3A_597 = arith.constant 0 : i32
    %dma_start3A_598 = tpu.memref_slice %arg2[%dma_start3A_596, %dma_start3A_597] : memref<8192x128xf32, #tpu.memory_space<hbm>> -> memref<8192x128xf32, #tpu.memory_space<hbm>>
    tpu.enqueue_indirect_dma source(%dma_start3A_598 : memref<8192x128xf32, #tpu.memory_space<hbm>>) target(%dma_start3A_592 : memref<128x128xf32, #tpu.memory_space<vmem>>) offsets(%dma_start3A_595 : memref<128xi32, #tpu.memory_space<vmem>>) semaphore(%arg7 : memref<!tpu.dma_semaphore, #tpu.memory_space<semaphore_mem>>)
    %dma_start3A_599 = arith.constant 29 : i32
    %dma_start3A_600 = arith.constant 128 : i32
    %dma_start3A_601 = arith.constant 0 : i32
    %dma_start3A_602 = tpu.memref_slice %arg6[%dma_start3A_600, %dma_start3A_601] : memref<512x128xf32, #tpu.memory_space<vmem>> -> memref<128x128xf32, #tpu.memory_space<vmem>>
    %dma_start3A_603 = arith.constant 0 : i32
    %dma_start3A_604 = tpu.memref_slice %arg5[%dma_start3A_599, %dma_start3A_603] : memref<32x128xi32, #tpu.memory_space<vmem>> -> memref<1x128xi32, #tpu.memory_space<vmem>>
    %dma_start3A_605 = tpu.memref_squeeze %dma_start3A_604 : memref<1x128xi32, #tpu.memory_space<vmem>> -> memref<128xi32, #tpu.memory_space<vmem>>
    %dma_start3A_606 = arith.constant 0 : i32
    %dma_start3A_607 = arith.constant 0 : i32
    %dma_start3A_608 = tpu.memref_slice %arg2[%dma_start3A_606, %dma_start3A_607] : memref<8192x128xf32, #tpu.memory_space<hbm>> -> memref<8192x128xf32, #tpu.memory_space<hbm>>
    tpu.enqueue_indirect_dma source(%dma_start3A_608 : memref<8192x128xf32, #tpu.memory_space<hbm>>) target(%dma_start3A_602 : memref<128x128xf32, #tpu.memory_space<vmem>>) offsets(%dma_start3A_605 : memref<128xi32, #tpu.memory_space<vmem>>) semaphore(%arg7 : memref<!tpu.dma_semaphore, #tpu.memory_space<semaphore_mem>>)
    %dma_start3A_609 = arith.constant 30 : i32
    %dma_start3A_610 = arith.constant 256 : i32
    %dma_start3A_611 = arith.constant 0 : i32
    %dma_start3A_612 = tpu.memref_slice %arg6[%dma_start3A_610, %dma_start3A_611] : memref<512x128xf32, #tpu.memory_space<vmem>> -> memref<128x128xf32, #tpu.memory_space<vmem>>
    %dma_start3A_613 = arith.constant 0 : i32
    %dma_start3A_614 = tpu.memref_slice %arg5[%dma_start3A_609, %dma_start3A_613] : memref<32x128xi32, #tpu.memory_space<vmem>> -> memref<1x128xi32, #tpu.memory_space<vmem>>
    %dma_start3A_615 = tpu.memref_squeeze %dma_start3A_614 : memref<1x128xi32, #tpu.memory_space<vmem>> -> memref<128xi32, #tpu.memory_space<vmem>>
    %dma_start3A_616 = arith.constant 0 : i32
    %dma_start3A_617 = arith.constant 0 : i32
    %dma_start3A_618 = tpu.memref_slice %arg2[%dma_start3A_616, %dma_start3A_617] : memref<8192x128xf32, #tpu.memory_space<hbm>> -> memref<8192x128xf32, #tpu.memory_space<hbm>>
    tpu.enqueue_indirect_dma source(%dma_start3A_618 : memref<8192x128xf32, #tpu.memory_space<hbm>>) target(%dma_start3A_612 : memref<128x128xf32, #tpu.memory_space<vmem>>) offsets(%dma_start3A_615 : memref<128xi32, #tpu.memory_space<vmem>>) semaphore(%arg7 : memref<!tpu.dma_semaphore, #tpu.memory_space<semaphore_mem>>)
    %dma_start3A_619 = arith.constant 31 : i32
    %dma_start3A_620 = arith.constant 384 : i32
    %dma_start3A_621 = arith.constant 0 : i32
    %dma_start3A_622 = tpu.memref_slice %arg6[%dma_start3A_620, %dma_start3A_621] : memref<512x128xf32, #tpu.memory_space<vmem>> -> memref<128x128xf32, #tpu.memory_space<vmem>>
    %dma_start3A_623 = arith.constant 0 : i32
    %dma_start3A_624 = tpu.memref_slice %arg5[%dma_start3A_619, %dma_start3A_623] : memref<32x128xi32, #tpu.memory_space<vmem>> -> memref<1x128xi32, #tpu.memory_space<vmem>>
    %dma_start3A_625 = tpu.memref_squeeze %dma_start3A_624 : memref<1x128xi32, #tpu.memory_space<vmem>> -> memref<128xi32, #tpu.memory_space<vmem>>
    %dma_start3A_626 = arith.constant 0 : i32
    %dma_start3A_627 = arith.constant 0 : i32
    %dma_start3A_628 = tpu.memref_slice %arg2[%dma_start3A_626, %dma_start3A_627] : memref<8192x128xf32, #tpu.memory_space<hbm>> -> memref<8192x128xf32, #tpu.memory_space<hbm>>
    tpu.enqueue_indirect_dma source(%dma_start3A_628 : memref<8192x128xf32, #tpu.memory_space<hbm>>) target(%dma_start3A_622 : memref<128x128xf32, #tpu.memory_space<vmem>>) offsets(%dma_start3A_625 : memref<128xi32, #tpu.memory_space<vmem>>) semaphore(%arg7 : memref<!tpu.dma_semaphore, #tpu.memory_space<semaphore_mem>>)
    %dma_wait3A_629 = arith.constant 28 : i32
    %dma_wait3A_630 = arith.constant 0 : i32
    %dma_wait3A_631 = arith.constant 0 : i32
    %dma_wait3A_632 = tpu.memref_slice %arg6[%dma_wait3A_630, %dma_wait3A_631] : memref<512x128xf32, #tpu.memory_space<vmem>> -> memref<128x128xf32, #tpu.memory_space<vmem>>
    %dma_wait3A_633 = arith.constant 0 : i32
    %dma_wait3A_634 = tpu.memref_slice %arg5[%dma_wait3A_629, %dma_wait3A_633] : memref<32x128xi32, #tpu.memory_space<vmem>> -> memref<1x128xi32, #tpu.memory_space<vmem>>
    %dma_wait3A_635 = tpu.memref_squeeze %dma_wait3A_634 : memref<1x128xi32, #tpu.memory_space<vmem>> -> memref<128xi32, #tpu.memory_space<vmem>>
    %dma_wait3A_636 = arith.constant 0 : i32
    %dma_wait3A_637 = arith.constant 0 : i32
    %dma_wait3A_638 = tpu.memref_slice %arg2[%dma_wait3A_636, %dma_wait3A_637] : memref<8192x128xf32, #tpu.memory_space<hbm>> -> memref<8192x128xf32, #tpu.memory_space<hbm>>
    tpu.wait_indirect_dma semaphore(%arg7 : memref<!tpu.dma_semaphore, #tpu.memory_space<semaphore_mem>>) src(%dma_wait3A_638 : memref<8192x128xf32, #tpu.memory_space<hbm>>) dst(%dma_wait3A_632 : memref<128x128xf32, #tpu.memory_space<vmem>>)
    %dma_wait3A_639 = arith.constant 29 : i32
    %dma_wait3A_640 = arith.constant 128 : i32
    %dma_wait3A_641 = arith.constant 0 : i32
    %dma_wait3A_642 = tpu.memref_slice %arg6[%dma_wait3A_640, %dma_wait3A_641] : memref<512x128xf32, #tpu.memory_space<vmem>> -> memref<128x128xf32, #tpu.memory_space<vmem>>
    %dma_wait3A_643 = arith.constant 0 : i32
    %dma_wait3A_644 = tpu.memref_slice %arg5[%dma_wait3A_639, %dma_wait3A_643] : memref<32x128xi32, #tpu.memory_space<vmem>> -> memref<1x128xi32, #tpu.memory_space<vmem>>
    %dma_wait3A_645 = tpu.memref_squeeze %dma_wait3A_644 : memref<1x128xi32, #tpu.memory_space<vmem>> -> memref<128xi32, #tpu.memory_space<vmem>>
    %dma_wait3A_646 = arith.constant 0 : i32
    %dma_wait3A_647 = arith.constant 0 : i32
    %dma_wait3A_648 = tpu.memref_slice %arg2[%dma_wait3A_646, %dma_wait3A_647] : memref<8192x128xf32, #tpu.memory_space<hbm>> -> memref<8192x128xf32, #tpu.memory_space<hbm>>
    tpu.wait_indirect_dma semaphore(%arg7 : memref<!tpu.dma_semaphore, #tpu.memory_space<semaphore_mem>>) src(%dma_wait3A_648 : memref<8192x128xf32, #tpu.memory_space<hbm>>) dst(%dma_wait3A_642 : memref<128x128xf32, #tpu.memory_space<vmem>>)
    %dma_wait3A_649 = arith.constant 30 : i32
    %dma_wait3A_650 = arith.constant 256 : i32
    %dma_wait3A_651 = arith.constant 0 : i32
    %dma_wait3A_652 = tpu.memref_slice %arg6[%dma_wait3A_650, %dma_wait3A_651] : memref<512x128xf32, #tpu.memory_space<vmem>> -> memref<128x128xf32, #tpu.memory_space<vmem>>
    %dma_wait3A_653 = arith.constant 0 : i32
    %dma_wait3A_654 = tpu.memref_slice %arg5[%dma_wait3A_649, %dma_wait3A_653] : memref<32x128xi32, #tpu.memory_space<vmem>> -> memref<1x128xi32, #tpu.memory_space<vmem>>
    %dma_wait3A_655 = tpu.memref_squeeze %dma_wait3A_654 : memref<1x128xi32, #tpu.memory_space<vmem>> -> memref<128xi32, #tpu.memory_space<vmem>>
    %dma_wait3A_656 = arith.constant 0 : i32
    %dma_wait3A_657 = arith.constant 0 : i32
    %dma_wait3A_658 = tpu.memref_slice %arg2[%dma_wait3A_656, %dma_wait3A_657] : memref<8192x128xf32, #tpu.memory_space<hbm>> -> memref<8192x128xf32, #tpu.memory_space<hbm>>
    tpu.wait_indirect_dma semaphore(%arg7 : memref<!tpu.dma_semaphore, #tpu.memory_space<semaphore_mem>>) src(%dma_wait3A_658 : memref<8192x128xf32, #tpu.memory_space<hbm>>) dst(%dma_wait3A_652 : memref<128x128xf32, #tpu.memory_space<vmem>>)
    %dma_wait3A_659 = arith.constant 31 : i32
    %dma_wait3A_660 = arith.constant 384 : i32
    %dma_wait3A_661 = arith.constant 0 : i32
    %dma_wait3A_662 = tpu.memref_slice %arg6[%dma_wait3A_660, %dma_wait3A_661] : memref<512x128xf32, #tpu.memory_space<vmem>> -> memref<128x128xf32, #tpu.memory_space<vmem>>
    %dma_wait3A_663 = arith.constant 0 : i32
    %dma_wait3A_664 = tpu.memref_slice %arg5[%dma_wait3A_659, %dma_wait3A_663] : memref<32x128xi32, #tpu.memory_space<vmem>> -> memref<1x128xi32, #tpu.memory_space<vmem>>
    %dma_wait3A_665 = tpu.memref_squeeze %dma_wait3A_664 : memref<1x128xi32, #tpu.memory_space<vmem>> -> memref<128xi32, #tpu.memory_space<vmem>>
    %dma_wait3A_666 = arith.constant 0 : i32
    %dma_wait3A_667 = arith.constant 0 : i32
    %dma_wait3A_668 = tpu.memref_slice %arg2[%dma_wait3A_666, %dma_wait3A_667] : memref<8192x128xf32, #tpu.memory_space<hbm>> -> memref<8192x128xf32, #tpu.memory_space<hbm>>
    tpu.wait_indirect_dma semaphore(%arg7 : memref<!tpu.dma_semaphore, #tpu.memory_space<semaphore_mem>>) src(%dma_wait3A_668 : memref<8192x128xf32, #tpu.memory_space<hbm>>) dst(%dma_wait3A_662 : memref<128x128xf32, #tpu.memory_space<vmem>>)
    %mul3A_669 = arith.constant 4096 : i32
    %mul3A_670 = arith.muli %add3A, %mul3A_669 : i32
    %add3A_671 = arith.constant 3584 : i32
    %add3A_672 = arith.addi %mul3A_670, %add3A_671 : i32
    "tpu.region"() ({
      %run_scoped3A = tpu.sem_alloc : memref<!tpu.dma_semaphore, #tpu.memory_space<semaphore_mem>>
      %dma_start3A_673 = arith.constant 0 : i32
      %dma_start3A_674 = tpu.memref_slice %arg4[%add3A_672, %dma_start3A_673] : memref<131072x128xf32, #tpu.memory_space<hbm>> -> memref<512x128xf32, #tpu.memory_space<hbm>>
      %dma_start3A_675 = arith.constant 0 : i32
      %dma_start3A_676 = tpu.memref_slice %arg4[%add3A_672, %dma_start3A_675] : memref<131072x128xf32, #tpu.memory_space<hbm>> -> memref<512x128xf32, #tpu.memory_space<hbm>>
      tpu.enqueue_dma source(%arg6 : memref<512x128xf32, #tpu.memory_space<vmem>>) target(%dma_start3A_676 : memref<512x128xf32, #tpu.memory_space<hbm>>) target_semaphore(%run_scoped3A : memref<!tpu.dma_semaphore, #tpu.memory_space<semaphore_mem>>)
      %dma_wait3A_677 = arith.constant 0 : i32
      %dma_wait3A_678 = tpu.memref_slice %arg4[%add3A_672, %dma_wait3A_677] : memref<131072x128xf32, #tpu.memory_space<hbm>> -> memref<512x128xf32, #tpu.memory_space<hbm>>
      %dma_wait3A_679 = arith.constant 0 : i32
      %dma_wait3A_680 = tpu.memref_slice %arg4[%add3A_672, %dma_wait3A_679] : memref<131072x128xf32, #tpu.memory_space<hbm>> -> memref<512x128xf32, #tpu.memory_space<hbm>>
      tpu.wait_dma2 semaphore(%run_scoped3A : memref<!tpu.dma_semaphore, #tpu.memory_space<semaphore_mem>>) src(%arg6 : memref<512x128xf32, #tpu.memory_space<vmem>>) dst(%dma_wait3A_680 : memref<512x128xf32, #tpu.memory_space<hbm>>)
      tpu.yield
    }) : () -> ()
    return
  }
}

module attributes {stable_mosaic.version = 14 : i64} {
  func.func @_knn_body(%arg0: i32, %arg1: memref<128x8xf32, #tpu.memory_space<vmem>>, %arg2: memref<8x8192xf32, #tpu.memory_space<vmem>>, %arg3: memref<128x1xi32, #tpu.memory_space<vmem>>, %arg4: memref<1x8192xi32, #tpu.memory_space<vmem>>, %arg5: memref<128x16xi32, #tpu.memory_space<vmem>>) attributes {dimension_semantics = [#tpu.dimension_semantics<arbitrary>], iteration_bounds = array<i64: 64>, scalar_prefetch = 0 : i64, scratch_operands = 0 : i64, tpu.core_type = #tpu.core_type<tc>, window_params = [{transform_indices = @transform_0, window_bounds = array<i64: 128, 8>}, {pipeline_mode = #tpu.pipeline_mode<synchronous>, transform_indices = @transform_1, window_bounds = array<i64: 8, 8192>}, {transform_indices = @transform_2, window_bounds = array<i64: 128, 1>}, {pipeline_mode = #tpu.pipeline_mode<synchronous>, transform_indices = @transform_3, window_bounds = array<i64: 1, 8192>}, {transform_indices = @transform_4, window_bounds = array<i64: 128, 16>}]} {
    %get3A = arith.constant 0 : index
    %get3A_0 = arith.constant 0 : index
    %get3A_1 = vector.load %arg1[%get3A, %get3A_0] : memref<128x8xf32, #tpu.memory_space<vmem>>, vector<128x8xf32>
    %get3A_2 = arith.constant 0 : index
    %get3A_3 = arith.constant 0 : index
    %get3A_4 = vector.load %arg3[%get3A_2, %get3A_3] : memref<128x1xi32, #tpu.memory_space<vmem>>, vector<128x1xi32>
    %get3A_5 = arith.constant 0 : index
    %get3A_6 = arith.constant 0 : index
    %get3A_7 = vector.load %arg4[%get3A_5, %get3A_6] : memref<1x8192xi32, #tpu.memory_space<vmem>>, vector<1x8192xi32>
    %mul3A = arith.mulf %get3A_1, %get3A_1 : vector<128x8xf32>
    %reduce_sum3A = arith.constant dense<0.000000e+00> : vector<128xf32>
    %reduce_sum3A_8 = vector.multi_reduction <add>, %mul3A, %reduce_sum3A [1] : vector<128x8xf32> to vector<128xf32>
    %broadcast_in_dim3A = vector.shape_cast %reduce_sum3A_8 : vector<128xf32> to vector<128x1xf32>
    %iota3A = tpu.iota {dimensions = array<i32: 1>} : vector<1x8192xi32>
    %get3A_9 = arith.constant 0 : index
    %get3A_10 = arith.constant 0 : index
    %get3A_11 = vector.load %arg3[%get3A_9, %get3A_10] : memref<128x1xi32, #tpu.memory_space<vmem>>, vector<1x1xi32>
    %get3A_12 = vector.extract %get3A_11[0, 0] : i32 from vector<1x1xi32>
    %get3A_13 = arith.constant 127 : index
    %get3A_14 = arith.constant 0 : index
    %get3A_15 = vector.load %arg3[%get3A_13, %get3A_14] : memref<128x1xi32, #tpu.memory_space<vmem>>, vector<1x1xi32>
    %get3A_16 = vector.extract %get3A_15[0, 0] : i32 from vector<1x1xi32>
    %ge3A = vector.broadcast %get3A_12 : i32 to vector<1x8192xi32>
    %ge3A_17 = arith.cmpi sge, %get3A_7, %ge3A : vector<1x8192xi32>
    %jit3A = arith.constant 1073741824 : i32
    %broadcast_in_dim3A_18 = vector.broadcast %jit3A : i32 to vector<1x8192xi32>
    %select_n3A = arith.select %ge3A_17, %iota3A, %broadcast_in_dim3A_18 : vector<1x8192xi1>, vector<1x8192xi32>
    %reduce_min3A = vector.shape_cast %select_n3A : vector<1x8192xi32> to vector<1x1x8192xi32>
    %reduce_min3A_19 = arith.constant dense<2147483647> : vector<1xi32>
    %reduce_min3A_20 = vector.multi_reduction <minsi>, %reduce_min3A, %reduce_min3A_19 [1, 2] : vector<1x1x8192xi32> to vector<1xi32>
    %reduce_min3A_21 = vector.shape_cast %reduce_min3A_20 : vector<1xi32> to vector<1x1x1xi32>
    %reduce_min3A_22 = vector.extract %reduce_min3A_21[0, 0, 0] : i32 from vector<1x1x1xi32>
    %le3A = vector.broadcast %get3A_16 : i32 to vector<1x8192xi32>
    %le3A_23 = arith.cmpi sle, %get3A_7, %le3A : vector<1x8192xi32>
    %add3A = arith.constant 1 : i32
    %add3A_24 = vector.broadcast %add3A : i32 to vector<1x8192xi32>
    %add3A_25 = arith.addi %iota3A, %add3A_24 : vector<1x8192xi32>
    %jit3A_26 = arith.constant 0 : i32
    %broadcast_in_dim3A_27 = vector.broadcast %jit3A_26 : i32 to vector<1x8192xi32>
    %select_n3A_28 = arith.select %le3A_23, %add3A_25, %broadcast_in_dim3A_27 : vector<1x8192xi1>, vector<1x8192xi32>
    %reduce_max3A = vector.shape_cast %select_n3A_28 : vector<1x8192xi32> to vector<1x1x8192xi32>
    %reduce_max3A_29 = arith.constant dense<-2147483648> : vector<1xi32>
    %reduce_max3A_30 = vector.multi_reduction <maxsi>, %reduce_max3A, %reduce_max3A_29 [1, 2] : vector<1x1x8192xi32> to vector<1xi32>
    %reduce_max3A_31 = vector.shape_cast %reduce_max3A_30 : vector<1xi32> to vector<1x1x1xi32>
    %reduce_max3A_32 = vector.extract %reduce_max3A_31[0, 0, 0] : i32 from vector<1x1x1xi32>
    %eq3A = vector.broadcast %get3A_4 : vector<128x1xi32> to vector<128x8192xi32>
    %eq3A_33 = vector.broadcast %get3A_7 : vector<1x8192xi32> to vector<128x8192xi32>
    %eq3A_34 = arith.cmpi eq, %eq3A, %eq3A_33 : vector<128x8192xi32>
    %convert_element_type3A = arith.extui %eq3A_34 : vector<128x8192xi1> to vector<128x8192xi32>
    %reduce_sum3A_35 = arith.constant dense<0> : vector<128xi32>
    %reduce_sum3A_36 = vector.multi_reduction <add>, %convert_element_type3A, %reduce_sum3A_35 [1] : vector<128x8192xi32> to vector<128xi32>
    %reduce_min3A_37 = vector.shape_cast %reduce_sum3A_36 : vector<128xi32> to vector<1x128xi32>
    %reduce_min3A_38 = arith.constant dense<2147483647> : vector<1xi32>
    %reduce_min3A_39 = vector.multi_reduction <minsi>, %reduce_min3A_37, %reduce_min3A_38 [1] : vector<1x128xi32> to vector<1xi32>
    %reduce_min3A_40 = vector.shape_cast %reduce_min3A_39 : vector<1xi32> to vector<1x1xi32>
    %reduce_min3A_41 = vector.extract %reduce_min3A_40[0, 0] : i32 from vector<1x1xi32>
    %ge3A_42 = arith.constant 16 : i32
    %ge3A_43 = arith.cmpi sge, %reduce_min3A_41, %ge3A_42 : i32
    %jit3A_44 = arith.constant 128 : i32
    %div3A = arith.divsi %reduce_min3A_22, %jit3A_44 : i32
    %sign3A = arith.constant 0 : i32
    %sign3A_45 = arith.cmpi sgt, %reduce_min3A_22, %sign3A : i32
    %sign3A_46 = arith.extui %sign3A_45 : i1 to i32
    %sign3A_47 = arith.constant 0 : i32
    %sign3A_48 = arith.cmpi slt, %reduce_min3A_22, %sign3A_47 : i32
    %sign3A_49 = arith.extui %sign3A_48 : i1 to i32
    %sign3A_50 = arith.subi %sign3A_46, %sign3A_49 : i32
    %sign3A_51 = arith.constant 0 : i32
    %sign3A_52 = arith.cmpi sgt, %jit3A_44, %sign3A_51 : i32
    %sign3A_53 = arith.extui %sign3A_52 : i1 to i32
    %sign3A_54 = arith.constant 0 : i32
    %sign3A_55 = arith.cmpi slt, %jit3A_44, %sign3A_54 : i32
    %sign3A_56 = arith.extui %sign3A_55 : i1 to i32
    %sign3A_57 = arith.subi %sign3A_53, %sign3A_56 : i32
    %ne3A = arith.cmpi ne, %sign3A_50, %sign3A_57 : i32
    %rem3A = arith.remsi %reduce_min3A_22, %jit3A_44 : i32
    %ne3A_58 = arith.constant 0 : i32
    %ne3A_59 = arith.cmpi ne, %rem3A, %ne3A_58 : i32
    %and3A = arith.andi %ne3A, %ne3A_59 : i1
    %sub3A = arith.constant 1 : i32
    %sub3A_60 = arith.subi %div3A, %sub3A : i32
    %select_n3A_61 = arith.select %and3A, %sub3A_60, %div3A : i32
    %max3A = arith.constant 0 : i32
    %max3A_62 = arith.maxsi %select_n3A_61, %max3A : i32
    %min3A = arith.constant 56 : i32
    %min3A_63 = arith.minsi %max3A_62, %min3A : i32
    %mul3A_64 = arith.constant 128 : i32
    %mul3A_65 = arith.muli %min3A_63, %mul3A_64 : i32
    %min3A_66 = arith.constant 48 : i32
    %min3A_67 = arith.minsi %max3A_62, %min3A_66 : i32
    %mul3A_68 = arith.constant 128 : i32
    %mul3A_69 = arith.muli %min3A_67, %mul3A_68 : i32
    %sub3A_70 = arith.subi %reduce_max3A_32, %mul3A_65 : i32
    %le3A_71 = arith.constant 1024 : i32
    %le3A_72 = arith.cmpi sle, %sub3A_70, %le3A_71 : i32
    %and3A_73 = arith.andi %ge3A_43, %le3A_72 : i1
    %not3A = arith.constant true
    %not3A_74 = arith.xori %and3A_73, %not3A : i1
    %sub3A_75 = arith.subi %reduce_max3A_32, %mul3A_69 : i32
    %le3A_76 = arith.constant 2048 : i32
    %le3A_77 = arith.cmpi sle, %sub3A_75, %le3A_76 : i32
    %and3A_78 = arith.andi %ge3A_43, %le3A_77 : i1
    %and3A_79 = arith.andi %not3A_74, %and3A_78 : i1
    %convert_element_type3A_80 = arith.extui %and3A_73 : i1 to i32
    %cond3A = arith.constant 1073741824 : i32
    %cond3A_81 = arith.constant 0 : i32
    %cond3A_82 = arith.cmpi ne, %convert_element_type3A_80, %cond3A_81 : i32
    scf.if %cond3A_82 {
      %get3A_93 = arith.constant 0 : index
      %get3A_94 = arith.index_cast %mul3A_65 : i32 to index
      %get3A_95 = vector.load %arg2[%get3A_93, %get3A_94] : memref<8x8192xf32, #tpu.memory_space<vmem>>, vector<8x1024xf32>
      %get3A_96 = arith.constant 0 : index
      %get3A_97 = arith.index_cast %mul3A_65 : i32 to index
      %get3A_98 = vector.load %arg4[%get3A_96, %get3A_97] : memref<1x8192xi32, #tpu.memory_space<vmem>>, vector<1x1024xi32>
      %mul3A_99 = arith.mulf %get3A_95, %get3A_95 : vector<8x1024xf32>
      %reduce_sum3A_100 = arith.constant dense<0.000000e+00> : vector<1024xf32>
      %reduce_sum3A_101 = vector.multi_reduction <add>, %mul3A_99, %reduce_sum3A_100 [0] : vector<8x1024xf32> to vector<1024xf32>
      %broadcast_in_dim3A_102 = vector.shape_cast %reduce_sum3A_101 : vector<1024xf32> to vector<1x1024xf32>
      %add3A_103 = vector.broadcast %broadcast_in_dim3A : vector<128x1xf32> to vector<128x1024xf32>
      %add3A_104 = vector.broadcast %broadcast_in_dim3A_102 : vector<1x1024xf32> to vector<128x1024xf32>
      %add3A_105 = arith.addf %add3A_103, %add3A_104 : vector<128x1024xf32>
      %dot_general3A = arith.constant dense<0.000000e+00> : vector<128x1024xf32>
      %dot_general3A_106 = tpu.matmul %get3A_1, %get3A_95, %dot_general3A {dimension_numbers = #tpu.dot_dimension_numbers<[1], [0], [0], [1], [0, 0, 1, 1], [], []>, transpose_lhs_hint = false} : vector<128x8xf32>, vector<8x1024xf32>, vector<128x1024xf32> -> vector<128x1024xf32>
      %mul3A_107 = arith.constant 2.000000e+00 : f32
      %mul3A_108 = vector.broadcast %mul3A_107 : f32 to vector<128x1024xf32>
      %mul3A_109 = arith.mulf %mul3A_108, %dot_general3A_106 : vector<128x1024xf32>
      %sub3A_110 = arith.subf %add3A_105, %mul3A_109 : vector<128x1024xf32>
      %ne3A_111 = vector.broadcast %get3A_4 : vector<128x1xi32> to vector<128x1024xi32>
      %ne3A_112 = vector.broadcast %get3A_98 : vector<1x1024xi32> to vector<128x1024xi32>
      %ne3A_113 = arith.cmpi ne, %ne3A_111, %ne3A_112 : vector<128x1024xi32>
      %jit3A_114 = arith.constant 1.000000e+10 : f32
      %broadcast_in_dim3A_115 = vector.broadcast %jit3A_114 : f32 to vector<128x1024xf32>
      %select_n3A_116 = arith.select %ne3A_113, %broadcast_in_dim3A_115, %sub3A_110 : vector<128x1024xi1>, vector<128x1024xf32>
      %iota3A_117 = tpu.iota {dimensions = array<i32: 1>} : vector<128x1024xi32>
      %add3A_118 = vector.broadcast %mul3A_65 : i32 to vector<128x1024xi32>
      %add3A_119 = arith.addi %iota3A_117, %add3A_118 : vector<128x1024xi32>
      %reduce_min3A_120 = arith.constant dense<0x7F800000> : vector<128xf32>
      %reduce_min3A_121 = vector.multi_reduction <minimumf>, %select_n3A_116, %reduce_min3A_120 [1] : vector<128x1024xf32> to vector<128xf32>
      %broadcast_in_dim3A_122 = vector.shape_cast %reduce_min3A_121 : vector<128xf32> to vector<128x1xf32>
      %eq3A_123 = vector.broadcast %broadcast_in_dim3A_122 : vector<128x1xf32> to vector<128x1024xf32>
      %eq3A_124 = arith.cmpf oeq, %select_n3A_116, %eq3A_123 : vector<128x1024xf32>
      %broadcast_in_dim3A_125 = vector.broadcast %cond3A : i32 to vector<128x1024xi32>
      %select_n3A_126 = arith.select %eq3A_124, %add3A_119, %broadcast_in_dim3A_125 : vector<128x1024xi1>, vector<128x1024xi32>
      %reduce_min3A_127 = arith.constant dense<2147483647> : vector<128xi32>
      %reduce_min3A_128 = vector.multi_reduction <minsi>, %select_n3A_126, %reduce_min3A_127 [1] : vector<128x1024xi32> to vector<128xi32>
      %broadcast_in_dim3A_129 = vector.shape_cast %reduce_min3A_128 : vector<128xi32> to vector<128x1xi32>
      %eq3A_130 = vector.broadcast %broadcast_in_dim3A_129 : vector<128x1xi32> to vector<128x1024xi32>
      %eq3A_131 = arith.cmpi eq, %add3A_119, %eq3A_130 : vector<128x1024xi32>
      %jit3A_132 = arith.constant 3.000000e+38 : f32
      %broadcast_in_dim3A_133 = vector.broadcast %jit3A_132 : f32 to vector<128x1024xf32>
      %select_n3A_134 = arith.select %eq3A_131, %broadcast_in_dim3A_133, %select_n3A_116 : vector<128x1024xi1>, vector<128x1024xf32>
      %reduce_min3A_135 = arith.constant dense<0x7F800000> : vector<128xf32>
      %reduce_min3A_136 = vector.multi_reduction <minimumf>, %select_n3A_134, %reduce_min3A_135 [1] : vector<128x1024xf32> to vector<128xf32>
      %broadcast_in_dim3A_137 = vector.shape_cast %reduce_min3A_136 : vector<128xf32> to vector<128x1xf32>
      %eq3A_138 = vector.broadcast %broadcast_in_dim3A_137 : vector<128x1xf32> to vector<128x1024xf32>
      %eq3A_139 = arith.cmpf oeq, %select_n3A_134, %eq3A_138 : vector<128x1024xf32>
      %broadcast_in_dim3A_140 = vector.broadcast %cond3A : i32 to vector<128x1024xi32>
      %select_n3A_141 = arith.select %eq3A_139, %add3A_119, %broadcast_in_dim3A_140 : vector<128x1024xi1>, vector<128x1024xi32>
      %reduce_min3A_142 = arith.constant dense<2147483647> : vector<128xi32>
      %reduce_min3A_143 = vector.multi_reduction <minsi>, %select_n3A_141, %reduce_min3A_142 [1] : vector<128x1024xi32> to vector<128xi32>
      %broadcast_in_dim3A_144 = vector.shape_cast %reduce_min3A_143 : vector<128xi32> to vector<128x1xi32>
      %eq3A_145 = vector.broadcast %broadcast_in_dim3A_144 : vector<128x1xi32> to vector<128x1024xi32>
      %eq3A_146 = arith.cmpi eq, %add3A_119, %eq3A_145 : vector<128x1024xi32>
      %jit3A_147 = arith.constant 3.000000e+38 : f32
      %broadcast_in_dim3A_148 = vector.broadcast %jit3A_147 : f32 to vector<128x1024xf32>
      %select_n3A_149 = arith.select %eq3A_146, %broadcast_in_dim3A_148, %select_n3A_134 : vector<128x1024xi1>, vector<128x1024xf32>
      %reduce_min3A_150 = arith.constant dense<0x7F800000> : vector<128xf32>
      %reduce_min3A_151 = vector.multi_reduction <minimumf>, %select_n3A_149, %reduce_min3A_150 [1] : vector<128x1024xf32> to vector<128xf32>
      %broadcast_in_dim3A_152 = vector.shape_cast %reduce_min3A_151 : vector<128xf32> to vector<128x1xf32>
      %eq3A_153 = vector.broadcast %broadcast_in_dim3A_152 : vector<128x1xf32> to vector<128x1024xf32>
      %eq3A_154 = arith.cmpf oeq, %select_n3A_149, %eq3A_153 : vector<128x1024xf32>
      %broadcast_in_dim3A_155 = vector.broadcast %cond3A : i32 to vector<128x1024xi32>
      %select_n3A_156 = arith.select %eq3A_154, %add3A_119, %broadcast_in_dim3A_155 : vector<128x1024xi1>, vector<128x1024xi32>
      %reduce_min3A_157 = arith.constant dense<2147483647> : vector<128xi32>
      %reduce_min3A_158 = vector.multi_reduction <minsi>, %select_n3A_156, %reduce_min3A_157 [1] : vector<128x1024xi32> to vector<128xi32>
      %broadcast_in_dim3A_159 = vector.shape_cast %reduce_min3A_158 : vector<128xi32> to vector<128x1xi32>
      %eq3A_160 = vector.broadcast %broadcast_in_dim3A_159 : vector<128x1xi32> to vector<128x1024xi32>
      %eq3A_161 = arith.cmpi eq, %add3A_119, %eq3A_160 : vector<128x1024xi32>
      %jit3A_162 = arith.constant 3.000000e+38 : f32
      %broadcast_in_dim3A_163 = vector.broadcast %jit3A_162 : f32 to vector<128x1024xf32>
      %select_n3A_164 = arith.select %eq3A_161, %broadcast_in_dim3A_163, %select_n3A_149 : vector<128x1024xi1>, vector<128x1024xf32>
      %reduce_min3A_165 = arith.constant dense<0x7F800000> : vector<128xf32>
      %reduce_min3A_166 = vector.multi_reduction <minimumf>, %select_n3A_164, %reduce_min3A_165 [1] : vector<128x1024xf32> to vector<128xf32>
      %broadcast_in_dim3A_167 = vector.shape_cast %reduce_min3A_166 : vector<128xf32> to vector<128x1xf32>
      %eq3A_168 = vector.broadcast %broadcast_in_dim3A_167 : vector<128x1xf32> to vector<128x1024xf32>
      %eq3A_169 = arith.cmpf oeq, %select_n3A_164, %eq3A_168 : vector<128x1024xf32>
      %broadcast_in_dim3A_170 = vector.broadcast %cond3A : i32 to vector<128x1024xi32>
      %select_n3A_171 = arith.select %eq3A_169, %add3A_119, %broadcast_in_dim3A_170 : vector<128x1024xi1>, vector<128x1024xi32>
      %reduce_min3A_172 = arith.constant dense<2147483647> : vector<128xi32>
      %reduce_min3A_173 = vector.multi_reduction <minsi>, %select_n3A_171, %reduce_min3A_172 [1] : vector<128x1024xi32> to vector<128xi32>
      %broadcast_in_dim3A_174 = vector.shape_cast %reduce_min3A_173 : vector<128xi32> to vector<128x1xi32>
      %eq3A_175 = vector.broadcast %broadcast_in_dim3A_174 : vector<128x1xi32> to vector<128x1024xi32>
      %eq3A_176 = arith.cmpi eq, %add3A_119, %eq3A_175 : vector<128x1024xi32>
      %jit3A_177 = arith.constant 3.000000e+38 : f32
      %broadcast_in_dim3A_178 = vector.broadcast %jit3A_177 : f32 to vector<128x1024xf32>
      %select_n3A_179 = arith.select %eq3A_176, %broadcast_in_dim3A_178, %select_n3A_164 : vector<128x1024xi1>, vector<128x1024xf32>
      %reduce_min3A_180 = arith.constant dense<0x7F800000> : vector<128xf32>
      %reduce_min3A_181 = vector.multi_reduction <minimumf>, %select_n3A_179, %reduce_min3A_180 [1] : vector<128x1024xf32> to vector<128xf32>
      %broadcast_in_dim3A_182 = vector.shape_cast %reduce_min3A_181 : vector<128xf32> to vector<128x1xf32>
      %eq3A_183 = vector.broadcast %broadcast_in_dim3A_182 : vector<128x1xf32> to vector<128x1024xf32>
      %eq3A_184 = arith.cmpf oeq, %select_n3A_179, %eq3A_183 : vector<128x1024xf32>
      %broadcast_in_dim3A_185 = vector.broadcast %cond3A : i32 to vector<128x1024xi32>
      %select_n3A_186 = arith.select %eq3A_184, %add3A_119, %broadcast_in_dim3A_185 : vector<128x1024xi1>, vector<128x1024xi32>
      %reduce_min3A_187 = arith.constant dense<2147483647> : vector<128xi32>
      %reduce_min3A_188 = vector.multi_reduction <minsi>, %select_n3A_186, %reduce_min3A_187 [1] : vector<128x1024xi32> to vector<128xi32>
      %broadcast_in_dim3A_189 = vector.shape_cast %reduce_min3A_188 : vector<128xi32> to vector<128x1xi32>
      %eq3A_190 = vector.broadcast %broadcast_in_dim3A_189 : vector<128x1xi32> to vector<128x1024xi32>
      %eq3A_191 = arith.cmpi eq, %add3A_119, %eq3A_190 : vector<128x1024xi32>
      %jit3A_192 = arith.constant 3.000000e+38 : f32
      %broadcast_in_dim3A_193 = vector.broadcast %jit3A_192 : f32 to vector<128x1024xf32>
      %select_n3A_194 = arith.select %eq3A_191, %broadcast_in_dim3A_193, %select_n3A_179 : vector<128x1024xi1>, vector<128x1024xf32>
      %reduce_min3A_195 = arith.constant dense<0x7F800000> : vector<128xf32>
      %reduce_min3A_196 = vector.multi_reduction <minimumf>, %select_n3A_194, %reduce_min3A_195 [1] : vector<128x1024xf32> to vector<128xf32>
      %broadcast_in_dim3A_197 = vector.shape_cast %reduce_min3A_196 : vector<128xf32> to vector<128x1xf32>
      %eq3A_198 = vector.broadcast %broadcast_in_dim3A_197 : vector<128x1xf32> to vector<128x1024xf32>
      %eq3A_199 = arith.cmpf oeq, %select_n3A_194, %eq3A_198 : vector<128x1024xf32>
      %broadcast_in_dim3A_200 = vector.broadcast %cond3A : i32 to vector<128x1024xi32>
      %select_n3A_201 = arith.select %eq3A_199, %add3A_119, %broadcast_in_dim3A_200 : vector<128x1024xi1>, vector<128x1024xi32>
      %reduce_min3A_202 = arith.constant dense<2147483647> : vector<128xi32>
      %reduce_min3A_203 = vector.multi_reduction <minsi>, %select_n3A_201, %reduce_min3A_202 [1] : vector<128x1024xi32> to vector<128xi32>
      %broadcast_in_dim3A_204 = vector.shape_cast %reduce_min3A_203 : vector<128xi32> to vector<128x1xi32>
      %eq3A_205 = vector.broadcast %broadcast_in_dim3A_204 : vector<128x1xi32> to vector<128x1024xi32>
      %eq3A_206 = arith.cmpi eq, %add3A_119, %eq3A_205 : vector<128x1024xi32>
      %jit3A_207 = arith.constant 3.000000e+38 : f32
      %broadcast_in_dim3A_208 = vector.broadcast %jit3A_207 : f32 to vector<128x1024xf32>
      %select_n3A_209 = arith.select %eq3A_206, %broadcast_in_dim3A_208, %select_n3A_194 : vector<128x1024xi1>, vector<128x1024xf32>
      %reduce_min3A_210 = arith.constant dense<0x7F800000> : vector<128xf32>
      %reduce_min3A_211 = vector.multi_reduction <minimumf>, %select_n3A_209, %reduce_min3A_210 [1] : vector<128x1024xf32> to vector<128xf32>
      %broadcast_in_dim3A_212 = vector.shape_cast %reduce_min3A_211 : vector<128xf32> to vector<128x1xf32>
      %eq3A_213 = vector.broadcast %broadcast_in_dim3A_212 : vector<128x1xf32> to vector<128x1024xf32>
      %eq3A_214 = arith.cmpf oeq, %select_n3A_209, %eq3A_213 : vector<128x1024xf32>
      %broadcast_in_dim3A_215 = vector.broadcast %cond3A : i32 to vector<128x1024xi32>
      %select_n3A_216 = arith.select %eq3A_214, %add3A_119, %broadcast_in_dim3A_215 : vector<128x1024xi1>, vector<128x1024xi32>
      %reduce_min3A_217 = arith.constant dense<2147483647> : vector<128xi32>
      %reduce_min3A_218 = vector.multi_reduction <minsi>, %select_n3A_216, %reduce_min3A_217 [1] : vector<128x1024xi32> to vector<128xi32>
      %broadcast_in_dim3A_219 = vector.shape_cast %reduce_min3A_218 : vector<128xi32> to vector<128x1xi32>
      %eq3A_220 = vector.broadcast %broadcast_in_dim3A_219 : vector<128x1xi32> to vector<128x1024xi32>
      %eq3A_221 = arith.cmpi eq, %add3A_119, %eq3A_220 : vector<128x1024xi32>
      %jit3A_222 = arith.constant 3.000000e+38 : f32
      %broadcast_in_dim3A_223 = vector.broadcast %jit3A_222 : f32 to vector<128x1024xf32>
      %select_n3A_224 = arith.select %eq3A_221, %broadcast_in_dim3A_223, %select_n3A_209 : vector<128x1024xi1>, vector<128x1024xf32>
      %reduce_min3A_225 = arith.constant dense<0x7F800000> : vector<128xf32>
      %reduce_min3A_226 = vector.multi_reduction <minimumf>, %select_n3A_224, %reduce_min3A_225 [1] : vector<128x1024xf32> to vector<128xf32>
      %broadcast_in_dim3A_227 = vector.shape_cast %reduce_min3A_226 : vector<128xf32> to vector<128x1xf32>
      %eq3A_228 = vector.broadcast %broadcast_in_dim3A_227 : vector<128x1xf32> to vector<128x1024xf32>
      %eq3A_229 = arith.cmpf oeq, %select_n3A_224, %eq3A_228 : vector<128x1024xf32>
      %broadcast_in_dim3A_230 = vector.broadcast %cond3A : i32 to vector<128x1024xi32>
      %select_n3A_231 = arith.select %eq3A_229, %add3A_119, %broadcast_in_dim3A_230 : vector<128x1024xi1>, vector<128x1024xi32>
      %reduce_min3A_232 = arith.constant dense<2147483647> : vector<128xi32>
      %reduce_min3A_233 = vector.multi_reduction <minsi>, %select_n3A_231, %reduce_min3A_232 [1] : vector<128x1024xi32> to vector<128xi32>
      %broadcast_in_dim3A_234 = vector.shape_cast %reduce_min3A_233 : vector<128xi32> to vector<128x1xi32>
      %eq3A_235 = vector.broadcast %broadcast_in_dim3A_234 : vector<128x1xi32> to vector<128x1024xi32>
      %eq3A_236 = arith.cmpi eq, %add3A_119, %eq3A_235 : vector<128x1024xi32>
      %jit3A_237 = arith.constant 3.000000e+38 : f32
      %broadcast_in_dim3A_238 = vector.broadcast %jit3A_237 : f32 to vector<128x1024xf32>
      %select_n3A_239 = arith.select %eq3A_236, %broadcast_in_dim3A_238, %select_n3A_224 : vector<128x1024xi1>, vector<128x1024xf32>
      %reduce_min3A_240 = arith.constant dense<0x7F800000> : vector<128xf32>
      %reduce_min3A_241 = vector.multi_reduction <minimumf>, %select_n3A_239, %reduce_min3A_240 [1] : vector<128x1024xf32> to vector<128xf32>
      %broadcast_in_dim3A_242 = vector.shape_cast %reduce_min3A_241 : vector<128xf32> to vector<128x1xf32>
      %eq3A_243 = vector.broadcast %broadcast_in_dim3A_242 : vector<128x1xf32> to vector<128x1024xf32>
      %eq3A_244 = arith.cmpf oeq, %select_n3A_239, %eq3A_243 : vector<128x1024xf32>
      %broadcast_in_dim3A_245 = vector.broadcast %cond3A : i32 to vector<128x1024xi32>
      %select_n3A_246 = arith.select %eq3A_244, %add3A_119, %broadcast_in_dim3A_245 : vector<128x1024xi1>, vector<128x1024xi32>
      %reduce_min3A_247 = arith.constant dense<2147483647> : vector<128xi32>
      %reduce_min3A_248 = vector.multi_reduction <minsi>, %select_n3A_246, %reduce_min3A_247 [1] : vector<128x1024xi32> to vector<128xi32>
      %broadcast_in_dim3A_249 = vector.shape_cast %reduce_min3A_248 : vector<128xi32> to vector<128x1xi32>
      %eq3A_250 = vector.broadcast %broadcast_in_dim3A_249 : vector<128x1xi32> to vector<128x1024xi32>
      %eq3A_251 = arith.cmpi eq, %add3A_119, %eq3A_250 : vector<128x1024xi32>
      %jit3A_252 = arith.constant 3.000000e+38 : f32
      %broadcast_in_dim3A_253 = vector.broadcast %jit3A_252 : f32 to vector<128x1024xf32>
      %select_n3A_254 = arith.select %eq3A_251, %broadcast_in_dim3A_253, %select_n3A_239 : vector<128x1024xi1>, vector<128x1024xf32>
      %reduce_min3A_255 = arith.constant dense<0x7F800000> : vector<128xf32>
      %reduce_min3A_256 = vector.multi_reduction <minimumf>, %select_n3A_254, %reduce_min3A_255 [1] : vector<128x1024xf32> to vector<128xf32>
      %broadcast_in_dim3A_257 = vector.shape_cast %reduce_min3A_256 : vector<128xf32> to vector<128x1xf32>
      %eq3A_258 = vector.broadcast %broadcast_in_dim3A_257 : vector<128x1xf32> to vector<128x1024xf32>
      %eq3A_259 = arith.cmpf oeq, %select_n3A_254, %eq3A_258 : vector<128x1024xf32>
      %broadcast_in_dim3A_260 = vector.broadcast %cond3A : i32 to vector<128x1024xi32>
      %select_n3A_261 = arith.select %eq3A_259, %add3A_119, %broadcast_in_dim3A_260 : vector<128x1024xi1>, vector<128x1024xi32>
      %reduce_min3A_262 = arith.constant dense<2147483647> : vector<128xi32>
      %reduce_min3A_263 = vector.multi_reduction <minsi>, %select_n3A_261, %reduce_min3A_262 [1] : vector<128x1024xi32> to vector<128xi32>
      %broadcast_in_dim3A_264 = vector.shape_cast %reduce_min3A_263 : vector<128xi32> to vector<128x1xi32>
      %eq3A_265 = vector.broadcast %broadcast_in_dim3A_264 : vector<128x1xi32> to vector<128x1024xi32>
      %eq3A_266 = arith.cmpi eq, %add3A_119, %eq3A_265 : vector<128x1024xi32>
      %jit3A_267 = arith.constant 3.000000e+38 : f32
      %broadcast_in_dim3A_268 = vector.broadcast %jit3A_267 : f32 to vector<128x1024xf32>
      %select_n3A_269 = arith.select %eq3A_266, %broadcast_in_dim3A_268, %select_n3A_254 : vector<128x1024xi1>, vector<128x1024xf32>
      %reduce_min3A_270 = arith.constant dense<0x7F800000> : vector<128xf32>
      %reduce_min3A_271 = vector.multi_reduction <minimumf>, %select_n3A_269, %reduce_min3A_270 [1] : vector<128x1024xf32> to vector<128xf32>
      %broadcast_in_dim3A_272 = vector.shape_cast %reduce_min3A_271 : vector<128xf32> to vector<128x1xf32>
      %eq3A_273 = vector.broadcast %broadcast_in_dim3A_272 : vector<128x1xf32> to vector<128x1024xf32>
      %eq3A_274 = arith.cmpf oeq, %select_n3A_269, %eq3A_273 : vector<128x1024xf32>
      %broadcast_in_dim3A_275 = vector.broadcast %cond3A : i32 to vector<128x1024xi32>
      %select_n3A_276 = arith.select %eq3A_274, %add3A_119, %broadcast_in_dim3A_275 : vector<128x1024xi1>, vector<128x1024xi32>
      %reduce_min3A_277 = arith.constant dense<2147483647> : vector<128xi32>
      %reduce_min3A_278 = vector.multi_reduction <minsi>, %select_n3A_276, %reduce_min3A_277 [1] : vector<128x1024xi32> to vector<128xi32>
      %broadcast_in_dim3A_279 = vector.shape_cast %reduce_min3A_278 : vector<128xi32> to vector<128x1xi32>
      %eq3A_280 = vector.broadcast %broadcast_in_dim3A_279 : vector<128x1xi32> to vector<128x1024xi32>
      %eq3A_281 = arith.cmpi eq, %add3A_119, %eq3A_280 : vector<128x1024xi32>
      %jit3A_282 = arith.constant 3.000000e+38 : f32
      %broadcast_in_dim3A_283 = vector.broadcast %jit3A_282 : f32 to vector<128x1024xf32>
      %select_n3A_284 = arith.select %eq3A_281, %broadcast_in_dim3A_283, %select_n3A_269 : vector<128x1024xi1>, vector<128x1024xf32>
      %reduce_min3A_285 = arith.constant dense<0x7F800000> : vector<128xf32>
      %reduce_min3A_286 = vector.multi_reduction <minimumf>, %select_n3A_284, %reduce_min3A_285 [1] : vector<128x1024xf32> to vector<128xf32>
      %broadcast_in_dim3A_287 = vector.shape_cast %reduce_min3A_286 : vector<128xf32> to vector<128x1xf32>
      %eq3A_288 = vector.broadcast %broadcast_in_dim3A_287 : vector<128x1xf32> to vector<128x1024xf32>
      %eq3A_289 = arith.cmpf oeq, %select_n3A_284, %eq3A_288 : vector<128x1024xf32>
      %broadcast_in_dim3A_290 = vector.broadcast %cond3A : i32 to vector<128x1024xi32>
      %select_n3A_291 = arith.select %eq3A_289, %add3A_119, %broadcast_in_dim3A_290 : vector<128x1024xi1>, vector<128x1024xi32>
      %reduce_min3A_292 = arith.constant dense<2147483647> : vector<128xi32>
      %reduce_min3A_293 = vector.multi_reduction <minsi>, %select_n3A_291, %reduce_min3A_292 [1] : vector<128x1024xi32> to vector<128xi32>
      %broadcast_in_dim3A_294 = vector.shape_cast %reduce_min3A_293 : vector<128xi32> to vector<128x1xi32>
      %eq3A_295 = vector.broadcast %broadcast_in_dim3A_294 : vector<128x1xi32> to vector<128x1024xi32>
      %eq3A_296 = arith.cmpi eq, %add3A_119, %eq3A_295 : vector<128x1024xi32>
      %jit3A_297 = arith.constant 3.000000e+38 : f32
      %broadcast_in_dim3A_298 = vector.broadcast %jit3A_297 : f32 to vector<128x1024xf32>
      %select_n3A_299 = arith.select %eq3A_296, %broadcast_in_dim3A_298, %select_n3A_284 : vector<128x1024xi1>, vector<128x1024xf32>
      %reduce_min3A_300 = arith.constant dense<0x7F800000> : vector<128xf32>
      %reduce_min3A_301 = vector.multi_reduction <minimumf>, %select_n3A_299, %reduce_min3A_300 [1] : vector<128x1024xf32> to vector<128xf32>
      %broadcast_in_dim3A_302 = vector.shape_cast %reduce_min3A_301 : vector<128xf32> to vector<128x1xf32>
      %eq3A_303 = vector.broadcast %broadcast_in_dim3A_302 : vector<128x1xf32> to vector<128x1024xf32>
      %eq3A_304 = arith.cmpf oeq, %select_n3A_299, %eq3A_303 : vector<128x1024xf32>
      %broadcast_in_dim3A_305 = vector.broadcast %cond3A : i32 to vector<128x1024xi32>
      %select_n3A_306 = arith.select %eq3A_304, %add3A_119, %broadcast_in_dim3A_305 : vector<128x1024xi1>, vector<128x1024xi32>
      %reduce_min3A_307 = arith.constant dense<2147483647> : vector<128xi32>
      %reduce_min3A_308 = vector.multi_reduction <minsi>, %select_n3A_306, %reduce_min3A_307 [1] : vector<128x1024xi32> to vector<128xi32>
      %broadcast_in_dim3A_309 = vector.shape_cast %reduce_min3A_308 : vector<128xi32> to vector<128x1xi32>
      %eq3A_310 = vector.broadcast %broadcast_in_dim3A_309 : vector<128x1xi32> to vector<128x1024xi32>
      %eq3A_311 = arith.cmpi eq, %add3A_119, %eq3A_310 : vector<128x1024xi32>
      %jit3A_312 = arith.constant 3.000000e+38 : f32
      %broadcast_in_dim3A_313 = vector.broadcast %jit3A_312 : f32 to vector<128x1024xf32>
      %select_n3A_314 = arith.select %eq3A_311, %broadcast_in_dim3A_313, %select_n3A_299 : vector<128x1024xi1>, vector<128x1024xf32>
      %reduce_min3A_315 = arith.constant dense<0x7F800000> : vector<128xf32>
      %reduce_min3A_316 = vector.multi_reduction <minimumf>, %select_n3A_314, %reduce_min3A_315 [1] : vector<128x1024xf32> to vector<128xf32>
      %broadcast_in_dim3A_317 = vector.shape_cast %reduce_min3A_316 : vector<128xf32> to vector<128x1xf32>
      %eq3A_318 = vector.broadcast %broadcast_in_dim3A_317 : vector<128x1xf32> to vector<128x1024xf32>
      %eq3A_319 = arith.cmpf oeq, %select_n3A_314, %eq3A_318 : vector<128x1024xf32>
      %broadcast_in_dim3A_320 = vector.broadcast %cond3A : i32 to vector<128x1024xi32>
      %select_n3A_321 = arith.select %eq3A_319, %add3A_119, %broadcast_in_dim3A_320 : vector<128x1024xi1>, vector<128x1024xi32>
      %reduce_min3A_322 = arith.constant dense<2147483647> : vector<128xi32>
      %reduce_min3A_323 = vector.multi_reduction <minsi>, %select_n3A_321, %reduce_min3A_322 [1] : vector<128x1024xi32> to vector<128xi32>
      %broadcast_in_dim3A_324 = vector.shape_cast %reduce_min3A_323 : vector<128xi32> to vector<128x1xi32>
      %eq3A_325 = vector.broadcast %broadcast_in_dim3A_324 : vector<128x1xi32> to vector<128x1024xi32>
      %eq3A_326 = arith.cmpi eq, %add3A_119, %eq3A_325 : vector<128x1024xi32>
      %jit3A_327 = arith.constant 3.000000e+38 : f32
      %broadcast_in_dim3A_328 = vector.broadcast %jit3A_327 : f32 to vector<128x1024xf32>
      %select_n3A_329 = arith.select %eq3A_326, %broadcast_in_dim3A_328, %select_n3A_314 : vector<128x1024xi1>, vector<128x1024xf32>
      %reduce_min3A_330 = arith.constant dense<0x7F800000> : vector<128xf32>
      %reduce_min3A_331 = vector.multi_reduction <minimumf>, %select_n3A_329, %reduce_min3A_330 [1] : vector<128x1024xf32> to vector<128xf32>
      %broadcast_in_dim3A_332 = vector.shape_cast %reduce_min3A_331 : vector<128xf32> to vector<128x1xf32>
      %eq3A_333 = vector.broadcast %broadcast_in_dim3A_332 : vector<128x1xf32> to vector<128x1024xf32>
      %eq3A_334 = arith.cmpf oeq, %select_n3A_329, %eq3A_333 : vector<128x1024xf32>
      %broadcast_in_dim3A_335 = vector.broadcast %cond3A : i32 to vector<128x1024xi32>
      %select_n3A_336 = arith.select %eq3A_334, %add3A_119, %broadcast_in_dim3A_335 : vector<128x1024xi1>, vector<128x1024xi32>
      %reduce_min3A_337 = arith.constant dense<2147483647> : vector<128xi32>
      %reduce_min3A_338 = vector.multi_reduction <minsi>, %select_n3A_336, %reduce_min3A_337 [1] : vector<128x1024xi32> to vector<128xi32>
      %broadcast_in_dim3A_339 = vector.shape_cast %reduce_min3A_338 : vector<128xi32> to vector<128x1xi32>
      %eq3A_340 = vector.broadcast %broadcast_in_dim3A_339 : vector<128x1xi32> to vector<128x1024xi32>
      %eq3A_341 = arith.cmpi eq, %add3A_119, %eq3A_340 : vector<128x1024xi32>
      %jit3A_342 = arith.constant 3.000000e+38 : f32
      %broadcast_in_dim3A_343 = vector.broadcast %jit3A_342 : f32 to vector<128x1024xf32>
      %select_n3A_344 = arith.select %eq3A_341, %broadcast_in_dim3A_343, %select_n3A_329 : vector<128x1024xi1>, vector<128x1024xf32>
      %reduce_min3A_345 = arith.constant dense<0x7F800000> : vector<128xf32>
      %reduce_min3A_346 = vector.multi_reduction <minimumf>, %select_n3A_344, %reduce_min3A_345 [1] : vector<128x1024xf32> to vector<128xf32>
      %broadcast_in_dim3A_347 = vector.shape_cast %reduce_min3A_346 : vector<128xf32> to vector<128x1xf32>
      %eq3A_348 = vector.broadcast %broadcast_in_dim3A_347 : vector<128x1xf32> to vector<128x1024xf32>
      %eq3A_349 = arith.cmpf oeq, %select_n3A_344, %eq3A_348 : vector<128x1024xf32>
      %broadcast_in_dim3A_350 = vector.broadcast %cond3A : i32 to vector<128x1024xi32>
      %select_n3A_351 = arith.select %eq3A_349, %add3A_119, %broadcast_in_dim3A_350 : vector<128x1024xi1>, vector<128x1024xi32>
      %reduce_min3A_352 = arith.constant dense<2147483647> : vector<128xi32>
      %reduce_min3A_353 = vector.multi_reduction <minsi>, %select_n3A_351, %reduce_min3A_352 [1] : vector<128x1024xi32> to vector<128xi32>
      %stack3A = vector.shape_cast %reduce_min3A_128 : vector<128xi32> to vector<128x1xi32>
      %stack3A_354 = vector.shape_cast %reduce_min3A_143 : vector<128xi32> to vector<128x1xi32>
      %stack3A_355 = vector.shape_cast %reduce_min3A_158 : vector<128xi32> to vector<128x1xi32>
      %stack3A_356 = vector.shape_cast %reduce_min3A_173 : vector<128xi32> to vector<128x1xi32>
      %stack3A_357 = vector.shape_cast %reduce_min3A_188 : vector<128xi32> to vector<128x1xi32>
      %stack3A_358 = vector.shape_cast %reduce_min3A_203 : vector<128xi32> to vector<128x1xi32>
      %stack3A_359 = vector.shape_cast %reduce_min3A_218 : vector<128xi32> to vector<128x1xi32>
      %stack3A_360 = vector.shape_cast %reduce_min3A_233 : vector<128xi32> to vector<128x1xi32>
      %stack3A_361 = vector.shape_cast %reduce_min3A_248 : vector<128xi32> to vector<128x1xi32>
      %stack3A_362 = vector.shape_cast %reduce_min3A_263 : vector<128xi32> to vector<128x1xi32>
      %stack3A_363 = vector.shape_cast %reduce_min3A_278 : vector<128xi32> to vector<128x1xi32>
      %stack3A_364 = vector.shape_cast %reduce_min3A_293 : vector<128xi32> to vector<128x1xi32>
      %stack3A_365 = vector.shape_cast %reduce_min3A_308 : vector<128xi32> to vector<128x1xi32>
      %stack3A_366 = vector.shape_cast %reduce_min3A_323 : vector<128xi32> to vector<128x1xi32>
      %stack3A_367 = vector.shape_cast %reduce_min3A_338 : vector<128xi32> to vector<128x1xi32>
      %stack3A_368 = vector.shape_cast %reduce_min3A_353 : vector<128xi32> to vector<128x1xi32>
      %stack3A_369 = tpu.concatenate %stack3A, %stack3A_354, %stack3A_355, %stack3A_356, %stack3A_357, %stack3A_358, %stack3A_359, %stack3A_360, %stack3A_361, %stack3A_362, %stack3A_363, %stack3A_364, %stack3A_365, %stack3A_366, %stack3A_367, %stack3A_368 in 1 : vector<128x1xi32>, vector<128x1xi32>, vector<128x1xi32>, vector<128x1xi32>, vector<128x1xi32>, vector<128x1xi32>, vector<128x1xi32>, vector<128x1xi32>, vector<128x1xi32>, vector<128x1xi32>, vector<128x1xi32>, vector<128x1xi32>, vector<128x1xi32>, vector<128x1xi32>, vector<128x1xi32>, vector<128x1xi32> -> vector<128x16xi32>
      %swap3A = arith.constant 0 : index
      %swap3A_370 = arith.constant 0 : index
      %swap3A_371 = vector.load %arg5[%swap3A, %swap3A_370] : memref<128x16xi32, #tpu.memory_space<vmem>>, vector<128x16xi32>
      tpu.vector_store %arg5[%swap3A, %swap3A_370], %stack3A_369 {strides = array<i32>} : memref<128x16xi32, #tpu.memory_space<vmem>>, vector<128x16xi32>,
    } else {
    }
    %convert_element_type3A_83 = arith.extui %and3A_79 : i1 to i32
    %cond3A_84 = arith.constant 1073741824 : i32
    %cond3A_85 = arith.constant 0 : i32
    %cond3A_86 = arith.cmpi ne, %convert_element_type3A_83, %cond3A_85 : i32
    scf.if %cond3A_86 {
      %get3A_93 = arith.constant 0 : index
      %get3A_94 = arith.index_cast %mul3A_69 : i32 to index
      %get3A_95 = vector.load %arg2[%get3A_93, %get3A_94] : memref<8x8192xf32, #tpu.memory_space<vmem>>, vector<8x2048xf32>
      %get3A_96 = arith.constant 0 : index
      %get3A_97 = arith.index_cast %mul3A_69 : i32 to index
      %get3A_98 = vector.load %arg4[%get3A_96, %get3A_97] : memref<1x8192xi32, #tpu.memory_space<vmem>>, vector<1x2048xi32>
      %mul3A_99 = arith.mulf %get3A_95, %get3A_95 : vector<8x2048xf32>
      %reduce_sum3A_100 = arith.constant dense<0.000000e+00> : vector<2048xf32>
      %reduce_sum3A_101 = vector.multi_reduction <add>, %mul3A_99, %reduce_sum3A_100 [0] : vector<8x2048xf32> to vector<2048xf32>
      %broadcast_in_dim3A_102 = vector.shape_cast %reduce_sum3A_101 : vector<2048xf32> to vector<1x2048xf32>
      %add3A_103 = vector.broadcast %broadcast_in_dim3A : vector<128x1xf32> to vector<128x2048xf32>
      %add3A_104 = vector.broadcast %broadcast_in_dim3A_102 : vector<1x2048xf32> to vector<128x2048xf32>
      %add3A_105 = arith.addf %add3A_103, %add3A_104 : vector<128x2048xf32>
      %dot_general3A = arith.constant dense<0.000000e+00> : vector<128x2048xf32>
      %dot_general3A_106 = tpu.matmul %get3A_1, %get3A_95, %dot_general3A {dimension_numbers = #tpu.dot_dimension_numbers<[1], [0], [0], [1], [0, 0, 1, 1], [], []>, transpose_lhs_hint = false} : vector<128x8xf32>, vector<8x2048xf32>, vector<128x2048xf32> -> vector<128x2048xf32>
      %mul3A_107 = arith.constant 2.000000e+00 : f32
      %mul3A_108 = vector.broadcast %mul3A_107 : f32 to vector<128x2048xf32>
      %mul3A_109 = arith.mulf %mul3A_108, %dot_general3A_106 : vector<128x2048xf32>
      %sub3A_110 = arith.subf %add3A_105, %mul3A_109 : vector<128x2048xf32>
      %ne3A_111 = vector.broadcast %get3A_4 : vector<128x1xi32> to vector<128x2048xi32>
      %ne3A_112 = vector.broadcast %get3A_98 : vector<1x2048xi32> to vector<128x2048xi32>
      %ne3A_113 = arith.cmpi ne, %ne3A_111, %ne3A_112 : vector<128x2048xi32>
      %jit3A_114 = arith.constant 1.000000e+10 : f32
      %broadcast_in_dim3A_115 = vector.broadcast %jit3A_114 : f32 to vector<128x2048xf32>
      %select_n3A_116 = arith.select %ne3A_113, %broadcast_in_dim3A_115, %sub3A_110 : vector<128x2048xi1>, vector<128x2048xf32>
      %iota3A_117 = tpu.iota {dimensions = array<i32: 1>} : vector<128x2048xi32>
      %add3A_118 = vector.broadcast %mul3A_69 : i32 to vector<128x2048xi32>
      %add3A_119 = arith.addi %iota3A_117, %add3A_118 : vector<128x2048xi32>
      %reduce_min3A_120 = arith.constant dense<0x7F800000> : vector<128xf32>
      %reduce_min3A_121 = vector.multi_reduction <minimumf>, %select_n3A_116, %reduce_min3A_120 [1] : vector<128x2048xf32> to vector<128xf32>
      %broadcast_in_dim3A_122 = vector.shape_cast %reduce_min3A_121 : vector<128xf32> to vector<128x1xf32>
      %eq3A_123 = vector.broadcast %broadcast_in_dim3A_122 : vector<128x1xf32> to vector<128x2048xf32>
      %eq3A_124 = arith.cmpf oeq, %select_n3A_116, %eq3A_123 : vector<128x2048xf32>
      %broadcast_in_dim3A_125 = vector.broadcast %cond3A_84 : i32 to vector<128x2048xi32>
      %select_n3A_126 = arith.select %eq3A_124, %add3A_119, %broadcast_in_dim3A_125 : vector<128x2048xi1>, vector<128x2048xi32>
      %reduce_min3A_127 = arith.constant dense<2147483647> : vector<128xi32>
      %reduce_min3A_128 = vector.multi_reduction <minsi>, %select_n3A_126, %reduce_min3A_127 [1] : vector<128x2048xi32> to vector<128xi32>
      %broadcast_in_dim3A_129 = vector.shape_cast %reduce_min3A_128 : vector<128xi32> to vector<128x1xi32>
      %eq3A_130 = vector.broadcast %broadcast_in_dim3A_129 : vector<128x1xi32> to vector<128x2048xi32>
      %eq3A_131 = arith.cmpi eq, %add3A_119, %eq3A_130 : vector<128x2048xi32>
      %jit3A_132 = arith.constant 3.000000e+38 : f32
      %broadcast_in_dim3A_133 = vector.broadcast %jit3A_132 : f32 to vector<128x2048xf32>
      %select_n3A_134 = arith.select %eq3A_131, %broadcast_in_dim3A_133, %select_n3A_116 : vector<128x2048xi1>, vector<128x2048xf32>
      %reduce_min3A_135 = arith.constant dense<0x7F800000> : vector<128xf32>
      %reduce_min3A_136 = vector.multi_reduction <minimumf>, %select_n3A_134, %reduce_min3A_135 [1] : vector<128x2048xf32> to vector<128xf32>
      %broadcast_in_dim3A_137 = vector.shape_cast %reduce_min3A_136 : vector<128xf32> to vector<128x1xf32>
      %eq3A_138 = vector.broadcast %broadcast_in_dim3A_137 : vector<128x1xf32> to vector<128x2048xf32>
      %eq3A_139 = arith.cmpf oeq, %select_n3A_134, %eq3A_138 : vector<128x2048xf32>
      %broadcast_in_dim3A_140 = vector.broadcast %cond3A_84 : i32 to vector<128x2048xi32>
      %select_n3A_141 = arith.select %eq3A_139, %add3A_119, %broadcast_in_dim3A_140 : vector<128x2048xi1>, vector<128x2048xi32>
      %reduce_min3A_142 = arith.constant dense<2147483647> : vector<128xi32>
      %reduce_min3A_143 = vector.multi_reduction <minsi>, %select_n3A_141, %reduce_min3A_142 [1] : vector<128x2048xi32> to vector<128xi32>
      %broadcast_in_dim3A_144 = vector.shape_cast %reduce_min3A_143 : vector<128xi32> to vector<128x1xi32>
      %eq3A_145 = vector.broadcast %broadcast_in_dim3A_144 : vector<128x1xi32> to vector<128x2048xi32>
      %eq3A_146 = arith.cmpi eq, %add3A_119, %eq3A_145 : vector<128x2048xi32>
      %jit3A_147 = arith.constant 3.000000e+38 : f32
      %broadcast_in_dim3A_148 = vector.broadcast %jit3A_147 : f32 to vector<128x2048xf32>
      %select_n3A_149 = arith.select %eq3A_146, %broadcast_in_dim3A_148, %select_n3A_134 : vector<128x2048xi1>, vector<128x2048xf32>
      %reduce_min3A_150 = arith.constant dense<0x7F800000> : vector<128xf32>
      %reduce_min3A_151 = vector.multi_reduction <minimumf>, %select_n3A_149, %reduce_min3A_150 [1] : vector<128x2048xf32> to vector<128xf32>
      %broadcast_in_dim3A_152 = vector.shape_cast %reduce_min3A_151 : vector<128xf32> to vector<128x1xf32>
      %eq3A_153 = vector.broadcast %broadcast_in_dim3A_152 : vector<128x1xf32> to vector<128x2048xf32>
      %eq3A_154 = arith.cmpf oeq, %select_n3A_149, %eq3A_153 : vector<128x2048xf32>
      %broadcast_in_dim3A_155 = vector.broadcast %cond3A_84 : i32 to vector<128x2048xi32>
      %select_n3A_156 = arith.select %eq3A_154, %add3A_119, %broadcast_in_dim3A_155 : vector<128x2048xi1>, vector<128x2048xi32>
      %reduce_min3A_157 = arith.constant dense<2147483647> : vector<128xi32>
      %reduce_min3A_158 = vector.multi_reduction <minsi>, %select_n3A_156, %reduce_min3A_157 [1] : vector<128x2048xi32> to vector<128xi32>
      %broadcast_in_dim3A_159 = vector.shape_cast %reduce_min3A_158 : vector<128xi32> to vector<128x1xi32>
      %eq3A_160 = vector.broadcast %broadcast_in_dim3A_159 : vector<128x1xi32> to vector<128x2048xi32>
      %eq3A_161 = arith.cmpi eq, %add3A_119, %eq3A_160 : vector<128x2048xi32>
      %jit3A_162 = arith.constant 3.000000e+38 : f32
      %broadcast_in_dim3A_163 = vector.broadcast %jit3A_162 : f32 to vector<128x2048xf32>
      %select_n3A_164 = arith.select %eq3A_161, %broadcast_in_dim3A_163, %select_n3A_149 : vector<128x2048xi1>, vector<128x2048xf32>
      %reduce_min3A_165 = arith.constant dense<0x7F800000> : vector<128xf32>
      %reduce_min3A_166 = vector.multi_reduction <minimumf>, %select_n3A_164, %reduce_min3A_165 [1] : vector<128x2048xf32> to vector<128xf32>
      %broadcast_in_dim3A_167 = vector.shape_cast %reduce_min3A_166 : vector<128xf32> to vector<128x1xf32>
      %eq3A_168 = vector.broadcast %broadcast_in_dim3A_167 : vector<128x1xf32> to vector<128x2048xf32>
      %eq3A_169 = arith.cmpf oeq, %select_n3A_164, %eq3A_168 : vector<128x2048xf32>
      %broadcast_in_dim3A_170 = vector.broadcast %cond3A_84 : i32 to vector<128x2048xi32>
      %select_n3A_171 = arith.select %eq3A_169, %add3A_119, %broadcast_in_dim3A_170 : vector<128x2048xi1>, vector<128x2048xi32>
      %reduce_min3A_172 = arith.constant dense<2147483647> : vector<128xi32>
      %reduce_min3A_173 = vector.multi_reduction <minsi>, %select_n3A_171, %reduce_min3A_172 [1] : vector<128x2048xi32> to vector<128xi32>
      %broadcast_in_dim3A_174 = vector.shape_cast %reduce_min3A_173 : vector<128xi32> to vector<128x1xi32>
      %eq3A_175 = vector.broadcast %broadcast_in_dim3A_174 : vector<128x1xi32> to vector<128x2048xi32>
      %eq3A_176 = arith.cmpi eq, %add3A_119, %eq3A_175 : vector<128x2048xi32>
      %jit3A_177 = arith.constant 3.000000e+38 : f32
      %broadcast_in_dim3A_178 = vector.broadcast %jit3A_177 : f32 to vector<128x2048xf32>
      %select_n3A_179 = arith.select %eq3A_176, %broadcast_in_dim3A_178, %select_n3A_164 : vector<128x2048xi1>, vector<128x2048xf32>
      %reduce_min3A_180 = arith.constant dense<0x7F800000> : vector<128xf32>
      %reduce_min3A_181 = vector.multi_reduction <minimumf>, %select_n3A_179, %reduce_min3A_180 [1] : vector<128x2048xf32> to vector<128xf32>
      %broadcast_in_dim3A_182 = vector.shape_cast %reduce_min3A_181 : vector<128xf32> to vector<128x1xf32>
      %eq3A_183 = vector.broadcast %broadcast_in_dim3A_182 : vector<128x1xf32> to vector<128x2048xf32>
      %eq3A_184 = arith.cmpf oeq, %select_n3A_179, %eq3A_183 : vector<128x2048xf32>
      %broadcast_in_dim3A_185 = vector.broadcast %cond3A_84 : i32 to vector<128x2048xi32>
      %select_n3A_186 = arith.select %eq3A_184, %add3A_119, %broadcast_in_dim3A_185 : vector<128x2048xi1>, vector<128x2048xi32>
      %reduce_min3A_187 = arith.constant dense<2147483647> : vector<128xi32>
      %reduce_min3A_188 = vector.multi_reduction <minsi>, %select_n3A_186, %reduce_min3A_187 [1] : vector<128x2048xi32> to vector<128xi32>
      %broadcast_in_dim3A_189 = vector.shape_cast %reduce_min3A_188 : vector<128xi32> to vector<128x1xi32>
      %eq3A_190 = vector.broadcast %broadcast_in_dim3A_189 : vector<128x1xi32> to vector<128x2048xi32>
      %eq3A_191 = arith.cmpi eq, %add3A_119, %eq3A_190 : vector<128x2048xi32>
      %jit3A_192 = arith.constant 3.000000e+38 : f32
      %broadcast_in_dim3A_193 = vector.broadcast %jit3A_192 : f32 to vector<128x2048xf32>
      %select_n3A_194 = arith.select %eq3A_191, %broadcast_in_dim3A_193, %select_n3A_179 : vector<128x2048xi1>, vector<128x2048xf32>
      %reduce_min3A_195 = arith.constant dense<0x7F800000> : vector<128xf32>
      %reduce_min3A_196 = vector.multi_reduction <minimumf>, %select_n3A_194, %reduce_min3A_195 [1] : vector<128x2048xf32> to vector<128xf32>
      %broadcast_in_dim3A_197 = vector.shape_cast %reduce_min3A_196 : vector<128xf32> to vector<128x1xf32>
      %eq3A_198 = vector.broadcast %broadcast_in_dim3A_197 : vector<128x1xf32> to vector<128x2048xf32>
      %eq3A_199 = arith.cmpf oeq, %select_n3A_194, %eq3A_198 : vector<128x2048xf32>
      %broadcast_in_dim3A_200 = vector.broadcast %cond3A_84 : i32 to vector<128x2048xi32>
      %select_n3A_201 = arith.select %eq3A_199, %add3A_119, %broadcast_in_dim3A_200 : vector<128x2048xi1>, vector<128x2048xi32>
      %reduce_min3A_202 = arith.constant dense<2147483647> : vector<128xi32>
      %reduce_min3A_203 = vector.multi_reduction <minsi>, %select_n3A_201, %reduce_min3A_202 [1] : vector<128x2048xi32> to vector<128xi32>
      %broadcast_in_dim3A_204 = vector.shape_cast %reduce_min3A_203 : vector<128xi32> to vector<128x1xi32>
      %eq3A_205 = vector.broadcast %broadcast_in_dim3A_204 : vector<128x1xi32> to vector<128x2048xi32>
      %eq3A_206 = arith.cmpi eq, %add3A_119, %eq3A_205 : vector<128x2048xi32>
      %jit3A_207 = arith.constant 3.000000e+38 : f32
      %broadcast_in_dim3A_208 = vector.broadcast %jit3A_207 : f32 to vector<128x2048xf32>
      %select_n3A_209 = arith.select %eq3A_206, %broadcast_in_dim3A_208, %select_n3A_194 : vector<128x2048xi1>, vector<128x2048xf32>
      %reduce_min3A_210 = arith.constant dense<0x7F800000> : vector<128xf32>
      %reduce_min3A_211 = vector.multi_reduction <minimumf>, %select_n3A_209, %reduce_min3A_210 [1] : vector<128x2048xf32> to vector<128xf32>
      %broadcast_in_dim3A_212 = vector.shape_cast %reduce_min3A_211 : vector<128xf32> to vector<128x1xf32>
      %eq3A_213 = vector.broadcast %broadcast_in_dim3A_212 : vector<128x1xf32> to vector<128x2048xf32>
      %eq3A_214 = arith.cmpf oeq, %select_n3A_209, %eq3A_213 : vector<128x2048xf32>
      %broadcast_in_dim3A_215 = vector.broadcast %cond3A_84 : i32 to vector<128x2048xi32>
      %select_n3A_216 = arith.select %eq3A_214, %add3A_119, %broadcast_in_dim3A_215 : vector<128x2048xi1>, vector<128x2048xi32>
      %reduce_min3A_217 = arith.constant dense<2147483647> : vector<128xi32>
      %reduce_min3A_218 = vector.multi_reduction <minsi>, %select_n3A_216, %reduce_min3A_217 [1] : vector<128x2048xi32> to vector<128xi32>
      %broadcast_in_dim3A_219 = vector.shape_cast %reduce_min3A_218 : vector<128xi32> to vector<128x1xi32>
      %eq3A_220 = vector.broadcast %broadcast_in_dim3A_219 : vector<128x1xi32> to vector<128x2048xi32>
      %eq3A_221 = arith.cmpi eq, %add3A_119, %eq3A_220 : vector<128x2048xi32>
      %jit3A_222 = arith.constant 3.000000e+38 : f32
      %broadcast_in_dim3A_223 = vector.broadcast %jit3A_222 : f32 to vector<128x2048xf32>
      %select_n3A_224 = arith.select %eq3A_221, %broadcast_in_dim3A_223, %select_n3A_209 : vector<128x2048xi1>, vector<128x2048xf32>
      %reduce_min3A_225 = arith.constant dense<0x7F800000> : vector<128xf32>
      %reduce_min3A_226 = vector.multi_reduction <minimumf>, %select_n3A_224, %reduce_min3A_225 [1] : vector<128x2048xf32> to vector<128xf32>
      %broadcast_in_dim3A_227 = vector.shape_cast %reduce_min3A_226 : vector<128xf32> to vector<128x1xf32>
      %eq3A_228 = vector.broadcast %broadcast_in_dim3A_227 : vector<128x1xf32> to vector<128x2048xf32>
      %eq3A_229 = arith.cmpf oeq, %select_n3A_224, %eq3A_228 : vector<128x2048xf32>
      %broadcast_in_dim3A_230 = vector.broadcast %cond3A_84 : i32 to vector<128x2048xi32>
      %select_n3A_231 = arith.select %eq3A_229, %add3A_119, %broadcast_in_dim3A_230 : vector<128x2048xi1>, vector<128x2048xi32>
      %reduce_min3A_232 = arith.constant dense<2147483647> : vector<128xi32>
      %reduce_min3A_233 = vector.multi_reduction <minsi>, %select_n3A_231, %reduce_min3A_232 [1] : vector<128x2048xi32> to vector<128xi32>
      %broadcast_in_dim3A_234 = vector.shape_cast %reduce_min3A_233 : vector<128xi32> to vector<128x1xi32>
      %eq3A_235 = vector.broadcast %broadcast_in_dim3A_234 : vector<128x1xi32> to vector<128x2048xi32>
      %eq3A_236 = arith.cmpi eq, %add3A_119, %eq3A_235 : vector<128x2048xi32>
      %jit3A_237 = arith.constant 3.000000e+38 : f32
      %broadcast_in_dim3A_238 = vector.broadcast %jit3A_237 : f32 to vector<128x2048xf32>
      %select_n3A_239 = arith.select %eq3A_236, %broadcast_in_dim3A_238, %select_n3A_224 : vector<128x2048xi1>, vector<128x2048xf32>
      %reduce_min3A_240 = arith.constant dense<0x7F800000> : vector<128xf32>
      %reduce_min3A_241 = vector.multi_reduction <minimumf>, %select_n3A_239, %reduce_min3A_240 [1] : vector<128x2048xf32> to vector<128xf32>
      %broadcast_in_dim3A_242 = vector.shape_cast %reduce_min3A_241 : vector<128xf32> to vector<128x1xf32>
      %eq3A_243 = vector.broadcast %broadcast_in_dim3A_242 : vector<128x1xf32> to vector<128x2048xf32>
      %eq3A_244 = arith.cmpf oeq, %select_n3A_239, %eq3A_243 : vector<128x2048xf32>
      %broadcast_in_dim3A_245 = vector.broadcast %cond3A_84 : i32 to vector<128x2048xi32>
      %select_n3A_246 = arith.select %eq3A_244, %add3A_119, %broadcast_in_dim3A_245 : vector<128x2048xi1>, vector<128x2048xi32>
      %reduce_min3A_247 = arith.constant dense<2147483647> : vector<128xi32>
      %reduce_min3A_248 = vector.multi_reduction <minsi>, %select_n3A_246, %reduce_min3A_247 [1] : vector<128x2048xi32> to vector<128xi32>
      %broadcast_in_dim3A_249 = vector.shape_cast %reduce_min3A_248 : vector<128xi32> to vector<128x1xi32>
      %eq3A_250 = vector.broadcast %broadcast_in_dim3A_249 : vector<128x1xi32> to vector<128x2048xi32>
      %eq3A_251 = arith.cmpi eq, %add3A_119, %eq3A_250 : vector<128x2048xi32>
      %jit3A_252 = arith.constant 3.000000e+38 : f32
      %broadcast_in_dim3A_253 = vector.broadcast %jit3A_252 : f32 to vector<128x2048xf32>
      %select_n3A_254 = arith.select %eq3A_251, %broadcast_in_dim3A_253, %select_n3A_239 : vector<128x2048xi1>, vector<128x2048xf32>
      %reduce_min3A_255 = arith.constant dense<0x7F800000> : vector<128xf32>
      %reduce_min3A_256 = vector.multi_reduction <minimumf>, %select_n3A_254, %reduce_min3A_255 [1] : vector<128x2048xf32> to vector<128xf32>
      %broadcast_in_dim3A_257 = vector.shape_cast %reduce_min3A_256 : vector<128xf32> to vector<128x1xf32>
      %eq3A_258 = vector.broadcast %broadcast_in_dim3A_257 : vector<128x1xf32> to vector<128x2048xf32>
      %eq3A_259 = arith.cmpf oeq, %select_n3A_254, %eq3A_258 : vector<128x2048xf32>
      %broadcast_in_dim3A_260 = vector.broadcast %cond3A_84 : i32 to vector<128x2048xi32>
      %select_n3A_261 = arith.select %eq3A_259, %add3A_119, %broadcast_in_dim3A_260 : vector<128x2048xi1>, vector<128x2048xi32>
      %reduce_min3A_262 = arith.constant dense<2147483647> : vector<128xi32>
      %reduce_min3A_263 = vector.multi_reduction <minsi>, %select_n3A_261, %reduce_min3A_262 [1] : vector<128x2048xi32> to vector<128xi32>
      %broadcast_in_dim3A_264 = vector.shape_cast %reduce_min3A_263 : vector<128xi32> to vector<128x1xi32>
      %eq3A_265 = vector.broadcast %broadcast_in_dim3A_264 : vector<128x1xi32> to vector<128x2048xi32>
      %eq3A_266 = arith.cmpi eq, %add3A_119, %eq3A_265 : vector<128x2048xi32>
      %jit3A_267 = arith.constant 3.000000e+38 : f32
      %broadcast_in_dim3A_268 = vector.broadcast %jit3A_267 : f32 to vector<128x2048xf32>
      %select_n3A_269 = arith.select %eq3A_266, %broadcast_in_dim3A_268, %select_n3A_254 : vector<128x2048xi1>, vector<128x2048xf32>
      %reduce_min3A_270 = arith.constant dense<0x7F800000> : vector<128xf32>
      %reduce_min3A_271 = vector.multi_reduction <minimumf>, %select_n3A_269, %reduce_min3A_270 [1] : vector<128x2048xf32> to vector<128xf32>
      %broadcast_in_dim3A_272 = vector.shape_cast %reduce_min3A_271 : vector<128xf32> to vector<128x1xf32>
      %eq3A_273 = vector.broadcast %broadcast_in_dim3A_272 : vector<128x1xf32> to vector<128x2048xf32>
      %eq3A_274 = arith.cmpf oeq, %select_n3A_269, %eq3A_273 : vector<128x2048xf32>
      %broadcast_in_dim3A_275 = vector.broadcast %cond3A_84 : i32 to vector<128x2048xi32>
      %select_n3A_276 = arith.select %eq3A_274, %add3A_119, %broadcast_in_dim3A_275 : vector<128x2048xi1>, vector<128x2048xi32>
      %reduce_min3A_277 = arith.constant dense<2147483647> : vector<128xi32>
      %reduce_min3A_278 = vector.multi_reduction <minsi>, %select_n3A_276, %reduce_min3A_277 [1] : vector<128x2048xi32> to vector<128xi32>
      %broadcast_in_dim3A_279 = vector.shape_cast %reduce_min3A_278 : vector<128xi32> to vector<128x1xi32>
      %eq3A_280 = vector.broadcast %broadcast_in_dim3A_279 : vector<128x1xi32> to vector<128x2048xi32>
      %eq3A_281 = arith.cmpi eq, %add3A_119, %eq3A_280 : vector<128x2048xi32>
      %jit3A_282 = arith.constant 3.000000e+38 : f32
      %broadcast_in_dim3A_283 = vector.broadcast %jit3A_282 : f32 to vector<128x2048xf32>
      %select_n3A_284 = arith.select %eq3A_281, %broadcast_in_dim3A_283, %select_n3A_269 : vector<128x2048xi1>, vector<128x2048xf32>
      %reduce_min3A_285 = arith.constant dense<0x7F800000> : vector<128xf32>
      %reduce_min3A_286 = vector.multi_reduction <minimumf>, %select_n3A_284, %reduce_min3A_285 [1] : vector<128x2048xf32> to vector<128xf32>
      %broadcast_in_dim3A_287 = vector.shape_cast %reduce_min3A_286 : vector<128xf32> to vector<128x1xf32>
      %eq3A_288 = vector.broadcast %broadcast_in_dim3A_287 : vector<128x1xf32> to vector<128x2048xf32>
      %eq3A_289 = arith.cmpf oeq, %select_n3A_284, %eq3A_288 : vector<128x2048xf32>
      %broadcast_in_dim3A_290 = vector.broadcast %cond3A_84 : i32 to vector<128x2048xi32>
      %select_n3A_291 = arith.select %eq3A_289, %add3A_119, %broadcast_in_dim3A_290 : vector<128x2048xi1>, vector<128x2048xi32>
      %reduce_min3A_292 = arith.constant dense<2147483647> : vector<128xi32>
      %reduce_min3A_293 = vector.multi_reduction <minsi>, %select_n3A_291, %reduce_min3A_292 [1] : vector<128x2048xi32> to vector<128xi32>
      %broadcast_in_dim3A_294 = vector.shape_cast %reduce_min3A_293 : vector<128xi32> to vector<128x1xi32>
      %eq3A_295 = vector.broadcast %broadcast_in_dim3A_294 : vector<128x1xi32> to vector<128x2048xi32>
      %eq3A_296 = arith.cmpi eq, %add3A_119, %eq3A_295 : vector<128x2048xi32>
      %jit3A_297 = arith.constant 3.000000e+38 : f32
      %broadcast_in_dim3A_298 = vector.broadcast %jit3A_297 : f32 to vector<128x2048xf32>
      %select_n3A_299 = arith.select %eq3A_296, %broadcast_in_dim3A_298, %select_n3A_284 : vector<128x2048xi1>, vector<128x2048xf32>
      %reduce_min3A_300 = arith.constant dense<0x7F800000> : vector<128xf32>
      %reduce_min3A_301 = vector.multi_reduction <minimumf>, %select_n3A_299, %reduce_min3A_300 [1] : vector<128x2048xf32> to vector<128xf32>
      %broadcast_in_dim3A_302 = vector.shape_cast %reduce_min3A_301 : vector<128xf32> to vector<128x1xf32>
      %eq3A_303 = vector.broadcast %broadcast_in_dim3A_302 : vector<128x1xf32> to vector<128x2048xf32>
      %eq3A_304 = arith.cmpf oeq, %select_n3A_299, %eq3A_303 : vector<128x2048xf32>
      %broadcast_in_dim3A_305 = vector.broadcast %cond3A_84 : i32 to vector<128x2048xi32>
      %select_n3A_306 = arith.select %eq3A_304, %add3A_119, %broadcast_in_dim3A_305 : vector<128x2048xi1>, vector<128x2048xi32>
      %reduce_min3A_307 = arith.constant dense<2147483647> : vector<128xi32>
      %reduce_min3A_308 = vector.multi_reduction <minsi>, %select_n3A_306, %reduce_min3A_307 [1] : vector<128x2048xi32> to vector<128xi32>
      %broadcast_in_dim3A_309 = vector.shape_cast %reduce_min3A_308 : vector<128xi32> to vector<128x1xi32>
      %eq3A_310 = vector.broadcast %broadcast_in_dim3A_309 : vector<128x1xi32> to vector<128x2048xi32>
      %eq3A_311 = arith.cmpi eq, %add3A_119, %eq3A_310 : vector<128x2048xi32>
      %jit3A_312 = arith.constant 3.000000e+38 : f32
      %broadcast_in_dim3A_313 = vector.broadcast %jit3A_312 : f32 to vector<128x2048xf32>
      %select_n3A_314 = arith.select %eq3A_311, %broadcast_in_dim3A_313, %select_n3A_299 : vector<128x2048xi1>, vector<128x2048xf32>
      %reduce_min3A_315 = arith.constant dense<0x7F800000> : vector<128xf32>
      %reduce_min3A_316 = vector.multi_reduction <minimumf>, %select_n3A_314, %reduce_min3A_315 [1] : vector<128x2048xf32> to vector<128xf32>
      %broadcast_in_dim3A_317 = vector.shape_cast %reduce_min3A_316 : vector<128xf32> to vector<128x1xf32>
      %eq3A_318 = vector.broadcast %broadcast_in_dim3A_317 : vector<128x1xf32> to vector<128x2048xf32>
      %eq3A_319 = arith.cmpf oeq, %select_n3A_314, %eq3A_318 : vector<128x2048xf32>
      %broadcast_in_dim3A_320 = vector.broadcast %cond3A_84 : i32 to vector<128x2048xi32>
      %select_n3A_321 = arith.select %eq3A_319, %add3A_119, %broadcast_in_dim3A_320 : vector<128x2048xi1>, vector<128x2048xi32>
      %reduce_min3A_322 = arith.constant dense<2147483647> : vector<128xi32>
      %reduce_min3A_323 = vector.multi_reduction <minsi>, %select_n3A_321, %reduce_min3A_322 [1] : vector<128x2048xi32> to vector<128xi32>
      %broadcast_in_dim3A_324 = vector.shape_cast %reduce_min3A_323 : vector<128xi32> to vector<128x1xi32>
      %eq3A_325 = vector.broadcast %broadcast_in_dim3A_324 : vector<128x1xi32> to vector<128x2048xi32>
      %eq3A_326 = arith.cmpi eq, %add3A_119, %eq3A_325 : vector<128x2048xi32>
      %jit3A_327 = arith.constant 3.000000e+38 : f32
      %broadcast_in_dim3A_328 = vector.broadcast %jit3A_327 : f32 to vector<128x2048xf32>
      %select_n3A_329 = arith.select %eq3A_326, %broadcast_in_dim3A_328, %select_n3A_314 : vector<128x2048xi1>, vector<128x2048xf32>
      %reduce_min3A_330 = arith.constant dense<0x7F800000> : vector<128xf32>
      %reduce_min3A_331 = vector.multi_reduction <minimumf>, %select_n3A_329, %reduce_min3A_330 [1] : vector<128x2048xf32> to vector<128xf32>
      %broadcast_in_dim3A_332 = vector.shape_cast %reduce_min3A_331 : vector<128xf32> to vector<128x1xf32>
      %eq3A_333 = vector.broadcast %broadcast_in_dim3A_332 : vector<128x1xf32> to vector<128x2048xf32>
      %eq3A_334 = arith.cmpf oeq, %select_n3A_329, %eq3A_333 : vector<128x2048xf32>
      %broadcast_in_dim3A_335 = vector.broadcast %cond3A_84 : i32 to vector<128x2048xi32>
      %select_n3A_336 = arith.select %eq3A_334, %add3A_119, %broadcast_in_dim3A_335 : vector<128x2048xi1>, vector<128x2048xi32>
      %reduce_min3A_337 = arith.constant dense<2147483647> : vector<128xi32>
      %reduce_min3A_338 = vector.multi_reduction <minsi>, %select_n3A_336, %reduce_min3A_337 [1] : vector<128x2048xi32> to vector<128xi32>
      %broadcast_in_dim3A_339 = vector.shape_cast %reduce_min3A_338 : vector<128xi32> to vector<128x1xi32>
      %eq3A_340 = vector.broadcast %broadcast_in_dim3A_339 : vector<128x1xi32> to vector<128x2048xi32>
      %eq3A_341 = arith.cmpi eq, %add3A_119, %eq3A_340 : vector<128x2048xi32>
      %jit3A_342 = arith.constant 3.000000e+38 : f32
      %broadcast_in_dim3A_343 = vector.broadcast %jit3A_342 : f32 to vector<128x2048xf32>
      %select_n3A_344 = arith.select %eq3A_341, %broadcast_in_dim3A_343, %select_n3A_329 : vector<128x2048xi1>, vector<128x2048xf32>
      %reduce_min3A_345 = arith.constant dense<0x7F800000> : vector<128xf32>
      %reduce_min3A_346 = vector.multi_reduction <minimumf>, %select_n3A_344, %reduce_min3A_345 [1] : vector<128x2048xf32> to vector<128xf32>
      %broadcast_in_dim3A_347 = vector.shape_cast %reduce_min3A_346 : vector<128xf32> to vector<128x1xf32>
      %eq3A_348 = vector.broadcast %broadcast_in_dim3A_347 : vector<128x1xf32> to vector<128x2048xf32>
      %eq3A_349 = arith.cmpf oeq, %select_n3A_344, %eq3A_348 : vector<128x2048xf32>
      %broadcast_in_dim3A_350 = vector.broadcast %cond3A_84 : i32 to vector<128x2048xi32>
      %select_n3A_351 = arith.select %eq3A_349, %add3A_119, %broadcast_in_dim3A_350 : vector<128x2048xi1>, vector<128x2048xi32>
      %reduce_min3A_352 = arith.constant dense<2147483647> : vector<128xi32>
      %reduce_min3A_353 = vector.multi_reduction <minsi>, %select_n3A_351, %reduce_min3A_352 [1] : vector<128x2048xi32> to vector<128xi32>
      %stack3A = vector.shape_cast %reduce_min3A_128 : vector<128xi32> to vector<128x1xi32>
      %stack3A_354 = vector.shape_cast %reduce_min3A_143 : vector<128xi32> to vector<128x1xi32>
      %stack3A_355 = vector.shape_cast %reduce_min3A_158 : vector<128xi32> to vector<128x1xi32>
      %stack3A_356 = vector.shape_cast %reduce_min3A_173 : vector<128xi32> to vector<128x1xi32>
      %stack3A_357 = vector.shape_cast %reduce_min3A_188 : vector<128xi32> to vector<128x1xi32>
      %stack3A_358 = vector.shape_cast %reduce_min3A_203 : vector<128xi32> to vector<128x1xi32>
      %stack3A_359 = vector.shape_cast %reduce_min3A_218 : vector<128xi32> to vector<128x1xi32>
      %stack3A_360 = vector.shape_cast %reduce_min3A_233 : vector<128xi32> to vector<128x1xi32>
      %stack3A_361 = vector.shape_cast %reduce_min3A_248 : vector<128xi32> to vector<128x1xi32>
      %stack3A_362 = vector.shape_cast %reduce_min3A_263 : vector<128xi32> to vector<128x1xi32>
      %stack3A_363 = vector.shape_cast %reduce_min3A_278 : vector<128xi32> to vector<128x1xi32>
      %stack3A_364 = vector.shape_cast %reduce_min3A_293 : vector<128xi32> to vector<128x1xi32>
      %stack3A_365 = vector.shape_cast %reduce_min3A_308 : vector<128xi32> to vector<128x1xi32>
      %stack3A_366 = vector.shape_cast %reduce_min3A_323 : vector<128xi32> to vector<128x1xi32>
      %stack3A_367 = vector.shape_cast %reduce_min3A_338 : vector<128xi32> to vector<128x1xi32>
      %stack3A_368 = vector.shape_cast %reduce_min3A_353 : vector<128xi32> to vector<128x1xi32>
      %stack3A_369 = tpu.concatenate %stack3A, %stack3A_354, %stack3A_355, %stack3A_356, %stack3A_357, %stack3A_358, %stack3A_359, %stack3A_360, %stack3A_361, %stack3A_362, %stack3A_363, %stack3A_364, %stack3A_365, %stack3A_366, %stack3A_367, %stack3A_368 in 1 : vector<128x1xi32>, vector<128x1xi32>, vector<128x1xi32>, vector<128x1xi32>, vector<128x1xi32>, vector<128x1xi32>, vector<128x1xi32>, vector<128x1xi32>, vector<128x1xi32>, vector<128x1xi32>, vector<128x1xi32>, vector<128x1xi32>, vector<128x1xi32>, vector<128x1xi32>, vector<128x1xi32>, vector<128x1xi32> -> vector<128x16xi32>
      %swap3A = arith.constant 0 : index
      %swap3A_370 = arith.constant 0 : index
      %swap3A_371 = vector.load %arg5[%swap3A, %swap3A_370] : memref<128x16xi32, #tpu.memory_space<vmem>>, vector<128x16xi32>
      tpu.vector_store %arg5[%swap3A, %swap3A_370], %stack3A_369 {strides = array<i32>} : memref<128x16xi32, #tpu.memory_space<vmem>>, vector<128x16xi32>,
    } else {
    }
    %or3A = arith.ori %and3A_73, %and3A_79 : i1
    %not3A_87 = arith.constant true
    %not3A_88 = arith.xori %or3A, %not3A_87 : i1
    %convert_element_type3A_89 = arith.extui %not3A_88 : i1 to i32
    %cond3A_90 = arith.constant 1073741824 : i32
    %cond3A_91 = arith.constant 0 : i32
    %cond3A_92 = arith.cmpi ne, %convert_element_type3A_89, %cond3A_91 : i32
    scf.if %cond3A_92 {
      %get3A_93 = arith.constant 0 : index
      %get3A_94 = arith.constant 0 : index
      %get3A_95 = vector.load %arg2[%get3A_93, %get3A_94] : memref<8x8192xf32, #tpu.memory_space<vmem>>, vector<8x8192xf32>
      %mul3A_96 = arith.mulf %get3A_95, %get3A_95 : vector<8x8192xf32>
      %reduce_sum3A_97 = arith.constant dense<0.000000e+00> : vector<8192xf32>
      %reduce_sum3A_98 = vector.multi_reduction <add>, %mul3A_96, %reduce_sum3A_97 [0] : vector<8x8192xf32> to vector<8192xf32>
      %broadcast_in_dim3A_99 = vector.shape_cast %reduce_sum3A_98 : vector<8192xf32> to vector<1x8192xf32>
      %add3A_100 = vector.broadcast %broadcast_in_dim3A : vector<128x1xf32> to vector<128x8192xf32>
      %add3A_101 = vector.broadcast %broadcast_in_dim3A_99 : vector<1x8192xf32> to vector<128x8192xf32>
      %add3A_102 = arith.addf %add3A_100, %add3A_101 : vector<128x8192xf32>
      %dot_general3A = arith.constant dense<0.000000e+00> : vector<128x8192xf32>
      %dot_general3A_103 = tpu.matmul %get3A_1, %get3A_95, %dot_general3A {dimension_numbers = #tpu.dot_dimension_numbers<[1], [0], [0], [1], [0, 0, 1, 1], [], []>, transpose_lhs_hint = false} : vector<128x8xf32>, vector<8x8192xf32>, vector<128x8192xf32> -> vector<128x8192xf32>
      %mul3A_104 = arith.constant 2.000000e+00 : f32
      %mul3A_105 = vector.broadcast %mul3A_104 : f32 to vector<128x8192xf32>
      %mul3A_106 = arith.mulf %mul3A_105, %dot_general3A_103 : vector<128x8192xf32>
      %sub3A_107 = arith.subf %add3A_102, %mul3A_106 : vector<128x8192xf32>
      %ne3A_108 = vector.broadcast %get3A_4 : vector<128x1xi32> to vector<128x8192xi32>
      %ne3A_109 = vector.broadcast %get3A_7 : vector<1x8192xi32> to vector<128x8192xi32>
      %ne3A_110 = arith.cmpi ne, %ne3A_108, %ne3A_109 : vector<128x8192xi32>
      %jit3A_111 = arith.constant 1.000000e+10 : f32
      %broadcast_in_dim3A_112 = vector.broadcast %jit3A_111 : f32 to vector<128x8192xf32>
      %select_n3A_113 = arith.select %ne3A_110, %broadcast_in_dim3A_112, %sub3A_107 : vector<128x8192xi1>, vector<128x8192xf32>
      %iota3A_114 = tpu.iota {dimensions = array<i32: 1>} : vector<128x8192xi32>
      %reduce_min3A_115 = arith.constant dense<0x7F800000> : vector<128xf32>
      %reduce_min3A_116 = vector.multi_reduction <minimumf>, %select_n3A_113, %reduce_min3A_115 [1] : vector<128x8192xf32> to vector<128xf32>
      %broadcast_in_dim3A_117 = vector.shape_cast %reduce_min3A_116 : vector<128xf32> to vector<128x1xf32>
      %eq3A_118 = vector.broadcast %broadcast_in_dim3A_117 : vector<128x1xf32> to vector<128x8192xf32>
      %eq3A_119 = arith.cmpf oeq, %select_n3A_113, %eq3A_118 : vector<128x8192xf32>
      %broadcast_in_dim3A_120 = vector.broadcast %cond3A_90 : i32 to vector<128x8192xi32>
      %select_n3A_121 = arith.select %eq3A_119, %iota3A_114, %broadcast_in_dim3A_120 : vector<128x8192xi1>, vector<128x8192xi32>
      %reduce_min3A_122 = arith.constant dense<2147483647> : vector<128xi32>
      %reduce_min3A_123 = vector.multi_reduction <minsi>, %select_n3A_121, %reduce_min3A_122 [1] : vector<128x8192xi32> to vector<128xi32>
      %broadcast_in_dim3A_124 = vector.shape_cast %reduce_min3A_123 : vector<128xi32> to vector<128x1xi32>
      %eq3A_125 = vector.broadcast %broadcast_in_dim3A_124 : vector<128x1xi32> to vector<128x8192xi32>
      %eq3A_126 = arith.cmpi eq, %iota3A_114, %eq3A_125 : vector<128x8192xi32>
      %jit3A_127 = arith.constant 3.000000e+38 : f32
      %broadcast_in_dim3A_128 = vector.broadcast %jit3A_127 : f32 to vector<128x8192xf32>
      %select_n3A_129 = arith.select %eq3A_126, %broadcast_in_dim3A_128, %select_n3A_113 : vector<128x8192xi1>, vector<128x8192xf32>
      %reduce_min3A_130 = arith.constant dense<0x7F800000> : vector<128xf32>
      %reduce_min3A_131 = vector.multi_reduction <minimumf>, %select_n3A_129, %reduce_min3A_130 [1] : vector<128x8192xf32> to vector<128xf32>
      %broadcast_in_dim3A_132 = vector.shape_cast %reduce_min3A_131 : vector<128xf32> to vector<128x1xf32>
      %eq3A_133 = vector.broadcast %broadcast_in_dim3A_132 : vector<128x1xf32> to vector<128x8192xf32>
      %eq3A_134 = arith.cmpf oeq, %select_n3A_129, %eq3A_133 : vector<128x8192xf32>
      %broadcast_in_dim3A_135 = vector.broadcast %cond3A_90 : i32 to vector<128x8192xi32>
      %select_n3A_136 = arith.select %eq3A_134, %iota3A_114, %broadcast_in_dim3A_135 : vector<128x8192xi1>, vector<128x8192xi32>
      %reduce_min3A_137 = arith.constant dense<2147483647> : vector<128xi32>
      %reduce_min3A_138 = vector.multi_reduction <minsi>, %select_n3A_136, %reduce_min3A_137 [1] : vector<128x8192xi32> to vector<128xi32>
      %broadcast_in_dim3A_139 = vector.shape_cast %reduce_min3A_138 : vector<128xi32> to vector<128x1xi32>
      %eq3A_140 = vector.broadcast %broadcast_in_dim3A_139 : vector<128x1xi32> to vector<128x8192xi32>
      %eq3A_141 = arith.cmpi eq, %iota3A_114, %eq3A_140 : vector<128x8192xi32>
      %jit3A_142 = arith.constant 3.000000e+38 : f32
      %broadcast_in_dim3A_143 = vector.broadcast %jit3A_142 : f32 to vector<128x8192xf32>
      %select_n3A_144 = arith.select %eq3A_141, %broadcast_in_dim3A_143, %select_n3A_129 : vector<128x8192xi1>, vector<128x8192xf32>
      %reduce_min3A_145 = arith.constant dense<0x7F800000> : vector<128xf32>
      %reduce_min3A_146 = vector.multi_reduction <minimumf>, %select_n3A_144, %reduce_min3A_145 [1] : vector<128x8192xf32> to vector<128xf32>
      %broadcast_in_dim3A_147 = vector.shape_cast %reduce_min3A_146 : vector<128xf32> to vector<128x1xf32>
      %eq3A_148 = vector.broadcast %broadcast_in_dim3A_147 : vector<128x1xf32> to vector<128x8192xf32>
      %eq3A_149 = arith.cmpf oeq, %select_n3A_144, %eq3A_148 : vector<128x8192xf32>
      %broadcast_in_dim3A_150 = vector.broadcast %cond3A_90 : i32 to vector<128x8192xi32>
      %select_n3A_151 = arith.select %eq3A_149, %iota3A_114, %broadcast_in_dim3A_150 : vector<128x8192xi1>, vector<128x8192xi32>
      %reduce_min3A_152 = arith.constant dense<2147483647> : vector<128xi32>
      %reduce_min3A_153 = vector.multi_reduction <minsi>, %select_n3A_151, %reduce_min3A_152 [1] : vector<128x8192xi32> to vector<128xi32>
      %broadcast_in_dim3A_154 = vector.shape_cast %reduce_min3A_153 : vector<128xi32> to vector<128x1xi32>
      %eq3A_155 = vector.broadcast %broadcast_in_dim3A_154 : vector<128x1xi32> to vector<128x8192xi32>
      %eq3A_156 = arith.cmpi eq, %iota3A_114, %eq3A_155 : vector<128x8192xi32>
      %jit3A_157 = arith.constant 3.000000e+38 : f32
      %broadcast_in_dim3A_158 = vector.broadcast %jit3A_157 : f32 to vector<128x8192xf32>
      %select_n3A_159 = arith.select %eq3A_156, %broadcast_in_dim3A_158, %select_n3A_144 : vector<128x8192xi1>, vector<128x8192xf32>
      %reduce_min3A_160 = arith.constant dense<0x7F800000> : vector<128xf32>
      %reduce_min3A_161 = vector.multi_reduction <minimumf>, %select_n3A_159, %reduce_min3A_160 [1] : vector<128x8192xf32> to vector<128xf32>
      %broadcast_in_dim3A_162 = vector.shape_cast %reduce_min3A_161 : vector<128xf32> to vector<128x1xf32>
      %eq3A_163 = vector.broadcast %broadcast_in_dim3A_162 : vector<128x1xf32> to vector<128x8192xf32>
      %eq3A_164 = arith.cmpf oeq, %select_n3A_159, %eq3A_163 : vector<128x8192xf32>
      %broadcast_in_dim3A_165 = vector.broadcast %cond3A_90 : i32 to vector<128x8192xi32>
      %select_n3A_166 = arith.select %eq3A_164, %iota3A_114, %broadcast_in_dim3A_165 : vector<128x8192xi1>, vector<128x8192xi32>
      %reduce_min3A_167 = arith.constant dense<2147483647> : vector<128xi32>
      %reduce_min3A_168 = vector.multi_reduction <minsi>, %select_n3A_166, %reduce_min3A_167 [1] : vector<128x8192xi32> to vector<128xi32>
      %broadcast_in_dim3A_169 = vector.shape_cast %reduce_min3A_168 : vector<128xi32> to vector<128x1xi32>
      %eq3A_170 = vector.broadcast %broadcast_in_dim3A_169 : vector<128x1xi32> to vector<128x8192xi32>
      %eq3A_171 = arith.cmpi eq, %iota3A_114, %eq3A_170 : vector<128x8192xi32>
      %jit3A_172 = arith.constant 3.000000e+38 : f32
      %broadcast_in_dim3A_173 = vector.broadcast %jit3A_172 : f32 to vector<128x8192xf32>
      %select_n3A_174 = arith.select %eq3A_171, %broadcast_in_dim3A_173, %select_n3A_159 : vector<128x8192xi1>, vector<128x8192xf32>
      %reduce_min3A_175 = arith.constant dense<0x7F800000> : vector<128xf32>
      %reduce_min3A_176 = vector.multi_reduction <minimumf>, %select_n3A_174, %reduce_min3A_175 [1] : vector<128x8192xf32> to vector<128xf32>
      %broadcast_in_dim3A_177 = vector.shape_cast %reduce_min3A_176 : vector<128xf32> to vector<128x1xf32>
      %eq3A_178 = vector.broadcast %broadcast_in_dim3A_177 : vector<128x1xf32> to vector<128x8192xf32>
      %eq3A_179 = arith.cmpf oeq, %select_n3A_174, %eq3A_178 : vector<128x8192xf32>
      %broadcast_in_dim3A_180 = vector.broadcast %cond3A_90 : i32 to vector<128x8192xi32>
      %select_n3A_181 = arith.select %eq3A_179, %iota3A_114, %broadcast_in_dim3A_180 : vector<128x8192xi1>, vector<128x8192xi32>
      %reduce_min3A_182 = arith.constant dense<2147483647> : vector<128xi32>
      %reduce_min3A_183 = vector.multi_reduction <minsi>, %select_n3A_181, %reduce_min3A_182 [1] : vector<128x8192xi32> to vector<128xi32>
      %broadcast_in_dim3A_184 = vector.shape_cast %reduce_min3A_183 : vector<128xi32> to vector<128x1xi32>
      %eq3A_185 = vector.broadcast %broadcast_in_dim3A_184 : vector<128x1xi32> to vector<128x8192xi32>
      %eq3A_186 = arith.cmpi eq, %iota3A_114, %eq3A_185 : vector<128x8192xi32>
      %jit3A_187 = arith.constant 3.000000e+38 : f32
      %broadcast_in_dim3A_188 = vector.broadcast %jit3A_187 : f32 to vector<128x8192xf32>
      %select_n3A_189 = arith.select %eq3A_186, %broadcast_in_dim3A_188, %select_n3A_174 : vector<128x8192xi1>, vector<128x8192xf32>
      %reduce_min3A_190 = arith.constant dense<0x7F800000> : vector<128xf32>
      %reduce_min3A_191 = vector.multi_reduction <minimumf>, %select_n3A_189, %reduce_min3A_190 [1] : vector<128x8192xf32> to vector<128xf32>
      %broadcast_in_dim3A_192 = vector.shape_cast %reduce_min3A_191 : vector<128xf32> to vector<128x1xf32>
      %eq3A_193 = vector.broadcast %broadcast_in_dim3A_192 : vector<128x1xf32> to vector<128x8192xf32>
      %eq3A_194 = arith.cmpf oeq, %select_n3A_189, %eq3A_193 : vector<128x8192xf32>
      %broadcast_in_dim3A_195 = vector.broadcast %cond3A_90 : i32 to vector<128x8192xi32>
      %select_n3A_196 = arith.select %eq3A_194, %iota3A_114, %broadcast_in_dim3A_195 : vector<128x8192xi1>, vector<128x8192xi32>
      %reduce_min3A_197 = arith.constant dense<2147483647> : vector<128xi32>
      %reduce_min3A_198 = vector.multi_reduction <minsi>, %select_n3A_196, %reduce_min3A_197 [1] : vector<128x8192xi32> to vector<128xi32>
      %broadcast_in_dim3A_199 = vector.shape_cast %reduce_min3A_198 : vector<128xi32> to vector<128x1xi32>
      %eq3A_200 = vector.broadcast %broadcast_in_dim3A_199 : vector<128x1xi32> to vector<128x8192xi32>
      %eq3A_201 = arith.cmpi eq, %iota3A_114, %eq3A_200 : vector<128x8192xi32>
      %jit3A_202 = arith.constant 3.000000e+38 : f32
      %broadcast_in_dim3A_203 = vector.broadcast %jit3A_202 : f32 to vector<128x8192xf32>
      %select_n3A_204 = arith.select %eq3A_201, %broadcast_in_dim3A_203, %select_n3A_189 : vector<128x8192xi1>, vector<128x8192xf32>
      %reduce_min3A_205 = arith.constant dense<0x7F800000> : vector<128xf32>
      %reduce_min3A_206 = vector.multi_reduction <minimumf>, %select_n3A_204, %reduce_min3A_205 [1] : vector<128x8192xf32> to vector<128xf32>
      %broadcast_in_dim3A_207 = vector.shape_cast %reduce_min3A_206 : vector<128xf32> to vector<128x1xf32>
      %eq3A_208 = vector.broadcast %broadcast_in_dim3A_207 : vector<128x1xf32> to vector<128x8192xf32>
      %eq3A_209 = arith.cmpf oeq, %select_n3A_204, %eq3A_208 : vector<128x8192xf32>
      %broadcast_in_dim3A_210 = vector.broadcast %cond3A_90 : i32 to vector<128x8192xi32>
      %select_n3A_211 = arith.select %eq3A_209, %iota3A_114, %broadcast_in_dim3A_210 : vector<128x8192xi1>, vector<128x8192xi32>
      %reduce_min3A_212 = arith.constant dense<2147483647> : vector<128xi32>
      %reduce_min3A_213 = vector.multi_reduction <minsi>, %select_n3A_211, %reduce_min3A_212 [1] : vector<128x8192xi32> to vector<128xi32>
      %broadcast_in_dim3A_214 = vector.shape_cast %reduce_min3A_213 : vector<128xi32> to vector<128x1xi32>
      %eq3A_215 = vector.broadcast %broadcast_in_dim3A_214 : vector<128x1xi32> to vector<128x8192xi32>
      %eq3A_216 = arith.cmpi eq, %iota3A_114, %eq3A_215 : vector<128x8192xi32>
      %jit3A_217 = arith.constant 3.000000e+38 : f32
      %broadcast_in_dim3A_218 = vector.broadcast %jit3A_217 : f32 to vector<128x8192xf32>
      %select_n3A_219 = arith.select %eq3A_216, %broadcast_in_dim3A_218, %select_n3A_204 : vector<128x8192xi1>, vector<128x8192xf32>
      %reduce_min3A_220 = arith.constant dense<0x7F800000> : vector<128xf32>
      %reduce_min3A_221 = vector.multi_reduction <minimumf>, %select_n3A_219, %reduce_min3A_220 [1] : vector<128x8192xf32> to vector<128xf32>
      %broadcast_in_dim3A_222 = vector.shape_cast %reduce_min3A_221 : vector<128xf32> to vector<128x1xf32>
      %eq3A_223 = vector.broadcast %broadcast_in_dim3A_222 : vector<128x1xf32> to vector<128x8192xf32>
      %eq3A_224 = arith.cmpf oeq, %select_n3A_219, %eq3A_223 : vector<128x8192xf32>
      %broadcast_in_dim3A_225 = vector.broadcast %cond3A_90 : i32 to vector<128x8192xi32>
      %select_n3A_226 = arith.select %eq3A_224, %iota3A_114, %broadcast_in_dim3A_225 : vector<128x8192xi1>, vector<128x8192xi32>
      %reduce_min3A_227 = arith.constant dense<2147483647> : vector<128xi32>
      %reduce_min3A_228 = vector.multi_reduction <minsi>, %select_n3A_226, %reduce_min3A_227 [1] : vector<128x8192xi32> to vector<128xi32>
      %broadcast_in_dim3A_229 = vector.shape_cast %reduce_min3A_228 : vector<128xi32> to vector<128x1xi32>
      %eq3A_230 = vector.broadcast %broadcast_in_dim3A_229 : vector<128x1xi32> to vector<128x8192xi32>
      %eq3A_231 = arith.cmpi eq, %iota3A_114, %eq3A_230 : vector<128x8192xi32>
      %jit3A_232 = arith.constant 3.000000e+38 : f32
      %broadcast_in_dim3A_233 = vector.broadcast %jit3A_232 : f32 to vector<128x8192xf32>
      %select_n3A_234 = arith.select %eq3A_231, %broadcast_in_dim3A_233, %select_n3A_219 : vector<128x8192xi1>, vector<128x8192xf32>
      %reduce_min3A_235 = arith.constant dense<0x7F800000> : vector<128xf32>
      %reduce_min3A_236 = vector.multi_reduction <minimumf>, %select_n3A_234, %reduce_min3A_235 [1] : vector<128x8192xf32> to vector<128xf32>
      %broadcast_in_dim3A_237 = vector.shape_cast %reduce_min3A_236 : vector<128xf32> to vector<128x1xf32>
      %eq3A_238 = vector.broadcast %broadcast_in_dim3A_237 : vector<128x1xf32> to vector<128x8192xf32>
      %eq3A_239 = arith.cmpf oeq, %select_n3A_234, %eq3A_238 : vector<128x8192xf32>
      %broadcast_in_dim3A_240 = vector.broadcast %cond3A_90 : i32 to vector<128x8192xi32>
      %select_n3A_241 = arith.select %eq3A_239, %iota3A_114, %broadcast_in_dim3A_240 : vector<128x8192xi1>, vector<128x8192xi32>
      %reduce_min3A_242 = arith.constant dense<2147483647> : vector<128xi32>
      %reduce_min3A_243 = vector.multi_reduction <minsi>, %select_n3A_241, %reduce_min3A_242 [1] : vector<128x8192xi32> to vector<128xi32>
      %broadcast_in_dim3A_244 = vector.shape_cast %reduce_min3A_243 : vector<128xi32> to vector<128x1xi32>
      %eq3A_245 = vector.broadcast %broadcast_in_dim3A_244 : vector<128x1xi32> to vector<128x8192xi32>
      %eq3A_246 = arith.cmpi eq, %iota3A_114, %eq3A_245 : vector<128x8192xi32>
      %jit3A_247 = arith.constant 3.000000e+38 : f32
      %broadcast_in_dim3A_248 = vector.broadcast %jit3A_247 : f32 to vector<128x8192xf32>
      %select_n3A_249 = arith.select %eq3A_246, %broadcast_in_dim3A_248, %select_n3A_234 : vector<128x8192xi1>, vector<128x8192xf32>
      %reduce_min3A_250 = arith.constant dense<0x7F800000> : vector<128xf32>
      %reduce_min3A_251 = vector.multi_reduction <minimumf>, %select_n3A_249, %reduce_min3A_250 [1] : vector<128x8192xf32> to vector<128xf32>
      %broadcast_in_dim3A_252 = vector.shape_cast %reduce_min3A_251 : vector<128xf32> to vector<128x1xf32>
      %eq3A_253 = vector.broadcast %broadcast_in_dim3A_252 : vector<128x1xf32> to vector<128x8192xf32>
      %eq3A_254 = arith.cmpf oeq, %select_n3A_249, %eq3A_253 : vector<128x8192xf32>
      %broadcast_in_dim3A_255 = vector.broadcast %cond3A_90 : i32 to vector<128x8192xi32>
      %select_n3A_256 = arith.select %eq3A_254, %iota3A_114, %broadcast_in_dim3A_255 : vector<128x8192xi1>, vector<128x8192xi32>
      %reduce_min3A_257 = arith.constant dense<2147483647> : vector<128xi32>
      %reduce_min3A_258 = vector.multi_reduction <minsi>, %select_n3A_256, %reduce_min3A_257 [1] : vector<128x8192xi32> to vector<128xi32>
      %broadcast_in_dim3A_259 = vector.shape_cast %reduce_min3A_258 : vector<128xi32> to vector<128x1xi32>
      %eq3A_260 = vector.broadcast %broadcast_in_dim3A_259 : vector<128x1xi32> to vector<128x8192xi32>
      %eq3A_261 = arith.cmpi eq, %iota3A_114, %eq3A_260 : vector<128x8192xi32>
      %jit3A_262 = arith.constant 3.000000e+38 : f32
      %broadcast_in_dim3A_263 = vector.broadcast %jit3A_262 : f32 to vector<128x8192xf32>
      %select_n3A_264 = arith.select %eq3A_261, %broadcast_in_dim3A_263, %select_n3A_249 : vector<128x8192xi1>, vector<128x8192xf32>
      %reduce_min3A_265 = arith.constant dense<0x7F800000> : vector<128xf32>
      %reduce_min3A_266 = vector.multi_reduction <minimumf>, %select_n3A_264, %reduce_min3A_265 [1] : vector<128x8192xf32> to vector<128xf32>
      %broadcast_in_dim3A_267 = vector.shape_cast %reduce_min3A_266 : vector<128xf32> to vector<128x1xf32>
      %eq3A_268 = vector.broadcast %broadcast_in_dim3A_267 : vector<128x1xf32> to vector<128x8192xf32>
      %eq3A_269 = arith.cmpf oeq, %select_n3A_264, %eq3A_268 : vector<128x8192xf32>
      %broadcast_in_dim3A_270 = vector.broadcast %cond3A_90 : i32 to vector<128x8192xi32>
      %select_n3A_271 = arith.select %eq3A_269, %iota3A_114, %broadcast_in_dim3A_270 : vector<128x8192xi1>, vector<128x8192xi32>
      %reduce_min3A_272 = arith.constant dense<2147483647> : vector<128xi32>
      %reduce_min3A_273 = vector.multi_reduction <minsi>, %select_n3A_271, %reduce_min3A_272 [1] : vector<128x8192xi32> to vector<128xi32>
      %broadcast_in_dim3A_274 = vector.shape_cast %reduce_min3A_273 : vector<128xi32> to vector<128x1xi32>
      %eq3A_275 = vector.broadcast %broadcast_in_dim3A_274 : vector<128x1xi32> to vector<128x8192xi32>
      %eq3A_276 = arith.cmpi eq, %iota3A_114, %eq3A_275 : vector<128x8192xi32>
      %jit3A_277 = arith.constant 3.000000e+38 : f32
      %broadcast_in_dim3A_278 = vector.broadcast %jit3A_277 : f32 to vector<128x8192xf32>
      %select_n3A_279 = arith.select %eq3A_276, %broadcast_in_dim3A_278, %select_n3A_264 : vector<128x8192xi1>, vector<128x8192xf32>
      %reduce_min3A_280 = arith.constant dense<0x7F800000> : vector<128xf32>
      %reduce_min3A_281 = vector.multi_reduction <minimumf>, %select_n3A_279, %reduce_min3A_280 [1] : vector<128x8192xf32> to vector<128xf32>
      %broadcast_in_dim3A_282 = vector.shape_cast %reduce_min3A_281 : vector<128xf32> to vector<128x1xf32>
      %eq3A_283 = vector.broadcast %broadcast_in_dim3A_282 : vector<128x1xf32> to vector<128x8192xf32>
      %eq3A_284 = arith.cmpf oeq, %select_n3A_279, %eq3A_283 : vector<128x8192xf32>
      %broadcast_in_dim3A_285 = vector.broadcast %cond3A_90 : i32 to vector<128x8192xi32>
      %select_n3A_286 = arith.select %eq3A_284, %iota3A_114, %broadcast_in_dim3A_285 : vector<128x8192xi1>, vector<128x8192xi32>
      %reduce_min3A_287 = arith.constant dense<2147483647> : vector<128xi32>
      %reduce_min3A_288 = vector.multi_reduction <minsi>, %select_n3A_286, %reduce_min3A_287 [1] : vector<128x8192xi32> to vector<128xi32>
      %broadcast_in_dim3A_289 = vector.shape_cast %reduce_min3A_288 : vector<128xi32> to vector<128x1xi32>
      %eq3A_290 = vector.broadcast %broadcast_in_dim3A_289 : vector<128x1xi32> to vector<128x8192xi32>
      %eq3A_291 = arith.cmpi eq, %iota3A_114, %eq3A_290 : vector<128x8192xi32>
      %jit3A_292 = arith.constant 3.000000e+38 : f32
      %broadcast_in_dim3A_293 = vector.broadcast %jit3A_292 : f32 to vector<128x8192xf32>
      %select_n3A_294 = arith.select %eq3A_291, %broadcast_in_dim3A_293, %select_n3A_279 : vector<128x8192xi1>, vector<128x8192xf32>
      %reduce_min3A_295 = arith.constant dense<0x7F800000> : vector<128xf32>
      %reduce_min3A_296 = vector.multi_reduction <minimumf>, %select_n3A_294, %reduce_min3A_295 [1] : vector<128x8192xf32> to vector<128xf32>
      %broadcast_in_dim3A_297 = vector.shape_cast %reduce_min3A_296 : vector<128xf32> to vector<128x1xf32>
      %eq3A_298 = vector.broadcast %broadcast_in_dim3A_297 : vector<128x1xf32> to vector<128x8192xf32>
      %eq3A_299 = arith.cmpf oeq, %select_n3A_294, %eq3A_298 : vector<128x8192xf32>
      %broadcast_in_dim3A_300 = vector.broadcast %cond3A_90 : i32 to vector<128x8192xi32>
      %select_n3A_301 = arith.select %eq3A_299, %iota3A_114, %broadcast_in_dim3A_300 : vector<128x8192xi1>, vector<128x8192xi32>
      %reduce_min3A_302 = arith.constant dense<2147483647> : vector<128xi32>
      %reduce_min3A_303 = vector.multi_reduction <minsi>, %select_n3A_301, %reduce_min3A_302 [1] : vector<128x8192xi32> to vector<128xi32>
      %broadcast_in_dim3A_304 = vector.shape_cast %reduce_min3A_303 : vector<128xi32> to vector<128x1xi32>
      %eq3A_305 = vector.broadcast %broadcast_in_dim3A_304 : vector<128x1xi32> to vector<128x8192xi32>
      %eq3A_306 = arith.cmpi eq, %iota3A_114, %eq3A_305 : vector<128x8192xi32>
      %jit3A_307 = arith.constant 3.000000e+38 : f32
      %broadcast_in_dim3A_308 = vector.broadcast %jit3A_307 : f32 to vector<128x8192xf32>
      %select_n3A_309 = arith.select %eq3A_306, %broadcast_in_dim3A_308, %select_n3A_294 : vector<128x8192xi1>, vector<128x8192xf32>
      %reduce_min3A_310 = arith.constant dense<0x7F800000> : vector<128xf32>
      %reduce_min3A_311 = vector.multi_reduction <minimumf>, %select_n3A_309, %reduce_min3A_310 [1] : vector<128x8192xf32> to vector<128xf32>
      %broadcast_in_dim3A_312 = vector.shape_cast %reduce_min3A_311 : vector<128xf32> to vector<128x1xf32>
      %eq3A_313 = vector.broadcast %broadcast_in_dim3A_312 : vector<128x1xf32> to vector<128x8192xf32>
      %eq3A_314 = arith.cmpf oeq, %select_n3A_309, %eq3A_313 : vector<128x8192xf32>
      %broadcast_in_dim3A_315 = vector.broadcast %cond3A_90 : i32 to vector<128x8192xi32>
      %select_n3A_316 = arith.select %eq3A_314, %iota3A_114, %broadcast_in_dim3A_315 : vector<128x8192xi1>, vector<128x8192xi32>
      %reduce_min3A_317 = arith.constant dense<2147483647> : vector<128xi32>
      %reduce_min3A_318 = vector.multi_reduction <minsi>, %select_n3A_316, %reduce_min3A_317 [1] : vector<128x8192xi32> to vector<128xi32>
      %broadcast_in_dim3A_319 = vector.shape_cast %reduce_min3A_318 : vector<128xi32> to vector<128x1xi32>
      %eq3A_320 = vector.broadcast %broadcast_in_dim3A_319 : vector<128x1xi32> to vector<128x8192xi32>
      %eq3A_321 = arith.cmpi eq, %iota3A_114, %eq3A_320 : vector<128x8192xi32>
      %jit3A_322 = arith.constant 3.000000e+38 : f32
      %broadcast_in_dim3A_323 = vector.broadcast %jit3A_322 : f32 to vector<128x8192xf32>
      %select_n3A_324 = arith.select %eq3A_321, %broadcast_in_dim3A_323, %select_n3A_309 : vector<128x8192xi1>, vector<128x8192xf32>
      %reduce_min3A_325 = arith.constant dense<0x7F800000> : vector<128xf32>
      %reduce_min3A_326 = vector.multi_reduction <minimumf>, %select_n3A_324, %reduce_min3A_325 [1] : vector<128x8192xf32> to vector<128xf32>
      %broadcast_in_dim3A_327 = vector.shape_cast %reduce_min3A_326 : vector<128xf32> to vector<128x1xf32>
      %eq3A_328 = vector.broadcast %broadcast_in_dim3A_327 : vector<128x1xf32> to vector<128x8192xf32>
      %eq3A_329 = arith.cmpf oeq, %select_n3A_324, %eq3A_328 : vector<128x8192xf32>
      %broadcast_in_dim3A_330 = vector.broadcast %cond3A_90 : i32 to vector<128x8192xi32>
      %select_n3A_331 = arith.select %eq3A_329, %iota3A_114, %broadcast_in_dim3A_330 : vector<128x8192xi1>, vector<128x8192xi32>
      %reduce_min3A_332 = arith.constant dense<2147483647> : vector<128xi32>
      %reduce_min3A_333 = vector.multi_reduction <minsi>, %select_n3A_331, %reduce_min3A_332 [1] : vector<128x8192xi32> to vector<128xi32>
      %broadcast_in_dim3A_334 = vector.shape_cast %reduce_min3A_333 : vector<128xi32> to vector<128x1xi32>
      %eq3A_335 = vector.broadcast %broadcast_in_dim3A_334 : vector<128x1xi32> to vector<128x8192xi32>
      %eq3A_336 = arith.cmpi eq, %iota3A_114, %eq3A_335 : vector<128x8192xi32>
      %jit3A_337 = arith.constant 3.000000e+38 : f32
      %broadcast_in_dim3A_338 = vector.broadcast %jit3A_337 : f32 to vector<128x8192xf32>
      %select_n3A_339 = arith.select %eq3A_336, %broadcast_in_dim3A_338, %select_n3A_324 : vector<128x8192xi1>, vector<128x8192xf32>
      %reduce_min3A_340 = arith.constant dense<0x7F800000> : vector<128xf32>
      %reduce_min3A_341 = vector.multi_reduction <minimumf>, %select_n3A_339, %reduce_min3A_340 [1] : vector<128x8192xf32> to vector<128xf32>
      %broadcast_in_dim3A_342 = vector.shape_cast %reduce_min3A_341 : vector<128xf32> to vector<128x1xf32>
      %eq3A_343 = vector.broadcast %broadcast_in_dim3A_342 : vector<128x1xf32> to vector<128x8192xf32>
      %eq3A_344 = arith.cmpf oeq, %select_n3A_339, %eq3A_343 : vector<128x8192xf32>
      %broadcast_in_dim3A_345 = vector.broadcast %cond3A_90 : i32 to vector<128x8192xi32>
      %select_n3A_346 = arith.select %eq3A_344, %iota3A_114, %broadcast_in_dim3A_345 : vector<128x8192xi1>, vector<128x8192xi32>
      %reduce_min3A_347 = arith.constant dense<2147483647> : vector<128xi32>
      %reduce_min3A_348 = vector.multi_reduction <minsi>, %select_n3A_346, %reduce_min3A_347 [1] : vector<128x8192xi32> to vector<128xi32>
      %stack3A = vector.shape_cast %reduce_min3A_123 : vector<128xi32> to vector<128x1xi32>
      %stack3A_349 = vector.shape_cast %reduce_min3A_138 : vector<128xi32> to vector<128x1xi32>
      %stack3A_350 = vector.shape_cast %reduce_min3A_153 : vector<128xi32> to vector<128x1xi32>
      %stack3A_351 = vector.shape_cast %reduce_min3A_168 : vector<128xi32> to vector<128x1xi32>
      %stack3A_352 = vector.shape_cast %reduce_min3A_183 : vector<128xi32> to vector<128x1xi32>
      %stack3A_353 = vector.shape_cast %reduce_min3A_198 : vector<128xi32> to vector<128x1xi32>
      %stack3A_354 = vector.shape_cast %reduce_min3A_213 : vector<128xi32> to vector<128x1xi32>
      %stack3A_355 = vector.shape_cast %reduce_min3A_228 : vector<128xi32> to vector<128x1xi32>
      %stack3A_356 = vector.shape_cast %reduce_min3A_243 : vector<128xi32> to vector<128x1xi32>
      %stack3A_357 = vector.shape_cast %reduce_min3A_258 : vector<128xi32> to vector<128x1xi32>
      %stack3A_358 = vector.shape_cast %reduce_min3A_273 : vector<128xi32> to vector<128x1xi32>
      %stack3A_359 = vector.shape_cast %reduce_min3A_288 : vector<128xi32> to vector<128x1xi32>
      %stack3A_360 = vector.shape_cast %reduce_min3A_303 : vector<128xi32> to vector<128x1xi32>
      %stack3A_361 = vector.shape_cast %reduce_min3A_318 : vector<128xi32> to vector<128x1xi32>
      %stack3A_362 = vector.shape_cast %reduce_min3A_333 : vector<128xi32> to vector<128x1xi32>
      %stack3A_363 = vector.shape_cast %reduce_min3A_348 : vector<128xi32> to vector<128x1xi32>
      %stack3A_364 = tpu.concatenate %stack3A, %stack3A_349, %stack3A_350, %stack3A_351, %stack3A_352, %stack3A_353, %stack3A_354, %stack3A_355, %stack3A_356, %stack3A_357, %stack3A_358, %stack3A_359, %stack3A_360, %stack3A_361, %stack3A_362, %stack3A_363 in 1 : vector<128x1xi32>, vector<128x1xi32>, vector<128x1xi32>, vector<128x1xi32>, vector<128x1xi32>, vector<128x1xi32>, vector<128x1xi32>, vector<128x1xi32>, vector<128x1xi32>, vector<128x1xi32>, vector<128x1xi32>, vector<128x1xi32>, vector<128x1xi32>, vector<128x1xi32>, vector<128x1xi32>, vector<128x1xi32> -> vector<128x16xi32>
      %swap3A = arith.constant 0 : index
      %swap3A_365 = arith.constant 0 : index
      %swap3A_366 = vector.load %arg5[%swap3A, %swap3A_365] : memref<128x16xi32, #tpu.memory_space<vmem>>, vector<128x16xi32>
      tpu.vector_store %arg5[%swap3A, %swap3A_365], %stack3A_364 {strides = array<i32>} : memref<128x16xi32, #tpu.memory_space<vmem>>, vector<128x16xi32>,
    } else {
    }
    return
  }
  func.func @transform_0(%arg0: i32) -> (i32, i32) {
    %c0_i32 = arith.constant 0 : i32
    %c0_i32_0 = arith.constant 0 : i32
    return %arg0, %c0_i32 : i32, i32
  }
  func.func @transform_1(%arg0: i32) -> (i32, i32) {
    %c0_i32 = arith.constant 0 : i32
    %c0_i32_0 = arith.constant 0 : i32
    %c0_i32_1 = arith.constant 0 : i32
    return %c0_i32, %c0_i32_0 : i32, i32
  }
  func.func @transform_2(%arg0: i32) -> (i32, i32) {
    %c0_i32 = arith.constant 0 : i32
    %c0_i32_0 = arith.constant 0 : i32
    return %arg0, %c0_i32 : i32, i32
  }
  func.func @transform_3(%arg0: i32) -> (i32, i32) {
    %c0_i32 = arith.constant 0 : i32
    %c0_i32_0 = arith.constant 0 : i32
    %c0_i32_1 = arith.constant 0 : i32
    return %c0_i32, %c0_i32_0 : i32, i32
  }
  func.func @transform_4(%arg0: i32) -> (i32, i32) {
    %c0_i32 = arith.constant 0 : i32
    %c0_i32_0 = arith.constant 0 : i32
    return %arg0, %c0_i32 : i32, i32
  }
}

module attributes {stable_mosaic.version = 14 : i64} {
  func.func @_stats_body(%arg0: i32, %arg1: memref<8192x128xf32, #tpu.memory_space<vmem>>, %arg2: memref<512x128xf32, #tpu.memory_space<vmem>>, %arg3: memref<128x64xf32, #tpu.memory_space<vmem>>, %arg4: memref<1x64xf32, #tpu.memory_space<vmem>>, %arg5: memref<8x64xf32, #tpu.memory_space<vmem>>) attributes {dimension_semantics = [#tpu.dimension_semantics<arbitrary>], iteration_bounds = array<i64: 16>, scalar_prefetch = 0 : i64, scratch_operands = 0 : i64, tpu.core_type = #tpu.core_type<tc>, window_params = [{transform_indices = @transform_0, window_bounds = array<i64: 8192, 128>}, {transform_indices = @transform_1, window_bounds = array<i64: 512, 128>}, {pipeline_mode = #tpu.pipeline_mode<synchronous>, transform_indices = @transform_2, window_bounds = array<i64: 128, 64>}, {pipeline_mode = #tpu.pipeline_mode<synchronous>, transform_indices = @transform_3, window_bounds = array<i64: 1, 64>}, {pipeline_mode = #tpu.pipeline_mode<synchronous>, transform_indices = @transform_4, window_bounds = array<i64: 8, 64>}]} {
    %eq3A = arith.constant 0 : i32
    %eq3A_0 = arith.cmpi eq, %arg0, %eq3A : i32
    %convert_element_type3A = arith.extui %eq3A_0 : i1 to i32
    %cond3A = arith.constant 0 : i32
    %cond3A_1 = arith.cmpi ne, %convert_element_type3A, %cond3A : i32
    scf.if %cond3A_1 {
      %broadcast_in_dim3A_30 = arith.constant 0.000000e+00 : f32
      %broadcast_in_dim3A_31 = vector.broadcast %broadcast_in_dim3A_30 : f32 to vector<8x64xf32>
      %swap3A_32 = arith.constant 0 : index
      %swap3A_33 = arith.constant 0 : index
      %swap3A_34 = vector.load %arg5[%swap3A_32, %swap3A_33] : memref<8x64xf32, #tpu.memory_space<vmem>>, vector<8x64xf32>
      tpu.vector_store %arg5[%swap3A_32, %swap3A_33], %broadcast_in_dim3A_31 {strides = array<i32>} : memref<8x64xf32, #tpu.memory_space<vmem>>, vector<8x64xf32>,
    } else {
    }
    %get3A = arith.constant 0 : index
    %get3A_2 = arith.constant 0 : index
    %get3A_3 = vector.load %arg1[%get3A, %get3A_2] : memref<8192x128xf32, #tpu.memory_space<vmem>>, vector<8192x128xf32>
    %reshape3A = vector.shape_cast %get3A_3 : vector<8192x128xf32> to vector<512x16x128xf32>
    %get3A_4 = arith.constant 0 : index
    %get3A_5 = arith.constant 0 : index
    %get3A_6 = vector.load %arg2[%get3A_4, %get3A_5] : memref<512x128xf32, #tpu.memory_space<vmem>>, vector<512x128xf32>
    %broadcast_in_dim3A = vector.shape_cast %get3A_6 : vector<512x128xf32> to vector<512x1x128xf32>
    %sub3A = vector.broadcast %broadcast_in_dim3A : vector<512x1x128xf32> to vector<512x16x128xf32>
    %sub3A_7 = arith.subf %reshape3A, %sub3A : vector<512x16x128xf32>
    %reshape3A_8 = vector.shape_cast %sub3A_7 : vector<512x16x128xf32> to vector<8192x128xf32>
    %get3A_9 = arith.constant 0 : index
    %get3A_10 = arith.constant 0 : index
    %get3A_11 = vector.load %arg3[%get3A_9, %get3A_10] : memref<128x64xf32, #tpu.memory_space<vmem>>, vector<128x64xf32>
    %dot_general3A = arith.constant dense<0.000000e+00> : vector<8192x64xf32>
    %dot_general3A_12 = tpu.matmul %reshape3A_8, %get3A_11, %dot_general3A {dimension_numbers = #tpu.dot_dimension_numbers<[1], [0], [0], [1], [0, 0, 1, 1], [], []>, transpose_lhs_hint = false} : vector<8192x128xf32>, vector<128x64xf32>, vector<8192x64xf32> -> vector<8192x64xf32>
    %get3A_13 = arith.constant 0 : index
    %get3A_14 = arith.constant 0 : index
    %get3A_15 = vector.load %arg4[%get3A_13, %get3A_14] : memref<1x64xf32, #tpu.memory_space<vmem>>, vector<1x64xf32>
    %add3A = vector.broadcast %get3A_15 : vector<1x64xf32> to vector<8192x64xf32>
    %add3A_16 = arith.addf %dot_general3A_12, %add3A : vector<8192x64xf32>
    %reduce_sum3A = arith.constant dense<0.000000e+00> : vector<64xf32>
    %reduce_sum3A_17 = vector.multi_reduction <add>, %add3A_16, %reduce_sum3A [0] : vector<8192x64xf32> to vector<64xf32>
    %broadcast_in_dim3A_18 = vector.shape_cast %reduce_sum3A_17 : vector<64xf32> to vector<1x64xf32>
    %mul3A = arith.mulf %add3A_16, %add3A_16 : vector<8192x64xf32>
    %reduce_sum3A_19 = arith.constant dense<0.000000e+00> : vector<64xf32>
    %reduce_sum3A_20 = vector.multi_reduction <add>, %mul3A, %reduce_sum3A_19 [0] : vector<8192x64xf32> to vector<64xf32>
    %broadcast_in_dim3A_21 = vector.shape_cast %reduce_sum3A_20 : vector<64xf32> to vector<1x64xf32>
    %get3A_22 = arith.constant 0 : index
    %get3A_23 = arith.constant 0 : index
    %get3A_24 = vector.load %arg5[%get3A_22, %get3A_23] : memref<8x64xf32, #tpu.memory_space<vmem>>, vector<8x64xf32>
    %broadcast_in_dim3A_25 = arith.constant 0.000000e+00 : f32
    %broadcast_in_dim3A_26 = vector.broadcast %broadcast_in_dim3A_25 : f32 to vector<6x64xf32>
    %concatenate3A = tpu.concatenate %broadcast_in_dim3A_18, %broadcast_in_dim3A_21, %broadcast_in_dim3A_26 in 0 : vector<1x64xf32>, vector<1x64xf32>, vector<6x64xf32> -> vector<8x64xf32>
    %add3A_27 = arith.addf %get3A_24, %concatenate3A : vector<8x64xf32>
    %swap3A = arith.constant 0 : index
    %swap3A_28 = arith.constant 0 : index
    %swap3A_29 = vector.load %arg5[%swap3A, %swap3A_28] : memref<8x64xf32, #tpu.memory_space<vmem>>, vector<8x64xf32>
    tpu.vector_store %arg5[%swap3A, %swap3A_28], %add3A_27 {strides = array<i32>} : memref<8x64xf32, #tpu.memory_space<vmem>>, vector<8x64xf32>,
    return
  }
  func.func @transform_0(%arg0: i32) -> (i32, i32) {
    %c0_i32 = arith.constant 0 : i32
    %c0_i32_0 = arith.constant 0 : i32
    return %arg0, %c0_i32 : i32, i32
  }
  func.func @transform_1(%arg0: i32) -> (i32, i32) {
    %c0_i32 = arith.constant 0 : i32
    %c0_i32_0 = arith.constant 0 : i32
    return %arg0, %c0_i32 : i32, i32
  }
  func.func @transform_2(%arg0: i32) -> (i32, i32) {
    %c0_i32 = arith.constant 0 : i32
    %c0_i32_0 = arith.constant 0 : i32
    %c0_i32_1 = arith.constant 0 : i32
    return %c0_i32, %c0_i32_0 : i32, i32
  }
  func.func @transform_3(%arg0: i32) -> (i32, i32) {
    %c0_i32 = arith.constant 0 : i32
    %c0_i32_0 = arith.constant 0 : i32
    %c0_i32_1 = arith.constant 0 : i32
    return %c0_i32, %c0_i32_0 : i32, i32
  }
  func.func @transform_4(%arg0: i32) -> (i32, i32) {
    %c0_i32 = arith.constant 0 : i32
    %c0_i32_0 = arith.constant 0 : i32
    %c0_i32_1 = arith.constant 0 : i32
    return %c0_i32, %c0_i32_0 : i32, i32
  }
}

module attributes {stable_mosaic.version = 14 : i64} {
  func.func @_conv1_body(%arg0: i32, %arg1: memref<8192x128xf32, #tpu.memory_space<vmem>>, %arg2: memref<512x128xf32, #tpu.memory_space<vmem>>, %arg3: memref<128x64xf32, #tpu.memory_space<vmem>>, %arg4: memref<1x64xf32, #tpu.memory_space<vmem>>, %arg5: memref<8x64xf32, #tpu.memory_space<vmem>>, %arg6: memref<1x64xf32, #tpu.memory_space<vmem>>, %arg7: memref<1x64xf32, #tpu.memory_space<vmem>>, %arg8: memref<64x64xf32, #tpu.memory_space<vmem>>, %arg9: memref<1x64xf32, #tpu.memory_space<vmem>>, %arg10: memref<512x8xf32, #tpu.memory_space<vmem>>, %arg11: memref<512x128xf32, #tpu.memory_space<vmem>>) attributes {dimension_semantics = [#tpu.dimension_semantics<arbitrary>], iteration_bounds = array<i64: 16>, scalar_prefetch = 0 : i64, scratch_operands = 0 : i64, tpu.core_type = #tpu.core_type<tc>, window_params = [{transform_indices = @transform_0, window_bounds = array<i64: 8192, 128>}, {transform_indices = @transform_1, window_bounds = array<i64: 512, 128>}, {pipeline_mode = #tpu.pipeline_mode<synchronous>, transform_indices = @transform_2, window_bounds = array<i64: 128, 64>}, {pipeline_mode = #tpu.pipeline_mode<synchronous>, transform_indices = @transform_3, window_bounds = array<i64: 1, 64>}, {pipeline_mode = #tpu.pipeline_mode<synchronous>, transform_indices = @transform_4, window_bounds = array<i64: 8, 64>}, {pipeline_mode = #tpu.pipeline_mode<synchronous>, transform_indices = @transform_5, window_bounds = array<i64: 1, 64>}, {pipeline_mode = #tpu.pipeline_mode<synchronous>, transform_indices = @transform_6, window_bounds = array<i64: 1, 64>}, {pipeline_mode = #tpu.pipeline_mode<synchronous>, transform_indices = @transform_7, window_bounds = array<i64: 64, 64>}, {pipeline_mode = #tpu.pipeline_mode<synchronous>, transform_indices = @transform_8, window_bounds = array<i64: 1, 64>}, {transform_indices = @transform_9, window_bounds = array<i64: 512, 8>}, {transform_indices = @transform_10, window_bounds = array<i64: 512, 128>}]} {
    %get3A = arith.constant 0 : index
    %get3A_0 = arith.constant 0 : index
    %get3A_1 = vector.load %arg1[%get3A, %get3A_0] : memref<8192x128xf32, #tpu.memory_space<vmem>>, vector<8192x128xf32>
    %reshape3A = vector.shape_cast %get3A_1 : vector<8192x128xf32> to vector<512x16x128xf32>
    %get3A_2 = arith.constant 0 : index
    %get3A_3 = arith.constant 0 : index
    %get3A_4 = vector.load %arg2[%get3A_2, %get3A_3] : memref<512x128xf32, #tpu.memory_space<vmem>>, vector<512x128xf32>
    %broadcast_in_dim3A = vector.shape_cast %get3A_4 : vector<512x128xf32> to vector<512x1x128xf32>
    %sub3A = vector.broadcast %broadcast_in_dim3A : vector<512x1x128xf32> to vector<512x16x128xf32>
    %sub3A_5 = arith.subf %reshape3A, %sub3A : vector<512x16x128xf32>
    %reshape3A_6 = vector.shape_cast %sub3A_5 : vector<512x16x128xf32> to vector<8192x128xf32>
    %get3A_7 = arith.constant 0 : index
    %get3A_8 = arith.constant 0 : index
    %get3A_9 = vector.load %arg3[%get3A_7, %get3A_8] : memref<128x64xf32, #tpu.memory_space<vmem>>, vector<128x64xf32>
    %dot_general3A = arith.constant dense<0.000000e+00> : vector<8192x64xf32>
    %dot_general3A_10 = tpu.matmul %reshape3A_6, %get3A_9, %dot_general3A {dimension_numbers = #tpu.dot_dimension_numbers<[1], [0], [0], [1], [0, 0, 1, 1], [], []>, transpose_lhs_hint = false} : vector<8192x128xf32>, vector<128x64xf32>, vector<8192x64xf32> -> vector<8192x64xf32>
    %get3A_11 = arith.constant 0 : index
    %get3A_12 = arith.constant 0 : index
    %get3A_13 = vector.load %arg4[%get3A_11, %get3A_12] : memref<1x64xf32, #tpu.memory_space<vmem>>, vector<1x64xf32>
    %add3A = vector.broadcast %get3A_13 : vector<1x64xf32> to vector<8192x64xf32>
    %add3A_14 = arith.addf %dot_general3A_10, %add3A : vector<8192x64xf32>
    %get3A_15 = arith.constant 0 : index
    %get3A_16 = arith.constant 0 : index
    %get3A_17 = vector.load %arg6[%get3A_15, %get3A_16] : memref<1x64xf32, #tpu.memory_space<vmem>>, vector<1x64xf32>
    %get3A_18 = arith.constant 0 : index
    %get3A_19 = arith.constant 0 : index
    %get3A_20 = vector.load %arg7[%get3A_18, %get3A_19] : memref<1x64xf32, #tpu.memory_space<vmem>>, vector<1x64xf32>
    %get3A_21 = arith.constant 0 : index
    %get3A_22 = arith.constant 0 : index
    %get3A_23 = vector.load %arg5[%get3A_21, %get3A_22] : memref<8x64xf32, #tpu.memory_space<vmem>>, vector<1x64xf32>
    %get3A_24 = arith.constant 1 : index
    %get3A_25 = arith.constant 0 : index
    %get3A_26 = vector.load %arg5[%get3A_24, %get3A_25] : memref<8x64xf32, #tpu.memory_space<vmem>>, vector<1x64xf32>
    %mul3A = arith.constant 7.62939453E-6 : f32
    %mul3A_27 = vector.broadcast %mul3A : f32 to vector<1x64xf32>
    %mul3A_28 = arith.mulf %get3A_23, %mul3A_27 : vector<1x64xf32>
    %mul3A_29 = arith.constant 7.62939453E-6 : f32
    %mul3A_30 = vector.broadcast %mul3A_29 : f32 to vector<1x64xf32>
    %mul3A_31 = arith.mulf %get3A_26, %mul3A_30 : vector<1x64xf32>
    %mul3A_32 = arith.mulf %mul3A_28, %mul3A_28 : vector<1x64xf32>
    %sub3A_33 = arith.subf %mul3A_31, %mul3A_32 : vector<1x64xf32>
    %sub3A_34 = vector.broadcast %mul3A_28 : vector<1x64xf32> to vector<8192x64xf32>
    %sub3A_35 = arith.subf %add3A_14, %sub3A_34 : vector<8192x64xf32>
    %mul3A_36 = vector.broadcast %get3A_17 : vector<1x64xf32> to vector<8192x64xf32>
    %mul3A_37 = arith.mulf %mul3A_36, %sub3A_35 : vector<8192x64xf32>
    %add3A_38 = arith.constant 9.99999974E-6 : f32
    %add3A_39 = vector.broadcast %add3A_38 : f32 to vector<1x64xf32>
    %add3A_40 = arith.addf %sub3A_33, %add3A_39 : vector<1x64xf32>
    %sqrt3A = math.sqrt %add3A_40 : vector<1x64xf32>
    %div3A = vector.broadcast %sqrt3A : vector<1x64xf32> to vector<8192x64xf32>
    %div3A_41 = arith.divf %mul3A_37, %div3A : vector<8192x64xf32>
    %add3A_42 = vector.broadcast %get3A_20 : vector<1x64xf32> to vector<8192x64xf32>
    %add3A_43 = arith.addf %div3A_41, %add3A_42 : vector<8192x64xf32>
    %max3A = arith.constant 0.000000e+00 : f32
    %max3A_44 = vector.broadcast %max3A : f32 to vector<8192x64xf32>
    %max3A_45 = arith.maximumf %add3A_43, %max3A_44 : vector<8192x64xf32>
    %get3A_46 = arith.constant 0 : index
    %get3A_47 = arith.constant 0 : index
    %get3A_48 = vector.load %arg8[%get3A_46, %get3A_47] : memref<64x64xf32, #tpu.memory_space<vmem>>, vector<64x64xf32>
    %dot_general3A_49 = arith.constant dense<0.000000e+00> : vector<8192x64xf32>
    %dot_general3A_50 = tpu.matmul %max3A_45, %get3A_48, %dot_general3A_49 {dimension_numbers = #tpu.dot_dimension_numbers<[1], [0], [0], [1], [0, 0, 1, 1], [], []>, transpose_lhs_hint = false} : vector<8192x64xf32>, vector<64x64xf32>, vector<8192x64xf32> -> vector<8192x64xf32>
    %get3A_51 = arith.constant 0 : index
    %get3A_52 = arith.constant 0 : index
    %get3A_53 = vector.load %arg9[%get3A_51, %get3A_52] : memref<1x64xf32, #tpu.memory_space<vmem>>, vector<1x64xf32>
    %add3A_54 = vector.broadcast %get3A_53 : vector<1x64xf32> to vector<8192x64xf32>
    %add3A_55 = arith.addf %dot_general3A_50, %add3A_54 : vector<8192x64xf32>
    %reshape3A_56 = vector.shape_cast %add3A_55 : vector<8192x64xf32> to vector<512x16x64xf32>
    %reduce_max3A = arith.constant dense<0xFF800000> : vector<512x64xf32>
    %reduce_max3A_57 = vector.multi_reduction <maximumf>, %reshape3A_56, %reduce_max3A [1] : vector<512x16x64xf32> to vector<512x64xf32>
    %swap3A = arith.constant 0 : index
    %swap3A_58 = arith.constant 0 : index
    %swap3A_59 = vector.load %arg11[%swap3A, %swap3A_58] : memref<512x128xf32, #tpu.memory_space<vmem>>, vector<512x64xf32>
    tpu.vector_store %arg11[%swap3A, %swap3A_58], %reduce_max3A_57 {strides = array<i32>} : memref<512x128xf32, #tpu.memory_space<vmem>>, vector<512x64xf32>,
    %get3A_60 = arith.constant 0 : index
    %get3A_61 = arith.constant 0 : index
    %get3A_62 = vector.load %arg10[%get3A_60, %get3A_61] : memref<512x8xf32, #tpu.memory_space<vmem>>, vector<512x8xf32>
    %swap3A_63 = arith.constant 0 : index
    %swap3A_64 = arith.constant 64 : index
    %swap3A_65 = vector.load %arg11[%swap3A_63, %swap3A_64] : memref<512x128xf32, #tpu.memory_space<vmem>>, vector<512x8xf32>
    tpu.vector_store %arg11[%swap3A_63, %swap3A_64], %get3A_62 {strides = array<i32>} : memref<512x128xf32, #tpu.memory_space<vmem>>, vector<512x8xf32>,
    %broadcast_in_dim3A_66 = arith.constant 0.000000e+00 : f32
    %broadcast_in_dim3A_67 = vector.broadcast %broadcast_in_dim3A_66 : f32 to vector<512x56xf32>
    %swap3A_68 = arith.constant 0 : index
    %swap3A_69 = arith.constant 72 : index
    %swap3A_70 = vector.load %arg11[%swap3A_68, %swap3A_69] : memref<512x128xf32, #tpu.memory_space<vmem>>, vector<512x56xf32>
    tpu.vector_store %arg11[%swap3A_68, %swap3A_69], %broadcast_in_dim3A_67 {strides = array<i32>} : memref<512x128xf32, #tpu.memory_space<vmem>>, vector<512x56xf32>,
    return
  }
  func.func @transform_0(%arg0: i32) -> (i32, i32) {
    %c0_i32 = arith.constant 0 : i32
    %c0_i32_0 = arith.constant 0 : i32
    return %arg0, %c0_i32 : i32, i32
  }
  func.func @transform_1(%arg0: i32) -> (i32, i32) {
    %c0_i32 = arith.constant 0 : i32
    %c0_i32_0 = arith.constant 0 : i32
    return %arg0, %c0_i32 : i32, i32
  }
  func.func @transform_2(%arg0: i32) -> (i32, i32) {
    %c0_i32 = arith.constant 0 : i32
    %c0_i32_0 = arith.constant 0 : i32
    %c0_i32_1 = arith.constant 0 : i32
    return %c0_i32, %c0_i32_0 : i32, i32
  }
  func.func @transform_3(%arg0: i32) -> (i32, i32) {
    %c0_i32 = arith.constant 0 : i32
    %c0_i32_0 = arith.constant 0 : i32
    %c0_i32_1 = arith.constant 0 : i32
    return %c0_i32, %c0_i32_0 : i32, i32
  }
  func.func @transform_4(%arg0: i32) -> (i32, i32) {
    %c0_i32 = arith.constant 0 : i32
    %c0_i32_0 = arith.constant 0 : i32
    %c0_i32_1 = arith.constant 0 : i32
    return %c0_i32, %c0_i32_0 : i32, i32
  }
  func.func @transform_5(%arg0: i32) -> (i32, i32) {
    %c0_i32 = arith.constant 0 : i32
    %c0_i32_0 = arith.constant 0 : i32
    %c0_i32_1 = arith.constant 0 : i32
    return %c0_i32, %c0_i32_0 : i32, i32
  }
  func.func @transform_6(%arg0: i32) -> (i32, i32) {
    %c0_i32 = arith.constant 0 : i32
    %c0_i32_0 = arith.constant 0 : i32
    %c0_i32_1 = arith.constant 0 : i32
    return %c0_i32, %c0_i32_0 : i32, i32
  }
  func.func @transform_7(%arg0: i32) -> (i32, i32) {
    %c0_i32 = arith.constant 0 : i32
    %c0_i32_0 = arith.constant 0 : i32
    %c0_i32_1 = arith.constant 0 : i32
    return %c0_i32, %c0_i32_0 : i32, i32
  }
  func.func @transform_8(%arg0: i32) -> (i32, i32) {
    %c0_i32 = arith.constant 0 : i32
    %c0_i32_0 = arith.constant 0 : i32
    %c0_i32_1 = arith.constant 0 : i32
    return %c0_i32, %c0_i32_0 : i32, i32
  }
  func.func @transform_9(%arg0: i32) -> (i32, i32) {
    %c0_i32 = arith.constant 0 : i32
    %c0_i32_0 = arith.constant 0 : i32
    return %arg0, %c0_i32 : i32, i32
  }
  func.func @transform_10(%arg0: i32) -> (i32, i32) {
    %c0_i32 = arith.constant 0 : i32
    %c0_i32_0 = arith.constant 0 : i32
    return %arg0, %c0_i32 : i32, i32
  }
}

module attributes {stable_mosaic.version = 14 : i64} {
  func.func @_stats2b_body(%arg0: i32, %arg1: memref<8192x128xf32, #tpu.memory_space<vmem>>, %arg2: memref<512x128xf32, #tpu.memory_space<vmem>>, %arg3: memref<128x64xf32, #tpu.memory_space<vmem>>, %arg4: memref<1x64xf32, #tpu.memory_space<vmem>>, %arg5: memref<8x64xf32, #tpu.memory_space<vmem>>, %arg6: memref<1x64xf32, #tpu.memory_space<vmem>>, %arg7: memref<1x64xf32, #tpu.memory_space<vmem>>, %arg8: memref<64x128xf32, #tpu.memory_space<vmem>>, %arg9: memref<1x128xf32, #tpu.memory_space<vmem>>, %arg10: memref<8x128xf32, #tpu.memory_space<vmem>>) attributes {dimension_semantics = [#tpu.dimension_semantics<arbitrary>], iteration_bounds = array<i64: 16>, scalar_prefetch = 0 : i64, scratch_operands = 0 : i64, tpu.core_type = #tpu.core_type<tc>, window_params = [{transform_indices = @transform_0, window_bounds = array<i64: 8192, 128>}, {transform_indices = @transform_1, window_bounds = array<i64: 512, 128>}, {pipeline_mode = #tpu.pipeline_mode<synchronous>, transform_indices = @transform_2, window_bounds = array<i64: 128, 64>}, {pipeline_mode = #tpu.pipeline_mode<synchronous>, transform_indices = @transform_3, window_bounds = array<i64: 1, 64>}, {pipeline_mode = #tpu.pipeline_mode<synchronous>, transform_indices = @transform_4, window_bounds = array<i64: 8, 64>}, {pipeline_mode = #tpu.pipeline_mode<synchronous>, transform_indices = @transform_5, window_bounds = array<i64: 1, 64>}, {pipeline_mode = #tpu.pipeline_mode<synchronous>, transform_indices = @transform_6, window_bounds = array<i64: 1, 64>}, {pipeline_mode = #tpu.pipeline_mode<synchronous>, transform_indices = @transform_7, window_bounds = array<i64: 64, 128>}, {pipeline_mode = #tpu.pipeline_mode<synchronous>, transform_indices = @transform_8, window_bounds = array<i64: 1, 128>}, {pipeline_mode = #tpu.pipeline_mode<synchronous>, transform_indices = @transform_9, window_bounds = array<i64: 8, 128>}]} {
    %eq3A = arith.constant 0 : i32
    %eq3A_0 = arith.cmpi eq, %arg0, %eq3A : i32
    %convert_element_type3A = arith.extui %eq3A_0 : i1 to i32
    %cond3A = arith.constant 0 : i32
    %cond3A_1 = arith.cmpi ne, %convert_element_type3A, %cond3A : i32
    scf.if %cond3A_1 {
      %broadcast_in_dim3A_72 = arith.constant 0.000000e+00 : f32
      %broadcast_in_dim3A_73 = vector.broadcast %broadcast_in_dim3A_72 : f32 to vector<8x128xf32>
      %swap3A_74 = arith.constant 0 : index
      %swap3A_75 = arith.constant 0 : index
      %swap3A_76 = vector.load %arg10[%swap3A_74, %swap3A_75] : memref<8x128xf32, #tpu.memory_space<vmem>>, vector<8x128xf32>
      tpu.vector_store %arg10[%swap3A_74, %swap3A_75], %broadcast_in_dim3A_73 {strides = array<i32>} : memref<8x128xf32, #tpu.memory_space<vmem>>, vector<8x128xf32>,
    } else {
    }
    %get3A = arith.constant 0 : index
    %get3A_2 = arith.constant 0 : index
    %get3A_3 = vector.load %arg1[%get3A, %get3A_2] : memref<8192x128xf32, #tpu.memory_space<vmem>>, vector<8192x128xf32>
    %reshape3A = vector.shape_cast %get3A_3 : vector<8192x128xf32> to vector<512x16x128xf32>
    %get3A_4 = arith.constant 0 : index
    %get3A_5 = arith.constant 0 : index
    %get3A_6 = vector.load %arg2[%get3A_4, %get3A_5] : memref<512x128xf32, #tpu.memory_space<vmem>>, vector<512x128xf32>
    %broadcast_in_dim3A = vector.shape_cast %get3A_6 : vector<512x128xf32> to vector<512x1x128xf32>
    %sub3A = vector.broadcast %broadcast_in_dim3A : vector<512x1x128xf32> to vector<512x16x128xf32>
    %sub3A_7 = arith.subf %reshape3A, %sub3A : vector<512x16x128xf32>
    %reshape3A_8 = vector.shape_cast %sub3A_7 : vector<512x16x128xf32> to vector<8192x128xf32>
    %get3A_9 = arith.constant 0 : index
    %get3A_10 = arith.constant 0 : index
    %get3A_11 = vector.load %arg3[%get3A_9, %get3A_10] : memref<128x64xf32, #tpu.memory_space<vmem>>, vector<128x64xf32>
    %dot_general3A = arith.constant dense<0.000000e+00> : vector<8192x64xf32>
    %dot_general3A_12 = tpu.matmul %reshape3A_8, %get3A_11, %dot_general3A {dimension_numbers = #tpu.dot_dimension_numbers<[1], [0], [0], [1], [0, 0, 1, 1], [], []>, transpose_lhs_hint = false} : vector<8192x128xf32>, vector<128x64xf32>, vector<8192x64xf32> -> vector<8192x64xf32>
    %get3A_13 = arith.constant 0 : index
    %get3A_14 = arith.constant 0 : index
    %get3A_15 = vector.load %arg4[%get3A_13, %get3A_14] : memref<1x64xf32, #tpu.memory_space<vmem>>, vector<1x64xf32>
    %add3A = vector.broadcast %get3A_15 : vector<1x64xf32> to vector<8192x64xf32>
    %add3A_16 = arith.addf %dot_general3A_12, %add3A : vector<8192x64xf32>
    %get3A_17 = arith.constant 0 : index
    %get3A_18 = arith.constant 0 : index
    %get3A_19 = vector.load %arg6[%get3A_17, %get3A_18] : memref<1x64xf32, #tpu.memory_space<vmem>>, vector<1x64xf32>
    %get3A_20 = arith.constant 0 : index
    %get3A_21 = arith.constant 0 : index
    %get3A_22 = vector.load %arg7[%get3A_20, %get3A_21] : memref<1x64xf32, #tpu.memory_space<vmem>>, vector<1x64xf32>
    %get3A_23 = arith.constant 0 : index
    %get3A_24 = arith.constant 0 : index
    %get3A_25 = vector.load %arg5[%get3A_23, %get3A_24] : memref<8x64xf32, #tpu.memory_space<vmem>>, vector<1x64xf32>
    %get3A_26 = arith.constant 1 : index
    %get3A_27 = arith.constant 0 : index
    %get3A_28 = vector.load %arg5[%get3A_26, %get3A_27] : memref<8x64xf32, #tpu.memory_space<vmem>>, vector<1x64xf32>
    %mul3A = arith.constant 7.62939453E-6 : f32
    %mul3A_29 = vector.broadcast %mul3A : f32 to vector<1x64xf32>
    %mul3A_30 = arith.mulf %get3A_25, %mul3A_29 : vector<1x64xf32>
    %mul3A_31 = arith.constant 7.62939453E-6 : f32
    %mul3A_32 = vector.broadcast %mul3A_31 : f32 to vector<1x64xf32>
    %mul3A_33 = arith.mulf %get3A_28, %mul3A_32 : vector<1x64xf32>
    %mul3A_34 = arith.mulf %mul3A_30, %mul3A_30 : vector<1x64xf32>
    %sub3A_35 = arith.subf %mul3A_33, %mul3A_34 : vector<1x64xf32>
    %sub3A_36 = vector.broadcast %mul3A_30 : vector<1x64xf32> to vector<8192x64xf32>
    %sub3A_37 = arith.subf %add3A_16, %sub3A_36 : vector<8192x64xf32>
    %mul3A_38 = vector.broadcast %get3A_19 : vector<1x64xf32> to vector<8192x64xf32>
    %mul3A_39 = arith.mulf %mul3A_38, %sub3A_37 : vector<8192x64xf32>
    %add3A_40 = arith.constant 9.99999974E-6 : f32
    %add3A_41 = vector.broadcast %add3A_40 : f32 to vector<1x64xf32>
    %add3A_42 = arith.addf %sub3A_35, %add3A_41 : vector<1x64xf32>
    %sqrt3A = math.sqrt %add3A_42 : vector<1x64xf32>
    %div3A = vector.broadcast %sqrt3A : vector<1x64xf32> to vector<8192x64xf32>
    %div3A_43 = arith.divf %mul3A_39, %div3A : vector<8192x64xf32>
    %add3A_44 = vector.broadcast %get3A_22 : vector<1x64xf32> to vector<8192x64xf32>
    %add3A_45 = arith.addf %div3A_43, %add3A_44 : vector<8192x64xf32>
    %max3A = arith.constant 0.000000e+00 : f32
    %max3A_46 = vector.broadcast %max3A : f32 to vector<8192x64xf32>
    %max3A_47 = arith.maximumf %add3A_45, %max3A_46 : vector<8192x64xf32>
    %get3A_48 = arith.constant 0 : index
    %get3A_49 = arith.constant 0 : index
    %get3A_50 = vector.load %arg8[%get3A_48, %get3A_49] : memref<64x128xf32, #tpu.memory_space<vmem>>, vector<64x128xf32>
    %dot_general3A_51 = arith.constant dense<0.000000e+00> : vector<8192x128xf32>
    %dot_general3A_52 = tpu.matmul %max3A_47, %get3A_50, %dot_general3A_51 {dimension_numbers = #tpu.dot_dimension_numbers<[1], [0], [0], [1], [0, 0, 1, 1], [], []>, transpose_lhs_hint = false} : vector<8192x64xf32>, vector<64x128xf32>, vector<8192x128xf32> -> vector<8192x128xf32>
    %get3A_53 = arith.constant 0 : index
    %get3A_54 = arith.constant 0 : index
    %get3A_55 = vector.load %arg9[%get3A_53, %get3A_54] : memref<1x128xf32, #tpu.memory_space<vmem>>, vector<1x128xf32>
    %add3A_56 = vector.broadcast %get3A_55 : vector<1x128xf32> to vector<8192x128xf32>
    %add3A_57 = arith.addf %dot_general3A_52, %add3A_56 : vector<8192x128xf32>
    %reduce_sum3A = arith.constant dense<0.000000e+00> : vector<128xf32>
    %reduce_sum3A_58 = vector.multi_reduction <add>, %add3A_57, %reduce_sum3A [0] : vector<8192x128xf32> to vector<128xf32>
    %broadcast_in_dim3A_59 = vector.shape_cast %reduce_sum3A_58 : vector<128xf32> to vector<1x128xf32>
    %mul3A_60 = arith.mulf %add3A_57, %add3A_57 : vector<8192x128xf32>
    %reduce_sum3A_61 = arith.constant dense<0.000000e+00> : vector<128xf32>
    %reduce_sum3A_62 = vector.multi_reduction <add>, %mul3A_60, %reduce_sum3A_61 [0] : vector<8192x128xf32> to vector<128xf32>
    %broadcast_in_dim3A_63 = vector.shape_cast %reduce_sum3A_62 : vector<128xf32> to vector<1x128xf32>
    %get3A_64 = arith.constant 0 : index
    %get3A_65 = arith.constant 0 : index
    %get3A_66 = vector.load %arg10[%get3A_64, %get3A_65] : memref<8x128xf32, #tpu.memory_space<vmem>>, vector<8x128xf32>
    %broadcast_in_dim3A_67 = arith.constant 0.000000e+00 : f32
    %broadcast_in_dim3A_68 = vector.broadcast %broadcast_in_dim3A_67 : f32 to vector<6x128xf32>
    %concatenate3A = tpu.concatenate %broadcast_in_dim3A_59, %broadcast_in_dim3A_63, %broadcast_in_dim3A_68 in 0 : vector<1x128xf32>, vector<1x128xf32>, vector<6x128xf32> -> vector<8x128xf32>
    %add3A_69 = arith.addf %get3A_66, %concatenate3A : vector<8x128xf32>
    %swap3A = arith.constant 0 : index
    %swap3A_70 = arith.constant 0 : index
    %swap3A_71 = vector.load %arg10[%swap3A, %swap3A_70] : memref<8x128xf32, #tpu.memory_space<vmem>>, vector<8x128xf32>
    tpu.vector_store %arg10[%swap3A, %swap3A_70], %add3A_69 {strides = array<i32>} : memref<8x128xf32, #tpu.memory_space<vmem>>, vector<8x128xf32>,
    return
  }
  func.func @transform_0(%arg0: i32) -> (i32, i32) {
    %c0_i32 = arith.constant 0 : i32
    %c0_i32_0 = arith.constant 0 : i32
    return %arg0, %c0_i32 : i32, i32
  }
  func.func @transform_1(%arg0: i32) -> (i32, i32) {
    %c0_i32 = arith.constant 0 : i32
    %c0_i32_0 = arith.constant 0 : i32
    return %arg0, %c0_i32 : i32, i32
  }
  func.func @transform_2(%arg0: i32) -> (i32, i32) {
    %c0_i32 = arith.constant 0 : i32
    %c0_i32_0 = arith.constant 0 : i32
    %c0_i32_1 = arith.constant 0 : i32
    return %c0_i32, %c0_i32_0 : i32, i32
  }
  func.func @transform_3(%arg0: i32) -> (i32, i32) {
    %c0_i32 = arith.constant 0 : i32
    %c0_i32_0 = arith.constant 0 : i32
    %c0_i32_1 = arith.constant 0 : i32
    return %c0_i32, %c0_i32_0 : i32, i32
  }
  func.func @transform_4(%arg0: i32) -> (i32, i32) {
    %c0_i32 = arith.constant 0 : i32
    %c0_i32_0 = arith.constant 0 : i32
    %c0_i32_1 = arith.constant 0 : i32
    return %c0_i32, %c0_i32_0 : i32, i32
  }
  func.func @transform_5(%arg0: i32) -> (i32, i32) {
    %c0_i32 = arith.constant 0 : i32
    %c0_i32_0 = arith.constant 0 : i32
    %c0_i32_1 = arith.constant 0 : i32
    return %c0_i32, %c0_i32_0 : i32, i32
  }
  func.func @transform_6(%arg0: i32) -> (i32, i32) {
    %c0_i32 = arith.constant 0 : i32
    %c0_i32_0 = arith.constant 0 : i32
    %c0_i32_1 = arith.constant 0 : i32
    return %c0_i32, %c0_i32_0 : i32, i32
  }
  func.func @transform_7(%arg0: i32) -> (i32, i32) {
    %c0_i32 = arith.constant 0 : i32
    %c0_i32_0 = arith.constant 0 : i32
    %c0_i32_1 = arith.constant 0 : i32
    return %c0_i32, %c0_i32_0 : i32, i32
  }
  func.func @transform_8(%arg0: i32) -> (i32, i32) {
    %c0_i32 = arith.constant 0 : i32
    %c0_i32_0 = arith.constant 0 : i32
    %c0_i32_1 = arith.constant 0 : i32
    return %c0_i32, %c0_i32_0 : i32, i32
  }
  func.func @transform_9(%arg0: i32) -> (i32, i32) {
    %c0_i32 = arith.constant 0 : i32
    %c0_i32_0 = arith.constant 0 : i32
    %c0_i32_1 = arith.constant 0 : i32
    return %c0_i32, %c0_i32_0 : i32, i32
  }
}

module attributes {stable_mosaic.version = 14 : i64} {
  func.func @_conv2_body(%arg0: i32, %arg1: memref<2048x128xf32, #tpu.memory_space<vmem>>, %arg2: memref<128x128xf32, #tpu.memory_space<vmem>>, %arg3: memref<128x64xf32, #tpu.memory_space<vmem>>, %arg4: memref<1x64xf32, #tpu.memory_space<vmem>>, %arg5: memref<8x64xf32, #tpu.memory_space<vmem>>, %arg6: memref<8x128xf32, #tpu.memory_space<vmem>>, %arg7: memref<1x64xf32, #tpu.memory_space<vmem>>, %arg8: memref<1x64xf32, #tpu.memory_space<vmem>>, %arg9: memref<64x128xf32, #tpu.memory_space<vmem>>, %arg10: memref<1x128xf32, #tpu.memory_space<vmem>>, %arg11: memref<1x128xf32, #tpu.memory_space<vmem>>, %arg12: memref<1x128xf32, #tpu.memory_space<vmem>>, %arg13: memref<128x1024xf32, #tpu.memory_space<vmem>>, %arg14: memref<1x1024xf32, #tpu.memory_space<vmem>>, %arg15: memref<128x16xf32, #tpu.memory_space<vmem>>, %arg16: memref<1024x256xf32, #tpu.memory_space<vmem>>, %arg17: memref<1x256xf32, #tpu.memory_space<vmem>>, %arg18: memref<1x256xf32, #tpu.memory_space<vmem>>, %arg19: memref<1x256xf32, #tpu.memory_space<vmem>>, %arg20: memref<16x256xf32, #tpu.memory_space<vmem>>, %arg21: memref<16x1024xf32, #tpu.memory_space<vmem>>) attributes {dimension_semantics = [#tpu.dimension_semantics<arbitrary>], iteration_bounds = array<i64: 64>, scalar_prefetch = 0 : i64, scratch_operands = 1 : i64, tpu.core_type = #tpu.core_type<tc>, window_params = [{transform_indices = @transform_0, window_bounds = array<i64: 2048, 128>}, {transform_indices = @transform_1, window_bounds = array<i64: 128, 128>}, {pipeline_mode = #tpu.pipeline_mode<synchronous>, transform_indices = @transform_2, window_bounds = array<i64: 128, 64>}, {pipeline_mode = #tpu.pipeline_mode<synchronous>, transform_indices = @transform_3, window_bounds = array<i64: 1, 64>}, {pipeline_mode = #tpu.pipeline_mode<synchronous>, transform_indices = @transform_4, window_bounds = array<i64: 8, 64>}, {pipeline_mode = #tpu.pipeline_mode<synchronous>, transform_indices = @transform_5, window_bounds = array<i64: 8, 128>}, {pipeline_mode = #tpu.pipeline_mode<synchronous>, transform_indices = @transform_6, window_bounds = array<i64: 1, 64>}, {pipeline_mode = #tpu.pipeline_mode<synchronous>, transform_indices = @transform_7, window_bounds = array<i64: 1, 64>}, {pipeline_mode = #tpu.pipeline_mode<synchronous>, transform_indices = @transform_8, window_bounds = array<i64: 64, 128>}, {pipeline_mode = #tpu.pipeline_mode<synchronous>, transform_indices = @transform_9, window_bounds = array<i64: 1, 128>}, {pipeline_mode = #tpu.pipeline_mode<synchronous>, transform_indices = @transform_10, window_bounds = array<i64: 1, 128>}, {pipeline_mode = #tpu.pipeline_mode<synchronous>, transform_indices = @transform_11, window_bounds = array<i64: 1, 128>}, {pipeline_mode = #tpu.pipeline_mode<synchronous>, transform_indices = @transform_12, window_bounds = array<i64: 128, 1024>}, {pipeline_mode = #tpu.pipeline_mode<synchronous>, transform_indices = @transform_13, window_bounds = array<i64: 1, 1024>}, {transform_indices = @transform_14, window_bounds = array<i64: 128, 16>}, {pipeline_mode = #tpu.pipeline_mode<synchronous>, transform_indices = @transform_15, window_bounds = array<i64: 1024, 256>}, {pipeline_mode = #tpu.pipeline_mode<synchronous>, transform_indices = @transform_16, window_bounds = array<i64: 1, 256>}, {pipeline_mode = #tpu.pipeline_mode<synchronous>, transform_indices = @transform_17, window_bounds = array<i64: 1, 256>}, {pipeline_mode = #tpu.pipeline_mode<synchronous>, transform_indices = @transform_18, window_bounds = array<i64: 1, 256>}, {pipeline_mode = #tpu.pipeline_mode<synchronous>, transform_indices = @transform_19, window_bounds = array<i64: 16, 256>}]} {
    %eq3A = arith.constant 0 : i32
    %eq3A_0 = arith.cmpi eq, %arg0, %eq3A : i32
    %convert_element_type3A = arith.extui %eq3A_0 : i1 to i32
    %cond3A = arith.constant 0 : i32
    %cond3A_1 = arith.cmpi ne, %convert_element_type3A, %cond3A : i32
    scf.if %cond3A_1 {
      %broadcast_in_dim3A_367 = arith.constant 0xFF800000 : f32
      %broadcast_in_dim3A_368 = vector.broadcast %broadcast_in_dim3A_367 : f32 to vector<16x1024xf32>
      %swap3A_369 = arith.constant 0 : index
      %swap3A_370 = arith.constant 0 : index
      %swap3A_371 = vector.load %arg21[%swap3A_369, %swap3A_370] : memref<16x1024xf32, #tpu.memory_space<vmem>>, vector<16x1024xf32>
      tpu.vector_store %arg21[%swap3A_369, %swap3A_370], %broadcast_in_dim3A_368 {strides = array<i32>} : memref<16x1024xf32, #tpu.memory_space<vmem>>, vector<16x1024xf32>,
    } else {
    }
    %get3A = arith.constant 0 : index
    %get3A_2 = arith.constant 0 : index
    %get3A_3 = vector.load %arg1[%get3A, %get3A_2] : memref<2048x128xf32, #tpu.memory_space<vmem>>, vector<2048x128xf32>
    %reshape3A = vector.shape_cast %get3A_3 : vector<2048x128xf32> to vector<128x16x128xf32>
    %get3A_4 = arith.constant 0 : index
    %get3A_5 = arith.constant 0 : index
    %get3A_6 = vector.load %arg2[%get3A_4, %get3A_5] : memref<128x128xf32, #tpu.memory_space<vmem>>, vector<128x128xf32>
    %broadcast_in_dim3A = vector.shape_cast %get3A_6 : vector<128x128xf32> to vector<128x1x128xf32>
    %sub3A = vector.broadcast %broadcast_in_dim3A : vector<128x1x128xf32> to vector<128x16x128xf32>
    %sub3A_7 = arith.subf %reshape3A, %sub3A : vector<128x16x128xf32>
    %reshape3A_8 = vector.shape_cast %sub3A_7 : vector<128x16x128xf32> to vector<2048x128xf32>
    %get3A_9 = arith.constant 0 : index
    %get3A_10 = arith.constant 0 : index
    %get3A_11 = vector.load %arg3[%get3A_9, %get3A_10] : memref<128x64xf32, #tpu.memory_space<vmem>>, vector<128x64xf32>
    %dot_general3A = arith.constant dense<0.000000e+00> : vector<2048x64xf32>
    %dot_general3A_12 = tpu.matmul %reshape3A_8, %get3A_11, %dot_general3A {dimension_numbers = #tpu.dot_dimension_numbers<[1], [0], [0], [1], [0, 0, 1, 1], [], []>, transpose_lhs_hint = false} : vector<2048x128xf32>, vector<128x64xf32>, vector<2048x64xf32> -> vector<2048x64xf32>
    %get3A_13 = arith.constant 0 : index
    %get3A_14 = arith.constant 0 : index
    %get3A_15 = vector.load %arg4[%get3A_13, %get3A_14] : memref<1x64xf32, #tpu.memory_space<vmem>>, vector<1x64xf32>
    %add3A = vector.broadcast %get3A_15 : vector<1x64xf32> to vector<2048x64xf32>
    %add3A_16 = arith.addf %dot_general3A_12, %add3A : vector<2048x64xf32>
    %get3A_17 = arith.constant 0 : index
    %get3A_18 = arith.constant 0 : index
    %get3A_19 = vector.load %arg7[%get3A_17, %get3A_18] : memref<1x64xf32, #tpu.memory_space<vmem>>, vector<1x64xf32>
    %get3A_20 = arith.constant 0 : index
    %get3A_21 = arith.constant 0 : index
    %get3A_22 = vector.load %arg8[%get3A_20, %get3A_21] : memref<1x64xf32, #tpu.memory_space<vmem>>, vector<1x64xf32>
    %get3A_23 = arith.constant 0 : index
    %get3A_24 = arith.constant 0 : index
    %get3A_25 = vector.load %arg5[%get3A_23, %get3A_24] : memref<8x64xf32, #tpu.memory_space<vmem>>, vector<1x64xf32>
    %get3A_26 = arith.constant 1 : index
    %get3A_27 = arith.constant 0 : index
    %get3A_28 = vector.load %arg5[%get3A_26, %get3A_27] : memref<8x64xf32, #tpu.memory_space<vmem>>, vector<1x64xf32>
    %mul3A = arith.constant 7.62939453E-6 : f32
    %mul3A_29 = vector.broadcast %mul3A : f32 to vector<1x64xf32>
    %mul3A_30 = arith.mulf %get3A_25, %mul3A_29 : vector<1x64xf32>
    %mul3A_31 = arith.constant 7.62939453E-6 : f32
    %mul3A_32 = vector.broadcast %mul3A_31 : f32 to vector<1x64xf32>
    %mul3A_33 = arith.mulf %get3A_28, %mul3A_32 : vector<1x64xf32>
    %mul3A_34 = arith.mulf %mul3A_30, %mul3A_30 : vector<1x64xf32>
    %sub3A_35 = arith.subf %mul3A_33, %mul3A_34 : vector<1x64xf32>
    %sub3A_36 = vector.broadcast %mul3A_30 : vector<1x64xf32> to vector<2048x64xf32>
    %sub3A_37 = arith.subf %add3A_16, %sub3A_36 : vector<2048x64xf32>
    %mul3A_38 = vector.broadcast %get3A_19 : vector<1x64xf32> to vector<2048x64xf32>
    %mul3A_39 = arith.mulf %mul3A_38, %sub3A_37 : vector<2048x64xf32>
    %add3A_40 = arith.constant 9.99999974E-6 : f32
    %add3A_41 = vector.broadcast %add3A_40 : f32 to vector<1x64xf32>
    %add3A_42 = arith.addf %sub3A_35, %add3A_41 : vector<1x64xf32>
    %sqrt3A = math.sqrt %add3A_42 : vector<1x64xf32>
    %div3A = vector.broadcast %sqrt3A : vector<1x64xf32> to vector<2048x64xf32>
    %div3A_43 = arith.divf %mul3A_39, %div3A : vector<2048x64xf32>
    %add3A_44 = vector.broadcast %get3A_22 : vector<1x64xf32> to vector<2048x64xf32>
    %add3A_45 = arith.addf %div3A_43, %add3A_44 : vector<2048x64xf32>
    %max3A = arith.constant 0.000000e+00 : f32
    %max3A_46 = vector.broadcast %max3A : f32 to vector<2048x64xf32>
    %max3A_47 = arith.maximumf %add3A_45, %max3A_46 : vector<2048x64xf32>
    %get3A_48 = arith.constant 0 : index
    %get3A_49 = arith.constant 0 : index
    %get3A_50 = vector.load %arg9[%get3A_48, %get3A_49] : memref<64x128xf32, #tpu.memory_space<vmem>>, vector<64x128xf32>
    %dot_general3A_51 = arith.constant dense<0.000000e+00> : vector<2048x128xf32>
    %dot_general3A_52 = tpu.matmul %max3A_47, %get3A_50, %dot_general3A_51 {dimension_numbers = #tpu.dot_dimension_numbers<[1], [0], [0], [1], [0, 0, 1, 1], [], []>, transpose_lhs_hint = false} : vector<2048x64xf32>, vector<64x128xf32>, vector<2048x128xf32> -> vector<2048x128xf32>
    %get3A_53 = arith.constant 0 : index
    %get3A_54 = arith.constant 0 : index
    %get3A_55 = vector.load %arg10[%get3A_53, %get3A_54] : memref<1x128xf32, #tpu.memory_space<vmem>>, vector<1x128xf32>
    %add3A_56 = vector.broadcast %get3A_55 : vector<1x128xf32> to vector<2048x128xf32>
    %add3A_57 = arith.addf %dot_general3A_52, %add3A_56 : vector<2048x128xf32>
    %get3A_58 = arith.constant 0 : index
    %get3A_59 = arith.constant 0 : index
    %get3A_60 = vector.load %arg11[%get3A_58, %get3A_59] : memref<1x128xf32, #tpu.memory_space<vmem>>, vector<1x128xf32>
    %get3A_61 = arith.constant 0 : index
    %get3A_62 = arith.constant 0 : index
    %get3A_63 = vector.load %arg12[%get3A_61, %get3A_62] : memref<1x128xf32, #tpu.memory_space<vmem>>, vector<1x128xf32>
    %get3A_64 = arith.constant 0 : index
    %get3A_65 = arith.constant 0 : index
    %get3A_66 = vector.load %arg6[%get3A_64, %get3A_65] : memref<8x128xf32, #tpu.memory_space<vmem>>, vector<1x128xf32>
    %get3A_67 = arith.constant 1 : index
    %get3A_68 = arith.constant 0 : index
    %get3A_69 = vector.load %arg6[%get3A_67, %get3A_68] : memref<8x128xf32, #tpu.memory_space<vmem>>, vector<1x128xf32>
    %mul3A_70 = arith.constant 7.62939453E-6 : f32
    %mul3A_71 = vector.broadcast %mul3A_70 : f32 to vector<1x128xf32>
    %mul3A_72 = arith.mulf %get3A_66, %mul3A_71 : vector<1x128xf32>
    %mul3A_73 = arith.constant 7.62939453E-6 : f32
    %mul3A_74 = vector.broadcast %mul3A_73 : f32 to vector<1x128xf32>
    %mul3A_75 = arith.mulf %get3A_69, %mul3A_74 : vector<1x128xf32>
    %mul3A_76 = arith.mulf %mul3A_72, %mul3A_72 : vector<1x128xf32>
    %sub3A_77 = arith.subf %mul3A_75, %mul3A_76 : vector<1x128xf32>
    %sub3A_78 = vector.broadcast %mul3A_72 : vector<1x128xf32> to vector<2048x128xf32>
    %sub3A_79 = arith.subf %add3A_57, %sub3A_78 : vector<2048x128xf32>
    %mul3A_80 = vector.broadcast %get3A_60 : vector<1x128xf32> to vector<2048x128xf32>
    %mul3A_81 = arith.mulf %mul3A_80, %sub3A_79 : vector<2048x128xf32>
    %add3A_82 = arith.constant 9.99999974E-6 : f32
    %add3A_83 = vector.broadcast %add3A_82 : f32 to vector<1x128xf32>
    %add3A_84 = arith.addf %sub3A_77, %add3A_83 : vector<1x128xf32>
    %sqrt3A_85 = math.sqrt %add3A_84 : vector<1x128xf32>
    %div3A_86 = vector.broadcast %sqrt3A_85 : vector<1x128xf32> to vector<2048x128xf32>
    %div3A_87 = arith.divf %mul3A_81, %div3A_86 : vector<2048x128xf32>
    %add3A_88 = vector.broadcast %get3A_63 : vector<1x128xf32> to vector<2048x128xf32>
    %add3A_89 = arith.addf %div3A_87, %add3A_88 : vector<2048x128xf32>
    %max3A_90 = arith.constant 0.000000e+00 : f32
    %max3A_91 = vector.broadcast %max3A_90 : f32 to vector<2048x128xf32>
    %max3A_92 = arith.maximumf %add3A_89, %max3A_91 : vector<2048x128xf32>
    %get3A_93 = arith.constant 0 : index
    %get3A_94 = arith.constant 0 : index
    %get3A_95 = vector.load %arg13[%get3A_93, %get3A_94] : memref<128x1024xf32, #tpu.memory_space<vmem>>, vector<128x1024xf32>
    %dot_general3A_96 = arith.constant dense<0.000000e+00> : vector<2048x1024xf32>
    %dot_general3A_97 = tpu.matmul %max3A_92, %get3A_95, %dot_general3A_96 {dimension_numbers = #tpu.dot_dimension_numbers<[1], [0], [0], [1], [0, 0, 1, 1], [], []>, transpose_lhs_hint = false} : vector<2048x128xf32>, vector<128x1024xf32>, vector<2048x1024xf32> -> vector<2048x1024xf32>
    %get3A_98 = arith.constant 0 : index
    %get3A_99 = arith.constant 0 : index
    %get3A_100 = vector.load %arg14[%get3A_98, %get3A_99] : memref<1x1024xf32, #tpu.memory_space<vmem>>, vector<1x1024xf32>
    %add3A_101 = vector.broadcast %get3A_100 : vector<1x1024xf32> to vector<2048x1024xf32>
    %add3A_102 = arith.addf %dot_general3A_97, %add3A_101 : vector<2048x1024xf32>
    %reshape3A_103 = vector.shape_cast %add3A_102 : vector<2048x1024xf32> to vector<128x16x1024xf32>
    %reduce_max3A = arith.constant dense<0xFF800000> : vector<128x1024xf32>
    %reduce_max3A_104 = vector.multi_reduction <maximumf>, %reshape3A_103, %reduce_max3A [1] : vector<128x16x1024xf32> to vector<128x1024xf32>
    %get3A_105 = arith.constant 0 : index
    %get3A_106 = arith.constant 0 : index
    %get3A_107 = vector.load %arg15[%get3A_105, %get3A_106] : memref<128x16xf32, #tpu.memory_space<vmem>>, vector<128x16xf32>
    %gt3A = arith.constant 5.000000e-01 : f32
    %gt3A_108 = vector.broadcast %gt3A : f32 to vector<128x16xf32>
    %gt3A_109 = arith.cmpf ogt, %get3A_107, %gt3A_108 : vector<128x16xf32>
    %slice3A = vector.extract_strided_slice %gt3A_109 {offsets = [0, 0], sizes = [128, 1], strides = [1, 1]} : vector<128x16xi1> to vector<128x1xi1>
    %jit3A = arith.constant 0xFF800000 : f32
    %broadcast_in_dim3A_110 = vector.shape_cast %slice3A : vector<128x1xi1> to vector<128x1xi1>
    %broadcast_in_dim3A_111 = vector.broadcast %broadcast_in_dim3A_110 : vector<128x1xi1> to vector<128x1024xi1>
    %broadcast_in_dim3A_112 = vector.broadcast %jit3A : f32 to vector<128x1024xf32>
    %select_n3A = arith.select %broadcast_in_dim3A_111, %reduce_max3A_104, %broadcast_in_dim3A_112 : vector<128x1024xi1>, vector<128x1024xf32>
    %reduce_max3A_113 = arith.constant dense<0xFF800000> : vector<1024xf32>
    %reduce_max3A_114 = vector.multi_reduction <maximumf>, %select_n3A, %reduce_max3A_113 [0] : vector<128x1024xf32> to vector<1024xf32>
    %broadcast_in_dim3A_115 = vector.shape_cast %reduce_max3A_114 : vector<1024xf32> to vector<1x1024xf32>
    %get3A_116 = arith.constant 0 : index
    %get3A_117 = arith.constant 0 : index
    %get3A_118 = vector.load %arg21[%get3A_116, %get3A_117] : memref<16x1024xf32, #tpu.memory_space<vmem>>, vector<1x1024xf32>
    %max3A_119 = arith.maximumf %get3A_118, %broadcast_in_dim3A_115 : vector<1x1024xf32>
    %swap3A = arith.constant 0 : index
    %swap3A_120 = arith.constant 0 : index
    %swap3A_121 = vector.load %arg21[%swap3A, %swap3A_120] : memref<16x1024xf32, #tpu.memory_space<vmem>>, vector<1x1024xf32>
    tpu.vector_store %arg21[%swap3A, %swap3A_120], %max3A_119 {strides = array<i32>} : memref<16x1024xf32, #tpu.memory_space<vmem>>, vector<1x1024xf32>,
    %slice3A_122 = vector.extract_strided_slice %gt3A_109 {offsets = [0, 1], sizes = [128, 1], strides = [1, 1]} : vector<128x16xi1> to vector<128x1xi1>
    %jit3A_123 = arith.constant 0xFF800000 : f32
    %broadcast_in_dim3A_124 = vector.shape_cast %slice3A_122 : vector<128x1xi1> to vector<128x1xi1>
    %broadcast_in_dim3A_125 = vector.broadcast %broadcast_in_dim3A_124 : vector<128x1xi1> to vector<128x1024xi1>
    %broadcast_in_dim3A_126 = vector.broadcast %jit3A_123 : f32 to vector<128x1024xf32>
    %select_n3A_127 = arith.select %broadcast_in_dim3A_125, %reduce_max3A_104, %broadcast_in_dim3A_126 : vector<128x1024xi1>, vector<128x1024xf32>
    %reduce_max3A_128 = arith.constant dense<0xFF800000> : vector<1024xf32>
    %reduce_max3A_129 = vector.multi_reduction <maximumf>, %select_n3A_127, %reduce_max3A_128 [0] : vector<128x1024xf32> to vector<1024xf32>
    %broadcast_in_dim3A_130 = vector.shape_cast %reduce_max3A_129 : vector<1024xf32> to vector<1x1024xf32>
    %get3A_131 = arith.constant 1 : index
    %get3A_132 = arith.constant 0 : index
    %get3A_133 = vector.load %arg21[%get3A_131, %get3A_132] : memref<16x1024xf32, #tpu.memory_space<vmem>>, vector<1x1024xf32>
    %max3A_134 = arith.maximumf %get3A_133, %broadcast_in_dim3A_130 : vector<1x1024xf32>
    %swap3A_135 = arith.constant 1 : index
    %swap3A_136 = arith.constant 0 : index
    %swap3A_137 = vector.load %arg21[%swap3A_135, %swap3A_136] : memref<16x1024xf32, #tpu.memory_space<vmem>>, vector<1x1024xf32>
    tpu.vector_store %arg21[%swap3A_135, %swap3A_136], %max3A_134 {strides = array<i32>} : memref<16x1024xf32, #tpu.memory_space<vmem>>, vector<1x1024xf32>,
    %slice3A_138 = vector.extract_strided_slice %gt3A_109 {offsets = [0, 2], sizes = [128, 1], strides = [1, 1]} : vector<128x16xi1> to vector<128x1xi1>
    %jit3A_139 = arith.constant 0xFF800000 : f32
    %broadcast_in_dim3A_140 = vector.shape_cast %slice3A_138 : vector<128x1xi1> to vector<128x1xi1>
    %broadcast_in_dim3A_141 = vector.broadcast %broadcast_in_dim3A_140 : vector<128x1xi1> to vector<128x1024xi1>
    %broadcast_in_dim3A_142 = vector.broadcast %jit3A_139 : f32 to vector<128x1024xf32>
    %select_n3A_143 = arith.select %broadcast_in_dim3A_141, %reduce_max3A_104, %broadcast_in_dim3A_142 : vector<128x1024xi1>, vector<128x1024xf32>
    %reduce_max3A_144 = arith.constant dense<0xFF800000> : vector<1024xf32>
    %reduce_max3A_145 = vector.multi_reduction <maximumf>, %select_n3A_143, %reduce_max3A_144 [0] : vector<128x1024xf32> to vector<1024xf32>
    %broadcast_in_dim3A_146 = vector.shape_cast %reduce_max3A_145 : vector<1024xf32> to vector<1x1024xf32>
    %get3A_147 = arith.constant 2 : index
    %get3A_148 = arith.constant 0 : index
    %get3A_149 = vector.load %arg21[%get3A_147, %get3A_148] : memref<16x1024xf32, #tpu.memory_space<vmem>>, vector<1x1024xf32>
    %max3A_150 = arith.maximumf %get3A_149, %broadcast_in_dim3A_146 : vector<1x1024xf32>
    %swap3A_151 = arith.constant 2 : index
    %swap3A_152 = arith.constant 0 : index
    %swap3A_153 = vector.load %arg21[%swap3A_151, %swap3A_152] : memref<16x1024xf32, #tpu.memory_space<vmem>>, vector<1x1024xf32>
    tpu.vector_store %arg21[%swap3A_151, %swap3A_152], %max3A_150 {strides = array<i32>} : memref<16x1024xf32, #tpu.memory_space<vmem>>, vector<1x1024xf32>,
    %slice3A_154 = vector.extract_strided_slice %gt3A_109 {offsets = [0, 3], sizes = [128, 1], strides = [1, 1]} : vector<128x16xi1> to vector<128x1xi1>
    %jit3A_155 = arith.constant 0xFF800000 : f32
    %broadcast_in_dim3A_156 = vector.shape_cast %slice3A_154 : vector<128x1xi1> to vector<128x1xi1>
    %broadcast_in_dim3A_157 = vector.broadcast %broadcast_in_dim3A_156 : vector<128x1xi1> to vector<128x1024xi1>
    %broadcast_in_dim3A_158 = vector.broadcast %jit3A_155 : f32 to vector<128x1024xf32>
    %select_n3A_159 = arith.select %broadcast_in_dim3A_157, %reduce_max3A_104, %broadcast_in_dim3A_158 : vector<128x1024xi1>, vector<128x1024xf32>
    %reduce_max3A_160 = arith.constant dense<0xFF800000> : vector<1024xf32>
    %reduce_max3A_161 = vector.multi_reduction <maximumf>, %select_n3A_159, %reduce_max3A_160 [0] : vector<128x1024xf32> to vector<1024xf32>
    %broadcast_in_dim3A_162 = vector.shape_cast %reduce_max3A_161 : vector<1024xf32> to vector<1x1024xf32>
    %get3A_163 = arith.constant 3 : index
    %get3A_164 = arith.constant 0 : index
    %get3A_165 = vector.load %arg21[%get3A_163, %get3A_164] : memref<16x1024xf32, #tpu.memory_space<vmem>>, vector<1x1024xf32>
    %max3A_166 = arith.maximumf %get3A_165, %broadcast_in_dim3A_162 : vector<1x1024xf32>
    %swap3A_167 = arith.constant 3 : index
    %swap3A_168 = arith.constant 0 : index
    %swap3A_169 = vector.load %arg21[%swap3A_167, %swap3A_168] : memref<16x1024xf32, #tpu.memory_space<vmem>>, vector<1x1024xf32>
    tpu.vector_store %arg21[%swap3A_167, %swap3A_168], %max3A_166 {strides = array<i32>} : memref<16x1024xf32, #tpu.memory_space<vmem>>, vector<1x1024xf32>,
    %slice3A_170 = vector.extract_strided_slice %gt3A_109 {offsets = [0, 4], sizes = [128, 1], strides = [1, 1]} : vector<128x16xi1> to vector<128x1xi1>
    %jit3A_171 = arith.constant 0xFF800000 : f32
    %broadcast_in_dim3A_172 = vector.shape_cast %slice3A_170 : vector<128x1xi1> to vector<128x1xi1>
    %broadcast_in_dim3A_173 = vector.broadcast %broadcast_in_dim3A_172 : vector<128x1xi1> to vector<128x1024xi1>
    %broadcast_in_dim3A_174 = vector.broadcast %jit3A_171 : f32 to vector<128x1024xf32>
    %select_n3A_175 = arith.select %broadcast_in_dim3A_173, %reduce_max3A_104, %broadcast_in_dim3A_174 : vector<128x1024xi1>, vector<128x1024xf32>
    %reduce_max3A_176 = arith.constant dense<0xFF800000> : vector<1024xf32>
    %reduce_max3A_177 = vector.multi_reduction <maximumf>, %select_n3A_175, %reduce_max3A_176 [0] : vector<128x1024xf32> to vector<1024xf32>
    %broadcast_in_dim3A_178 = vector.shape_cast %reduce_max3A_177 : vector<1024xf32> to vector<1x1024xf32>
    %get3A_179 = arith.constant 4 : index
    %get3A_180 = arith.constant 0 : index
    %get3A_181 = vector.load %arg21[%get3A_179, %get3A_180] : memref<16x1024xf32, #tpu.memory_space<vmem>>, vector<1x1024xf32>
    %max3A_182 = arith.maximumf %get3A_181, %broadcast_in_dim3A_178 : vector<1x1024xf32>
    %swap3A_183 = arith.constant 4 : index
    %swap3A_184 = arith.constant 0 : index
    %swap3A_185 = vector.load %arg21[%swap3A_183, %swap3A_184] : memref<16x1024xf32, #tpu.memory_space<vmem>>, vector<1x1024xf32>
    tpu.vector_store %arg21[%swap3A_183, %swap3A_184], %max3A_182 {strides = array<i32>} : memref<16x1024xf32, #tpu.memory_space<vmem>>, vector<1x1024xf32>,
    %slice3A_186 = vector.extract_strided_slice %gt3A_109 {offsets = [0, 5], sizes = [128, 1], strides = [1, 1]} : vector<128x16xi1> to vector<128x1xi1>
    %jit3A_187 = arith.constant 0xFF800000 : f32
    %broadcast_in_dim3A_188 = vector.shape_cast %slice3A_186 : vector<128x1xi1> to vector<128x1xi1>
    %broadcast_in_dim3A_189 = vector.broadcast %broadcast_in_dim3A_188 : vector<128x1xi1> to vector<128x1024xi1>
    %broadcast_in_dim3A_190 = vector.broadcast %jit3A_187 : f32 to vector<128x1024xf32>
    %select_n3A_191 = arith.select %broadcast_in_dim3A_189, %reduce_max3A_104, %broadcast_in_dim3A_190 : vector<128x1024xi1>, vector<128x1024xf32>
    %reduce_max3A_192 = arith.constant dense<0xFF800000> : vector<1024xf32>
    %reduce_max3A_193 = vector.multi_reduction <maximumf>, %select_n3A_191, %reduce_max3A_192 [0] : vector<128x1024xf32> to vector<1024xf32>
    %broadcast_in_dim3A_194 = vector.shape_cast %reduce_max3A_193 : vector<1024xf32> to vector<1x1024xf32>
    %get3A_195 = arith.constant 5 : index
    %get3A_196 = arith.constant 0 : index
    %get3A_197 = vector.load %arg21[%get3A_195, %get3A_196] : memref<16x1024xf32, #tpu.memory_space<vmem>>, vector<1x1024xf32>
    %max3A_198 = arith.maximumf %get3A_197, %broadcast_in_dim3A_194 : vector<1x1024xf32>
    %swap3A_199 = arith.constant 5 : index
    %swap3A_200 = arith.constant 0 : index
    %swap3A_201 = vector.load %arg21[%swap3A_199, %swap3A_200] : memref<16x1024xf32, #tpu.memory_space<vmem>>, vector<1x1024xf32>
    tpu.vector_store %arg21[%swap3A_199, %swap3A_200], %max3A_198 {strides = array<i32>} : memref<16x1024xf32, #tpu.memory_space<vmem>>, vector<1x1024xf32>,
    %slice3A_202 = vector.extract_strided_slice %gt3A_109 {offsets = [0, 6], sizes = [128, 1], strides = [1, 1]} : vector<128x16xi1> to vector<128x1xi1>
    %jit3A_203 = arith.constant 0xFF800000 : f32
    %broadcast_in_dim3A_204 = vector.shape_cast %slice3A_202 : vector<128x1xi1> to vector<128x1xi1>
    %broadcast_in_dim3A_205 = vector.broadcast %broadcast_in_dim3A_204 : vector<128x1xi1> to vector<128x1024xi1>
    %broadcast_in_dim3A_206 = vector.broadcast %jit3A_203 : f32 to vector<128x1024xf32>
    %select_n3A_207 = arith.select %broadcast_in_dim3A_205, %reduce_max3A_104, %broadcast_in_dim3A_206 : vector<128x1024xi1>, vector<128x1024xf32>
    %reduce_max3A_208 = arith.constant dense<0xFF800000> : vector<1024xf32>
    %reduce_max3A_209 = vector.multi_reduction <maximumf>, %select_n3A_207, %reduce_max3A_208 [0] : vector<128x1024xf32> to vector<1024xf32>
    %broadcast_in_dim3A_210 = vector.shape_cast %reduce_max3A_209 : vector<1024xf32> to vector<1x1024xf32>
    %get3A_211 = arith.constant 6 : index
    %get3A_212 = arith.constant 0 : index
    %get3A_213 = vector.load %arg21[%get3A_211, %get3A_212] : memref<16x1024xf32, #tpu.memory_space<vmem>>, vector<1x1024xf32>
    %max3A_214 = arith.maximumf %get3A_213, %broadcast_in_dim3A_210 : vector<1x1024xf32>
    %swap3A_215 = arith.constant 6 : index
    %swap3A_216 = arith.constant 0 : index
    %swap3A_217 = vector.load %arg21[%swap3A_215, %swap3A_216] : memref<16x1024xf32, #tpu.memory_space<vmem>>, vector<1x1024xf32>
    tpu.vector_store %arg21[%swap3A_215, %swap3A_216], %max3A_214 {strides = array<i32>} : memref<16x1024xf32, #tpu.memory_space<vmem>>, vector<1x1024xf32>,
    %slice3A_218 = vector.extract_strided_slice %gt3A_109 {offsets = [0, 7], sizes = [128, 1], strides = [1, 1]} : vector<128x16xi1> to vector<128x1xi1>
    %jit3A_219 = arith.constant 0xFF800000 : f32
    %broadcast_in_dim3A_220 = vector.shape_cast %slice3A_218 : vector<128x1xi1> to vector<128x1xi1>
    %broadcast_in_dim3A_221 = vector.broadcast %broadcast_in_dim3A_220 : vector<128x1xi1> to vector<128x1024xi1>
    %broadcast_in_dim3A_222 = vector.broadcast %jit3A_219 : f32 to vector<128x1024xf32>
    %select_n3A_223 = arith.select %broadcast_in_dim3A_221, %reduce_max3A_104, %broadcast_in_dim3A_222 : vector<128x1024xi1>, vector<128x1024xf32>
    %reduce_max3A_224 = arith.constant dense<0xFF800000> : vector<1024xf32>
    %reduce_max3A_225 = vector.multi_reduction <maximumf>, %select_n3A_223, %reduce_max3A_224 [0] : vector<128x1024xf32> to vector<1024xf32>
    %broadcast_in_dim3A_226 = vector.shape_cast %reduce_max3A_225 : vector<1024xf32> to vector<1x1024xf32>
    %get3A_227 = arith.constant 7 : index
    %get3A_228 = arith.constant 0 : index
    %get3A_229 = vector.load %arg21[%get3A_227, %get3A_228] : memref<16x1024xf32, #tpu.memory_space<vmem>>, vector<1x1024xf32>
    %max3A_230 = arith.maximumf %get3A_229, %broadcast_in_dim3A_226 : vector<1x1024xf32>
    %swap3A_231 = arith.constant 7 : index
    %swap3A_232 = arith.constant 0 : index
    %swap3A_233 = vector.load %arg21[%swap3A_231, %swap3A_232] : memref<16x1024xf32, #tpu.memory_space<vmem>>, vector<1x1024xf32>
    tpu.vector_store %arg21[%swap3A_231, %swap3A_232], %max3A_230 {strides = array<i32>} : memref<16x1024xf32, #tpu.memory_space<vmem>>, vector<1x1024xf32>,
    %slice3A_234 = vector.extract_strided_slice %gt3A_109 {offsets = [0, 8], sizes = [128, 1], strides = [1, 1]} : vector<128x16xi1> to vector<128x1xi1>
    %jit3A_235 = arith.constant 0xFF800000 : f32
    %broadcast_in_dim3A_236 = vector.shape_cast %slice3A_234 : vector<128x1xi1> to vector<128x1xi1>
    %broadcast_in_dim3A_237 = vector.broadcast %broadcast_in_dim3A_236 : vector<128x1xi1> to vector<128x1024xi1>
    %broadcast_in_dim3A_238 = vector.broadcast %jit3A_235 : f32 to vector<128x1024xf32>
    %select_n3A_239 = arith.select %broadcast_in_dim3A_237, %reduce_max3A_104, %broadcast_in_dim3A_238 : vector<128x1024xi1>, vector<128x1024xf32>
    %reduce_max3A_240 = arith.constant dense<0xFF800000> : vector<1024xf32>
    %reduce_max3A_241 = vector.multi_reduction <maximumf>, %select_n3A_239, %reduce_max3A_240 [0] : vector<128x1024xf32> to vector<1024xf32>
    %broadcast_in_dim3A_242 = vector.shape_cast %reduce_max3A_241 : vector<1024xf32> to vector<1x1024xf32>
    %get3A_243 = arith.constant 8 : index
    %get3A_244 = arith.constant 0 : index
    %get3A_245 = vector.load %arg21[%get3A_243, %get3A_244] : memref<16x1024xf32, #tpu.memory_space<vmem>>, vector<1x1024xf32>
    %max3A_246 = arith.maximumf %get3A_245, %broadcast_in_dim3A_242 : vector<1x1024xf32>
    %swap3A_247 = arith.constant 8 : index
    %swap3A_248 = arith.constant 0 : index
    %swap3A_249 = vector.load %arg21[%swap3A_247, %swap3A_248] : memref<16x1024xf32, #tpu.memory_space<vmem>>, vector<1x1024xf32>
    tpu.vector_store %arg21[%swap3A_247, %swap3A_248], %max3A_246 {strides = array<i32>} : memref<16x1024xf32, #tpu.memory_space<vmem>>, vector<1x1024xf32>,
    %slice3A_250 = vector.extract_strided_slice %gt3A_109 {offsets = [0, 9], sizes = [128, 1], strides = [1, 1]} : vector<128x16xi1> to vector<128x1xi1>
    %jit3A_251 = arith.constant 0xFF800000 : f32
    %broadcast_in_dim3A_252 = vector.shape_cast %slice3A_250 : vector<128x1xi1> to vector<128x1xi1>
    %broadcast_in_dim3A_253 = vector.broadcast %broadcast_in_dim3A_252 : vector<128x1xi1> to vector<128x1024xi1>
    %broadcast_in_dim3A_254 = vector.broadcast %jit3A_251 : f32 to vector<128x1024xf32>
    %select_n3A_255 = arith.select %broadcast_in_dim3A_253, %reduce_max3A_104, %broadcast_in_dim3A_254 : vector<128x1024xi1>, vector<128x1024xf32>
    %reduce_max3A_256 = arith.constant dense<0xFF800000> : vector<1024xf32>
    %reduce_max3A_257 = vector.multi_reduction <maximumf>, %select_n3A_255, %reduce_max3A_256 [0] : vector<128x1024xf32> to vector<1024xf32>
    %broadcast_in_dim3A_258 = vector.shape_cast %reduce_max3A_257 : vector<1024xf32> to vector<1x1024xf32>
    %get3A_259 = arith.constant 9 : index
    %get3A_260 = arith.constant 0 : index
    %get3A_261 = vector.load %arg21[%get3A_259, %get3A_260] : memref<16x1024xf32, #tpu.memory_space<vmem>>, vector<1x1024xf32>
    %max3A_262 = arith.maximumf %get3A_261, %broadcast_in_dim3A_258 : vector<1x1024xf32>
    %swap3A_263 = arith.constant 9 : index
    %swap3A_264 = arith.constant 0 : index
    %swap3A_265 = vector.load %arg21[%swap3A_263, %swap3A_264] : memref<16x1024xf32, #tpu.memory_space<vmem>>, vector<1x1024xf32>
    tpu.vector_store %arg21[%swap3A_263, %swap3A_264], %max3A_262 {strides = array<i32>} : memref<16x1024xf32, #tpu.memory_space<vmem>>, vector<1x1024xf32>,
    %slice3A_266 = vector.extract_strided_slice %gt3A_109 {offsets = [0, 10], sizes = [128, 1], strides = [1, 1]} : vector<128x16xi1> to vector<128x1xi1>
    %jit3A_267 = arith.constant 0xFF800000 : f32
    %broadcast_in_dim3A_268 = vector.shape_cast %slice3A_266 : vector<128x1xi1> to vector<128x1xi1>
    %broadcast_in_dim3A_269 = vector.broadcast %broadcast_in_dim3A_268 : vector<128x1xi1> to vector<128x1024xi1>
    %broadcast_in_dim3A_270 = vector.broadcast %jit3A_267 : f32 to vector<128x1024xf32>
    %select_n3A_271 = arith.select %broadcast_in_dim3A_269, %reduce_max3A_104, %broadcast_in_dim3A_270 : vector<128x1024xi1>, vector<128x1024xf32>
    %reduce_max3A_272 = arith.constant dense<0xFF800000> : vector<1024xf32>
    %reduce_max3A_273 = vector.multi_reduction <maximumf>, %select_n3A_271, %reduce_max3A_272 [0] : vector<128x1024xf32> to vector<1024xf32>
    %broadcast_in_dim3A_274 = vector.shape_cast %reduce_max3A_273 : vector<1024xf32> to vector<1x1024xf32>
    %get3A_275 = arith.constant 10 : index
    %get3A_276 = arith.constant 0 : index
    %get3A_277 = vector.load %arg21[%get3A_275, %get3A_276] : memref<16x1024xf32, #tpu.memory_space<vmem>>, vector<1x1024xf32>
    %max3A_278 = arith.maximumf %get3A_277, %broadcast_in_dim3A_274 : vector<1x1024xf32>
    %swap3A_279 = arith.constant 10 : index
    %swap3A_280 = arith.constant 0 : index
    %swap3A_281 = vector.load %arg21[%swap3A_279, %swap3A_280] : memref<16x1024xf32, #tpu.memory_space<vmem>>, vector<1x1024xf32>
    tpu.vector_store %arg21[%swap3A_279, %swap3A_280], %max3A_278 {strides = array<i32>} : memref<16x1024xf32, #tpu.memory_space<vmem>>, vector<1x1024xf32>,
    %slice3A_282 = vector.extract_strided_slice %gt3A_109 {offsets = [0, 11], sizes = [128, 1], strides = [1, 1]} : vector<128x16xi1> to vector<128x1xi1>
    %jit3A_283 = arith.constant 0xFF800000 : f32
    %broadcast_in_dim3A_284 = vector.shape_cast %slice3A_282 : vector<128x1xi1> to vector<128x1xi1>
    %broadcast_in_dim3A_285 = vector.broadcast %broadcast_in_dim3A_284 : vector<128x1xi1> to vector<128x1024xi1>
    %broadcast_in_dim3A_286 = vector.broadcast %jit3A_283 : f32 to vector<128x1024xf32>
    %select_n3A_287 = arith.select %broadcast_in_dim3A_285, %reduce_max3A_104, %broadcast_in_dim3A_286 : vector<128x1024xi1>, vector<128x1024xf32>
    %reduce_max3A_288 = arith.constant dense<0xFF800000> : vector<1024xf32>
    %reduce_max3A_289 = vector.multi_reduction <maximumf>, %select_n3A_287, %reduce_max3A_288 [0] : vector<128x1024xf32> to vector<1024xf32>
    %broadcast_in_dim3A_290 = vector.shape_cast %reduce_max3A_289 : vector<1024xf32> to vector<1x1024xf32>
    %get3A_291 = arith.constant 11 : index
    %get3A_292 = arith.constant 0 : index
    %get3A_293 = vector.load %arg21[%get3A_291, %get3A_292] : memref<16x1024xf32, #tpu.memory_space<vmem>>, vector<1x1024xf32>
    %max3A_294 = arith.maximumf %get3A_293, %broadcast_in_dim3A_290 : vector<1x1024xf32>
    %swap3A_295 = arith.constant 11 : index
    %swap3A_296 = arith.constant 0 : index
    %swap3A_297 = vector.load %arg21[%swap3A_295, %swap3A_296] : memref<16x1024xf32, #tpu.memory_space<vmem>>, vector<1x1024xf32>
    tpu.vector_store %arg21[%swap3A_295, %swap3A_296], %max3A_294 {strides = array<i32>} : memref<16x1024xf32, #tpu.memory_space<vmem>>, vector<1x1024xf32>,
    %slice3A_298 = vector.extract_strided_slice %gt3A_109 {offsets = [0, 12], sizes = [128, 1], strides = [1, 1]} : vector<128x16xi1> to vector<128x1xi1>
    %jit3A_299 = arith.constant 0xFF800000 : f32
    %broadcast_in_dim3A_300 = vector.shape_cast %slice3A_298 : vector<128x1xi1> to vector<128x1xi1>
    %broadcast_in_dim3A_301 = vector.broadcast %broadcast_in_dim3A_300 : vector<128x1xi1> to vector<128x1024xi1>
    %broadcast_in_dim3A_302 = vector.broadcast %jit3A_299 : f32 to vector<128x1024xf32>
    %select_n3A_303 = arith.select %broadcast_in_dim3A_301, %reduce_max3A_104, %broadcast_in_dim3A_302 : vector<128x1024xi1>, vector<128x1024xf32>
    %reduce_max3A_304 = arith.constant dense<0xFF800000> : vector<1024xf32>
    %reduce_max3A_305 = vector.multi_reduction <maximumf>, %select_n3A_303, %reduce_max3A_304 [0] : vector<128x1024xf32> to vector<1024xf32>
    %broadcast_in_dim3A_306 = vector.shape_cast %reduce_max3A_305 : vector<1024xf32> to vector<1x1024xf32>
    %get3A_307 = arith.constant 12 : index
    %get3A_308 = arith.constant 0 : index
    %get3A_309 = vector.load %arg21[%get3A_307, %get3A_308] : memref<16x1024xf32, #tpu.memory_space<vmem>>, vector<1x1024xf32>
    %max3A_310 = arith.maximumf %get3A_309, %broadcast_in_dim3A_306 : vector<1x1024xf32>
    %swap3A_311 = arith.constant 12 : index
    %swap3A_312 = arith.constant 0 : index
    %swap3A_313 = vector.load %arg21[%swap3A_311, %swap3A_312] : memref<16x1024xf32, #tpu.memory_space<vmem>>, vector<1x1024xf32>
    tpu.vector_store %arg21[%swap3A_311, %swap3A_312], %max3A_310 {strides = array<i32>} : memref<16x1024xf32, #tpu.memory_space<vmem>>, vector<1x1024xf32>,
    %slice3A_314 = vector.extract_strided_slice %gt3A_109 {offsets = [0, 13], sizes = [128, 1], strides = [1, 1]} : vector<128x16xi1> to vector<128x1xi1>
    %jit3A_315 = arith.constant 0xFF800000 : f32
    %broadcast_in_dim3A_316 = vector.shape_cast %slice3A_314 : vector<128x1xi1> to vector<128x1xi1>
    %broadcast_in_dim3A_317 = vector.broadcast %broadcast_in_dim3A_316 : vector<128x1xi1> to vector<128x1024xi1>
    %broadcast_in_dim3A_318 = vector.broadcast %jit3A_315 : f32 to vector<128x1024xf32>
    %select_n3A_319 = arith.select %broadcast_in_dim3A_317, %reduce_max3A_104, %broadcast_in_dim3A_318 : vector<128x1024xi1>, vector<128x1024xf32>
    %reduce_max3A_320 = arith.constant dense<0xFF800000> : vector<1024xf32>
    %reduce_max3A_321 = vector.multi_reduction <maximumf>, %select_n3A_319, %reduce_max3A_320 [0] : vector<128x1024xf32> to vector<1024xf32>
    %broadcast_in_dim3A_322 = vector.shape_cast %reduce_max3A_321 : vector<1024xf32> to vector<1x1024xf32>
    %get3A_323 = arith.constant 13 : index
    %get3A_324 = arith.constant 0 : index
    %get3A_325 = vector.load %arg21[%get3A_323, %get3A_324] : memref<16x1024xf32, #tpu.memory_space<vmem>>, vector<1x1024xf32>
    %max3A_326 = arith.maximumf %get3A_325, %broadcast_in_dim3A_322 : vector<1x1024xf32>
    %swap3A_327 = arith.constant 13 : index
    %swap3A_328 = arith.constant 0 : index
    %swap3A_329 = vector.load %arg21[%swap3A_327, %swap3A_328] : memref<16x1024xf32, #tpu.memory_space<vmem>>, vector<1x1024xf32>
    tpu.vector_store %arg21[%swap3A_327, %swap3A_328], %max3A_326 {strides = array<i32>} : memref<16x1024xf32, #tpu.memory_space<vmem>>, vector<1x1024xf32>,
    %slice3A_330 = vector.extract_strided_slice %gt3A_109 {offsets = [0, 14], sizes = [128, 1], strides = [1, 1]} : vector<128x16xi1> to vector<128x1xi1>
    %jit3A_331 = arith.constant 0xFF800000 : f32
    %broadcast_in_dim3A_332 = vector.shape_cast %slice3A_330 : vector<128x1xi1> to vector<128x1xi1>
    %broadcast_in_dim3A_333 = vector.broadcast %broadcast_in_dim3A_332 : vector<128x1xi1> to vector<128x1024xi1>
    %broadcast_in_dim3A_334 = vector.broadcast %jit3A_331 : f32 to vector<128x1024xf32>
    %select_n3A_335 = arith.select %broadcast_in_dim3A_333, %reduce_max3A_104, %broadcast_in_dim3A_334 : vector<128x1024xi1>, vector<128x1024xf32>
    %reduce_max3A_336 = arith.constant dense<0xFF800000> : vector<1024xf32>
    %reduce_max3A_337 = vector.multi_reduction <maximumf>, %select_n3A_335, %reduce_max3A_336 [0] : vector<128x1024xf32> to vector<1024xf32>
    %broadcast_in_dim3A_338 = vector.shape_cast %reduce_max3A_337 : vector<1024xf32> to vector<1x1024xf32>
    %get3A_339 = arith.constant 14 : index
    %get3A_340 = arith.constant 0 : index
    %get3A_341 = vector.load %arg21[%get3A_339, %get3A_340] : memref<16x1024xf32, #tpu.memory_space<vmem>>, vector<1x1024xf32>
    %max3A_342 = arith.maximumf %get3A_341, %broadcast_in_dim3A_338 : vector<1x1024xf32>
    %swap3A_343 = arith.constant 14 : index
    %swap3A_344 = arith.constant 0 : index
    %swap3A_345 = vector.load %arg21[%swap3A_343, %swap3A_344] : memref<16x1024xf32, #tpu.memory_space<vmem>>, vector<1x1024xf32>
    tpu.vector_store %arg21[%swap3A_343, %swap3A_344], %max3A_342 {strides = array<i32>} : memref<16x1024xf32, #tpu.memory_space<vmem>>, vector<1x1024xf32>,
    %slice3A_346 = vector.extract_strided_slice %gt3A_109 {offsets = [0, 15], sizes = [128, 1], strides = [1, 1]} : vector<128x16xi1> to vector<128x1xi1>
    %jit3A_347 = arith.constant 0xFF800000 : f32
    %broadcast_in_dim3A_348 = vector.shape_cast %slice3A_346 : vector<128x1xi1> to vector<128x1xi1>
    %broadcast_in_dim3A_349 = vector.broadcast %broadcast_in_dim3A_348 : vector<128x1xi1> to vector<128x1024xi1>
    %broadcast_in_dim3A_350 = vector.broadcast %jit3A_347 : f32 to vector<128x1024xf32>
    %select_n3A_351 = arith.select %broadcast_in_dim3A_349, %reduce_max3A_104, %broadcast_in_dim3A_350 : vector<128x1024xi1>, vector<128x1024xf32>
    %reduce_max3A_352 = arith.constant dense<0xFF800000> : vector<1024xf32>
    %reduce_max3A_353 = vector.multi_reduction <maximumf>, %select_n3A_351, %reduce_max3A_352 [0] : vector<128x1024xf32> to vector<1024xf32>
    %broadcast_in_dim3A_354 = vector.shape_cast %reduce_max3A_353 : vector<1024xf32> to vector<1x1024xf32>
    %get3A_355 = arith.constant 15 : index
    %get3A_356 = arith.constant 0 : index
    %get3A_357 = vector.load %arg21[%get3A_355, %get3A_356] : memref<16x1024xf32, #tpu.memory_space<vmem>>, vector<1x1024xf32>
    %max3A_358 = arith.maximumf %get3A_357, %broadcast_in_dim3A_354 : vector<1x1024xf32>
    %swap3A_359 = arith.constant 15 : index
    %swap3A_360 = arith.constant 0 : index
    %swap3A_361 = vector.load %arg21[%swap3A_359, %swap3A_360] : memref<16x1024xf32, #tpu.memory_space<vmem>>, vector<1x1024xf32>
    tpu.vector_store %arg21[%swap3A_359, %swap3A_360], %max3A_358 {strides = array<i32>} : memref<16x1024xf32, #tpu.memory_space<vmem>>, vector<1x1024xf32>,
    %eq3A_362 = arith.constant 63 : i32
    %eq3A_363 = arith.cmpi eq, %arg0, %eq3A_362 : i32
    %convert_element_type3A_364 = arith.extui %eq3A_363 : i1 to i32
    %cond3A_365 = arith.constant 0 : i32
    %cond3A_366 = arith.cmpi ne, %convert_element_type3A_364, %cond3A_365 : i32
    scf.if %cond3A_366 {
      %get3A_367 = arith.constant 0 : index
      %get3A_368 = arith.constant 0 : index
      %get3A_369 = vector.load %arg21[%get3A_367, %get3A_368] : memref<16x1024xf32, #tpu.memory_space<vmem>>, vector<16x1024xf32>
      %get3A_370 = arith.constant 0 : index
      %get3A_371 = arith.constant 0 : index
      %get3A_372 = vector.load %arg16[%get3A_370, %get3A_371] : memref<1024x256xf32, #tpu.memory_space<vmem>>, vector<1024x256xf32>
      %dot_general3A_373 = arith.constant dense<0.000000e+00> : vector<16x256xf32>
      %dot_general3A_374 = tpu.matmul %get3A_369, %get3A_372, %dot_general3A_373 {dimension_numbers = #tpu.dot_dimension_numbers<[1], [0], [0], [1], [0, 0, 1, 1], [], []>, transpose_lhs_hint = false} : vector<16x1024xf32>, vector<1024x256xf32>, vector<16x256xf32> -> vector<16x256xf32>
      %get3A_375 = arith.constant 0 : index
      %get3A_376 = arith.constant 0 : index
      %get3A_377 = vector.load %arg17[%get3A_375, %get3A_376] : memref<1x256xf32, #tpu.memory_space<vmem>>, vector<1x256xf32>
      %add3A_378 = vector.broadcast %get3A_377 : vector<1x256xf32> to vector<16x256xf32>
      %add3A_379 = arith.addf %dot_general3A_374, %add3A_378 : vector<16x256xf32>
      %reduce_sum3A = arith.constant dense<0.000000e+00> : vector<256xf32>
      %reduce_sum3A_380 = vector.multi_reduction <add>, %add3A_379, %reduce_sum3A [0] : vector<16x256xf32> to vector<256xf32>
      %broadcast_in_dim3A_381 = vector.shape_cast %reduce_sum3A_380 : vector<256xf32> to vector<1x256xf32>
      %div3A_382 = arith.constant 1.600000e+01 : f32
      %div3A_383 = vector.broadcast %div3A_382 : f32 to vector<1x256xf32>
      %div3A_384 = arith.divf %broadcast_in_dim3A_381, %div3A_383 : vector<1x256xf32>
      %sub3A_385 = vector.broadcast %div3A_384 : vector<1x256xf32> to vector<16x256xf32>
      %sub3A_386 = arith.subf %add3A_379, %sub3A_385 : vector<16x256xf32>
      %sub3A_387 = vector.broadcast %div3A_384 : vector<1x256xf32> to vector<16x256xf32>
      %sub3A_388 = arith.subf %add3A_379, %sub3A_387 : vector<16x256xf32>
      %mul3A_389 = arith.mulf %sub3A_386, %sub3A_388 : vector<16x256xf32>
      %reduce_sum3A_390 = arith.constant dense<0.000000e+00> : vector<256xf32>
      %reduce_sum3A_391 = vector.multi_reduction <add>, %mul3A_389, %reduce_sum3A_390 [0] : vector<16x256xf32> to vector<256xf32>
      %broadcast_in_dim3A_392 = vector.shape_cast %reduce_sum3A_391 : vector<256xf32> to vector<1x256xf32>
      %div3A_393 = arith.constant 1.600000e+01 : f32
      %div3A_394 = vector.broadcast %div3A_393 : f32 to vector<1x256xf32>
      %div3A_395 = arith.divf %broadcast_in_dim3A_392, %div3A_394 : vector<1x256xf32>
      %get3A_396 = arith.constant 0 : index
      %get3A_397 = arith.constant 0 : index
      %get3A_398 = vector.load %arg18[%get3A_396, %get3A_397] : memref<1x256xf32, #tpu.memory_space<vmem>>, vector<1x256xf32>
      %sub3A_399 = vector.broadcast %div3A_384 : vector<1x256xf32> to vector<16x256xf32>
      %sub3A_400 = arith.subf %add3A_379, %sub3A_399 : vector<16x256xf32>
      %mul3A_401 = vector.broadcast %get3A_398 : vector<1x256xf32> to vector<16x256xf32>
      %mul3A_402 = arith.mulf %mul3A_401, %sub3A_400 : vector<16x256xf32>
      %add3A_403 = arith.constant 9.99999974E-6 : f32
      %add3A_404 = vector.broadcast %add3A_403 : f32 to vector<1x256xf32>
      %add3A_405 = arith.addf %div3A_395, %add3A_404 : vector<1x256xf32>
      %sqrt3A_406 = math.sqrt %add3A_405 : vector<1x256xf32>
      %div3A_407 = vector.broadcast %sqrt3A_406 : vector<1x256xf32> to vector<16x256xf32>
      %div3A_408 = arith.divf %mul3A_402, %div3A_407 : vector<16x256xf32>
      %get3A_409 = arith.constant 0 : index
      %get3A_410 = arith.constant 0 : index
      %get3A_411 = vector.load %arg19[%get3A_409, %get3A_410] : memref<1x256xf32, #tpu.memory_space<vmem>>, vector<1x256xf32>
      %add3A_412 = vector.broadcast %get3A_411 : vector<1x256xf32> to vector<16x256xf32>
      %add3A_413 = arith.addf %div3A_408, %add3A_412 : vector<16x256xf32>
      %max3A_414 = arith.constant 0.000000e+00 : f32
      %max3A_415 = vector.broadcast %max3A_414 : f32 to vector<16x256xf32>
      %max3A_416 = arith.maximumf %add3A_413, %max3A_415 : vector<16x256xf32>
      %swap3A_417 = arith.constant 0 : index
      %swap3A_418 = arith.constant 0 : index
      %swap3A_419 = vector.load %arg20[%swap3A_417, %swap3A_418] : memref<16x256xf32, #tpu.memory_space<vmem>>, vector<16x256xf32>
      tpu.vector_store %arg20[%swap3A_417, %swap3A_418], %max3A_416 {strides = array<i32>} : memref<16x256xf32, #tpu.memory_space<vmem>>, vector<16x256xf32>,
    } else {
    }
    return
  }
  func.func @transform_0(%arg0: i32) -> (i32, i32) {
    %c0_i32 = arith.constant 0 : i32
    %c0_i32_0 = arith.constant 0 : i32
    return %arg0, %c0_i32 : i32, i32
  }
  func.func @transform_1(%arg0: i32) -> (i32, i32) {
    %c0_i32 = arith.constant 0 : i32
    %c0_i32_0 = arith.constant 0 : i32
    return %arg0, %c0_i32 : i32, i32
  }
  func.func @transform_2(%arg0: i32) -> (i32, i32) {
    %c0_i32 = arith.constant 0 : i32
    %c0_i32_0 = arith.constant 0 : i32
    %c0_i32_1 = arith.constant 0 : i32
    return %c0_i32, %c0_i32_0 : i32, i32
  }
  func.func @transform_3(%arg0: i32) -> (i32, i32) {
    %c0_i32 = arith.constant 0 : i32
    %c0_i32_0 = arith.constant 0 : i32
    %c0_i32_1 = arith.constant 0 : i32
    return %c0_i32, %c0_i32_0 : i32, i32
  }
  func.func @transform_4(%arg0: i32) -> (i32, i32) {
    %c0_i32 = arith.constant 0 : i32
    %c0_i32_0 = arith.constant 0 : i32
    %c0_i32_1 = arith.constant 0 : i32
    return %c0_i32, %c0_i32_0 : i32, i32
  }
  func.func @transform_5(%arg0: i32) -> (i32, i32) {
    %c0_i32 = arith.constant 0 : i32
    %c0_i32_0 = arith.constant 0 : i32
    %c0_i32_1 = arith.constant 0 : i32
    return %c0_i32, %c0_i32_0 : i32, i32
  }
  func.func @transform_6(%arg0: i32) -> (i32, i32) {
    %c0_i32 = arith.constant 0 : i32
    %c0_i32_0 = arith.constant 0 : i32
    %c0_i32_1 = arith.constant 0 : i32
    return %c0_i32, %c0_i32_0 : i32, i32
  }
  func.func @transform_7(%arg0: i32) -> (i32, i32) {
    %c0_i32 = arith.constant 0 : i32
    %c0_i32_0 = arith.constant 0 : i32
    %c0_i32_1 = arith.constant 0 : i32
    return %c0_i32, %c0_i32_0 : i32, i32
  }
  func.func @transform_8(%arg0: i32) -> (i32, i32) {
    %c0_i32 = arith.constant 0 : i32
    %c0_i32_0 = arith.constant 0 : i32
    %c0_i32_1 = arith.constant 0 : i32
    return %c0_i32, %c0_i32_0 : i32, i32
  }
  func.func @transform_9(%arg0: i32) -> (i32, i32) {
    %c0_i32 = arith.constant 0 : i32
    %c0_i32_0 = arith.constant 0 : i32
    %c0_i32_1 = arith.constant 0 : i32
    return %c0_i32, %c0_i32_0 : i32, i32
  }
  func.func @transform_10(%arg0: i32) -> (i32, i32) {
    %c0_i32 = arith.constant 0 : i32
    %c0_i32_0 = arith.constant 0 : i32
    %c0_i32_1 = arith.constant 0 : i32
    return %c0_i32, %c0_i32_0 : i32, i32
  }
  func.func @transform_11(%arg0: i32) -> (i32, i32) {
    %c0_i32 = arith.constant 0 : i32
    %c0_i32_0 = arith.constant 0 : i32
    %c0_i32_1 = arith.constant 0 : i32
    return %c0_i32, %c0_i32_0 : i32, i32
  }
  func.func @transform_12(%arg0: i32) -> (i32, i32) {
    %c0_i32 = arith.constant 0 : i32
    %c0_i32_0 = arith.constant 0 : i32
    %c0_i32_1 = arith.constant 0 : i32
    return %c0_i32, %c0_i32_0 : i32, i32
  }
  func.func @transform_13(%arg0: i32) -> (i32, i32) {
    %c0_i32 = arith.constant 0 : i32
    %c0_i32_0 = arith.constant 0 : i32
    %c0_i32_1 = arith.constant 0 : i32
    return %c0_i32, %c0_i32_0 : i32, i32
  }
  func.func @transform_14(%arg0: i32) -> (i32, i32) {
    %c0_i32 = arith.constant 0 : i32
    %c0_i32_0 = arith.constant 0 : i32
    return %arg0, %c0_i32 : i32, i32
  }
  func.func @transform_15(%arg0: i32) -> (i32, i32) {
    %c0_i32 = arith.constant 0 : i32
    %c0_i32_0 = arith.constant 0 : i32
    %c0_i32_1 = arith.constant 0 : i32
    return %c0_i32, %c0_i32_0 : i32, i32
  }
  func.func @transform_16(%arg0: i32) -> (i32, i32) {
    %c0_i32 = arith.constant 0 : i32
    %c0_i32_0 = arith.constant 0 : i32
    %c0_i32_1 = arith.constant 0 : i32
    return %c0_i32, %c0_i32_0 : i32, i32
  }
  func.func @transform_17(%arg0: i32) -> (i32, i32) {
    %c0_i32 = arith.constant 0 : i32
    %c0_i32_0 = arith.constant 0 : i32
    %c0_i32_1 = arith.constant 0 : i32
    return %c0_i32, %c0_i32_0 : i32, i32
  }
  func.func @transform_18(%arg0: i32) -> (i32, i32) {
    %c0_i32 = arith.constant 0 : i32
    %c0_i32_0 = arith.constant 0 : i32
    %c0_i32_1 = arith.constant 0 : i32
    return %c0_i32, %c0_i32_0 : i32, i32
  }
  func.func @transform_19(%arg0: i32) -> (i32, i32) {
    %c0_i32 = arith.constant 0 : i32
    %c0_i32_0 = arith.constant 0 : i32
    %c0_i32_1 = arith.constant 0 : i32
    return %c0_i32, %c0_i32_0 : i32, i32
  }
}

</mosaic_0001>

<sc_bundles>
// kernel: kernel.10.cloned.1.call-start
scs
__scs_entry_jumppad:
0x0: {  	(pc) =	sbr.rel $0x88, $3  }
0x1: {  	(tag) =	ssettag $0x0;
	lr =	simm.s32 $0x1  }
0x2: {  	[smem:$0x3F8B] =	sst lr;
	_ =	strace $0xD0000000  }
0x3: {  	_ = 	snop  }
0x4: {  	_ = 	snop  }
0x5: {  	_ = 	snop  }
0x6: {  	_ = 	snop  }
0x7: {  	_ = 	snop  }
__scs_overlays_trampoline_lowered:
0x8: {  	[smem:$0x3F9A] =	sst s0  }
0x9: {  	[smem:$0x3F9B] =	sst s1  }
0xa: {  	[smem:$0x3F9C] =	sst s2  }
0xb: {  	[smem:$0x3F9D] =	sst s3  }
0xc: {  	[smem:$0x3F9E] =	sst s4  }
0xd: {  	[smem:$0x3F9F] =	sst s5  }
0xe: {  	[smem:$0x3FA0] =	sst s6  }
0xf: {  	[smem:$0x3FA1] =	sst s7  }
0x10: {  	[smem:$0x3FA2] =	sst s8  }
0x11: {  	[smem:$0x3FA3] =	sst s9;
	s0 =	simm.s32 @!p0 $0x0  }
0x12: {  	s1 =	sld [smem:$0x3F89];
	s0 =	simm.s32 @p0 $0x1  }
0x13: {  	[smem:$0x3FA4] =	sst s0;
	s0 =	simm.s32 @!p1 $0x0  }
0x14: {  	s2 =	sld [smem:$0x3F88];
	s0 =	simm.s32 @p1 $0x1  }
0x15: {  	[smem:$0x3FA5] =	sst s0;
	s0 =	simm.s32 @!p2 $0x0  }
0x16: {  	s3 =	sld [smem:$0x3FDB];
	s0 =	simm.s32 @p2 $0x1  }
0x17: {  	s4 =	simm.s32 $0x1BF5;
	[smem:$0x3FA7] =	sst s0  }
0x18: {  	s0 =	sld [smem:$0x3F8A];
	_ =	swait.ge [sflag:s4], $0x0  }
0x19: {  	s7 =	sld [smem:$0x3F8B]  }
0x1a: {  	s8 =	sadd.s32 $0xFFFFE003, lr  }
0x1b: {  	s9 =	sadd.s32 $0xFFFFFEF7, lr;
	s5 =	simm.s32 $0xFFFFFFFF;
	p2 =	slt.u32 s8, $0xFFFFF086  }
0x1c: {  	p1 =	slt.u32 s9, $0xF7A;
	s5 =	simm.s32 @!p2 $0x0  }
0x1d: {  	s5 =	simm.s32 @p1 $0x1;
	p0 =	seq.s32 s7, s2  }
0x1e: {  	s7 =	smul.u32 @!p0 $0xF7A, s2;
	p2 =	seq.s32 @!p0 s5, $0x0  }
0x1f: {  	s9 =	smul.u32 $0xF7A, s1;
	s8 =	simm.s32 @!p0 $0x1BF5;
	p2 =	por !p2, p0  }
0x20: {  	[sflag:s8] =	ssyncset.s32 @!p0 $0xFFFFF086;
	s6 =	sadd.s32 @!p0 s3, s7;
	s7 =	simm.s32 @!p0 $0x108  }
0x21: {  	s3 =	sadd.s32 s3, s9;
	s6 =	sadd.s32 @!p0 $0x88, s6;
	s7 =	simm.s32 @p2 $0x1082  }
0x22: {  	[simem:s7], [sflag:s8] =	dma.local @!p0 [hbm:s6], $0xF7A  }
0x23: {  	s9 =	sor.u32 $0xD0000000, s2;
	s6 =	simm.s32 $0x108;
	_ =	swait.ge @!p0 [sflag:s8], $0x0  }
0x24: {  	s3 =	sadd.s32 $0x88, s3;
	s6 =	simm.s32 @!p1 $0x1082;
	[sflag:s4] =	ssyncset.s32 $0xFFFFF086  }
0x25: {  	[simem:s6], [sflag:s4] =	dma.local [hbm:s3], $0xF7A  }
0x26: {  	[smem:$0x3F8B] =	sst s1;
	(tag) =	ssettag s2;
	_ =	strace s9  }
0x27: {  	s1 =	sld [smem:$0x3F9B]  }
0x28: {  	s2 =	sld [smem:$0x3F9C]  }
0x29: {  	s4 =	sld [smem:$0x3F9E]  }
0x2a: {  	p0 =	seq.s32 s5, $0x0;
	s5 =	sld [smem:$0x3F9F]  }
0x2b: {  	s6 =	sld [smem:$0x3FA0]  }
0x2c: {  	s7 =	sld [smem:$0x3FA1]  }
0x2d: {  	s3 =	simm.s32 $0x108;
	s8 =	sld [smem:$0x3FA2]  }
0x2e: {  	s3 =	simm.s32 @!p0 $0x1082;
	s9 =	sld [smem:$0x3FA3]  }
0x2f: {  	lr =	sadd.s32 s0, s3;
	s0 =	sld [smem:$0x3F9A]  }
0x30: {  	s3 =	sld [smem:$0x3F9D]  }
0x31: {  	[smem:$0x3FA6] =	sst s10  }
0x32: {  	s10 =	sld [smem:$0x3FA4];
	_ =	sdelay $0x3  }
0x33: {  	p0 =	seq.s32 s10, $0x1;
	s10 =	sld [smem:$0x3FA6];
	_ =	sdelay $0x3  }
0x34: {  	[smem:$0x3FA6] =	sst s10  }
0x35: {  	s10 =	sld [smem:$0x3FA5];
	_ =	sdelay $0x3  }
0x36: {  	p1 =	seq.s32 s10, $0x1;
	s10 =	sld [smem:$0x3FA6];
	_ =	sdelay $0x3  }
0x37: {  	[smem:$0x3FA6] =	sst s10  }
0x38: {  	s10 =	sld [smem:$0x3FA7]  }
0x39: {  	_ = 	snop;
	(pc) =	sbr.ind lr, $3  }
0x3a: {  	_ = 	snop  }
0x3b: {  	_ = 	snop  }
0x3c: {  	p2 =	seq.s32 s10, $0x1;
	s10 =	sld [smem:$0x3FA6]  }
0x3d: {  	_ =	shalt  }
0x3e: {  	_ =	shalt  }
0x3f: {  	_ =	shalt  }
0x40: {  	_ =	shalt  }
0x41: {  	_ =	shalt  }
0x42: {  	_ =	shalt  }
0x43: {  	_ =	shalt  }
0x44: {  	_ =	shalt  }
0x45: {  	_ =	shalt  }
0x46: {  	_ =	shalt  }
0x47: {  	_ =	shalt  }
0x48: {  	_ =	shalt  }
0x49: {  	_ =	shalt  }
0x4a: {  	_ =	shalt  }
0x4b: {  	_ =	shalt  }
0x4c: {  	_ =	shalt  }
0x4d: {  	_ =	shalt  }
0x4e: {  	_ =	shalt  }
0x4f: {  	_ =	shalt  }
0x50: {  	_ =	shalt  }
0x51: {  	_ =	shalt  }
0x52: {  	_ =	shalt  }
0x53: {  	_ =	shalt  }
0x54: {  	_ =	shalt  }
0x55: {  	_ =	shalt  }
0x56: {  	_ =	shalt  }
0x57: {  	_ =	shalt  }
0x58: {  	_ =	shalt  }
0x59: {  	_ =	shalt  }
0x5a: {  	_ =	shalt  }
0x5b: {  	_ =	shalt  }
0x5c: {  	_ =	shalt  }
0x5d: {  	_ =	shalt  }
0x5e: {  	_ =	shalt  }
0x5f: {  	_ =	shalt  }
0x60: {  	_ =	shalt  }
0x61: {  	_ =	shalt  }
0x62: {  	_ =	shalt  }
0x63: {  	_ =	shalt  }
0x64: {  	_ =	shalt  }
0x65: {  	_ =	shalt  }
0x66: {  	_ =	shalt  }
0x67: {  	_ =	shalt  }
0x68: {  	_ =	shalt  }
0x69: {  	_ =	shalt  }
0x6a: {  	_ =	shalt  }
0x6b: {  	_ =	shalt  }
0x6c: {  	_ =	shalt  }
0x6d: {  	_ =	shalt  }
0x6e: {  	_ =	shalt  }
0x6f: {  	_ =	shalt  }
0x70: {  	_ =	shalt  }
0x71: {  	_ =	shalt  }
0x72: {  	_ =	shalt  }
0x73: {  	_ =	shalt  }
0x74: {  	_ =	shalt  }
0x75: {  	_ =	shalt  }
0x76: {  	_ =	shalt  }
0x77: {  	_ =	shalt  }
0x78: {  	_ =	shalt  }
0x79: {  	_ =	shalt  }
0x7a: {  	_ =	shalt  }
0x7b: {  	_ =	shalt  }
0x7c: {  	_ =	shalt  }
0x7d: {  	_ =	shalt  }
0x7e: {  	_ =	shalt  }
0x7f: {  	_ =	shalt  }
0x80: {  	_ =	shalt  }
0x81: {  	_ =	shalt  }
0x82: {  	_ =	shalt  }
0x83: {  	_ =	shalt  }
0x84: {  	_ =	shalt  }
0x85: {  	_ =	shalt  }
0x86: {  	_ =	shalt  }
0x87: {  	_ =	shalt  }
.Lfunc_end0:
.L_simem_size_0:
called_computation_lowered:
.L_overlay_start_0:
0x88: {  	s2 =	sld [smem:$0x3FD9]  }
0x89: {  	s3 =	sld [smem:$0x3FFE];
	_ =	sdelay $0x1  }
0x8a: {  	s1 =	srdreg.scid  }
0x8b: {  	s0 =	sand.u32 $0x1, s1  }
0x8c: {  	s16 =	sshll.u32 s0, $0xA;
	s2 =	sadd.s32 s3, s2  }
0x8d: {  	s2 =	sadd.s32 s2, s16  }
0x8e: {  	[smem:$0x3FB2] =	sst s2  }
0x8f: {  	_ = 	snop  }
0x90: {  	(tm) =	ssettm $0x1  }
0x91: {  	s17 =	sld [smem:$0x3FFB];
	_ =	sdelay $0x3  }
0x92: {  	_ =	strace s17  }
0x93: {  	s2 =	sld [smem:$0x3FFC];
	_ =	sdelay $0x3  }
0x94: {  	_ =	strace s2  }
0x95: {  	s2 =	sld [smem:$0x3FFD];
	_ =	sdelay $0x3  }
0x96: {  	_ =	strace s2  }
0x97: {  	_ =	strace $0x8FFFFFFF  }
0x98: {  	s18 =	sld [smem:$0x3FDB];
	_ =	sdelay $0x1  }
0x99: {  	s19 =	simm.s32 $_scs_section_size  }
0x9a: {  	s4 =	simm.s32 $_size__tile_overlayer_lowered;
	s5 =	simm.s32 $_tile_overlayer_lowered  }
0x9b: {  	s22 =	simm.s32 $0x1BFF;
	s21 =	sshll.u32 s5, $0x1;
	s2 =	sadd.s32 s19, s18  }
0x9c: {  	s6 =	simm.s32 $0x0;
	s20 =	sshll.u32 s4, $0x1;
	s4 =	sadd.s32 s21, s2  }
0x9d: {  	[timem:s6], [sflag:s22] =	dma.local [hbm:s4], s20  }
0x9e: {  	_ =	swait.ge [sflag:s22], s20  }
0x9f: {  	s3 =	ssub.s32 $0x0, s20;
	[sflag:s22] =	ssyncset.done $0x0  }
0xa0: {  	[sflag:s22] =	ssyncadd.s32 s3;
	_ =	sdelay $0x1  }
0xa1: {  	s23 =	simm.s32 $0x1B8B  }
0xa2: {  	_ =	swait.ge [sflag:s23], $0x1  }
0xa3: {  	[sflag:s23] =	ssyncset.done $0x0  }
0xa4: {  	s25 =	simm.s32 $0x1B8E;
	s24 =	sld [smem:$0x3FFE];
	[sflag:s23] =	ssyncadd.s32 $0xFFFFFFFF  }
0xa5: {  	s26 =	simm.s32 $execute0_lowered;
	[smem:$0x3FD2] =	sst s25  }
0xa6: {  	s4 =	sshll.u32 s26, $0x1;
	_ =	strace $0x80000046;
	[dreg:$0x1] =	wrdreg $0xFFFFFFFF  }
0xa7: {  	s28 =	simm.s32 $_size_execute0_lowered;
	s2 =	sadd.s32 s2, s4;
	[dreg:$0x0] =	wrdreg $0x0  }
0xa8: {  	s4 =	sshll.u32 s28, $0x1;
	[dreg:$0x2] =	wrdreg s2  }
0xa9: {  	[dreg:$0x3] =	wrdreg s4  }
0xaa: {  	[dreg:$0x4] =	wrdreg $0xC0  }
0xab: {  	_ =	task [dreg:s6], $0x5FFFF  }
0xac: {  	[dreg:$0x1] =	wrdreg $0xFFFFFFFF  }
0xad: {  	[dreg:$0x0] =	wrdreg $0x60  }
0xae: {  	[dreg:$0x2] =	wrdreg s24  }
0xaf: {  	[dreg:$0x3] =	wrdreg $0x9  }
0xb0: {  	_ =	task.clear_ibuf [dreg:s6], $0x4FFFF;
	_ =	strace $0x90000046  }
0xb1: {  	s29 =	simm.s32 $0x9;
	_ =	strace $0x80000048  }
0xb2: {  	_ =	swait.ge [sflag:s29], $0x1  }
0xb3: {  	[sflag:s29] =	ssyncadd.s32 $0xFFFFFFFF  }
0xb4: {  	_ =	strace $0x90000048  }
0xb5: {  	_ =	sfence  }
0xb6: {  	s30 =	sld [smem:$0x0];
	_ =	sdelay $0x2  }
0xb7: {  	s31 =	sshll.u32 s1, $0xD;
	s1 =	sshrl.u32 s1, $0x2  }
0xb8: {  	s3 =	sand.u32 $0x4000, s31;
	s1 =	sadd.s32 s1, s30  }
0xb9: {  	s0 =	sor.u32 s3, s0;
	s1 =	sshll.u32 s1, $0x11  }
0xba: {  	s0 =	sor.u32 s1, s0  }
0xbb: {  	s0 =	sadd.s32 $0x8F2B, s0  }
0xbc: {  	[sflag:s0] =	ssyncadd.remote.s32 $0x1  }
0xbd: {  	_ =	sfence.sel $0xFFFF  }
0xbe: {  	[dreg:$0x0] =	wrdreg $0xFFFFFFFF;
	(pc) =	sbr.abs _section_cstart, $3  }
0xbf: {  	[dreg:$0x1] =	wrdreg $0xFFFFFFFF  }
0xc0: {  	_ =	task.clear_ibuf [dreg:s6], $0x2FFFF;
	_ =	strace $0x9FFFFFFF  }
0xc1: {  	(tm) =	ssettm $0x7FFFFFFF  }
tec
execute0_lowered:
.L_overlay_start_1:
0x0: {  	(tag) =	ssettag $0x1  }
0x1: {  	s0 =	srdreg.scid  }
0x2: {  	s11 =	stileid.u32;
	s3 =	rddreg [dreg:$0x0]  }
0x3: {  	s2 =	simm.s32 $0x0;
	s16 =	simm.s32 $0x100;
	s17 =	simm.s32 $0x180  }
0x4: {  	s19 =	simm.s32 $0x200;
	s20 =	simm.s32 $0x280;
	[smem:$0x7FF] =	sst s2  }
0x5: {  	s21 =	simm.s32 $0x300;
	_ =	strace $0x80000047;
	[dreg:$0xb] =	wrdreg s16  }
0x6: {  	s22 =	simm.s32 $0x380;
	s6 =	simm.s32 $0x80;
	[dreg:$0xc] =	wrdreg s17  }
0x7: {  	s23 =	simm.s32 $0x400;
	s5 =	simm.s32 $0x1000;
	[dreg:$0xd] =	wrdreg s19  }
0x8: {  	s24 =	simm.s32 $0x480;
	s25 =	simm.s32 $0x500;
	[dreg:$0xe] =	wrdreg s20  }
0x9: {  	s26 =	simm.s32 $0x580;
	s7 =	simm.s32 $0x1;
	[dreg:$0xf] =	wrdreg s21  }
0xa: {  	s29 =	simm.s32 $0x600;
	s30 =	simm.s32 $0x680;
	[dreg:$0x10] =	wrdreg s22  }
0xb: {  	s31 =	simm.s32 $0x700;
	s28 =	simm.s32 $0x980;
	[dreg:$0x11] =	wrdreg s23  }
0xc: {  	s0 =	sand.u32 $0x1, s0;
	s1 =	sshll.u32 s11, $0x1;
	[dreg:$0x12] =	wrdreg s24  }
0xd: {  	p0 =	por $0x0, $0x0;
	s1 =	sor.u32 s0, s1;
	[dreg:$0x13] =	wrdreg s25  }
0xe: {  	s0 =	ssub.s32 $0x2, s0;
	[dreg:$0x14] =	wrdreg s26;
	s16 =	simm.s32 $0x780  }
0xf: {  	s24 =	simm.s32 $0x800;
	s25 =	simm.s32 $0x880;
	s26 =	simm.s32 $0x900  }
0x10: {  	s20 =	simm.s32 $0xA00;
	s21 =	simm.s32 $0xA80;
	s4 =	sshll.u32 s1, $0x9  }
0x11: {  	s22 =	simm.s32 $0xB00;
	s1 =	sshll.u32 s1, $0x10;
	s4 =	sadd.s32 s4, s3  }
0x12: {  	s23 =	simm.s32 $0xB80;
	s1 =	sadd.s32 s1, s3;
	s4 =	sadd.s32 $0x3C00, s4  }
0x13: {  	s17 =	simm.s32 $0xC80;
	s8 =	sadd.s32 $0x47C00, s1;
	[dreg:$0x2] =	wrdreg s4  }
0x14: {  	s19 =	simm.s32 $0xD80;
	s9 =	sadd.s32 $0x49C00, s1;
	[dreg:$0x3] =	wrdreg s8  }
0x15: {  	s18 =	sshrl.u32 s0, $0x1;
	s10 =	sadd.s32 $0x4BC00, s1;
	[dreg:$0x4] =	wrdreg s9  }
0x16: {  	s0 =	ssub.s32 s0, s18;
	s12 =	sadd.s32 $0x4DC00, s1;
	[dreg:$0x5] =	wrdreg s10  }
0x17: {  	s18 =	simm.s32 $0xD00;
	s13 =	sadd.s32 $0x4FC00, s1;
	[dreg:$0x6] =	wrdreg s12  }
0x18: {  	s14 =	sadd.s32 $0x51C00, s1;
	s0 =	smax.u32 s0, $0x1;
	[dreg:$0x7] =	wrdreg s13  }
0x19: {  	s15 =	sadd.s32 $0x53C00, s1;
	[dreg:$0x8] =	wrdreg s14;
	p1 =	sne.s32 s0, $0x1  }
.Ltmp0:
0x1a: {  	s1 =	sadd.s32 $0x55C00, s1;
	[dreg:$0x9] =	wrdreg s15;
	(pc) =	sbr.rel @!p1 .LBB2_1-.Ltmp0, $4  }
0x1b: {  	s4 =	sadd.s32 $0x7C00, s3;
	[dreg:$0xa] =	wrdreg s1;
	s3 =	simm.s32 $0x2  }
0x1c: {  	s8 =	simm.s32 $0x5000;
	s9 =	simm.s32 $0x9000;
	s10 =	simm.s32 $0xD000  }
0x1d: {  	s1 =	sadd.s32 $0xFFFFFFFF, s0;
	s12 =	simm.s32 $0xE00;
	s13 =	simm.s32 $0xE80  }
0x1e: {  	s14 =	simm.s32 $0xF00;
	s15 =	simm.s32 $0xF80;
	s0 =	rddreg [dreg:$0x2]  }
0x1f: {  	[tilespmem:s2], [sflag:$0x2] =	stream.linear.gather [hbm4b:s0+s2], $0x1000, $0x38;
	[tilespmem:$0x11000] =	vst v63  }
0x20: {  	_ =	swait.ge [sflag:s3], $0x1000  }
0x21: {  	[sflag:s3] =	ssyncset.done $0x0  }
0x22: {  	[sflag:s3] =	ssyncadd.s32 $0xFFFFF000  }
0x23: {  	[tilespmem:s5], [sflag:$0x1] =	stream.indirect.gather [hbm4b:s4+s6], $0x80, s2, s6, $0xb8;
	[tilespmem:$0x11000] =	vst v63  }
0x24: {  	_ = 	snop  }
0x25: {  	[tilespmem:s8], [sflag:$0x1] =	stream.indirect.gather [hbm4b:s4+s6], $0x80, s6, s6, $0xb8;
	[tilespmem:$0x11000] =	vst v63  }
0x26: {  	s0 =	rddreg [dreg:$0xb]  }
0x27: {  	[tilespmem:s9], [sflag:$0x1] =	stream.indirect.gather [hbm4b:s4+s6], $0x80, s0, s6, $0xb8;
	[tilespmem:$0x11000] =	vst v63  }
0x28: {  	s11 =	smov.u32 s1;
	s1 =	rddreg [dreg:$0xc]  }
0x29: {  	[tilespmem:s10], [sflag:$0x1] =	stream.indirect.gather [hbm4b:s4+s6], $0x80, s1, s6, $0xb8;
	[tilespmem:$0x11000] =	vst v63  }
0x2a: {  	_ =	swait.ge [sflag:s7], $0x4000  }
0x2b: {  	[sflag:s7] =	ssyncset.done $0x0  }
0x2c: {  	[sflag:s7] =	ssyncadd.s32 $0xFFFFC000  }
0x2d: {  	_ =	swait.ge [sflag:s7], $0x4000  }
0x2e: {  	[sflag:s7] =	ssyncset.done $0x0  }
0x2f: {  	[sflag:s7] =	ssyncadd.s32 $0xFFFFC000  }
0x30: {  	_ =	swait.ge [sflag:s7], $0x4000  }
0x31: {  	[sflag:s7] =	ssyncset.done $0x0  }
0x32: {  	[sflag:s7] =	ssyncadd.s32 $0xFFFFC000  }
0x33: {  	_ =	swait.ge [sflag:s7], $0x4000  }
0x34: {  	[sflag:s7] =	ssyncset.done $0x0  }
0x35: {  	s1 =	rddreg [dreg:$0x3];
	[sflag:s7] =	ssyncadd.s32 $0xFFFFC000  }
0x36: {  	[hbm4b:s1+s2] =	stream.linear.scatter [tilespmem:s5], [sflag:$0x2], $0x10000, $0x38;
	[tilespmem:$0x11000] =	vst v63  }
0x37: {  	_ =	swait.ge [sflag:s3], $0x10000  }
0x38: {  	[sflag:s3] =	ssyncset.done $0x0  }
0x39: {  	s0 =	rddreg [dreg:$0xd];
	[sflag:s3] =	ssyncadd.s32 $0xFFFF0000  }
0x3a: {  	[tilespmem:s5], [sflag:$0x1] =	stream.indirect.gather [hbm4b:s4+s6], $0x80, s0, s6, $0xb8;
	[tilespmem:$0x11000] =	vst v63  }
0x3b: {  	s1 =	rddreg [dreg:$0xe]  }
0x3c: {  	[tilespmem:s8], [sflag:$0x1] =	stream.indirect.gather [hbm4b:s4+s6], $0x80, s1, s6, $0xb8;
	[tilespmem:$0x11000] =	vst v63  }
0x3d: {  	s0 =	rddreg [dreg:$0xf]  }
0x3e: {  	[tilespmem:s9], [sflag:$0x1] =	stream.indirect.gather [hbm4b:s4+s6], $0x80, s0, s6, $0xb8;
	[tilespmem:$0x11000] =	vst v63  }
0x3f: {  	s1 =	rddreg [dreg:$0x10]  }
0x40: {  	[tilespmem:s10], [sflag:$0x1] =	stream.indirect.gather [hbm4b:s4+s6], $0x80, s1, s6, $0xb8;
	[tilespmem:$0x11000] =	vst v63  }
0x41: {  	_ =	swait.ge [sflag:s7], $0x4000  }
0x42: {  	[sflag:s7] =	ssyncset.done $0x0  }
0x43: {  	[sflag:s7] =	ssyncadd.s32 $0xFFFFC000  }
0x44: {  	_ =	swait.ge [sflag:s7], $0x4000  }
0x45: {  	[sflag:s7] =	ssyncset.done $0x0  }
0x46: {  	[sflag:s7] =	ssyncadd.s32 $0xFFFFC000  }
0x47: {  	_ =	swait.ge [sflag:s7], $0x4000  }
0x48: {  	[sflag:s7] =	ssyncset.done $0x0  }
0x49: {  	[sflag:s7] =	ssyncadd.s32 $0xFFFFC000  }
0x4a: {  	_ =	swait.ge [sflag:s7], $0x4000  }
0x4b: {  	[sflag:s7] =	ssyncset.done $0x0  }
0x4c: {  	s1 =	rddreg [dreg:$0x4];
	[sflag:s7] =	ssyncadd.s32 $0xFFFFC000  }
0x4d: {  	[hbm4b:s1+s2] =	stream.linear.scatter [tilespmem:s5], [sflag:$0x2], $0x10000, $0x38;
	[tilespmem:$0x11000] =	vst v63  }
0x4e: {  	_ =	swait.ge [sflag:s3], $0x10000  }
0x4f: {  	[sflag:s3] =	ssyncset.done $0x0  }
0x50: {  	s0 =	rddreg [dreg:$0x11];
	[sflag:s3] =	ssyncadd.s32 $0xFFFF0000  }
0x51: {  	[tilespmem:s5], [sflag:$0x1] =	stream.indirect.gather [hbm4b:s4+s6], $0x80, s0, s6, $0xb8;
	[tilespmem:$0x11000] =	vst v63  }
0x52: {  	s1 =	rddreg [dreg:$0x12]  }
0x53: {  	[tilespmem:s8], [sflag:$0x1] =	stream.indirect.gather [hbm4b:s4+s6], $0x80, s1, s6, $0xb8;
	[tilespmem:$0x11000] =	vst v63  }
0x54: {  	s0 =	rddreg [dreg:$0x13]  }
0x55: {  	[tilespmem:s9], [sflag:$0x1] =	stream.indirect.gather [hbm4b:s4+s6], $0x80, s0, s6, $0xb8;
	[tilespmem:$0x11000] =	vst v63  }
0x56: {  	s1 =	rddreg [dreg:$0x14]  }
0x57: {  	[tilespmem:s10], [sflag:$0x1] =	stream.indirect.gather [hbm4b:s4+s6], $0x80, s1, s6, $0xb8;
	[tilespmem:$0x11000] =	vst v63  }
0x58: {  	_ =	swait.ge [sflag:s7], $0x4000  }
0x59: {  	[sflag:s7] =	ssyncset.done $0x0  }
0x5a: {  	[sflag:s7] =	ssyncadd.s32 $0xFFFFC000  }
0x5b: {  	_ =	swait.ge [sflag:s7], $0x4000  }
0x5c: {  	[sflag:s7] =	ssyncset.done $0x0  }
0x5d: {  	[sflag:s7] =	ssyncadd.s32 $0xFFFFC000  }
0x5e: {  	_ =	swait.ge [sflag:s7], $0x4000  }
0x5f: {  	[sflag:s7] =	ssyncset.done $0x0  }
0x60: {  	[sflag:s7] =	ssyncadd.s32 $0xFFFFC000  }
0x61: {  	_ =	swait.ge [sflag:s7], $0x4000  }
0x62: {  	[sflag:s7] =	ssyncset.done $0x0  }
0x63: {  	s1 =	rddreg [dreg:$0x5];
	[sflag:s7] =	ssyncadd.s32 $0xFFFFC000  }
0x64: {  	[hbm4b:s1+s2] =	stream.linear.scatter [tilespmem:s5], [sflag:$0x2], $0x10000, $0x38;
	[tilespmem:$0x11000] =	vst v63  }
0x65: {  	_ =	swait.ge [sflag:s3], $0x10000  }
0x66: {  	[sflag:s3] =	ssyncset.done $0x0  }
0x67: {  	[sflag:s3] =	ssyncadd.s32 $0xFFFF0000  }
0x68: {  	[tilespmem:s5], [sflag:$0x1] =	stream.indirect.gather [hbm4b:s4+s6], $0x80, s29, s6, $0xb8;
	[tilespmem:$0x11000] =	vst v63  }
0x69: {  	_ = 	snop  }
0x6a: {  	[tilespmem:s8], [sflag:$0x1] =	stream.indirect.gather [hbm4b:s4+s6], $0x80, s30, s6, $0xb8;
	[tilespmem:$0x11000] =	vst v63  }
0x6b: {  	_ = 	snop  }
0x6c: {  	[tilespmem:s9], [sflag:$0x1] =	stream.indirect.gather [hbm4b:s4+s6], $0x80, s31, s6, $0xb8;
	[tilespmem:$0x11000] =	vst v63  }
0x6d: {  	_ = 	snop  }
0x6e: {  	[tilespmem:s10], [sflag:$0x1] =	stream.indirect.gather [hbm4b:s4+s6], $0x80, s16, s6, $0xb8;
	[tilespmem:$0x11000] =	vst v63  }
0x6f: {  	_ =	swait.ge [sflag:s7], $0x4000  }
0x70: {  	[sflag:s7] =	ssyncset.done $0x0  }
0x71: {  	[sflag:s7] =	ssyncadd.s32 $0xFFFFC000  }
0x72: {  	_ =	swait.ge [sflag:s7], $0x4000  }
0x73: {  	[sflag:s7] =	ssyncset.done $0x0  }
0x74: {  	[sflag:s7] =	ssyncadd.s32 $0xFFFFC000  }
0x75: {  	_ =	swait.ge [sflag:s7], $0x4000  }
0x76: {  	[sflag:s7] =	ssyncset.done $0x0  }
0x77: {  	[sflag:s7] =	ssyncadd.s32 $0xFFFFC000  }
0x78: {  	_ =	swait.ge [sflag:s7], $0x4000  }
0x79: {  	[sflag:s7] =	ssyncset.done $0x0  }
0x7a: {  	s1 =	rddreg [dreg:$0x6];
	[sflag:s7] =	ssyncadd.s32 $0xFFFFC000  }
0x7b: {  	[hbm4b:s1+s2] =	stream.linear.scatter [tilespmem:s5], [sflag:$0x2], $0x10000, $0x38;
	[tilespmem:$0x11000] =	vst v63  }
0x7c: {  	_ =	swait.ge [sflag:s3], $0x10000  }
0x7d: {  	[sflag:s3] =	ssyncset.done $0x0  }
0x7e: {  	[sflag:s3] =	ssyncadd.s32 $0xFFFF0000  }
0x7f: {  	[tilespmem:s5], [sflag:$0x1] =	stream.indirect.gather [hbm4b:s4+s6], $0x80, s24, s6, $0xb8;
	[tilespmem:$0x11000] =	vst v63  }
0x80: {  	_ = 	snop  }
0x81: {  	[tilespmem:s8], [sflag:$0x1] =	stream.indirect.gather [hbm4b:s4+s6], $0x80, s25, s6, $0xb8;
	[tilespmem:$0x11000] =	vst v63  }
0x82: {  	_ = 	snop  }
0x83: {  	[tilespmem:s9], [sflag:$0x1] =	stream.indirect.gather [hbm4b:s4+s6], $0x80, s26, s6, $0xb8;
	[tilespmem:$0x11000] =	vst v63  }
0x84: {  	_ = 	snop  }
0x85: {  	[tilespmem:s10], [sflag:$0x1] =	stream.indirect.gather [hbm4b:s4+s6], $0x80, s28, s6, $0xb8;
	[tilespmem:$0x11000] =	vst v63  }
0x86: {  	_ =	swait.ge [sflag:s7], $0x4000  }
0x87: {  	[sflag:s7] =	ssyncset.done $0x0  }
0x88: {  	[sflag:s7] =	ssyncadd.s32 $0xFFFFC000  }
0x89: {  	_ =	swait.ge [sflag:s7], $0x4000  }
0x8a: {  	[sflag:s7] =	ssyncset.done $0x0  }
0x8b: {  	[sflag:s7] =	ssyncadd.s32 $0xFFFFC000  }
0x8c: {  	_ =	swait.ge [sflag:s7], $0x4000  }
0x8d: {  	[sflag:s7] =	ssyncset.done $0x0  }
0x8e: {  	[sflag:s7] =	ssyncadd.s32 $0xFFFFC000  }
0x8f: {  	_ =	swait.ge [sflag:s7], $0x4000  }
0x90: {  	[sflag:s7] =	ssyncset.done $0x0  }
0x91: {  	s1 =	rddreg [dreg:$0x7];
	[sflag:s7] =	ssyncadd.s32 $0xFFFFC000  }
0x92: {  	[hbm4b:s1+s2] =	stream.linear.scatter [tilespmem:s5], [sflag:$0x2], $0x10000, $0x38;
	[tilespmem:$0x11000] =	vst v63  }
0x93: {  	_ =	swait.ge [sflag:s3], $0x10000  }
0x94: {  	[sflag:s3] =	ssyncset.done $0x0  }
0x95: {  	[sflag:s3] =	ssyncadd.s32 $0xFFFF0000  }
0x96: {  	[tilespmem:s5], [sflag:$0x1] =	stream.indirect.gather [hbm4b:s4+s6], $0x80, s20, s6, $0xb8;
	[tilespmem:$0x11000] =	vst v63  }
0x97: {  	_ = 	snop  }
0x98: {  	[tilespmem:s8], [sflag:$0x1] =	stream.indirect.gather [hbm4b:s4+s6], $0x80, s21, s6, $0xb8;
	[tilespmem:$0x11000] =	vst v63  }
0x99: {  	_ = 	snop  }
0x9a: {  	[tilespmem:s9], [sflag:$0x1] =	stream.indirect.gather [hbm4b:s4+s6], $0x80, s22, s6, $0xb8;
	[tilespmem:$0x11000] =	vst v63  }
0x9b: {  	_ = 	snop  }
0x9c: {  	[tilespmem:s10], [sflag:$0x1] =	stream.indirect.gather [hbm4b:s4+s6], $0x80, s23, s6, $0xb8;
	[tilespmem:$0x11000] =	vst v63  }
0x9d: {  	_ =	swait.ge [sflag:s7], $0x4000  }
0x9e: {  	[sflag:s7] =	ssyncset.done $0x0  }
0x9f: {  	[sflag:s7] =	ssyncadd.s32 $0xFFFFC000  }
0xa0: {  	_ =	swait.ge [sflag:s7], $0x4000  }
0xa1: {  	[sflag:s7] =	ssyncset.done $0x0  }
0xa2: {  	[sflag:s7] =	ssyncadd.s32 $0xFFFFC000  }
0xa3: {  	_ =	swait.ge [sflag:s7], $0x4000  }
0xa4: {  	[sflag:s7] =	ssyncset.done $0x0  }
0xa5: {  	[sflag:s7] =	ssyncadd.s32 $0xFFFFC000  }
0xa6: {  	_ =	swait.ge [sflag:s7], $0x4000  }
0xa7: {  	[sflag:s7] =	ssyncset.done $0x0  }
0xa8: {  	s1 =	rddreg [dreg:$0x8];
	[sflag:s7] =	ssyncadd.s32 $0xFFFFC000  }
0xa9: {  	[hbm4b:s1+s2] =	stream.linear.scatter [tilespmem:s5], [sflag:$0x2], $0x10000, $0x38;
	[tilespmem:$0x11000] =	vst v63  }
0xaa: {  	_ =	swait.ge [sflag:s3], $0x10000  }
0xab: {  	[sflag:s3] =	ssyncset.done $0x0  }
0xac: {  	s1 =	simm.s32 $0xC00;
	[sflag:s3] =	ssyncadd.s32 $0xFFFF0000  }
0xad: {  	[tilespmem:s5], [sflag:$0x1] =	stream.indirect.gather [hbm4b:s4+s6], $0x80, s1, s6, $0xb8;
	[tilespmem:$0x11000] =	vst v63  }
0xae: {  	_ = 	snop  }
0xaf: {  	[tilespmem:s8], [sflag:$0x1] =	stream.indirect.gather [hbm4b:s4+s6], $0x80, s17, s6, $0xb8;
	[tilespmem:$0x11000] =	vst v63  }
0xb0: {  	_ = 	snop  }
0xb1: {  	[tilespmem:s9], [sflag:$0x1] =	stream.indirect.gather [hbm4b:s4+s6], $0x80, s18, s6, $0xb8;
	[tilespmem:$0x11000] =	vst v63  }
0xb2: {  	_ = 	snop  }
0xb3: {  	[tilespmem:s10], [sflag:$0x1] =	stream.indirect.gather [hbm4b:s4+s6], $0x80, s19, s6, $0xb8;
	[tilespmem:$0x11000] =	vst v63  }
0xb4: {  	_ =	swait.ge [sflag:s7], $0x4000  }
0xb5: {  	[sflag:s7] =	ssyncset.done $0x0  }
0xb6: {  	[sflag:s7] =	ssyncadd.s32 $0xFFFFC000  }
0xb7: {  	_ =	swait.ge [sflag:s7], $0x4000  }
0xb8: {  	[sflag:s7] =	ssyncset.done $0x0  }
0xb9: {  	[sflag:s7] =	ssyncadd.s32 $0xFFFFC000  }
0xba: {  	_ =	swait.ge [sflag:s7], $0x4000  }
0xbb: {  	[sflag:s7] =	ssyncset.done $0x0  }
0xbc: {  	[sflag:s7] =	ssyncadd.s32 $0xFFFFC000  }
0xbd: {  	_ =	swait.ge [sflag:s7], $0x4000  }
0xbe: {  	[sflag:s7] =	ssyncset.done $0x0  }
0xbf: {  	s1 =	rddreg [dreg:$0x9];
	[sflag:s7] =	ssyncadd.s32 $0xFFFFC000  }
0xc0: {  	[hbm4b:s1+s2] =	stream.linear.scatter [tilespmem:s5], [sflag:$0x2], $0x10000, $0x38;
	[tilespmem:$0x11000] =	vst v63  }
0xc1: {  	_ =	swait.ge [sflag:s3], $0x10000  }
0xc2: {  	[sflag:s3] =	ssyncset.done $0x0  }
0xc3: {  	[sflag:s3] =	ssyncadd.s32 $0xFFFF0000  }
0xc4: {  	[tilespmem:s5], [sflag:$0x1] =	stream.indirect.gather [hbm4b:s4+s6], $0x80, s12, s6, $0xb8;
	[tilespmem:$0x11000] =	vst v63  }
0xc5: {  	_ = 	snop  }
0xc6: {  	[tilespmem:s8], [sflag:$0x1] =	stream.indirect.gather [hbm4b:s4+s6], $0x80, s13, s6, $0xb8;
	[tilespmem:$0x11000] =	vst v63  }
0xc7: {  	_ = 	snop  }
0xc8: {  	[tilespmem:s9], [sflag:$0x1] =	stream.indirect.gather [hbm4b:s4+s6], $0x80, s14, s6, $0xb8;
	[tilespmem:$0x11000] =	vst v63  }
0xc9: {  	_ = 	snop  }
0xca: {  	[tilespmem:s10], [sflag:$0x1] =	stream.indirect.gather [hbm4b:s4+s6], $0x80, s15, s6, $0xb8;
	[tilespmem:$0x11000] =	vst v63  }
0xcb: {  	_ =	swait.ge [sflag:s7], $0x4000  }
0xcc: {  	[sflag:s7] =	ssyncset.done $0x0  }
0xcd: {  	[sflag:s7] =	ssyncadd.s32 $0xFFFFC000  }
0xce: {  	_ =	swait.ge [sflag:s7], $0x4000  }
0xcf: {  	[sflag:s7] =	ssyncset.done $0x0  }
0xd0: {  	[sflag:s7] =	ssyncadd.s32 $0xFFFFC000  }
0xd1: {  	_ =	swait.ge [sflag:s7], $0x4000  }
0xd2: {  	[sflag:s7] =	ssyncset.done $0x0  }
0xd3: {  	[sflag:s7] =	ssyncadd.s32 $0xFFFFC000  }
0xd4: {  	p1 =	sne.s32 s11, $0x1;
	_ =	swait.ge [sflag:s7], $0x4000  }
.Ltmp1:
0xd5: {  	[sflag:s7] =	ssyncset.done $0x0;
	(pc) =	sbr.rel @!p1 .LBB2_3-.Ltmp1, $4  }
0xd6: {  	s1 =	rddreg [dreg:$0xa];
	[sflag:s7] =	ssyncadd.s32 $0xFFFFC000  }
0xd7: {  	[hbm4b:s1+s2] =	stream.linear.scatter [tilespmem:s5], [sflag:$0x2], $0x10000, $0x38;
	[tilespmem:$0x11000] =	vst v63  }
0xd8: {  	p0 =	por $0x1, $0x1;
	_ =	swait.ge [sflag:s3], $0x10000  }
0xd9: {  	s1 =	sadd.s32 $0xFFFFFFFF, s11;
	s0 =	rddreg [dreg:$0x2];
	[sflag:s3] =	ssyncset.done $0x0  }
.LBB2_4:
0xda: {  	[sflag:s3] =	ssyncadd.s32 $0xFFFF0000  }
0xdb: {  	[tilespmem:s2], [sflag:$0x2] =	stream.linear.gather [hbm4b:s0+s2], $0x1000, $0x38;
	[tilespmem:$0x11000] =	vst v63  }
0xdc: {  	_ =	swait.ge [sflag:s3], $0x1000  }
0xdd: {  	[sflag:s3] =	ssyncset.done $0x0  }
0xde: {  	[sflag:s3] =	ssyncadd.s32 $0xFFFFF000  }
0xdf: {  	[tilespmem:s5], [sflag:$0x1] =	stream.indirect.gather [hbm4b:s4+s6], $0x80, s2, s6, $0xb8;
	[tilespmem:$0x11000] =	vst v63  }
0xe0: {  	_ = 	snop  }
0xe1: {  	[tilespmem:s8], [sflag:$0x1] =	stream.indirect.gather [hbm4b:s4+s6], $0x80, s6, s6, $0xb8;
	[tilespmem:$0x11000] =	vst v63  }
0xe2: {  	s0 =	rddreg [dreg:$0xb]  }
0xe3: {  	[tilespmem:s9], [sflag:$0x1] =	stream.indirect.gather [hbm4b:s4+s6], $0x80, s0, s6, $0xb8;
	[tilespmem:$0x11000] =	vst v63  }
0xe4: {  	s11 =	rddreg [dreg:$0xc]  }
0xe5: {  	[tilespmem:s10], [sflag:$0x1] =	stream.indirect.gather [hbm4b:s4+s6], $0x80, s11, s6, $0xb8;
	[tilespmem:$0x11000] =	vst v63  }
0xe6: {  	_ =	swait.ge [sflag:s7], $0x4000  }
0xe7: {  	[sflag:s7] =	ssyncset.done $0x0  }
0xe8: {  	[sflag:s7] =	ssyncadd.s32 $0xFFFFC000  }
0xe9: {  	_ =	swait.ge [sflag:s7], $0x4000  }
0xea: {  	[sflag:s7] =	ssyncset.done $0x0  }
0xeb: {  	[sflag:s7] =	ssyncadd.s32 $0xFFFFC000  }
0xec: {  	_ =	swait.ge [sflag:s7], $0x4000  }
0xed: {  	[sflag:s7] =	ssyncset.done $0x0  }
0xee: {  	[sflag:s7] =	ssyncadd.s32 $0xFFFFC000  }
0xef: {  	_ =	swait.ge [sflag:s7], $0x4000  }
0xf0: {  	[sflag:s7] =	ssyncset.done $0x0  }
0xf1: {  	s11 =	rddreg [dreg:$0x3];
	[sflag:s7] =	ssyncadd.s32 $0xFFFFC000  }
0xf2: {  	[hbm4b:s11+s2] =	stream.linear.scatter [tilespmem:s5], [sflag:$0x2], $0x10000, $0x38;
	[tilespmem:$0x11000] =	vst v63  }
0xf3: {  	_ =	swait.ge [sflag:s3], $0x10000  }
0xf4: {  	[sflag:s3] =	ssyncset.done $0x0  }
0xf5: {  	s0 =	rddreg [dreg:$0xd];
	[sflag:s3] =	ssyncadd.s32 $0xFFFF0000  }
0xf6: {  	[tilespmem:s5], [sflag:$0x1] =	stream.indirect.gather [hbm4b:s4+s6], $0x80, s0, s6, $0xb8;
	[tilespmem:$0x11000] =	vst v63  }
0xf7: {  	s11 =	rddreg [dreg:$0xe]  }
0xf8: {  	[tilespmem:s8], [sflag:$0x1] =	stream.indirect.gather [hbm4b:s4+s6], $0x80, s11, s6, $0xb8;
	[tilespmem:$0x11000] =	vst v63  }
0xf9: {  	s0 =	rddreg [dreg:$0xf]  }
0xfa: {  	[tilespmem:s9], [sflag:$0x1] =	stream.indirect.gather [hbm4b:s4+s6], $0x80, s0, s6, $0xb8;
	[tilespmem:$0x11000] =	vst v63  }
0xfb: {  	s11 =	rddreg [dreg:$0x10]  }
0xfc: {  	[tilespmem:s10], [sflag:$0x1] =	stream.indirect.gather [hbm4b:s4+s6], $0x80, s11, s6, $0xb8;
	[tilespmem:$0x11000] =	vst v63  }
0xfd: {  	_ =	swait.ge [sflag:s7], $0x4000  }
0xfe: {  	[sflag:s7] =	ssyncset.done $0x0  }
0xff: {  	[sflag:s7] =	ssyncadd.s32 $0xFFFFC000  }
0x100: {  	_ =	swait.ge [sflag:s7], $0x4000  }
0x101: {  	[sflag:s7] =	ssyncset.done $0x0  }
0x102: {  	[sflag:s7] =	ssyncadd.s32 $0xFFFFC000  }
0x103: {  	_ =	swait.ge [sflag:s7], $0x4000  }
0x104: {  	[sflag:s7] =	ssyncset.done $0x0  }
0x105: {  	[sflag:s7] =	ssyncadd.s32 $0xFFFFC000  }
0x106: {  	_ =	swait.ge [sflag:s7], $0x4000  }
0x107: {  	[sflag:s7] =	ssyncset.done $0x0  }
0x108: {  	s11 =	rddreg [dreg:$0x4];
	[sflag:s7] =	ssyncadd.s32 $0xFFFFC000  }
0x109: {  	[hbm4b:s11+s2] =	stream.linear.scatter [tilespmem:s5], [sflag:$0x2], $0x10000, $0x38;
	[tilespmem:$0x11000] =	vst v63  }
0x10a: {  	_ =	swait.ge [sflag:s3], $0x10000  }
0x10b: {  	[sflag:s3] =	ssyncset.done $0x0  }
0x10c: {  	s0 =	rddreg [dreg:$0x11];
	[sflag:s3] =	ssyncadd.s32 $0xFFFF0000  }
0x10d: {  	[tilespmem:s5], [sflag:$0x1] =	stream.indirect.gather [hbm4b:s4+s6], $0x80, s0, s6, $0xb8;
	[tilespmem:$0x11000] =	vst v63  }
0x10e: {  	s11 =	rddreg [dreg:$0x12]  }
0x10f: {  	[tilespmem:s8], [sflag:$0x1] =	stream.indirect.gather [hbm4b:s4+s6], $0x80, s11, s6, $0xb8;
	[tilespmem:$0x11000] =	vst v63  }
0x110: {  	s0 =	rddreg [dreg:$0x13]  }
0x111: {  	[tilespmem:s9], [sflag:$0x1] =	stream.indirect.gather [hbm4b:s4+s6], $0x80, s0, s6, $0xb8;
	[tilespmem:$0x11000] =	vst v63  }
0x112: {  	s11 =	rddreg [dreg:$0x14]  }
0x113: {  	[tilespmem:s10], [sflag:$0x1] =	stream.indirect.gather [hbm4b:s4+s6], $0x80, s11, s6, $0xb8;
	[tilespmem:$0x11000] =	vst v63  }
0x114: {  	_ =	swait.ge [sflag:s7], $0x4000  }
0x115: {  	[sflag:s7] =	ssyncset.done $0x0  }
0x116: {  	[sflag:s7] =	ssyncadd.s32 $0xFFFFC000  }
0x117: {  	_ =	swait.ge [sflag:s7], $0x4000  }
0x118: {  	[sflag:s7] =	ssyncset.done $0x0  }
0x119: {  	[sflag:s7] =	ssyncadd.s32 $0xFFFFC000  }
0x11a: {  	_ =	swait.ge [sflag:s7], $0x4000  }
0x11b: {  	[sflag:s7] =	ssyncset.done $0x0  }
0x11c: {  	[sflag:s7] =	ssyncadd.s32 $0xFFFFC000  }
0x11d: {  	_ =	swait.ge [sflag:s7], $0x4000  }
0x11e: {  	[sflag:s7] =	ssyncset.done $0x0  }
0x11f: {  	s11 =	rddreg [dreg:$0x5];
	[sflag:s7] =	ssyncadd.s32 $0xFFFFC000  }
0x120: {  	[hbm4b:s11+s2] =	stream.linear.scatter [tilespmem:s5], [sflag:$0x2], $0x10000, $0x38;
	[tilespmem:$0x11000] =	vst v63  }
0x121: {  	_ =	swait.ge [sflag:s3], $0x10000  }
0x122: {  	[sflag:s3] =	ssyncset.done $0x0  }
0x123: {  	[sflag:s3] =	ssyncadd.s32 $0xFFFF0000  }
0x124: {  	[tilespmem:s5], [sflag:$0x1] =	stream.indirect.gather [hbm4b:s4+s6], $0x80, s29, s6, $0xb8;
	[tilespmem:$0x11000] =	vst v63  }
0x125: {  	_ = 	snop  }
0x126: {  	[tilespmem:s8], [sflag:$0x1] =	stream.indirect.gather [hbm4b:s4+s6], $0x80, s30, s6, $0xb8;
	[tilespmem:$0x11000] =	vst v63  }
0x127: {  	_ = 	snop  }
0x128: {  	[tilespmem:s9], [sflag:$0x1] =	stream.indirect.gather [hbm4b:s4+s6], $0x80, s31, s6, $0xb8;
	[tilespmem:$0x11000] =	vst v63  }
0x129: {  	_ = 	snop  }
0x12a: {  	[tilespmem:s10], [sflag:$0x1] =	stream.indirect.gather [hbm4b:s4+s6], $0x80, s16, s6, $0xb8;
	[tilespmem:$0x11000] =	vst v63  }
0x12b: {  	_ =	swait.ge [sflag:s7], $0x4000  }
0x12c: {  	[sflag:s7] =	ssyncset.done $0x0  }
0x12d: {  	[sflag:s7] =	ssyncadd.s32 $0xFFFFC000  }
0x12e: {  	_ =	swait.ge [sflag:s7], $0x4000  }
0x12f: {  	[sflag:s7] =	ssyncset.done $0x0  }
0x130: {  	[sflag:s7] =	ssyncadd.s32 $0xFFFFC000  }
0x131: {  	_ =	swait.ge [sflag:s7], $0x4000  }
0x132: {  	[sflag:s7] =	ssyncset.done $0x0  }
0x133: {  	[sflag:s7] =	ssyncadd.s32 $0xFFFFC000  }
0x134: {  	_ =	swait.ge [sflag:s7], $0x4000  }
0x135: {  	[sflag:s7] =	ssyncset.done $0x0  }
0x136: {  	s11 =	rddreg [dreg:$0x6];
	[sflag:s7] =	ssyncadd.s32 $0xFFFFC000  }
0x137: {  	[hbm4b:s11+s2] =	stream.linear.scatter [tilespmem:s5], [sflag:$0x2], $0x10000, $0x38;
	[tilespmem:$0x11000] =	vst v63  }
0x138: {  	_ =	swait.ge [sflag:s3], $0x10000  }
0x139: {  	[sflag:s3] =	ssyncset.done $0x0  }
0x13a: {  	[sflag:s3] =	ssyncadd.s32 $0xFFFF0000  }
0x13b: {  	[tilespmem:s5], [sflag:$0x1] =	stream.indirect.gather [hbm4b:s4+s6], $0x80, s24, s6, $0xb8;
	[tilespmem:$0x11000] =	vst v63  }
0x13c: {  	_ = 	snop  }
0x13d: {  	[tilespmem:s8], [sflag:$0x1] =	stream.indirect.gather [hbm4b:s4+s6], $0x80, s25, s6, $0xb8;
	[tilespmem:$0x11000] =	vst v63  }
0x13e: {  	_ = 	snop  }
0x13f: {  	[tilespmem:s9], [sflag:$0x1] =	stream.indirect.gather [hbm4b:s4+s6], $0x80, s26, s6, $0xb8;
	[tilespmem:$0x11000] =	vst v63  }
0x140: {  	_ = 	snop  }
0x141: {  	[tilespmem:s10], [sflag:$0x1] =	stream.indirect.gather [hbm4b:s4+s6], $0x80, s28, s6, $0xb8;
	[tilespmem:$0x11000] =	vst v63  }
0x142: {  	_ =	swait.ge [sflag:s7], $0x4000  }
0x143: {  	[sflag:s7] =	ssyncset.done $0x0  }
0x144: {  	[sflag:s7] =	ssyncadd.s32 $0xFFFFC000  }
0x145: {  	_ =	swait.ge [sflag:s7], $0x4000  }
0x146: {  	[sflag:s7] =	ssyncset.done $0x0  }
0x147: {  	[sflag:s7] =	ssyncadd.s32 $0xFFFFC000  }
0x148: {  	_ =	swait.ge [sflag:s7], $0x4000  }
0x149: {  	[sflag:s7] =	ssyncset.done $0x0  }
0x14a: {  	[sflag:s7] =	ssyncadd.s32 $0xFFFFC000  }
0x14b: {  	_ =	swait.ge [sflag:s7], $0x4000  }
0x14c: {  	[sflag:s7] =	ssyncset.done $0x0  }
0x14d: {  	s11 =	rddreg [dreg:$0x7];
	[sflag:s7] =	ssyncadd.s32 $0xFFFFC000  }
0x14e: {  	[hbm4b:s11+s2] =	stream.linear.scatter [tilespmem:s5], [sflag:$0x2], $0x10000, $0x38;
	[tilespmem:$0x11000] =	vst v63  }
0x14f: {  	_ =	swait.ge [sflag:s3], $0x10000  }
0x150: {  	[sflag:s3] =	ssyncset.done $0x0  }
0x151: {  	[sflag:s3] =	ssyncadd.s32 $0xFFFF0000  }
0x152: {  	[tilespmem:s5], [sflag:$0x1] =	stream.indirect.gather [hbm4b:s4+s6], $0x80, s20, s6, $0xb8;
	[tilespmem:$0x11000] =	vst v63  }
0x153: {  	_ = 	snop  }
0x154: {  	[tilespmem:s8], [sflag:$0x1] =	stream.indirect.gather [hbm4b:s4+s6], $0x80, s21, s6, $0xb8;
	[tilespmem:$0x11000] =	vst v63  }
0x155: {  	_ = 	snop  }
0x156: {  	[tilespmem:s9], [sflag:$0x1] =	stream.indirect.gather [hbm4b:s4+s6], $0x80, s22, s6, $0xb8;
	[tilespmem:$0x11000] =	vst v63  }
0x157: {  	_ = 	snop  }
0x158: {  	[tilespmem:s10], [sflag:$0x1] =	stream.indirect.gather [hbm4b:s4+s6], $0x80, s23, s6, $0xb8;
	[tilespmem:$0x11000] =	vst v63  }
0x159: {  	_ =	swait.ge [sflag:s7], $0x4000  }
0x15a: {  	[sflag:s7] =	ssyncset.done $0x0  }
0x15b: {  	[sflag:s7] =	ssyncadd.s32 $0xFFFFC000  }
0x15c: {  	_ =	swait.ge [sflag:s7], $0x4000  }
0x15d: {  	[sflag:s7] =	ssyncset.done $0x0  }
0x15e: {  	[sflag:s7] =	ssyncadd.s32 $0xFFFFC000  }
0x15f: {  	_ =	swait.ge [sflag:s7], $0x4000  }
0x160: {  	[sflag:s7] =	ssyncset.done $0x0  }
0x161: {  	[sflag:s7] =	ssyncadd.s32 $0xFFFFC000  }
0x162: {  	_ =	swait.ge [sflag:s7], $0x4000  }
0x163: {  	[sflag:s7] =	ssyncset.done $0x0  }
0x164: {  	s11 =	rddreg [dreg:$0x8];
	[sflag:s7] =	ssyncadd.s32 $0xFFFFC000  }
0x165: {  	[hbm4b:s11+s2] =	stream.linear.scatter [tilespmem:s5], [sflag:$0x2], $0x10000, $0x38;
	[tilespmem:$0x11000] =	vst v63  }
0x166: {  	_ =	swait.ge [sflag:s3], $0x10000  }
0x167: {  	[sflag:s3] =	ssyncset.done $0x0  }
0x168: {  	s11 =	simm.s32 $0xC00;
	[sflag:s3] =	ssyncadd.s32 $0xFFFF0000  }
0x169: {  	[tilespmem:s5], [sflag:$0x1] =	stream.indirect.gather [hbm4b:s4+s6], $0x80, s11, s6, $0xb8;
	[tilespmem:$0x11000] =	vst v63  }
0x16a: {  	_ = 	snop  }
0x16b: {  	[tilespmem:s8], [sflag:$0x1] =	stream.indirect.gather [hbm4b:s4+s6], $0x80, s17, s6, $0xb8;
	[tilespmem:$0x11000] =	vst v63  }
0x16c: {  	_ = 	snop  }
0x16d: {  	[tilespmem:s9], [sflag:$0x1] =	stream.indirect.gather [hbm4b:s4+s6], $0x80, s18, s6, $0xb8;
	[tilespmem:$0x11000] =	vst v63  }
0x16e: {  	_ = 	snop  }
0x16f: {  	[tilespmem:s10], [sflag:$0x1] =	stream.indirect.gather [hbm4b:s4+s6], $0x80, s19, s6, $0xb8;
	[tilespmem:$0x11000] =	vst v63  }
0x170: {  	_ =	swait.ge [sflag:s7], $0x4000  }
0x171: {  	[sflag:s7] =	ssyncset.done $0x0  }
0x172: {  	[sflag:s7] =	ssyncadd.s32 $0xFFFFC000  }
0x173: {  	_ =	swait.ge [sflag:s7], $0x4000  }
0x174: {  	[sflag:s7] =	ssyncset.done $0x0  }
0x175: {  	[sflag:s7] =	ssyncadd.s32 $0xFFFFC000  }
0x176: {  	_ =	swait.ge [sflag:s7], $0x4000  }
0x177: {  	[sflag:s7] =	ssyncset.done $0x0  }
0x178: {  	[sflag:s7] =	ssyncadd.s32 $0xFFFFC000  }
0x179: {  	_ =	swait.ge [sflag:s7], $0x4000  }
0x17a: {  	[sflag:s7] =	ssyncset.done $0x0  }
0x17b: {  	s11 =	rddreg [dreg:$0x9];
	[sflag:s7] =	ssyncadd.s32 $0xFFFFC000  }
0x17c: {  	[hbm4b:s11+s2] =	stream.linear.scatter [tilespmem:s5], [sflag:$0x2], $0x10000, $0x38;
	[tilespmem:$0x11000] =	vst v63  }
0x17d: {  	_ =	swait.ge [sflag:s3], $0x10000  }
0x17e: {  	[sflag:s3] =	ssyncset.done $0x0  }
0x17f: {  	[sflag:s3] =	ssyncadd.s32 $0xFFFF0000  }
0x180: {  	[tilespmem:s5], [sflag:$0x1] =	stream.indirect.gather [hbm4b:s4+s6], $0x80, s12, s6, $0xb8;
	[tilespmem:$0x11000] =	vst v63  }
0x181: {  	_ = 	snop  }
0x182: {  	[tilespmem:s8], [sflag:$0x1] =	stream.indirect.gather [hbm4b:s4+s6], $0x80, s13, s6, $0xb8;
	[tilespmem:$0x11000] =	vst v63  }
0x183: {  	_ = 	snop  }
0x184: {  	[tilespmem:s9], [sflag:$0x1] =	stream.indirect.gather [hbm4b:s4+s6], $0x80, s14, s6, $0xb8;
	[tilespmem:$0x11000] =	vst v63  }
0x185: {  	_ = 	snop  }
0x186: {  	[tilespmem:s10], [sflag:$0x1] =	stream.indirect.gather [hbm4b:s4+s6], $0x80, s15, s6, $0xb8;
	[tilespmem:$0x11000] =	vst v63  }
0x187: {  	_ =	swait.ge [sflag:s7], $0x4000  }
0x188: {  	[sflag:s7] =	ssyncset.done $0x0  }
0x189: {  	[sflag:s7] =	ssyncadd.s32 $0xFFFFC000  }
0x18a: {  	_ =	swait.ge [sflag:s7], $0x4000  }
0x18b: {  	[sflag:s7] =	ssyncset.done $0x0  }
0x18c: {  	[sflag:s7] =	ssyncadd.s32 $0xFFFFC000  }
0x18d: {  	_ =	swait.ge [sflag:s7], $0x4000  }
0x18e: {  	[sflag:s7] =	ssyncset.done $0x0  }
0x18f: {  	[sflag:s7] =	ssyncadd.s32 $0xFFFFC000  }
0x190: {  	p1 =	sne.s32 s1, $0x1;
	_ =	swait.ge [sflag:s7], $0x4000  }
.Ltmp2:
0x191: {  	[sflag:s7] =	ssyncset.done $0x0;
	(pc) =	sbr.rel @p1 .LBB2_4-.Ltmp2, $4  }
0x192: {  	s11 =	rddreg [dreg:$0xa];
	[sflag:s7] =	ssyncadd.s32 $0xFFFFC000  }
0x193: {  	[hbm4b:s11+s2] =	stream.linear.scatter [tilespmem:s5], [sflag:$0x2], $0x10000, $0x38;
	[tilespmem:$0x11000] =	vst v63  }
0x194: {  	_ =	swait.ge [sflag:s3], $0x10000  }
0x195: {  	s1 =	sadd.s32 $0xFFFFFFFF, s1;
	s0 =	rddreg [dreg:$0x2];
	[sflag:s3] =	ssyncset.done $0x0  }
0x196: {  	s15 =	simm.s32 $0x780;
	s31 =	simm.s32 $0x700  }
0x197: {  	s30 =	simm.s32 $0x680;
	s29 =	simm.s32 $0x600;
	s28 =	simm.s32 $0x980  }
0x198: {  	s26 =	simm.s32 $0x900;
	s25 =	simm.s32 $0x880;
	s24 =	simm.s32 $0x800  }
0x199: {  	s23 =	simm.s32 $0xB80;
	s22 =	simm.s32 $0xB00;
	s21 =	simm.s32 $0xA80  }
0x19a: {  	s20 =	simm.s32 $0xA00;
	s19 =	simm.s32 $0xD80;
	s18 =	simm.s32 $0xD00  }
0x19b: {  	s17 =	simm.s32 $0xC80;
	s16 =	simm.s32 $0xC00;
	s14 =	simm.s32 $0xF00  }
0x19c: {  	s13 =	simm.s32 $0xE80;
	s12 =	simm.s32 $0xE00;
	s11 =	stileid.u32  }
.LBB2_6:
0x19d: {  	[sflag:s3] =	ssyncadd.s32 @p0 $0xFFFF0000  }
0x19e: {  	[tilespmem:s2], [sflag:$0x2] =	stream.linear.gather [hbm4b:s0+s2], $0x1000, $0x38;
	[tilespmem:$0x11000] =	vst v63  }
0x19f: {  	_ =	swait.ge [sflag:s3], $0x1000  }
0x1a0: {  	[sflag:s3] =	ssyncset.done $0x0  }
0x1a1: {  	[sflag:s3] =	ssyncadd.s32 $0xFFFFF000  }
0x1a2: {  	[tilespmem:s5], [sflag:$0x1] =	stream.indirect.gather [hbm4b:s4+s6], $0x80, s2, s6, $0xb8;
	[tilespmem:$0x11000] =	vst v63  }
0x1a3: {  	_ = 	snop  }
0x1a4: {  	[tilespmem:s8], [sflag:$0x1] =	stream.indirect.gather [hbm4b:s4+s6], $0x80, s6, s6, $0xb8;
	[tilespmem:$0x11000] =	vst v63  }
0x1a5: {  	s0 =	rddreg [dreg:$0xb]  }
0x1a6: {  	[tilespmem:s9], [sflag:$0x1] =	stream.indirect.gather [hbm4b:s4+s6], $0x80, s0, s6, $0xb8;
	[tilespmem:$0x11000] =	vst v63  }
0x1a7: {  	s1 =	rddreg [dreg:$0xc]  }
0x1a8: {  	[tilespmem:s10], [sflag:$0x1] =	stream.indirect.gather [hbm4b:s4+s6], $0x80, s1, s6, $0xb8;
	[tilespmem:$0x11000] =	vst v63  }
0x1a9: {  	_ =	swait.ge [sflag:s7], $0x4000  }
0x1aa: {  	[sflag:s7] =	ssyncset.done $0x0  }
0x1ab: {  	[sflag:s7] =	ssyncadd.s32 $0xFFFFC000  }
0x1ac: {  	_ =	swait.ge [sflag:s7], $0x4000  }
0x1ad: {  	[sflag:s7] =	ssyncset.done $0x0  }
0x1ae: {  	[sflag:s7] =	ssyncadd.s32 $0xFFFFC000  }
0x1af: {  	_ =	swait.ge [sflag:s7], $0x4000  }
0x1b0: {  	[sflag:s7] =	ssyncset.done $0x0  }
0x1b1: {  	[sflag:s7] =	ssyncadd.s32 $0xFFFFC000  }
0x1b2: {  	_ =	swait.ge [sflag:s7], $0x4000  }
0x1b3: {  	[sflag:s7] =	ssyncset.done $0x0  }
0x1b4: {  	s1 =	rddreg [dreg:$0x3];
	[sflag:s7] =	ssyncadd.s32 $0xFFFFC000  }
0x1b5: {  	[hbm4b:s1+s2] =	stream.linear.scatter [tilespmem:s5], [sflag:$0x2], $0x10000, $0x38;
	[tilespmem:$0x11000] =	vst v63  }
0x1b6: {  	_ =	swait.ge [sflag:s3], $0x10000  }
0x1b7: {  	[sflag:s3] =	ssyncset.done $0x0  }
0x1b8: {  	s0 =	rddreg [dreg:$0xd];
	[sflag:s3] =	ssyncadd.s32 $0xFFFF0000  }
0x1b9: {  	[tilespmem:s5], [sflag:$0x1] =	stream.indirect.gather [hbm4b:s4+s6], $0x80, s0, s6, $0xb8;
	[tilespmem:$0x11000] =	vst v63  }
0x1ba: {  	s1 =	rddreg [dreg:$0xe]  }
0x1bb: {  	[tilespmem:s8], [sflag:$0x1] =	stream.indirect.gather [hbm4b:s4+s6], $0x80, s1, s6, $0xb8;
	[tilespmem:$0x11000] =	vst v63  }
0x1bc: {  	s0 =	rddreg [dreg:$0xf]  }
0x1bd: {  	[tilespmem:s9], [sflag:$0x1] =	stream.indirect.gather [hbm4b:s4+s6], $0x80, s0, s6, $0xb8;
	[tilespmem:$0x11000] =	vst v63  }
0x1be: {  	s1 =	rddreg [dreg:$0x10]  }
0x1bf: {  	[tilespmem:s10], [sflag:$0x1] =	stream.indirect.gather [hbm4b:s4+s6], $0x80, s1, s6, $0xb8;
	[tilespmem:$0x11000] =	vst v63  }
0x1c0: {  	_ =	swait.ge [sflag:s7], $0x4000  }
0x1c1: {  	[sflag:s7] =	ssyncset.done $0x0  }
0x1c2: {  	[sflag:s7] =	ssyncadd.s32 $0xFFFFC000  }
0x1c3: {  	_ =	swait.ge [sflag:s7], $0x4000  }
0x1c4: {  	[sflag:s7] =	ssyncset.done $0x0  }
0x1c5: {  	[sflag:s7] =	ssyncadd.s32 $0xFFFFC000  }
0x1c6: {  	_ =	swait.ge [sflag:s7], $0x4000  }
0x1c7: {  	[sflag:s7] =	ssyncset.done $0x0  }
0x1c8: {  	[sflag:s7] =	ssyncadd.s32 $0xFFFFC000  }
0x1c9: {  	_ =	swait.ge [sflag:s7], $0x4000  }
0x1ca: {  	[sflag:s7] =	ssyncset.done $0x0  }
0x1cb: {  	s1 =	rddreg [dreg:$0x4];
	[sflag:s7] =	ssyncadd.s32 $0xFFFFC000  }
0x1cc: {  	[hbm4b:s1+s2] =	stream.linear.scatter [tilespmem:s5], [sflag:$0x2], $0x10000, $0x38;
	[tilespmem:$0x11000] =	vst v63  }
0x1cd: {  	_ =	swait.ge [sflag:s3], $0x10000  }
0x1ce: {  	[sflag:s3] =	ssyncset.done $0x0  }
0x1cf: {  	s0 =	rddreg [dreg:$0x11];
	[sflag:s3] =	ssyncadd.s32 $0xFFFF0000  }
0x1d0: {  	[tilespmem:s5], [sflag:$0x1] =	stream.indirect.gather [hbm4b:s4+s6], $0x80, s0, s6, $0xb8;
	[tilespmem:$0x11000] =	vst v63  }
0x1d1: {  	s1 =	rddreg [dreg:$0x12]  }
0x1d2: {  	[tilespmem:s8], [sflag:$0x1] =	stream.indirect.gather [hbm4b:s4+s6], $0x80, s1, s6, $0xb8;
	[tilespmem:$0x11000] =	vst v63  }
0x1d3: {  	s0 =	rddreg [dreg:$0x13]  }
0x1d4: {  	[tilespmem:s9], [sflag:$0x1] =	stream.indirect.gather [hbm4b:s4+s6], $0x80, s0, s6, $0xb8;
	[tilespmem:$0x11000] =	vst v63  }
0x1d5: {  	s1 =	rddreg [dreg:$0x14]  }
0x1d6: {  	[tilespmem:s10], [sflag:$0x1] =	stream.indirect.gather [hbm4b:s4+s6], $0x80, s1, s6, $0xb8;
	[tilespmem:$0x11000] =	vst v63  }
0x1d7: {  	_ =	swait.ge [sflag:s7], $0x4000  }
0x1d8: {  	[sflag:s7] =	ssyncset.done $0x0  }
0x1d9: {  	[sflag:s7] =	ssyncadd.s32 $0xFFFFC000  }
0x1da: {  	_ =	swait.ge [sflag:s7], $0x4000  }
0x1db: {  	[sflag:s7] =	ssyncset.done $0x0  }
0x1dc: {  	[sflag:s7] =	ssyncadd.s32 $0xFFFFC000  }
0x1dd: {  	_ =	swait.ge [sflag:s7], $0x4000  }
0x1de: {  	[sflag:s7] =	ssyncset.done $0x0  }
0x1df: {  	[sflag:s7] =	ssyncadd.s32 $0xFFFFC000  }
0x1e0: {  	_ =	swait.ge [sflag:s7], $0x4000  }
0x1e1: {  	[sflag:s7] =	ssyncset.done $0x0  }
0x1e2: {  	s1 =	rddreg [dreg:$0x5];
	[sflag:s7] =	ssyncadd.s32 $0xFFFFC000  }
0x1e3: {  	[hbm4b:s1+s2] =	stream.linear.scatter [tilespmem:s5], [sflag:$0x2], $0x10000, $0x38;
	[tilespmem:$0x11000] =	vst v63  }
0x1e4: {  	_ =	swait.ge [sflag:s3], $0x10000  }
0x1e5: {  	[sflag:s3] =	ssyncset.done $0x0  }
0x1e6: {  	[sflag:s3] =	ssyncadd.s32 $0xFFFF0000  }
0x1e7: {  	[tilespmem:s5], [sflag:$0x1] =	stream.indirect.gather [hbm4b:s4+s6], $0x80, s29, s6, $0xb8;
	[tilespmem:$0x11000] =	vst v63  }
0x1e8: {  	_ = 	snop  }
0x1e9: {  	[tilespmem:s8], [sflag:$0x1] =	stream.indirect.gather [hbm4b:s4+s6], $0x80, s30, s6, $0xb8;
	[tilespmem:$0x11000] =	vst v63  }
0x1ea: {  	_ = 	snop  }
0x1eb: {  	[tilespmem:s9], [sflag:$0x1] =	stream.indirect.gather [hbm4b:s4+s6], $0x80, s31, s6, $0xb8;
	[tilespmem:$0x11000] =	vst v63  }
0x1ec: {  	_ = 	snop  }
0x1ed: {  	[tilespmem:s10], [sflag:$0x1] =	stream.indirect.gather [hbm4b:s4+s6], $0x80, s15, s6, $0xb8;
	[tilespmem:$0x11000] =	vst v63  }
0x1ee: {  	_ =	swait.ge [sflag:s7], $0x4000  }
0x1ef: {  	[sflag:s7] =	ssyncset.done $0x0  }
0x1f0: {  	[sflag:s7] =	ssyncadd.s32 $0xFFFFC000  }
0x1f1: {  	_ =	swait.ge [sflag:s7], $0x4000  }
0x1f2: {  	[sflag:s7] =	ssyncset.done $0x0  }
0x1f3: {  	[sflag:s7] =	ssyncadd.s32 $0xFFFFC000  }
0x1f4: {  	_ =	swait.ge [sflag:s7], $0x4000  }
0x1f5: {  	[sflag:s7] =	ssyncset.done $0x0  }
0x1f6: {  	[sflag:s7] =	ssyncadd.s32 $0xFFFFC000  }
0x1f7: {  	_ =	swait.ge [sflag:s7], $0x4000  }
0x1f8: {  	[sflag:s7] =	ssyncset.done $0x0  }
0x1f9: {  	s15 =	rddreg [dreg:$0x6];
	[sflag:s7] =	ssyncadd.s32 $0xFFFFC000  }
0x1fa: {  	[hbm4b:s15+s2] =	stream.linear.scatter [tilespmem:s5], [sflag:$0x2], $0x10000, $0x38;
	[tilespmem:$0x11000] =	vst v63  }
0x1fb: {  	_ =	swait.ge [sflag:s3], $0x10000  }
0x1fc: {  	[sflag:s3] =	ssyncset.done $0x0  }
0x1fd: {  	[sflag:s3] =	ssyncadd.s32 $0xFFFF0000  }
0x1fe: {  	[tilespmem:s5], [sflag:$0x1] =	stream.indirect.gather [hbm4b:s4+s6], $0x80, s24, s6, $0xb8;
	[tilespmem:$0x11000] =	vst v63  }
0x1ff: {  	_ = 	snop  }
0x200: {  	[tilespmem:s8], [sflag:$0x1] =	stream.indirect.gather [hbm4b:s4+s6], $0x80, s25, s6, $0xb8;
	[tilespmem:$0x11000] =	vst v63  }
0x201: {  	_ = 	snop  }
0x202: {  	[tilespmem:s9], [sflag:$0x1] =	stream.indirect.gather [hbm4b:s4+s6], $0x80, s26, s6, $0xb8;
	[tilespmem:$0x11000] =	vst v63  }
0x203: {  	_ = 	snop  }
0x204: {  	[tilespmem:s10], [sflag:$0x1] =	stream.indirect.gather [hbm4b:s4+s6], $0x80, s28, s6, $0xb8;
	[tilespmem:$0x11000] =	vst v63  }
0x205: {  	_ =	swait.ge [sflag:s7], $0x4000  }
0x206: {  	[sflag:s7] =	ssyncset.done $0x0  }
0x207: {  	[sflag:s7] =	ssyncadd.s32 $0xFFFFC000  }
0x208: {  	_ =	swait.ge [sflag:s7], $0x4000  }
0x209: {  	[sflag:s7] =	ssyncset.done $0x0  }
0x20a: {  	[sflag:s7] =	ssyncadd.s32 $0xFFFFC000  }
0x20b: {  	_ =	swait.ge [sflag:s7], $0x4000  }
0x20c: {  	[sflag:s7] =	ssyncset.done $0x0  }
0x20d: {  	[sflag:s7] =	ssyncadd.s32 $0xFFFFC000  }
0x20e: {  	_ =	swait.ge [sflag:s7], $0x4000  }
0x20f: {  	[sflag:s7] =	ssyncset.done $0x0  }
0x210: {  	s26 =	rddreg [dreg:$0x7];
	[sflag:s7] =	ssyncadd.s32 $0xFFFFC000  }
0x211: {  	[hbm4b:s26+s2] =	stream.linear.scatter [tilespmem:s5], [sflag:$0x2], $0x10000, $0x38;
	[tilespmem:$0x11000] =	vst v63  }
0x212: {  	_ =	swait.ge [sflag:s3], $0x10000  }
0x213: {  	[sflag:s3] =	ssyncset.done $0x0  }
0x214: {  	[sflag:s3] =	ssyncadd.s32 $0xFFFF0000  }
0x215: {  	[tilespmem:s5], [sflag:$0x1] =	stream.indirect.gather [hbm4b:s4+s6], $0x80, s20, s6, $0xb8;
	[tilespmem:$0x11000] =	vst v63  }
0x216: {  	_ = 	snop  }
0x217: {  	[tilespmem:s8], [sflag:$0x1] =	stream.indirect.gather [hbm4b:s4+s6], $0x80, s21, s6, $0xb8;
	[tilespmem:$0x11000] =	vst v63  }
0x218: {  	_ = 	snop  }
0x219: {  	[tilespmem:s9], [sflag:$0x1] =	stream.indirect.gather [hbm4b:s4+s6], $0x80, s22, s6, $0xb8;
	[tilespmem:$0x11000] =	vst v63  }
0x21a: {  	_ = 	snop  }
0x21b: {  	[tilespmem:s10], [sflag:$0x1] =	stream.indirect.gather [hbm4b:s4+s6], $0x80, s23, s6, $0xb8;
	[tilespmem:$0x11000] =	vst v63  }
0x21c: {  	_ =	swait.ge [sflag:s7], $0x4000  }
0x21d: {  	[sflag:s7] =	ssyncset.done $0x0  }
0x21e: {  	[sflag:s7] =	ssyncadd.s32 $0xFFFFC000  }
0x21f: {  	_ =	swait.ge [sflag:s7], $0x4000  }
0x220: {  	[sflag:s7] =	ssyncset.done $0x0  }
0x221: {  	[sflag:s7] =	ssyncadd.s32 $0xFFFFC000  }
0x222: {  	_ =	swait.ge [sflag:s7], $0x4000  }
0x223: {  	[sflag:s7] =	ssyncset.done $0x0  }
0x224: {  	[sflag:s7] =	ssyncadd.s32 $0xFFFFC000  }
0x225: {  	_ =	swait.ge [sflag:s7], $0x4000  }
0x226: {  	[sflag:s7] =	ssyncset.done $0x0  }
0x227: {  	s28 =	rddreg [dreg:$0x8];
	[sflag:s7] =	ssyncadd.s32 $0xFFFFC000  }
0x228: {  	[hbm4b:s28+s2] =	stream.linear.scatter [tilespmem:s5], [sflag:$0x2], $0x10000, $0x38;
	[tilespmem:$0x11000] =	vst v63  }
0x229: {  	_ =	swait.ge [sflag:s3], $0x10000  }
0x22a: {  	[sflag:s3] =	ssyncset.done $0x0  }
0x22b: {  	[sflag:s3] =	ssyncadd.s32 $0xFFFF0000  }
0x22c: {  	[tilespmem:s5], [sflag:$0x1] =	stream.indirect.gather [hbm4b:s4+s6], $0x80, s16, s6, $0xb8;
	[tilespmem:$0x11000] =	vst v63  }
0x22d: {  	_ = 	snop  }
0x22e: {  	[tilespmem:s8], [sflag:$0x1] =	stream.indirect.gather [hbm4b:s4+s6], $0x80, s17, s6, $0xb8;
	[tilespmem:$0x11000] =	vst v63  }
0x22f: {  	_ = 	snop  }
0x230: {  	[tilespmem:s9], [sflag:$0x1] =	stream.indirect.gather [hbm4b:s4+s6], $0x80, s18, s6, $0xb8;
	[tilespmem:$0x11000] =	vst v63  }
0x231: {  	_ = 	snop  }
0x232: {  	[tilespmem:s10], [sflag:$0x1] =	stream.indirect.gather [hbm4b:s4+s6], $0x80, s19, s6, $0xb8;
	[tilespmem:$0x11000] =	vst v63  }
0x233: {  	_ =	swait.ge [sflag:s7], $0x4000  }
0x234: {  	[sflag:s7] =	ssyncset.done $0x0  }
0x235: {  	[sflag:s7] =	ssyncadd.s32 $0xFFFFC000  }
0x236: {  	_ =	swait.ge [sflag:s7], $0x4000  }
0x237: {  	[sflag:s7] =	ssyncset.done $0x0  }
0x238: {  	[sflag:s7] =	ssyncadd.s32 $0xFFFFC000  }
0x239: {  	_ =	swait.ge [sflag:s7], $0x4000  }
0x23a: {  	[sflag:s7] =	ssyncset.done $0x0  }
0x23b: {  	[sflag:s7] =	ssyncadd.s32 $0xFFFFC000  }
0x23c: {  	_ =	swait.ge [sflag:s7], $0x4000  }
0x23d: {  	[sflag:s7] =	ssyncset.done $0x0  }
0x23e: {  	s29 =	rddreg [dreg:$0x9];
	[sflag:s7] =	ssyncadd.s32 $0xFFFFC000  }
0x23f: {  	[hbm4b:s29+s2] =	stream.linear.scatter [tilespmem:s5], [sflag:$0x2], $0x10000, $0x38;
	[tilespmem:$0x11000] =	vst v63  }
0x240: {  	_ =	swait.ge [sflag:s3], $0x10000  }
0x241: {  	[sflag:s3] =	ssyncset.done $0x0  }
0x242: {  	[sflag:s3] =	ssyncadd.s32 $0xFFFF0000  }
0x243: {  	[tilespmem:s5], [sflag:$0x1] =	stream.indirect.gather [hbm4b:s4+s6], $0x80, s12, s6, $0xb8;
	[tilespmem:$0x11000] =	vst v63  }
0x244: {  	_ = 	snop  }
0x245: {  	[tilespmem:s8], [sflag:$0x1] =	stream.indirect.gather [hbm4b:s4+s6], $0x80, s13, s6, $0xb8;
	[tilespmem:$0x11000] =	vst v63  }
0x246: {  	_ = 	snop  }
0x247: {  	[tilespmem:s9], [sflag:$0x1] =	stream.indirect.gather [hbm4b:s4+s6], $0x80, s14, s6, $0xb8;
	[tilespmem:$0x11000] =	vst v63  }
0x248: {  	s30 =	simm.s32 $0xF80  }
0x249: {  	[tilespmem:s10], [sflag:$0x1] =	stream.indirect.gather [hbm4b:s4+s6], $0x80, s30, s6, $0xb8;
	[tilespmem:$0x11000] =	vst v63  }
0x24a: {  	_ =	swait.ge [sflag:s7], $0x4000  }
0x24b: {  	[sflag:s7] =	ssyncset.done $0x0  }
0x24c: {  	[sflag:s7] =	ssyncadd.s32 $0xFFFFC000  }
0x24d: {  	_ =	swait.ge [sflag:s7], $0x4000  }
0x24e: {  	[sflag:s7] =	ssyncset.done $0x0  }
0x24f: {  	[sflag:s7] =	ssyncadd.s32 $0xFFFFC000  }
0x250: {  	_ =	swait.ge [sflag:s7], $0x4000  }
0x251: {  	[sflag:s7] =	ssyncset.done $0x0  }
0x252: {  	[sflag:s7] =	ssyncadd.s32 $0xFFFFC000  }
0x253: {  	_ =	swait.ge [sflag:s7], $0x4000  }
0x254: {  	[sflag:s7] =	ssyncset.done $0x0  }
0x255: {  	s31 =	rddreg [dreg:$0xa];
	[sflag:s7] =	ssyncadd.s32 $0xFFFFC000  }
0x256: {  	[hbm4b:s31+s2] =	stream.linear.scatter [tilespmem:s5], [sflag:$0x2], $0x10000, $0x38;
	[tilespmem:$0x11000] =	vst v63  }
0x257: {  	_ =	swait.ge [sflag:s3], $0x10000  }
0x258: {  	[sflag:s3] =	ssyncset.done $0x0  }
0x259: {  	[sflag:s3] =	ssyncadd.s32 $0xFFFF0000  }
0x25a: {  	_ =	sfence.sel $0x180000  }
0x25b: {  	[bflag:$0x0] =	sbarrier.arrive $0xFFFF  }
0x25c: {  	_ =	strace $0x90000047  }
0x25d: {  	[bflag:$0x2] =	sbarrier.arrive $0xFFFF  }
0x25e: {  	p0 =	sne.s32 s11, $0x0;
	s0 =	rddreg [dreg:$0x1]  }
0x25f: {  	s0 =	sadd.s32 @!p0 $0x100000, s0  }
0x260: {  	[sflag:s0] =	ssyncadd.tile.s32 @!p0 $0x1;
	_ =	shalt  }
.LBB2_1:
0x261: {  	s15 =	simm.s32 $0x780;
	s31 =	simm.s32 $0x700  }
0x262: {  	s30 =	simm.s32 $0x680;
	s29 =	simm.s32 $0x600;
	s28 =	simm.s32 $0x980  }
.Ltmp3:
0x263: {  	s26 =	simm.s32 $0x900;
	s25 =	simm.s32 $0x880;
	(pc) =	sbr.rel .LBB2_6-.Ltmp3, $4  }
0x264: {  	s24 =	simm.s32 $0x800;
	s23 =	simm.s32 $0xB80;
	s22 =	simm.s32 $0xB00  }
0x265: {  	s21 =	simm.s32 $0xA80;
	s20 =	simm.s32 $0xA00;
	s19 =	simm.s32 $0xD80  }
0x266: {  	s18 =	simm.s32 $0xD00;
	s17 =	simm.s32 $0xC80;
	s16 =	simm.s32 $0xC00  }
0x267: {  	s14 =	simm.s32 $0xF00;
	s13 =	simm.s32 $0xE80;
	s12 =	simm.s32 $0xE00  }
.LBB2_3:
0x268: {  	s15 =	simm.s32 $0x780;
	s31 =	simm.s32 $0x700;
	s30 =	simm.s32 $0x680  }
0x269: {  	s29 =	simm.s32 $0x600;
	s28 =	simm.s32 $0x980;
	s26 =	simm.s32 $0x900  }
.Ltmp4:
0x26a: {  	s25 =	simm.s32 $0x880;
	s24 =	simm.s32 $0x800;
	(pc) =	sbr.rel .LBB2_6-.Ltmp4, $4  }
0x26b: {  	s23 =	simm.s32 $0xB80;
	s22 =	simm.s32 $0xB00;
	s21 =	simm.s32 $0xA80  }
0x26c: {  	s20 =	simm.s32 $0xA00;
	s19 =	simm.s32 $0xD80;
	s18 =	simm.s32 $0xD00  }
0x26d: {  	s17 =	simm.s32 $0xC80;
	s16 =	simm.s32 $0xC00;
	s14 =	simm.s32 $0xF00  }
0x26e: {  	s13 =	simm.s32 $0xE80;
	s12 =	simm.s32 $0xE00;
	s11 =	stileid.u32  }
.Lfunc_end2:
_tile_overlayer_lowered:
.L_overlay_start_2:
0x26f: {  	(tag) =	ssettag $0x2  }
0x270: {  	s0 =	rddreg [dreg:$0x0];
	s2 =	stileid.u32  }
0x271: {  	s1 =	rddreg [dreg:$0x1];
	p0 =	sne.s32 s2, $0x0  }
0x272: {  	s3 =	rddreg [dreg:$0x2];
	[bflag:$0x3] =	sbarrier.arrive $0xFFFF;
	s2 =	simm.s32 @!p0 $0x1C02  }
0x273: {  	[timem:s3], [sflag:s2] =	dma.local @!p0 [hbm:s0], s1  }
0x274: {  	s0 =	simm.s32 @!p0 $0x2  }
0x275: {  	_ =	swait.ge @!p0 [sflag:s0], s1  }
0x276: {  	s1 =	ssub.s32 @!p0 $0x0, s1;
	[sflag:s0] =	ssyncset.done @!p0 $0x0  }
0x277: {  	[sflag:s0] =	ssyncadd.s32 @!p0 s1  }
0x278: {  	[bflag:$0x3] =	sbarrier.arrive $0xFFFF  }
0x279: {  	_ =	shalt  }

// kernel: kernel.13.cloned.1.call-start
scs
__scs_entry_jumppad:
0x0: {  	(pc) =	sbr.rel $0x88, $3  }
0x1: {  	(tag) =	ssettag $0x0;
	lr =	simm.s32 $0x1  }
0x2: {  	[smem:$0x3F8B] =	sst lr;
	_ =	strace $0xD0000000  }
0x3: {  	_ = 	snop  }
0x4: {  	_ = 	snop  }
0x5: {  	_ = 	snop  }
0x6: {  	_ = 	snop  }
0x7: {  	_ = 	snop  }
__scs_overlays_trampoline_lowered:
0x8: {  	[smem:$0x3F9A] =	sst s0  }
0x9: {  	[smem:$0x3F9B] =	sst s1  }
0xa: {  	[smem:$0x3F9C] =	sst s2  }
0xb: {  	[smem:$0x3F9D] =	sst s3  }
0xc: {  	[smem:$0x3F9E] =	sst s4  }
0xd: {  	[smem:$0x3F9F] =	sst s5  }
0xe: {  	[smem:$0x3FA0] =	sst s6  }
0xf: {  	[smem:$0x3FA1] =	sst s7  }
0x10: {  	[smem:$0x3FA2] =	sst s8  }
0x11: {  	[smem:$0x3FA3] =	sst s9;
	s0 =	simm.s32 @!p0 $0x0  }
0x12: {  	s1 =	sld [smem:$0x3F89];
	s0 =	simm.s32 @p0 $0x1  }
0x13: {  	[smem:$0x3FA4] =	sst s0;
	s0 =	simm.s32 @!p1 $0x0  }
0x14: {  	s2 =	sld [smem:$0x3F88];
	s0 =	simm.s32 @p1 $0x1  }
0x15: {  	[smem:$0x3FA5] =	sst s0;
	s0 =	simm.s32 @!p2 $0x0  }
0x16: {  	s3 =	sld [smem:$0x3FDB];
	s0 =	simm.s32 @p2 $0x1  }
0x17: {  	s4 =	simm.s32 $0x1BF5;
	[smem:$0x3FA7] =	sst s0  }
0x18: {  	s0 =	sld [smem:$0x3F8A];
	_ =	swait.ge [sflag:s4], $0x0  }
0x19: {  	s7 =	sld [smem:$0x3F8B]  }
0x1a: {  	s8 =	sadd.s32 $0xFFFFE003, lr  }
0x1b: {  	s9 =	sadd.s32 $0xFFFFFEF7, lr;
	s5 =	simm.s32 $0xFFFFFFFF;
	p2 =	slt.u32 s8, $0xFFFFF086  }
0x1c: {  	p1 =	slt.u32 s9, $0xF7A;
	s5 =	simm.s32 @!p2 $0x0  }
0x1d: {  	s5 =	simm.s32 @p1 $0x1;
	p0 =	seq.s32 s7, s2  }
0x1e: {  	s7 =	smul.u32 @!p0 $0xF7A, s2;
	p2 =	seq.s32 @!p0 s5, $0x0  }
0x1f: {  	s9 =	smul.u32 $0xF7A, s1;
	s8 =	simm.s32 @!p0 $0x1BF5;
	p2 =	por !p2, p0  }
0x20: {  	[sflag:s8] =	ssyncset.s32 @!p0 $0xFFFFF086;
	s6 =	sadd.s32 @!p0 s3, s7;
	s7 =	simm.s32 @!p0 $0x108  }
0x21: {  	s3 =	sadd.s32 s3, s9;
	s6 =	sadd.s32 @!p0 $0x88, s6;
	s7 =	simm.s32 @p2 $0x1082  }
0x22: {  	[simem:s7], [sflag:s8] =	dma.local @!p0 [hbm:s6], $0xF7A  }
0x23: {  	s9 =	sor.u32 $0xD0000000, s2;
	s6 =	simm.s32 $0x108;
	_ =	swait.ge @!p0 [sflag:s8], $0x0  }
0x24: {  	s3 =	sadd.s32 $0x88, s3;
	s6 =	simm.s32 @!p1 $0x1082;
	[sflag:s4] =	ssyncset.s32 $0xFFFFF086  }
0x25: {  	[simem:s6], [sflag:s4] =	dma.local [hbm:s3], $0xF7A  }
0x26: {  	[smem:$0x3F8B] =	sst s1;
	(tag) =	ssettag s2;
	_ =	strace s9  }
0x27: {  	s1 =	sld [smem:$0x3F9B]  }
0x28: {  	s2 =	sld [smem:$0x3F9C]  }
0x29: {  	s4 =	sld [smem:$0x3F9E]  }
0x2a: {  	p0 =	seq.s32 s5, $0x0;
	s5 =	sld [smem:$0x3F9F]  }
0x2b: {  	s6 =	sld [smem:$0x3FA0]  }
0x2c: {  	s7 =	sld [smem:$0x3FA1]  }
0x2d: {  	s3 =	simm.s32 $0x108;
	s8 =	sld [smem:$0x3FA2]  }
0x2e: {  	s3 =	simm.s32 @!p0 $0x1082;
	s9 =	sld [smem:$0x3FA3]  }
0x2f: {  	lr =	sadd.s32 s0, s3;
	s0 =	sld [smem:$0x3F9A]  }
0x30: {  	s3 =	sld [smem:$0x3F9D]  }
0x31: {  	[smem:$0x3FA6] =	sst s10  }
0x32: {  	s10 =	sld [smem:$0x3FA4];
	_ =	sdelay $0x3  }
0x33: {  	p0 =	seq.s32 s10, $0x1;
	s10 =	sld [smem:$0x3FA6];
	_ =	sdelay $0x3  }
0x34: {  	[smem:$0x3FA6] =	sst s10  }
0x35: {  	s10 =	sld [smem:$0x3FA5];
	_ =	sdelay $0x3  }
0x36: {  	p1 =	seq.s32 s10, $0x1;
	s10 =	sld [smem:$0x3FA6];
	_ =	sdelay $0x3  }
0x37: {  	[smem:$0x3FA6] =	sst s10  }
0x38: {  	s10 =	sld [smem:$0x3FA7]  }
0x39: {  	_ = 	snop;
	(pc) =	sbr.ind lr, $3  }
0x3a: {  	_ = 	snop  }
0x3b: {  	_ = 	snop  }
0x3c: {  	p2 =	seq.s32 s10, $0x1;
	s10 =	sld [smem:$0x3FA6]  }
0x3d: {  	_ =	shalt  }
0x3e: {  	_ =	shalt  }
0x3f: {  	_ =	shalt  }
0x40: {  	_ =	shalt  }
0x41: {  	_ =	shalt  }
0x42: {  	_ =	shalt  }
0x43: {  	_ =	shalt  }
0x44: {  	_ =	shalt  }
0x45: {  	_ =	shalt  }
0x46: {  	_ =	shalt  }
0x47: {  	_ =	shalt  }
0x48: {  	_ =	shalt  }
0x49: {  	_ =	shalt  }
0x4a: {  	_ =	shalt  }
0x4b: {  	_ =	shalt  }
0x4c: {  	_ =	shalt  }
0x4d: {  	_ =	shalt  }
0x4e: {  	_ =	shalt  }
0x4f: {  	_ =	shalt  }
0x50: {  	_ =	shalt  }
0x51: {  	_ =	shalt  }
0x52: {  	_ =	shalt  }
0x53: {  	_ =	shalt  }
0x54: {  	_ =	shalt  }
0x55: {  	_ =	shalt  }
0x56: {  	_ =	shalt  }
0x57: {  	_ =	shalt  }
0x58: {  	_ =	shalt  }
0x59: {  	_ =	shalt  }
0x5a: {  	_ =	shalt  }
0x5b: {  	_ =	shalt  }
0x5c: {  	_ =	shalt  }
0x5d: {  	_ =	shalt  }
0x5e: {  	_ =	shalt  }
0x5f: {  	_ =	shalt  }
0x60: {  	_ =	shalt  }
0x61: {  	_ =	shalt  }
0x62: {  	_ =	shalt  }
0x63: {  	_ =	shalt  }
0x64: {  	_ =	shalt  }
0x65: {  	_ =	shalt  }
0x66: {  	_ =	shalt  }
0x67: {  	_ =	shalt  }
0x68: {  	_ =	shalt  }
0x69: {  	_ =	shalt  }
0x6a: {  	_ =	shalt  }
0x6b: {  	_ =	shalt  }
0x6c: {  	_ =	shalt  }
0x6d: {  	_ =	shalt  }
0x6e: {  	_ =	shalt  }
0x6f: {  	_ =	shalt  }
0x70: {  	_ =	shalt  }
0x71: {  	_ =	shalt  }
0x72: {  	_ =	shalt  }
0x73: {  	_ =	shalt  }
0x74: {  	_ =	shalt  }
0x75: {  	_ =	shalt  }
0x76: {  	_ =	shalt  }
0x77: {  	_ =	shalt  }
0x78: {  	_ =	shalt  }
0x79: {  	_ =	shalt  }
0x7a: {  	_ =	shalt  }
0x7b: {  	_ =	shalt  }
0x7c: {  	_ =	shalt  }
0x7d: {  	_ =	shalt  }
0x7e: {  	_ =	shalt  }
0x7f: {  	_ =	shalt  }
0x80: {  	_ =	shalt  }
0x81: {  	_ =	shalt  }
0x82: {  	_ =	shalt  }
0x83: {  	_ =	shalt  }
0x84: {  	_ =	shalt  }
0x85: {  	_ =	shalt  }
0x86: {  	_ =	shalt  }
0x87: {  	_ =	shalt  }
.Lfunc_end0:
.L_simem_size_0:
called_computation.1_lowered:
.L_overlay_start_0:
0x88: {  	s2 =	sld [smem:$0x3FD9]  }
0x89: {  	s3 =	sld [smem:$0x3FFE];
	_ =	sdelay $0x1  }
0x8a: {  	s1 =	srdreg.scid  }
0x8b: {  	s0 =	sand.u32 $0x1, s1  }
0x8c: {  	s16 =	sshll.u32 s0, $0xA;
	s2 =	sadd.s32 s3, s2  }
0x8d: {  	s2 =	sadd.s32 s2, s16  }
0x8e: {  	[smem:$0x3FB2] =	sst s2  }
0x8f: {  	_ = 	snop  }
0x90: {  	(tm) =	ssettm $0x1  }
0x91: {  	s17 =	sld [smem:$0x3FFB];
	_ =	sdelay $0x3  }
0x92: {  	_ =	strace s17  }
0x93: {  	s2 =	sld [smem:$0x3FFC];
	_ =	sdelay $0x3  }
0x94: {  	_ =	strace s2  }
0x95: {  	s2 =	sld [smem:$0x3FFD];
	_ =	sdelay $0x3  }
0x96: {  	_ =	strace s2  }
0x97: {  	_ =	strace $0x8FFFFFFF  }
0x98: {  	s18 =	sld [smem:$0x3FDB];
	_ =	sdelay $0x1  }
0x99: {  	s19 =	simm.s32 $_scs_section_size  }
0x9a: {  	s4 =	simm.s32 $_size__tile_overlayer_lowered;
	s5 =	simm.s32 $_tile_overlayer_lowered  }
0x9b: {  	s22 =	simm.s32 $0x1BFF;
	s21 =	sshll.u32 s5, $0x1;
	s2 =	sadd.s32 s19, s18  }
0x9c: {  	s6 =	simm.s32 $0x0;
	s20 =	sshll.u32 s4, $0x1;
	s4 =	sadd.s32 s21, s2  }
0x9d: {  	[timem:s6], [sflag:s22] =	dma.local [hbm:s4], s20  }
0x9e: {  	_ =	swait.ge [sflag:s22], s20  }
0x9f: {  	s3 =	ssub.s32 $0x0, s20;
	[sflag:s22] =	ssyncset.done $0x0  }
0xa0: {  	[sflag:s22] =	ssyncadd.s32 s3;
	_ =	sdelay $0x1  }
0xa1: {  	s23 =	simm.s32 $0x1B8B  }
0xa2: {  	_ =	swait.ge [sflag:s23], $0x1  }
0xa3: {  	[sflag:s23] =	ssyncset.done $0x0  }
0xa4: {  	s25 =	simm.s32 $0x1B8E;
	s24 =	sld [smem:$0x3FFE];
	[sflag:s23] =	ssyncadd.s32 $0xFFFFFFFF  }
0xa5: {  	s26 =	simm.s32 $execute0_lowered;
	[smem:$0x3FD2] =	sst s25  }
0xa6: {  	s4 =	sshll.u32 s26, $0x1;
	_ =	strace $0x80000049;
	[dreg:$0x1] =	wrdreg $0xFFFFFFFF  }
0xa7: {  	s28 =	simm.s32 $_size_execute0_lowered;
	s2 =	sadd.s32 s2, s4;
	[dreg:$0x0] =	wrdreg $0x0  }
0xa8: {  	s4 =	sshll.u32 s28, $0x1;
	[dreg:$0x2] =	wrdreg s2  }
0xa9: {  	[dreg:$0x3] =	wrdreg s4  }
0xaa: {  	[dreg:$0x4] =	wrdreg $0xC0  }
0xab: {  	_ =	task [dreg:s6], $0x5FFFF  }
0xac: {  	[dreg:$0x1] =	wrdreg $0xFFFFFFFF  }
0xad: {  	[dreg:$0x0] =	wrdreg $0x60  }
0xae: {  	[dreg:$0x2] =	wrdreg s24  }
0xaf: {  	[dreg:$0x3] =	wrdreg $0x9  }
0xb0: {  	_ =	task.clear_ibuf [dreg:s6], $0x4FFFF;
	_ =	strace $0x90000049  }
0xb1: {  	s29 =	simm.s32 $0x9;
	_ =	strace $0x8000004B  }
0xb2: {  	_ =	swait.ge [sflag:s29], $0x1  }
0xb3: {  	[sflag:s29] =	ssyncadd.s32 $0xFFFFFFFF  }
0xb4: {  	_ =	strace $0x9000004B  }
0xb5: {  	_ =	sfence  }
0xb6: {  	s30 =	sld [smem:$0x0];
	_ =	sdelay $0x2  }
0xb7: {  	s31 =	sshll.u32 s1, $0xD;
	s1 =	sshrl.u32 s1, $0x2  }
0xb8: {  	s3 =	sand.u32 $0x4000, s31;
	s1 =	sadd.s32 s1, s30  }
0xb9: {  	s0 =	sor.u32 s3, s0;
	s1 =	sshll.u32 s1, $0x11  }
0xba: {  	s0 =	sor.u32 s1, s0  }
0xbb: {  	s0 =	sadd.s32 $0x8F2B, s0  }
0xbc: {  	[sflag:s0] =	ssyncadd.remote.s32 $0x1  }
0xbd: {  	_ =	sfence.sel $0xFFFF  }
0xbe: {  	[dreg:$0x0] =	wrdreg $0xFFFFFFFF;
	(pc) =	sbr.abs _section_cstart, $3  }
0xbf: {  	[dreg:$0x1] =	wrdreg $0xFFFFFFFF  }
0xc0: {  	_ =	task.clear_ibuf [dreg:s6], $0x2FFFF;
	_ =	strace $0x9FFFFFFF  }
0xc1: {  	(tm) =	ssettm $0x7FFFFFFF  }
tec
execute0_lowered:
.L_overlay_start_1:
0x0: {  	(tag) =	ssettag $0x1  }
0x1: {  	s0 =	srdreg.scid  }
0x2: {  	s11 =	stileid.u32;
	s3 =	rddreg [dreg:$0x0]  }
0x3: {  	s2 =	simm.s32 $0x0;
	s16 =	simm.s32 $0x100;
	s17 =	simm.s32 $0x180  }
0x4: {  	s19 =	simm.s32 $0x200;
	s20 =	simm.s32 $0x280;
	[smem:$0x7FF] =	sst s2  }
0x5: {  	s21 =	simm.s32 $0x300;
	_ =	strace $0x8000004A;
	[dreg:$0xb] =	wrdreg s16  }
0x6: {  	s22 =	simm.s32 $0x380;
	s6 =	simm.s32 $0x80;
	[dreg:$0xc] =	wrdreg s17  }
0x7: {  	s23 =	simm.s32 $0x400;
	s5 =	simm.s32 $0x1000;
	[dreg:$0xd] =	wrdreg s19  }
0x8: {  	s24 =	simm.s32 $0x480;
	s25 =	simm.s32 $0x500;
	[dreg:$0xe] =	wrdreg s20  }
0x9: {  	s26 =	simm.s32 $0x580;
	s7 =	simm.s32 $0x1;
	[dreg:$0xf] =	wrdreg s21  }
0xa: {  	s29 =	simm.s32 $0x600;
	s30 =	simm.s32 $0x680;
	[dreg:$0x10] =	wrdreg s22  }
0xb: {  	s31 =	simm.s32 $0x700;
	s28 =	simm.s32 $0x980;
	[dreg:$0x11] =	wrdreg s23  }
0xc: {  	s0 =	sand.u32 $0x1, s0;
	s1 =	sshll.u32 s11, $0x1;
	[dreg:$0x12] =	wrdreg s24  }
0xd: {  	p0 =	por $0x0, $0x0;
	s1 =	sor.u32 s0, s1;
	[dreg:$0x13] =	wrdreg s25  }
0xe: {  	s0 =	ssub.s32 $0x2, s0;
	[dreg:$0x14] =	wrdreg s26;
	s16 =	simm.s32 $0x780  }
0xf: {  	s24 =	simm.s32 $0x800;
	s25 =	simm.s32 $0x880;
	s26 =	simm.s32 $0x900  }
0x10: {  	s20 =	simm.s32 $0xA00;
	s21 =	simm.s32 $0xA80;
	s4 =	sshll.u32 s1, $0x9  }
0x11: {  	s22 =	simm.s32 $0xB00;
	s1 =	sshll.u32 s1, $0x10;
	s4 =	sadd.s32 s4, s3  }
0x12: {  	s23 =	simm.s32 $0xB80;
	s1 =	sadd.s32 s1, s3;
	s4 =	sadd.s32 $0x3C00, s4  }
0x13: {  	s17 =	simm.s32 $0xC80;
	s8 =	sadd.s32 $0x47C00, s1;
	[dreg:$0x2] =	wrdreg s4  }
0x14: {  	s19 =	simm.s32 $0xD80;
	s9 =	sadd.s32 $0x49C00, s1;
	[dreg:$0x3] =	wrdreg s8  }
0x15: {  	s18 =	sshrl.u32 s0, $0x1;
	s10 =	sadd.s32 $0x4BC00, s1;
	[dreg:$0x4] =	wrdreg s9  }
0x16: {  	s0 =	ssub.s32 s0, s18;
	s12 =	sadd.s32 $0x4DC00, s1;
	[dreg:$0x5] =	wrdreg s10  }
0x17: {  	s18 =	simm.s32 $0xD00;
	s13 =	sadd.s32 $0x4FC00, s1;
	[dreg:$0x6] =	wrdreg s12  }
0x18: {  	s14 =	sadd.s32 $0x51C00, s1;
	s0 =	smax.u32 s0, $0x1;
	[dreg:$0x7] =	wrdreg s13  }
0x19: {  	s15 =	sadd.s32 $0x53C00, s1;
	[dreg:$0x8] =	wrdreg s14;
	p1 =	sne.s32 s0, $0x1  }
.Ltmp0:
0x1a: {  	s1 =	sadd.s32 $0x55C00, s1;
	[dreg:$0x9] =	wrdreg s15;
	(pc) =	sbr.rel @!p1 .LBB2_1-.Ltmp0, $4  }
0x1b: {  	s4 =	sadd.s32 $0x7C00, s3;
	[dreg:$0xa] =	wrdreg s1;
	s3 =	simm.s32 $0x2  }
0x1c: {  	s8 =	simm.s32 $0x5000;
	s9 =	simm.s32 $0x9000;
	s10 =	simm.s32 $0xD000  }
0x1d: {  	s1 =	sadd.s32 $0xFFFFFFFF, s0;
	s12 =	simm.s32 $0xE00;
	s13 =	simm.s32 $0xE80  }
0x1e: {  	s14 =	simm.s32 $0xF00;
	s15 =	simm.s32 $0xF80;
	s0 =	rddreg [dreg:$0x2]  }
0x1f: {  	[tilespmem:s2], [sflag:$0x2] =	stream.linear.gather [hbm4b:s0+s2], $0x1000, $0x38;
	[tilespmem:$0x11000] =	vst v63  }
0x20: {  	_ =	swait.ge [sflag:s3], $0x1000  }
0x21: {  	[sflag:s3] =	ssyncset.done $0x0  }
0x22: {  	[sflag:s3] =	ssyncadd.s32 $0xFFFFF000  }
0x23: {  	[tilespmem:s5], [sflag:$0x1] =	stream.indirect.gather [hbm4b:s4+s6], $0x80, s2, s6, $0xb8;
	[tilespmem:$0x11000] =	vst v63  }
0x24: {  	_ = 	snop  }
0x25: {  	[tilespmem:s8], [sflag:$0x1] =	stream.indirect.gather [hbm4b:s4+s6], $0x80, s6, s6, $0xb8;
	[tilespmem:$0x11000] =	vst v63  }
0x26: {  	s0 =	rddreg [dreg:$0xb]  }
0x27: {  	[tilespmem:s9], [sflag:$0x1] =	stream.indirect.gather [hbm4b:s4+s6], $0x80, s0, s6, $0xb8;
	[tilespmem:$0x11000] =	vst v63  }
0x28: {  	s11 =	smov.u32 s1;
	s1 =	rddreg [dreg:$0xc]  }
0x29: {  	[tilespmem:s10], [sflag:$0x1] =	stream.indirect.gather [hbm4b:s4+s6], $0x80, s1, s6, $0xb8;
	[tilespmem:$0x11000] =	vst v63  }
0x2a: {  	_ =	swait.ge [sflag:s7], $0x4000  }
0x2b: {  	[sflag:s7] =	ssyncset.done $0x0  }
0x2c: {  	[sflag:s7] =	ssyncadd.s32 $0xFFFFC000  }
0x2d: {  	_ =	swait.ge [sflag:s7], $0x4000  }
0x2e: {  	[sflag:s7] =	ssyncset.done $0x0  }
0x2f: {  	[sflag:s7] =	ssyncadd.s32 $0xFFFFC000  }
0x30: {  	_ =	swait.ge [sflag:s7], $0x4000  }
0x31: {  	[sflag:s7] =	ssyncset.done $0x0  }
0x32: {  	[sflag:s7] =	ssyncadd.s32 $0xFFFFC000  }
0x33: {  	_ =	swait.ge [sflag:s7], $0x4000  }
0x34: {  	[sflag:s7] =	ssyncset.done $0x0  }
0x35: {  	s1 =	rddreg [dreg:$0x3];
	[sflag:s7] =	ssyncadd.s32 $0xFFFFC000  }
0x36: {  	[hbm4b:s1+s2] =	stream.linear.scatter [tilespmem:s5], [sflag:$0x2], $0x10000, $0x38;
	[tilespmem:$0x11000] =	vst v63  }
0x37: {  	_ =	swait.ge [sflag:s3], $0x10000  }
0x38: {  	[sflag:s3] =	ssyncset.done $0x0  }
0x39: {  	s0 =	rddreg [dreg:$0xd];
	[sflag:s3] =	ssyncadd.s32 $0xFFFF0000  }
0x3a: {  	[tilespmem:s5], [sflag:$0x1] =	stream.indirect.gather [hbm4b:s4+s6], $0x80, s0, s6, $0xb8;
	[tilespmem:$0x11000] =	vst v63  }
0x3b: {  	s1 =	rddreg [dreg:$0xe]  }
0x3c: {  	[tilespmem:s8], [sflag:$0x1] =	stream.indirect.gather [hbm4b:s4+s6], $0x80, s1, s6, $0xb8;
	[tilespmem:$0x11000] =	vst v63  }
0x3d: {  	s0 =	rddreg [dreg:$0xf]  }
0x3e: {  	[tilespmem:s9], [sflag:$0x1] =	stream.indirect.gather [hbm4b:s4+s6], $0x80, s0, s6, $0xb8;
	[tilespmem:$0x11000] =	vst v63  }
0x3f: {  	s1 =	rddreg [dreg:$0x10]  }
0x40: {  	[tilespmem:s10], [sflag:$0x1] =	stream.indirect.gather [hbm4b:s4+s6], $0x80, s1, s6, $0xb8;
	[tilespmem:$0x11000] =	vst v63  }
0x41: {  	_ =	swait.ge [sflag:s7], $0x4000  }
0x42: {  	[sflag:s7] =	ssyncset.done $0x0  }
0x43: {  	[sflag:s7] =	ssyncadd.s32 $0xFFFFC000  }
0x44: {  	_ =	swait.ge [sflag:s7], $0x4000  }
0x45: {  	[sflag:s7] =	ssyncset.done $0x0  }
0x46: {  	[sflag:s7] =	ssyncadd.s32 $0xFFFFC000  }
0x47: {  	_ =	swait.ge [sflag:s7], $0x4000  }
0x48: {  	[sflag:s7] =	ssyncset.done $0x0  }
0x49: {  	[sflag:s7] =	ssyncadd.s32 $0xFFFFC000  }
0x4a: {  	_ =	swait.ge [sflag:s7], $0x4000  }
0x4b: {  	[sflag:s7] =	ssyncset.done $0x0  }
0x4c: {  	s1 =	rddreg [dreg:$0x4];
	[sflag:s7] =	ssyncadd.s32 $0xFFFFC000  }
0x4d: {  	[hbm4b:s1+s2] =	stream.linear.scatter [tilespmem:s5], [sflag:$0x2], $0x10000, $0x38;
	[tilespmem:$0x11000] =	vst v63  }
0x4e: {  	_ =	swait.ge [sflag:s3], $0x10000  }
0x4f: {  	[sflag:s3] =	ssyncset.done $0x0  }
0x50: {  	s0 =	rddreg [dreg:$0x11];
	[sflag:s3] =	ssyncadd.s32 $0xFFFF0000  }
0x51: {  	[tilespmem:s5], [sflag:$0x1] =	stream.indirect.gather [hbm4b:s4+s6], $0x80, s0, s6, $0xb8;
	[tilespmem:$0x11000] =	vst v63  }
0x52: {  	s1 =	rddreg [dreg:$0x12]  }
0x53: {  	[tilespmem:s8], [sflag:$0x1] =	stream.indirect.gather [hbm4b:s4+s6], $0x80, s1, s6, $0xb8;
	[tilespmem:$0x11000] =	vst v63  }
0x54: {  	s0 =	rddreg [dreg:$0x13]  }
0x55: {  	[tilespmem:s9], [sflag:$0x1] =	stream.indirect.gather [hbm4b:s4+s6], $0x80, s0, s6, $0xb8;
	[tilespmem:$0x11000] =	vst v63  }
0x56: {  	s1 =	rddreg [dreg:$0x14]  }
0x57: {  	[tilespmem:s10], [sflag:$0x1] =	stream.indirect.gather [hbm4b:s4+s6], $0x80, s1, s6, $0xb8;
	[tilespmem:$0x11000] =	vst v63  }
0x58: {  	_ =	swait.ge [sflag:s7], $0x4000  }
0x59: {  	[sflag:s7] =	ssyncset.done $0x0  }
0x5a: {  	[sflag:s7] =	ssyncadd.s32 $0xFFFFC000  }
0x5b: {  	_ =	swait.ge [sflag:s7], $0x4000  }
0x5c: {  	[sflag:s7] =	ssyncset.done $0x0  }
0x5d: {  	[sflag:s7] =	ssyncadd.s32 $0xFFFFC000  }
0x5e: {  	_ =	swait.ge [sflag:s7], $0x4000  }
0x5f: {  	[sflag:s7] =	ssyncset.done $0x0  }
0x60: {  	[sflag:s7] =	ssyncadd.s32 $0xFFFFC000  }
0x61: {  	_ =	swait.ge [sflag:s7], $0x4000  }
0x62: {  	[sflag:s7] =	ssyncset.done $0x0  }
0x63: {  	s1 =	rddreg [dreg:$0x5];
	[sflag:s7] =	ssyncadd.s32 $0xFFFFC000  }
0x64: {  	[hbm4b:s1+s2] =	stream.linear.scatter [tilespmem:s5], [sflag:$0x2], $0x10000, $0x38;
	[tilespmem:$0x11000] =	vst v63  }
0x65: {  	_ =	swait.ge [sflag:s3], $0x10000  }
0x66: {  	[sflag:s3] =	ssyncset.done $0x0  }
0x67: {  	[sflag:s3] =	ssyncadd.s32 $0xFFFF0000  }
0x68: {  	[tilespmem:s5], [sflag:$0x1] =	stream.indirect.gather [hbm4b:s4+s6], $0x80, s29, s6, $0xb8;
	[tilespmem:$0x11000] =	vst v63  }
0x69: {  	_ = 	snop  }
0x6a: {  	[tilespmem:s8], [sflag:$0x1] =	stream.indirect.gather [hbm4b:s4+s6], $0x80, s30, s6, $0xb8;
	[tilespmem:$0x11000] =	vst v63  }
0x6b: {  	_ = 	snop  }
0x6c: {  	[tilespmem:s9], [sflag:$0x1] =	stream.indirect.gather [hbm4b:s4+s6], $0x80, s31, s6, $0xb8;
	[tilespmem:$0x11000] =	vst v63  }
0x6d: {  	_ = 	snop  }
0x6e: {  	[tilespmem:s10], [sflag:$0x1] =	stream.indirect.gather [hbm4b:s4+s6], $0x80, s16, s6, $0xb8;
	[tilespmem:$0x11000] =	vst v63  }
0x6f: {  	_ =	swait.ge [sflag:s7], $0x4000  }
0x70: {  	[sflag:s7] =	ssyncset.done $0x0  }
0x71: {  	[sflag:s7] =	ssyncadd.s32 $0xFFFFC000  }
0x72: {  	_ =	swait.ge [sflag:s7], $0x4000  }
0x73: {  	[sflag:s7] =	ssyncset.done $0x0  }
0x74: {  	[sflag:s7] =	ssyncadd.s32 $0xFFFFC000  }
0x75: {  	_ =	swait.ge [sflag:s7], $0x4000  }
0x76: {  	[sflag:s7] =	ssyncset.done $0x0  }
0x77: {  	[sflag:s7] =	ssyncadd.s32 $0xFFFFC000  }
0x78: {  	_ =	swait.ge [sflag:s7], $0x4000  }
0x79: {  	[sflag:s7] =	ssyncset.done $0x0  }
0x7a: {  	s1 =	rddreg [dreg:$0x6];
	[sflag:s7] =	ssyncadd.s32 $0xFFFFC000  }
0x7b: {  	[hbm4b:s1+s2] =	stream.linear.scatter [tilespmem:s5], [sflag:$0x2], $0x10000, $0x38;
	[tilespmem:$0x11000] =	vst v63  }
0x7c: {  	_ =	swait.ge [sflag:s3], $0x10000  }
0x7d: {  	[sflag:s3] =	ssyncset.done $0x0  }
0x7e: {  	[sflag:s3] =	ssyncadd.s32 $0xFFFF0000  }
0x7f: {  	[tilespmem:s5], [sflag:$0x1] =	stream.indirect.gather [hbm4b:s4+s6], $0x80, s24, s6, $0xb8;
	[tilespmem:$0x11000] =	vst v63  }
0x80: {  	_ = 	snop  }
0x81: {  	[tilespmem:s8], [sflag:$0x1] =	stream.indirect.gather [hbm4b:s4+s6], $0x80, s25, s6, $0xb8;
	[tilespmem:$0x11000] =	vst v63  }
0x82: {  	_ = 	snop  }
0x83: {  	[tilespmem:s9], [sflag:$0x1] =	stream.indirect.gather [hbm4b:s4+s6], $0x80, s26, s6, $0xb8;
	[tilespmem:$0x11000] =	vst v63  }
0x84: {  	_ = 	snop  }
0x85: {  	[tilespmem:s10], [sflag:$0x1] =	stream.indirect.gather [hbm4b:s4+s6], $0x80, s28, s6, $0xb8;
	[tilespmem:$0x11000] =	vst v63  }
0x86: {  	_ =	swait.ge [sflag:s7], $0x4000  }
0x87: {  	[sflag:s7] =	ssyncset.done $0x0  }
0x88: {  	[sflag:s7] =	ssyncadd.s32 $0xFFFFC000  }
0x89: {  	_ =	swait.ge [sflag:s7], $0x4000  }
0x8a: {  	[sflag:s7] =	ssyncset.done $0x0  }
0x8b: {  	[sflag:s7] =	ssyncadd.s32 $0xFFFFC000  }
0x8c: {  	_ =	swait.ge [sflag:s7], $0x4000  }
0x8d: {  	[sflag:s7] =	ssyncset.done $0x0  }
0x8e: {  	[sflag:s7] =	ssyncadd.s32 $0xFFFFC000  }
0x8f: {  	_ =	swait.ge [sflag:s7], $0x4000  }
0x90: {  	[sflag:s7] =	ssyncset.done $0x0  }
0x91: {  	s1 =	rddreg [dreg:$0x7];
	[sflag:s7] =	ssyncadd.s32 $0xFFFFC000  }
0x92: {  	[hbm4b:s1+s2] =	stream.linear.scatter [tilespmem:s5], [sflag:$0x2], $0x10000, $0x38;
	[tilespmem:$0x11000] =	vst v63  }
0x93: {  	_ =	swait.ge [sflag:s3], $0x10000  }
0x94: {  	[sflag:s3] =	ssyncset.done $0x0  }
0x95: {  	[sflag:s3] =	ssyncadd.s32 $0xFFFF0000  }
0x96: {  	[tilespmem:s5], [sflag:$0x1] =	stream.indirect.gather [hbm4b:s4+s6], $0x80, s20, s6, $0xb8;
	[tilespmem:$0x11000] =	vst v63  }
0x97: {  	_ = 	snop  }
0x98: {  	[tilespmem:s8], [sflag:$0x1] =	stream.indirect.gather [hbm4b:s4+s6], $0x80, s21, s6, $0xb8;
	[tilespmem:$0x11000] =	vst v63  }
0x99: {  	_ = 	snop  }
0x9a: {  	[tilespmem:s9], [sflag:$0x1] =	stream.indirect.gather [hbm4b:s4+s6], $0x80, s22, s6, $0xb8;
	[tilespmem:$0x11000] =	vst v63  }
0x9b: {  	_ = 	snop  }
0x9c: {  	[tilespmem:s10], [sflag:$0x1] =	stream.indirect.gather [hbm4b:s4+s6], $0x80, s23, s6, $0xb8;
	[tilespmem:$0x11000] =	vst v63  }
0x9d: {  	_ =	swait.ge [sflag:s7], $0x4000  }
0x9e: {  	[sflag:s7] =	ssyncset.done $0x0  }
0x9f: {  	[sflag:s7] =	ssyncadd.s32 $0xFFFFC000  }
0xa0: {  	_ =	swait.ge [sflag:s7], $0x4000  }
0xa1: {  	[sflag:s7] =	ssyncset.done $0x0  }
0xa2: {  	[sflag:s7] =	ssyncadd.s32 $0xFFFFC000  }
0xa3: {  	_ =	swait.ge [sflag:s7], $0x4000  }
0xa4: {  	[sflag:s7] =	ssyncset.done $0x0  }
0xa5: {  	[sflag:s7] =	ssyncadd.s32 $0xFFFFC000  }
0xa6: {  	_ =	swait.ge [sflag:s7], $0x4000  }
0xa7: {  	[sflag:s7] =	ssyncset.done $0x0  }
0xa8: {  	s1 =	rddreg [dreg:$0x8];
	[sflag:s7] =	ssyncadd.s32 $0xFFFFC000  }
0xa9: {  	[hbm4b:s1+s2] =	stream.linear.scatter [tilespmem:s5], [sflag:$0x2], $0x10000, $0x38;
	[tilespmem:$0x11000] =	vst v63  }
0xaa: {  	_ =	swait.ge [sflag:s3], $0x10000  }
0xab: {  	[sflag:s3] =	ssyncset.done $0x0  }
0xac: {  	s1 =	simm.s32 $0xC00;
	[sflag:s3] =	ssyncadd.s32 $0xFFFF0000  }
0xad: {  	[tilespmem:s5], [sflag:$0x1] =	stream.indirect.gather [hbm4b:s4+s6], $0x80, s1, s6, $0xb8;
	[tilespmem:$0x11000] =	vst v63  }
0xae: {  	_ = 	snop  }
0xaf: {  	[tilespmem:s8], [sflag:$0x1] =	stream.indirect.gather [hbm4b:s4+s6], $0x80, s17, s6, $0xb8;
	[tilespmem:$0x11000] =	vst v63  }
0xb0: {  	_ = 	snop  }
0xb1: {  	[tilespmem:s9], [sflag:$0x1] =	stream.indirect.gather [hbm4b:s4+s6], $0x80, s18, s6, $0xb8;
	[tilespmem:$0x11000] =	vst v63  }
0xb2: {  	_ = 	snop  }
0xb3: {  	[tilespmem:s10], [sflag:$0x1] =	stream.indirect.gather [hbm4b:s4+s6], $0x80, s19, s6, $0xb8;
	[tilespmem:$0x11000] =	vst v63  }
0xb4: {  	_ =	swait.ge [sflag:s7], $0x4000  }
0xb5: {  	[sflag:s7] =	ssyncset.done $0x0  }
0xb6: {  	[sflag:s7] =	ssyncadd.s32 $0xFFFFC000  }
0xb7: {  	_ =	swait.ge [sflag:s7], $0x4000  }
0xb8: {  	[sflag:s7] =	ssyncset.done $0x0  }
0xb9: {  	[sflag:s7] =	ssyncadd.s32 $0xFFFFC000  }
0xba: {  	_ =	swait.ge [sflag:s7], $0x4000  }
0xbb: {  	[sflag:s7] =	ssyncset.done $0x0  }
0xbc: {  	[sflag:s7] =	ssyncadd.s32 $0xFFFFC000  }
0xbd: {  	_ =	swait.ge [sflag:s7], $0x4000  }
0xbe: {  	[sflag:s7] =	ssyncset.done $0x0  }
0xbf: {  	s1 =	rddreg [dreg:$0x9];
	[sflag:s7] =	ssyncadd.s32 $0xFFFFC000  }
0xc0: {  	[hbm4b:s1+s2] =	stream.linear.scatter [tilespmem:s5], [sflag:$0x2], $0x10000, $0x38;
	[tilespmem:$0x11000] =	vst v63  }
0xc1: {  	_ =	swait.ge [sflag:s3], $0x10000  }
0xc2: {  	[sflag:s3] =	ssyncset.done $0x0  }
0xc3: {  	[sflag:s3] =	ssyncadd.s32 $0xFFFF0000  }
0xc4: {  	[tilespmem:s5], [sflag:$0x1] =	stream.indirect.gather [hbm4b:s4+s6], $0x80, s12, s6, $0xb8;
	[tilespmem:$0x11000] =	vst v63  }
0xc5: {  	_ = 	snop  }
0xc6: {  	[tilespmem:s8], [sflag:$0x1] =	stream.indirect.gather [hbm4b:s4+s6], $0x80, s13, s6, $0xb8;
	[tilespmem:$0x11000] =	vst v63  }
0xc7: {  	_ = 	snop  }
0xc8: {  	[tilespmem:s9], [sflag:$0x1] =	stream.indirect.gather [hbm4b:s4+s6], $0x80, s14, s6, $0xb8;
	[tilespmem:$0x11000] =	vst v63  }
0xc9: {  	_ = 	snop  }
0xca: {  	[tilespmem:s10], [sflag:$0x1] =	stream.indirect.gather [hbm4b:s4+s6], $0x80, s15, s6, $0xb8;
	[tilespmem:$0x11000] =	vst v63  }
0xcb: {  	_ =	swait.ge [sflag:s7], $0x4000  }
0xcc: {  	[sflag:s7] =	ssyncset.done $0x0  }
0xcd: {  	[sflag:s7] =	ssyncadd.s32 $0xFFFFC000  }
0xce: {  	_ =	swait.ge [sflag:s7], $0x4000  }
0xcf: {  	[sflag:s7] =	ssyncset.done $0x0  }
0xd0: {  	[sflag:s7] =	ssyncadd.s32 $0xFFFFC000  }
0xd1: {  	_ =	swait.ge [sflag:s7], $0x4000  }
0xd2: {  	[sflag:s7] =	ssyncset.done $0x0  }
0xd3: {  	[sflag:s7] =	ssyncadd.s32 $0xFFFFC000  }
0xd4: {  	p1 =	sne.s32 s11, $0x1;
	_ =	swait.ge [sflag:s7], $0x4000  }
.Ltmp1:
0xd5: {  	[sflag:s7] =	ssyncset.done $0x0;
	(pc) =	sbr.rel @!p1 .LBB2_3-.Ltmp1, $4  }
0xd6: {  	s1 =	rddreg [dreg:$0xa];
	[sflag:s7] =	ssyncadd.s32 $0xFFFFC000  }
0xd7: {  	[hbm4b:s1+s2] =	stream.linear.scatter [tilespmem:s5], [sflag:$0x2], $0x10000, $0x38;
	[tilespmem:$0x11000] =	vst v63  }
0xd8: {  	p0 =	por $0x1, $0x1;
	_ =	swait.ge [sflag:s3], $0x10000  }
0xd9: {  	s1 =	sadd.s32 $0xFFFFFFFF, s11;
	s0 =	rddreg [dreg:$0x2];
	[sflag:s3] =	ssyncset.done $0x0  }
.LBB2_4:
0xda: {  	[sflag:s3] =	ssyncadd.s32 $0xFFFF0000  }
0xdb: {  	[tilespmem:s2], [sflag:$0x2] =	stream.linear.gather [hbm4b:s0+s2], $0x1000, $0x38;
	[tilespmem:$0x11000] =	vst v63  }
0xdc: {  	_ =	swait.ge [sflag:s3], $0x1000  }
0xdd: {  	[sflag:s3] =	ssyncset.done $0x0  }
0xde: {  	[sflag:s3] =	ssyncadd.s32 $0xFFFFF000  }
0xdf: {  	[tilespmem:s5], [sflag:$0x1] =	stream.indirect.gather [hbm4b:s4+s6], $0x80, s2, s6, $0xb8;
	[tilespmem:$0x11000] =	vst v63  }
0xe0: {  	_ = 	snop  }
0xe1: {  	[tilespmem:s8], [sflag:$0x1] =	stream.indirect.gather [hbm4b:s4+s6], $0x80, s6, s6, $0xb8;
	[tilespmem:$0x11000] =	vst v63  }
0xe2: {  	s0 =	rddreg [dreg:$0xb]  }
0xe3: {  	[tilespmem:s9], [sflag:$0x1] =	stream.indirect.gather [hbm4b:s4+s6], $0x80, s0, s6, $0xb8;
	[tilespmem:$0x11000] =	vst v63  }
0xe4: {  	s11 =	rddreg [dreg:$0xc]  }
0xe5: {  	[tilespmem:s10], [sflag:$0x1] =	stream.indirect.gather [hbm4b:s4+s6], $0x80, s11, s6, $0xb8;
	[tilespmem:$0x11000] =	vst v63  }
0xe6: {  	_ =	swait.ge [sflag:s7], $0x4000  }
0xe7: {  	[sflag:s7] =	ssyncset.done $0x0  }
0xe8: {  	[sflag:s7] =	ssyncadd.s32 $0xFFFFC000  }
0xe9: {  	_ =	swait.ge [sflag:s7], $0x4000  }
0xea: {  	[sflag:s7] =	ssyncset.done $0x0  }
0xeb: {  	[sflag:s7] =	ssyncadd.s32 $0xFFFFC000  }
0xec: {  	_ =	swait.ge [sflag:s7], $0x4000  }
0xed: {  	[sflag:s7] =	ssyncset.done $0x0  }
0xee: {  	[sflag:s7] =	ssyncadd.s32 $0xFFFFC000  }
0xef: {  	_ =	swait.ge [sflag:s7], $0x4000  }
0xf0: {  	[sflag:s7] =	ssyncset.done $0x0  }
0xf1: {  	s11 =	rddreg [dreg:$0x3];
	[sflag:s7] =	ssyncadd.s32 $0xFFFFC000  }
0xf2: {  	[hbm4b:s11+s2] =	stream.linear.scatter [tilespmem:s5], [sflag:$0x2], $0x10000, $0x38;
	[tilespmem:$0x11000] =	vst v63  }
0xf3: {  	_ =	swait.ge [sflag:s3], $0x10000  }
0xf4: {  	[sflag:s3] =	ssyncset.done $0x0  }
0xf5: {  	s0 =	rddreg [dreg:$0xd];
	[sflag:s3] =	ssyncadd.s32 $0xFFFF0000  }
0xf6: {  	[tilespmem:s5], [sflag:$0x1] =	stream.indirect.gather [hbm4b:s4+s6], $0x80, s0, s6, $0xb8;
	[tilespmem:$0x11000] =	vst v63  }
0xf7: {  	s11 =	rddreg [dreg:$0xe]  }
0xf8: {  	[tilespmem:s8], [sflag:$0x1] =	stream.indirect.gather [hbm4b:s4+s6], $0x80, s11, s6, $0xb8;
	[tilespmem:$0x11000] =	vst v63  }
0xf9: {  	s0 =	rddreg [dreg:$0xf]  }
0xfa: {  	[tilespmem:s9], [sflag:$0x1] =	stream.indirect.gather [hbm4b:s4+s6], $0x80, s0, s6, $0xb8;
	[tilespmem:$0x11000] =	vst v63  }
0xfb: {  	s11 =	rddreg [dreg:$0x10]  }
0xfc: {  	[tilespmem:s10], [sflag:$0x1] =	stream.indirect.gather [hbm4b:s4+s6], $0x80, s11, s6, $0xb8;
	[tilespmem:$0x11000] =	vst v63  }
0xfd: {  	_ =	swait.ge [sflag:s7], $0x4000  }
0xfe: {  	[sflag:s7] =	ssyncset.done $0x0  }
0xff: {  	[sflag:s7] =	ssyncadd.s32 $0xFFFFC000  }
0x100: {  	_ =	swait.ge [sflag:s7], $0x4000  }
0x101: {  	[sflag:s7] =	ssyncset.done $0x0  }
0x102: {  	[sflag:s7] =	ssyncadd.s32 $0xFFFFC000  }
0x103: {  	_ =	swait.ge [sflag:s7], $0x4000  }
0x104: {  	[sflag:s7] =	ssyncset.done $0x0  }
0x105: {  	[sflag:s7] =	ssyncadd.s32 $0xFFFFC000  }
0x106: {  	_ =	swait.ge [sflag:s7], $0x4000  }
0x107: {  	[sflag:s7] =	ssyncset.done $0x0  }
0x108: {  	s11 =	rddreg [dreg:$0x4];
	[sflag:s7] =	ssyncadd.s32 $0xFFFFC000  }
0x109: {  	[hbm4b:s11+s2] =	stream.linear.scatter [tilespmem:s5], [sflag:$0x2], $0x10000, $0x38;
	[tilespmem:$0x11000] =	vst v63  }
0x10a: {  	_ =	swait.ge [sflag:s3], $0x10000  }
0x10b: {  	[sflag:s3] =	ssyncset.done $0x0  }
0x10c: {  	s0 =	rddreg [dreg:$0x11];
	[sflag:s3] =	ssyncadd.s32 $0xFFFF0000  }
0x10d: {  	[tilespmem:s5], [sflag:$0x1] =	stream.indirect.gather [hbm4b:s4+s6], $0x80, s0, s6, $0xb8;
	[tilespmem:$0x11000] =	vst v63  }
0x10e: {  	s11 =	rddreg [dreg:$0x12]  }
0x10f: {  	[tilespmem:s8], [sflag:$0x1] =	stream.indirect.gather [hbm4b:s4+s6], $0x80, s11, s6, $0xb8;
	[tilespmem:$0x11000] =	vst v63  }
0x110: {  	s0 =	rddreg [dreg:$0x13]  }
0x111: {  	[tilespmem:s9], [sflag:$0x1] =	stream.indirect.gather [hbm4b:s4+s6], $0x80, s0, s6, $0xb8;
	[tilespmem:$0x11000] =	vst v63  }
0x112: {  	s11 =	rddreg [dreg:$0x14]  }
0x113: {  	[tilespmem:s10], [sflag:$0x1] =	stream.indirect.gather [hbm4b:s4+s6], $0x80, s11, s6, $0xb8;
	[tilespmem:$0x11000] =	vst v63  }
0x114: {  	_ =	swait.ge [sflag:s7], $0x4000  }
0x115: {  	[sflag:s7] =	ssyncset.done $0x0  }
0x116: {  	[sflag:s7] =	ssyncadd.s32 $0xFFFFC000  }
0x117: {  	_ =	swait.ge [sflag:s7], $0x4000  }
0x118: {  	[sflag:s7] =	ssyncset.done $0x0  }
0x119: {  	[sflag:s7] =	ssyncadd.s32 $0xFFFFC000  }
0x11a: {  	_ =	swait.ge [sflag:s7], $0x4000  }
0x11b: {  	[sflag:s7] =	ssyncset.done $0x0  }
0x11c: {  	[sflag:s7] =	ssyncadd.s32 $0xFFFFC000  }
0x11d: {  	_ =	swait.ge [sflag:s7], $0x4000  }
0x11e: {  	[sflag:s7] =	ssyncset.done $0x0  }
0x11f: {  	s11 =	rddreg [dreg:$0x5];
	[sflag:s7] =	ssyncadd.s32 $0xFFFFC000  }
0x120: {  	[hbm4b:s11+s2] =	stream.linear.scatter [tilespmem:s5], [sflag:$0x2], $0x10000, $0x38;
	[tilespmem:$0x11000] =	vst v63  }
0x121: {  	_ =	swait.ge [sflag:s3], $0x10000  }
0x122: {  	[sflag:s3] =	ssyncset.done $0x0  }
0x123: {  	[sflag:s3] =	ssyncadd.s32 $0xFFFF0000  }
0x124: {  	[tilespmem:s5], [sflag:$0x1] =	stream.indirect.gather [hbm4b:s4+s6], $0x80, s29, s6, $0xb8;
	[tilespmem:$0x11000] =	vst v63  }
0x125: {  	_ = 	snop  }
0x126: {  	[tilespmem:s8], [sflag:$0x1] =	stream.indirect.gather [hbm4b:s4+s6], $0x80, s30, s6, $0xb8;
	[tilespmem:$0x11000] =	vst v63  }
0x127: {  	_ = 	snop  }
0x128: {  	[tilespmem:s9], [sflag:$0x1] =	stream.indirect.gather [hbm4b:s4+s6], $0x80, s31, s6, $0xb8;
	[tilespmem:$0x11000] =	vst v63  }
0x129: {  	_ = 	snop  }
0x12a: {  	[tilespmem:s10], [sflag:$0x1] =	stream.indirect.gather [hbm4b:s4+s6], $0x80, s16, s6, $0xb8;
	[tilespmem:$0x11000] =	vst v63  }
0x12b: {  	_ =	swait.ge [sflag:s7], $0x4000  }
0x12c: {  	[sflag:s7] =	ssyncset.done $0x0  }
0x12d: {  	[sflag:s7] =	ssyncadd.s32 $0xFFFFC000  }
0x12e: {  	_ =	swait.ge [sflag:s7], $0x4000  }
0x12f: {  	[sflag:s7] =	ssyncset.done $0x0  }
0x130: {  	[sflag:s7] =	ssyncadd.s32 $0xFFFFC000  }
0x131: {  	_ =	swait.ge [sflag:s7], $0x4000  }
0x132: {  	[sflag:s7] =	ssyncset.done $0x0  }
0x133: {  	[sflag:s7] =	ssyncadd.s32 $0xFFFFC000  }
0x134: {  	_ =	swait.ge [sflag:s7], $0x4000  }
0x135: {  	[sflag:s7] =	ssyncset.done $0x0  }
0x136: {  	s11 =	rddreg [dreg:$0x6];
	[sflag:s7] =	ssyncadd.s32 $0xFFFFC000  }
0x137: {  	[hbm4b:s11+s2] =	stream.linear.scatter [tilespmem:s5], [sflag:$0x2], $0x10000, $0x38;
	[tilespmem:$0x11000] =	vst v63  }
0x138: {  	_ =	swait.ge [sflag:s3], $0x10000  }
0x139: {  	[sflag:s3] =	ssyncset.done $0x0  }
0x13a: {  	[sflag:s3] =	ssyncadd.s32 $0xFFFF0000  }
0x13b: {  	[tilespmem:s5], [sflag:$0x1] =	stream.indirect.gather [hbm4b:s4+s6], $0x80, s24, s6, $0xb8;
	[tilespmem:$0x11000] =	vst v63  }
0x13c: {  	_ = 	snop  }
0x13d: {  	[tilespmem:s8], [sflag:$0x1] =	stream.indirect.gather [hbm4b:s4+s6], $0x80, s25, s6, $0xb8;
	[tilespmem:$0x11000] =	vst v63  }
0x13e: {  	_ = 	snop  }
0x13f: {  	[tilespmem:s9], [sflag:$0x1] =	stream.indirect.gather [hbm4b:s4+s6], $0x80, s26, s6, $0xb8;
	[tilespmem:$0x11000] =	vst v63  }
0x140: {  	_ = 	snop  }
0x141: {  	[tilespmem:s10], [sflag:$0x1] =	stream.indirect.gather [hbm4b:s4+s6], $0x80, s28, s6, $0xb8;
	[tilespmem:$0x11000] =	vst v63  }
0x142: {  	_ =	swait.ge [sflag:s7], $0x4000  }
0x143: {  	[sflag:s7] =	ssyncset.done $0x0  }
0x144: {  	[sflag:s7] =	ssyncadd.s32 $0xFFFFC000  }
0x145: {  	_ =	swait.ge [sflag:s7], $0x4000  }
0x146: {  	[sflag:s7] =	ssyncset.done $0x0  }
0x147: {  	[sflag:s7] =	ssyncadd.s32 $0xFFFFC000  }
0x148: {  	_ =	swait.ge [sflag:s7], $0x4000  }
0x149: {  	[sflag:s7] =	ssyncset.done $0x0  }
0x14a: {  	[sflag:s7] =	ssyncadd.s32 $0xFFFFC000  }
0x14b: {  	_ =	swait.ge [sflag:s7], $0x4000  }
0x14c: {  	[sflag:s7] =	ssyncset.done $0x0  }
0x14d: {  	s11 =	rddreg [dreg:$0x7];
	[sflag:s7] =	ssyncadd.s32 $0xFFFFC000  }
0x14e: {  	[hbm4b:s11+s2] =	stream.linear.scatter [tilespmem:s5], [sflag:$0x2], $0x10000, $0x38;
	[tilespmem:$0x11000] =	vst v63  }
0x14f: {  	_ =	swait.ge [sflag:s3], $0x10000  }
0x150: {  	[sflag:s3] =	ssyncset.done $0x0  }
0x151: {  	[sflag:s3] =	ssyncadd.s32 $0xFFFF0000  }
0x152: {  	[tilespmem:s5], [sflag:$0x1] =	stream.indirect.gather [hbm4b:s4+s6], $0x80, s20, s6, $0xb8;
	[tilespmem:$0x11000] =	vst v63  }
0x153: {  	_ = 	snop  }
0x154: {  	[tilespmem:s8], [sflag:$0x1] =	stream.indirect.gather [hbm4b:s4+s6], $0x80, s21, s6, $0xb8;
	[tilespmem:$0x11000] =	vst v63  }
0x155: {  	_ = 	snop  }
0x156: {  	[tilespmem:s9], [sflag:$0x1] =	stream.indirect.gather [hbm4b:s4+s6], $0x80, s22, s6, $0xb8;
	[tilespmem:$0x11000] =	vst v63  }
0x157: {  	_ = 	snop  }
0x158: {  	[tilespmem:s10], [sflag:$0x1] =	stream.indirect.gather [hbm4b:s4+s6], $0x80, s23, s6, $0xb8;
	[tilespmem:$0x11000] =	vst v63  }
0x159: {  	_ =	swait.ge [sflag:s7], $0x4000  }
0x15a: {  	[sflag:s7] =	ssyncset.done $0x0  }
0x15b: {  	[sflag:s7] =	ssyncadd.s32 $0xFFFFC000  }
0x15c: {  	_ =	swait.ge [sflag:s7], $0x4000  }
0x15d: {  	[sflag:s7] =	ssyncset.done $0x0  }
0x15e: {  	[sflag:s7] =	ssyncadd.s32 $0xFFFFC000  }
0x15f: {  	_ =	swait.ge [sflag:s7], $0x4000  }
0x160: {  	[sflag:s7] =	ssyncset.done $0x0  }
0x161: {  	[sflag:s7] =	ssyncadd.s32 $0xFFFFC000  }
0x162: {  	_ =	swait.ge [sflag:s7], $0x4000  }
0x163: {  	[sflag:s7] =	ssyncset.done $0x0  }
0x164: {  	s11 =	rddreg [dreg:$0x8];
	[sflag:s7] =	ssyncadd.s32 $0xFFFFC000  }
0x165: {  	[hbm4b:s11+s2] =	stream.linear.scatter [tilespmem:s5], [sflag:$0x2], $0x10000, $0x38;
	[tilespmem:$0x11000] =	vst v63  }
0x166: {  	_ =	swait.ge [sflag:s3], $0x10000  }
0x167: {  	[sflag:s3] =	ssyncset.done $0x0  }
0x168: {  	s11 =	simm.s32 $0xC00;
	[sflag:s3] =	ssyncadd.s32 $0xFFFF0000  }
0x169: {  	[tilespmem:s5], [sflag:$0x1] =	stream.indirect.gather [hbm4b:s4+s6], $0x80, s11, s6, $0xb8;
	[tilespmem:$0x11000] =	vst v63  }
0x16a: {  	_ = 	snop  }
0x16b: {  	[tilespmem:s8], [sflag:$0x1] =	stream.indirect.gather [hbm4b:s4+s6], $0x80, s17, s6, $0xb8;
	[tilespmem:$0x11000] =	vst v63  }
0x16c: {  	_ = 	snop  }
0x16d: {  	[tilespmem:s9], [sflag:$0x1] =	stream.indirect.gather [hbm4b:s4+s6], $0x80, s18, s6, $0xb8;
	[tilespmem:$0x11000] =	vst v63  }
0x16e: {  	_ = 	snop  }
0x16f: {  	[tilespmem:s10], [sflag:$0x1] =	stream.indirect.gather [hbm4b:s4+s6], $0x80, s19, s6, $0xb8;
	[tilespmem:$0x11000] =	vst v63  }
0x170: {  	_ =	swait.ge [sflag:s7], $0x4000  }
0x171: {  	[sflag:s7] =	ssyncset.done $0x0  }
0x172: {  	[sflag:s7] =	ssyncadd.s32 $0xFFFFC000  }
0x173: {  	_ =	swait.ge [sflag:s7], $0x4000  }
0x174: {  	[sflag:s7] =	ssyncset.done $0x0  }
0x175: {  	[sflag:s7] =	ssyncadd.s32 $0xFFFFC000  }
0x176: {  	_ =	swait.ge [sflag:s7], $0x4000  }
0x177: {  	[sflag:s7] =	ssyncset.done $0x0  }
0x178: {  	[sflag:s7] =	ssyncadd.s32 $0xFFFFC000  }
0x179: {  	_ =	swait.ge [sflag:s7], $0x4000  }
0x17a: {  	[sflag:s7] =	ssyncset.done $0x0  }
0x17b: {  	s11 =	rddreg [dreg:$0x9];
	[sflag:s7] =	ssyncadd.s32 $0xFFFFC000  }
0x17c: {  	[hbm4b:s11+s2] =	stream.linear.scatter [tilespmem:s5], [sflag:$0x2], $0x10000, $0x38;
	[tilespmem:$0x11000] =	vst v63  }
0x17d: {  	_ =	swait.ge [sflag:s3], $0x10000  }
0x17e: {  	[sflag:s3] =	ssyncset.done $0x0  }
0x17f: {  	[sflag:s3] =	ssyncadd.s32 $0xFFFF0000  }
0x180: {  	[tilespmem:s5], [sflag:$0x1] =	stream.indirect.gather [hbm4b:s4+s6], $0x80, s12, s6, $0xb8;
	[tilespmem:$0x11000] =	vst v63  }
0x181: {  	_ = 	snop  }
0x182: {  	[tilespmem:s8], [sflag:$0x1] =	stream.indirect.gather [hbm4b:s4+s6], $0x80, s13, s6, $0xb8;
	[tilespmem:$0x11000] =	vst v63  }
0x183: {  	_ = 	snop  }
0x184: {  	[tilespmem:s9], [sflag:$0x1] =	stream.indirect.gather [hbm4b:s4+s6], $0x80, s14, s6, $0xb8;
	[tilespmem:$0x11000] =	vst v63  }
0x185: {  	_ = 	snop  }
0x186: {  	[tilespmem:s10], [sflag:$0x1] =	stream.indirect.gather [hbm4b:s4+s6], $0x80, s15, s6, $0xb8;
	[tilespmem:$0x11000] =	vst v63  }
0x187: {  	_ =	swait.ge [sflag:s7], $0x4000  }
0x188: {  	[sflag:s7] =	ssyncset.done $0x0  }
0x189: {  	[sflag:s7] =	ssyncadd.s32 $0xFFFFC000  }
0x18a: {  	_ =	swait.ge [sflag:s7], $0x4000  }
0x18b: {  	[sflag:s7] =	ssyncset.done $0x0  }
0x18c: {  	[sflag:s7] =	ssyncadd.s32 $0xFFFFC000  }
0x18d: {  	_ =	swait.ge [sflag:s7], $0x4000  }
0x18e: {  	[sflag:s7] =	ssyncset.done $0x0  }
0x18f: {  	[sflag:s7] =	ssyncadd.s32 $0xFFFFC000  }
0x190: {  	p1 =	sne.s32 s1, $0x1;
	_ =	swait.ge [sflag:s7], $0x4000  }
.Ltmp2:
0x191: {  	[sflag:s7] =	ssyncset.done $0x0;
	(pc) =	sbr.rel @p1 .LBB2_4-.Ltmp2, $4  }
0x192: {  	s11 =	rddreg [dreg:$0xa];
	[sflag:s7] =	ssyncadd.s32 $0xFFFFC000  }
0x193: {  	[hbm4b:s11+s2] =	stream.linear.scatter [tilespmem:s5], [sflag:$0x2], $0x10000, $0x38;
	[tilespmem:$0x11000] =	vst v63  }
0x194: {  	_ =	swait.ge [sflag:s3], $0x10000  }
0x195: {  	s1 =	sadd.s32 $0xFFFFFFFF, s1;
	s0 =	rddreg [dreg:$0x2];
	[sflag:s3] =	ssyncset.done $0x0  }
0x196: {  	s15 =	simm.s32 $0x780;
	s31 =	simm.s32 $0x700  }
0x197: {  	s30 =	simm.s32 $0x680;
	s29 =	simm.s32 $0x600;
	s28 =	simm.s32 $0x980  }
0x198: {  	s26 =	simm.s32 $0x900;
	s25 =	simm.s32 $0x880;
	s24 =	simm.s32 $0x800  }
0x199: {  	s23 =	simm.s32 $0xB80;
	s22 =	simm.s32 $0xB00;
	s21 =	simm.s32 $0xA80  }
0x19a: {  	s20 =	simm.s32 $0xA00;
	s19 =	simm.s32 $0xD80;
	s18 =	simm.s32 $0xD00  }
0x19b: {  	s17 =	simm.s32 $0xC80;
	s16 =	simm.s32 $0xC00;
	s14 =	simm.s32 $0xF00  }
0x19c: {  	s13 =	simm.s32 $0xE80;
	s12 =	simm.s32 $0xE00;
	s11 =	stileid.u32  }
.LBB2_6:
0x19d: {  	[sflag:s3] =	ssyncadd.s32 @p0 $0xFFFF0000  }
0x19e: {  	[tilespmem:s2], [sflag:$0x2] =	stream.linear.gather [hbm4b:s0+s2], $0x1000, $0x38;
	[tilespmem:$0x11000] =	vst v63  }
0x19f: {  	_ =	swait.ge [sflag:s3], $0x1000  }
0x1a0: {  	[sflag:s3] =	ssyncset.done $0x0  }
0x1a1: {  	[sflag:s3] =	ssyncadd.s32 $0xFFFFF000  }
0x1a2: {  	[tilespmem:s5], [sflag:$0x1] =	stream.indirect.gather [hbm4b:s4+s6], $0x80, s2, s6, $0xb8;
	[tilespmem:$0x11000] =	vst v63  }
0x1a3: {  	_ = 	snop  }
0x1a4: {  	[tilespmem:s8], [sflag:$0x1] =	stream.indirect.gather [hbm4b:s4+s6], $0x80, s6, s6, $0xb8;
	[tilespmem:$0x11000] =	vst v63  }
0x1a5: {  	s0 =	rddreg [dreg:$0xb]  }
0x1a6: {  	[tilespmem:s9], [sflag:$0x1] =	stream.indirect.gather [hbm4b:s4+s6], $0x80, s0, s6, $0xb8;
	[tilespmem:$0x11000] =	vst v63  }
0x1a7: {  	s1 =	rddreg [dreg:$0xc]  }
0x1a8: {  	[tilespmem:s10], [sflag:$0x1] =	stream.indirect.gather [hbm4b:s4+s6], $0x80, s1, s6, $0xb8;
	[tilespmem:$0x11000] =	vst v63  }
0x1a9: {  	_ =	swait.ge [sflag:s7], $0x4000  }
0x1aa: {  	[sflag:s7] =	ssyncset.done $0x0  }
0x1ab: {  	[sflag:s7] =	ssyncadd.s32 $0xFFFFC000  }
0x1ac: {  	_ =	swait.ge [sflag:s7], $0x4000  }
0x1ad: {  	[sflag:s7] =	ssyncset.done $0x0  }
0x1ae: {  	[sflag:s7] =	ssyncadd.s32 $0xFFFFC000  }
0x1af: {  	_ =	swait.ge [sflag:s7], $0x4000  }
0x1b0: {  	[sflag:s7] =	ssyncset.done $0x0  }
0x1b1: {  	[sflag:s7] =	ssyncadd.s32 $0xFFFFC000  }
0x1b2: {  	_ =	swait.ge [sflag:s7], $0x4000  }
0x1b3: {  	[sflag:s7] =	ssyncset.done $0x0  }
0x1b4: {  	s1 =	rddreg [dreg:$0x3];
	[sflag:s7] =	ssyncadd.s32 $0xFFFFC000  }
0x1b5: {  	[hbm4b:s1+s2] =	stream.linear.scatter [tilespmem:s5], [sflag:$0x2], $0x10000, $0x38;
	[tilespmem:$0x11000] =	vst v63  }
0x1b6: {  	_ =	swait.ge [sflag:s3], $0x10000  }
0x1b7: {  	[sflag:s3] =	ssyncset.done $0x0  }
0x1b8: {  	s0 =	rddreg [dreg:$0xd];
	[sflag:s3] =	ssyncadd.s32 $0xFFFF0000  }
0x1b9: {  	[tilespmem:s5], [sflag:$0x1] =	stream.indirect.gather [hbm4b:s4+s6], $0x80, s0, s6, $0xb8;
	[tilespmem:$0x11000] =	vst v63  }
0x1ba: {  	s1 =	rddreg [dreg:$0xe]  }
0x1bb: {  	[tilespmem:s8], [sflag:$0x1] =	stream.indirect.gather [hbm4b:s4+s6], $0x80, s1, s6, $0xb8;
	[tilespmem:$0x11000] =	vst v63  }
0x1bc: {  	s0 =	rddreg [dreg:$0xf]  }
0x1bd: {  	[tilespmem:s9], [sflag:$0x1] =	stream.indirect.gather [hbm4b:s4+s6], $0x80, s0, s6, $0xb8;
	[tilespmem:$0x11000] =	vst v63  }
0x1be: {  	s1 =	rddreg [dreg:$0x10]  }
0x1bf: {  	[tilespmem:s10], [sflag:$0x1] =	stream.indirect.gather [hbm4b:s4+s6], $0x80, s1, s6, $0xb8;
	[tilespmem:$0x11000] =	vst v63  }
0x1c0: {  	_ =	swait.ge [sflag:s7], $0x4000  }
0x1c1: {  	[sflag:s7] =	ssyncset.done $0x0  }
0x1c2: {  	[sflag:s7] =	ssyncadd.s32 $0xFFFFC000  }
0x1c3: {  	_ =	swait.ge [sflag:s7], $0x4000  }
0x1c4: {  	[sflag:s7] =	ssyncset.done $0x0  }
0x1c5: {  	[sflag:s7] =	ssyncadd.s32 $0xFFFFC000  }
0x1c6: {  	_ =	swait.ge [sflag:s7], $0x4000  }
0x1c7: {  	[sflag:s7] =	ssyncset.done $0x0  }
0x1c8: {  	[sflag:s7] =	ssyncadd.s32 $0xFFFFC000  }
0x1c9: {  	_ =	swait.ge [sflag:s7], $0x4000  }
0x1ca: {  	[sflag:s7] =	ssyncset.done $0x0  }
0x1cb: {  	s1 =	rddreg [dreg:$0x4];
	[sflag:s7] =	ssyncadd.s32 $0xFFFFC000  }
0x1cc: {  	[hbm4b:s1+s2] =	stream.linear.scatter [tilespmem:s5], [sflag:$0x2], $0x10000, $0x38;
	[tilespmem:$0x11000] =	vst v63  }
0x1cd: {  	_ =	swait.ge [sflag:s3], $0x10000  }
0x1ce: {  	[sflag:s3] =	ssyncset.done $0x0  }
0x1cf: {  	s0 =	rddreg [dreg:$0x11];
	[sflag:s3] =	ssyncadd.s32 $0xFFFF0000  }
0x1d0: {  	[tilespmem:s5], [sflag:$0x1] =	stream.indirect.gather [hbm4b:s4+s6], $0x80, s0, s6, $0xb8;
	[tilespmem:$0x11000] =	vst v63  }
0x1d1: {  	s1 =	rddreg [dreg:$0x12]  }
0x1d2: {  	[tilespmem:s8], [sflag:$0x1] =	stream.indirect.gather [hbm4b:s4+s6], $0x80, s1, s6, $0xb8;
	[tilespmem:$0x11000] =	vst v63  }
0x1d3: {  	s0 =	rddreg [dreg:$0x13]  }
0x1d4: {  	[tilespmem:s9], [sflag:$0x1] =	stream.indirect.gather [hbm4b:s4+s6], $0x80, s0, s6, $0xb8;
	[tilespmem:$0x11000] =	vst v63  }
0x1d5: {  	s1 =	rddreg [dreg:$0x14]  }
0x1d6: {  	[tilespmem:s10], [sflag:$0x1] =	stream.indirect.gather [hbm4b:s4+s6], $0x80, s1, s6, $0xb8;
	[tilespmem:$0x11000] =	vst v63  }
0x1d7: {  	_ =	swait.ge [sflag:s7], $0x4000  }
0x1d8: {  	[sflag:s7] =	ssyncset.done $0x0  }
0x1d9: {  	[sflag:s7] =	ssyncadd.s32 $0xFFFFC000  }
0x1da: {  	_ =	swait.ge [sflag:s7], $0x4000  }
0x1db: {  	[sflag:s7] =	ssyncset.done $0x0  }
0x1dc: {  	[sflag:s7] =	ssyncadd.s32 $0xFFFFC000  }
0x1dd: {  	_ =	swait.ge [sflag:s7], $0x4000  }
0x1de: {  	[sflag:s7] =	ssyncset.done $0x0  }
0x1df: {  	[sflag:s7] =	ssyncadd.s32 $0xFFFFC000  }
0x1e0: {  	_ =	swait.ge [sflag:s7], $0x4000  }
0x1e1: {  	[sflag:s7] =	ssyncset.done $0x0  }
0x1e2: {  	s1 =	rddreg [dreg:$0x5];
	[sflag:s7] =	ssyncadd.s32 $0xFFFFC000  }
0x1e3: {  	[hbm4b:s1+s2] =	stream.linear.scatter [tilespmem:s5], [sflag:$0x2], $0x10000, $0x38;
	[tilespmem:$0x11000] =	vst v63  }
0x1e4: {  	_ =	swait.ge [sflag:s3], $0x10000  }
0x1e5: {  	[sflag:s3] =	ssyncset.done $0x0  }
0x1e6: {  	[sflag:s3] =	ssyncadd.s32 $0xFFFF0000  }
0x1e7: {  	[tilespmem:s5], [sflag:$0x1] =	stream.indirect.gather [hbm4b:s4+s6], $0x80, s29, s6, $0xb8;
	[tilespmem:$0x11000] =	vst v63  }
0x1e8: {  	_ = 	snop  }
0x1e9: {  	[tilespmem:s8], [sflag:$0x1] =	stream.indirect.gather [hbm4b:s4+s6], $0x80, s30, s6, $0xb8;
	[tilespmem:$0x11000] =	vst v63  }
0x1ea: {  	_ = 	snop  }
0x1eb: {  	[tilespmem:s9], [sflag:$0x1] =	stream.indirect.gather [hbm4b:s4+s6], $0x80, s31, s6, $0xb8;
	[tilespmem:$0x11000] =	vst v63  }
0x1ec: {  	_ = 	snop  }
0x1ed: {  	[tilespmem:s10], [sflag:$0x1] =	stream.indirect.gather [hbm4b:s4+s6], $0x80, s15, s6, $0xb8;
	[tilespmem:$0x11000] =	vst v63  }
0x1ee: {  	_ =	swait.ge [sflag:s7], $0x4000  }
0x1ef: {  	[sflag:s7] =	ssyncset.done $0x0  }
0x1f0: {  	[sflag:s7] =	ssyncadd.s32 $0xFFFFC000  }
0x1f1: {  	_ =	swait.ge [sflag:s7], $0x4000  }
0x1f2: {  	[sflag:s7] =	ssyncset.done $0x0  }
0x1f3: {  	[sflag:s7] =	ssyncadd.s32 $0xFFFFC000  }
0x1f4: {  	_ =	swait.ge [sflag:s7], $0x4000  }
0x1f5: {  	[sflag:s7] =	ssyncset.done $0x0  }
0x1f6: {  	[sflag:s7] =	ssyncadd.s32 $0xFFFFC000  }
0x1f7: {  	_ =	swait.ge [sflag:s7], $0x4000  }
0x1f8: {  	[sflag:s7] =	ssyncset.done $0x0  }
0x1f9: {  	s15 =	rddreg [dreg:$0x6];
	[sflag:s7] =	ssyncadd.s32 $0xFFFFC000  }
0x1fa: {  	[hbm4b:s15+s2] =	stream.linear.scatter [tilespmem:s5], [sflag:$0x2], $0x10000, $0x38;
	[tilespmem:$0x11000] =	vst v63  }
0x1fb: {  	_ =	swait.ge [sflag:s3], $0x10000  }
0x1fc: {  	[sflag:s3] =	ssyncset.done $0x0  }
0x1fd: {  	[sflag:s3] =	ssyncadd.s32 $0xFFFF0000  }
0x1fe: {  	[tilespmem:s5], [sflag:$0x1] =	stream.indirect.gather [hbm4b:s4+s6], $0x80, s24, s6, $0xb8;
	[tilespmem:$0x11000] =	vst v63  }
0x1ff: {  	_ = 	snop  }
0x200: {  	[tilespmem:s8], [sflag:$0x1] =	stream.indirect.gather [hbm4b:s4+s6], $0x80, s25, s6, $0xb8;
	[tilespmem:$0x11000] =	vst v63  }
0x201: {  	_ = 	snop  }
0x202: {  	[tilespmem:s9], [sflag:$0x1] =	stream.indirect.gather [hbm4b:s4+s6], $0x80, s26, s6, $0xb8;
	[tilespmem:$0x11000] =	vst v63  }
0x203: {  	_ = 	snop  }
0x204: {  	[tilespmem:s10], [sflag:$0x1] =	stream.indirect.gather [hbm4b:s4+s6], $0x80, s28, s6, $0xb8;
	[tilespmem:$0x11000] =	vst v63  }
0x205: {  	_ =	swait.ge [sflag:s7], $0x4000  }
0x206: {  	[sflag:s7] =	ssyncset.done $0x0  }
0x207: {  	[sflag:s7] =	ssyncadd.s32 $0xFFFFC000  }
0x208: {  	_ =	swait.ge [sflag:s7], $0x4000  }
0x209: {  	[sflag:s7] =	ssyncset.done $0x0  }
0x20a: {  	[sflag:s7] =	ssyncadd.s32 $0xFFFFC000  }
0x20b: {  	_ =	swait.ge [sflag:s7], $0x4000  }
0x20c: {  	[sflag:s7] =	ssyncset.done $0x0  }
0x20d: {  	[sflag:s7] =	ssyncadd.s32 $0xFFFFC000  }
0x20e: {  	_ =	swait.ge [sflag:s7], $0x4000  }
0x20f: {  	[sflag:s7] =	ssyncset.done $0x0  }
0x210: {  	s26 =	rddreg [dreg:$0x7];
	[sflag:s7] =	ssyncadd.s32 $0xFFFFC000  }
0x211: {  	[hbm4b:s26+s2] =	stream.linear.scatter [tilespmem:s5], [sflag:$0x2], $0x10000, $0x38;
	[tilespmem:$0x11000] =	vst v63  }
0x212: {  	_ =	swait.ge [sflag:s3], $0x10000  }
0x213: {  	[sflag:s3] =	ssyncset.done $0x0  }
0x214: {  	[sflag:s3] =	ssyncadd.s32 $0xFFFF0000  }
0x215: {  	[tilespmem:s5], [sflag:$0x1] =	stream.indirect.gather [hbm4b:s4+s6], $0x80, s20, s6, $0xb8;
	[tilespmem:$0x11000] =	vst v63  }
0x216: {  	_ = 	snop  }
0x217: {  	[tilespmem:s8], [sflag:$0x1] =	stream.indirect.gather [hbm4b:s4+s6], $0x80, s21, s6, $0xb8;
	[tilespmem:$0x11000] =	vst v63  }
0x218: {  	_ = 	snop  }
0x219: {  	[tilespmem:s9], [sflag:$0x1] =	stream.indirect.gather [hbm4b:s4+s6], $0x80, s22, s6, $0xb8;
	[tilespmem:$0x11000] =	vst v63  }
0x21a: {  	_ = 	snop  }
0x21b: {  	[tilespmem:s10], [sflag:$0x1] =	stream.indirect.gather [hbm4b:s4+s6], $0x80, s23, s6, $0xb8;
	[tilespmem:$0x11000] =	vst v63  }
0x21c: {  	_ =	swait.ge [sflag:s7], $0x4000  }
0x21d: {  	[sflag:s7] =	ssyncset.done $0x0  }
0x21e: {  	[sflag:s7] =	ssyncadd.s32 $0xFFFFC000  }
0x21f: {  	_ =	swait.ge [sflag:s7], $0x4000  }
0x220: {  	[sflag:s7] =	ssyncset.done $0x0  }
0x221: {  	[sflag:s7] =	ssyncadd.s32 $0xFFFFC000  }
0x222: {  	_ =	swait.ge [sflag:s7], $0x4000  }
0x223: {  	[sflag:s7] =	ssyncset.done $0x0  }
0x224: {  	[sflag:s7] =	ssyncadd.s32 $0xFFFFC000  }
0x225: {  	_ =	swait.ge [sflag:s7], $0x4000  }
0x226: {  	[sflag:s7] =	ssyncset.done $0x0  }
0x227: {  	s28 =	rddreg [dreg:$0x8];
	[sflag:s7] =	ssyncadd.s32 $0xFFFFC000  }
0x228: {  	[hbm4b:s28+s2] =	stream.linear.scatter [tilespmem:s5], [sflag:$0x2], $0x10000, $0x38;
	[tilespmem:$0x11000] =	vst v63  }
0x229: {  	_ =	swait.ge [sflag:s3], $0x10000  }
0x22a: {  	[sflag:s3] =	ssyncset.done $0x0  }
0x22b: {  	[sflag:s3] =	ssyncadd.s32 $0xFFFF0000  }
0x22c: {  	[tilespmem:s5], [sflag:$0x1] =	stream.indirect.gather [hbm4b:s4+s6], $0x80, s16, s6, $0xb8;
	[tilespmem:$0x11000] =	vst v63  }
0x22d: {  	_ = 	snop  }
0x22e: {  	[tilespmem:s8], [sflag:$0x1] =	stream.indirect.gather [hbm4b:s4+s6], $0x80, s17, s6, $0xb8;
	[tilespmem:$0x11000] =	vst v63  }
0x22f: {  	_ = 	snop  }
0x230: {  	[tilespmem:s9], [sflag:$0x1] =	stream.indirect.gather [hbm4b:s4+s6], $0x80, s18, s6, $0xb8;
	[tilespmem:$0x11000] =	vst v63  }
0x231: {  	_ = 	snop  }
0x232: {  	[tilespmem:s10], [sflag:$0x1] =	stream.indirect.gather [hbm4b:s4+s6], $0x80, s19, s6, $0xb8;
	[tilespmem:$0x11000] =	vst v63  }
0x233: {  	_ =	swait.ge [sflag:s7], $0x4000  }
0x234: {  	[sflag:s7] =	ssyncset.done $0x0  }
0x235: {  	[sflag:s7] =	ssyncadd.s32 $0xFFFFC000  }
0x236: {  	_ =	swait.ge [sflag:s7], $0x4000  }
0x237: {  	[sflag:s7] =	ssyncset.done $0x0  }
0x238: {  	[sflag:s7] =	ssyncadd.s32 $0xFFFFC000  }
0x239: {  	_ =	swait.ge [sflag:s7], $0x4000  }
0x23a: {  	[sflag:s7] =	ssyncset.done $0x0  }
0x23b: {  	[sflag:s7] =	ssyncadd.s32 $0xFFFFC000  }
0x23c: {  	_ =	swait.ge [sflag:s7], $0x4000  }
0x23d: {  	[sflag:s7] =	ssyncset.done $0x0  }
0x23e: {  	s29 =	rddreg [dreg:$0x9];
	[sflag:s7] =	ssyncadd.s32 $0xFFFFC000  }
0x23f: {  	[hbm4b:s29+s2] =	stream.linear.scatter [tilespmem:s5], [sflag:$0x2], $0x10000, $0x38;
	[tilespmem:$0x11000] =	vst v63  }
0x240: {  	_ =	swait.ge [sflag:s3], $0x10000  }
0x241: {  	[sflag:s3] =	ssyncset.done $0x0  }
0x242: {  	[sflag:s3] =	ssyncadd.s32 $0xFFFF0000  }
0x243: {  	[tilespmem:s5], [sflag:$0x1] =	stream.indirect.gather [hbm4b:s4+s6], $0x80, s12, s6, $0xb8;
	[tilespmem:$0x11000] =	vst v63  }
0x244: {  	_ = 	snop  }
0x245: {  	[tilespmem:s8], [sflag:$0x1] =	stream.indirect.gather [hbm4b:s4+s6], $0x80, s13, s6, $0xb8;
	[tilespmem:$0x11000] =	vst v63  }
0x246: {  	_ = 	snop  }
0x247: {  	[tilespmem:s9], [sflag:$0x1] =	stream.indirect.gather [hbm4b:s4+s6], $0x80, s14, s6, $0xb8;
	[tilespmem:$0x11000] =	vst v63  }
0x248: {  	s30 =	simm.s32 $0xF80  }
0x249: {  	[tilespmem:s10], [sflag:$0x1] =	stream.indirect.gather [hbm4b:s4+s6], $0x80, s30, s6, $0xb8;
	[tilespmem:$0x11000] =	vst v63  }
0x24a: {  	_ =	swait.ge [sflag:s7], $0x4000  }
0x24b: {  	[sflag:s7] =	ssyncset.done $0x0  }
0x24c: {  	[sflag:s7] =	ssyncadd.s32 $0xFFFFC000  }
0x24d: {  	_ =	swait.ge [sflag:s7], $0x4000  }
0x24e: {  	[sflag:s7] =	ssyncset.done $0x0  }
0x24f: {  	[sflag:s7] =	ssyncadd.s32 $0xFFFFC000  }
0x250: {  	_ =	swait.ge [sflag:s7], $0x4000  }
0x251: {  	[sflag:s7] =	ssyncset.done $0x0  }
0x252: {  	[sflag:s7] =	ssyncadd.s32 $0xFFFFC000  }
0x253: {  	_ =	swait.ge [sflag:s7], $0x4000  }
0x254: {  	[sflag:s7] =	ssyncset.done $0x0  }
0x255: {  	s31 =	rddreg [dreg:$0xa];
	[sflag:s7] =	ssyncadd.s32 $0xFFFFC000  }
0x256: {  	[hbm4b:s31+s2] =	stream.linear.scatter [tilespmem:s5], [sflag:$0x2], $0x10000, $0x38;
	[tilespmem:$0x11000] =	vst v63  }
0x257: {  	_ =	swait.ge [sflag:s3], $0x10000  }
0x258: {  	[sflag:s3] =	ssyncset.done $0x0  }
0x259: {  	[sflag:s3] =	ssyncadd.s32 $0xFFFF0000  }
0x25a: {  	_ =	sfence.sel $0x180000  }
0x25b: {  	[bflag:$0x0] =	sbarrier.arrive $0xFFFF  }
0x25c: {  	_ =	strace $0x9000004A  }
0x25d: {  	[bflag:$0x2] =	sbarrier.arrive $0xFFFF  }
0x25e: {  	p0 =	sne.s32 s11, $0x0;
	s0 =	rddreg [dreg:$0x1]  }
0x25f: {  	s0 =	sadd.s32 @!p0 $0x100000, s0  }
0x260: {  	[sflag:s0] =	ssyncadd.tile.s32 @!p0 $0x1;
	_ =	shalt  }
.LBB2_1:
0x261: {  	s15 =	simm.s32 $0x780;
	s31 =	simm.s32 $0x700  }
0x262: {  	s30 =	simm.s32 $0x680;
	s29 =	simm.s32 $0x600;
	s28 =	simm.s32 $0x980  }
.Ltmp3:
0x263: {  	s26 =	simm.s32 $0x900;
	s25 =	simm.s32 $0x880;
	(pc) =	sbr.rel .LBB2_6-.Ltmp3, $4  }
0x264: {  	s24 =	simm.s32 $0x800;
	s23 =	simm.s32 $0xB80;
	s22 =	simm.s32 $0xB00  }
0x265: {  	s21 =	simm.s32 $0xA80;
	s20 =	simm.s32 $0xA00;
	s19 =	simm.s32 $0xD80  }
0x266: {  	s18 =	simm.s32 $0xD00;
	s17 =	simm.s32 $0xC80;
	s16 =	simm.s32 $0xC00  }
0x267: {  	s14 =	simm.s32 $0xF00;
	s13 =	simm.s32 $0xE80;
	s12 =	simm.s32 $0xE00  }
.LBB2_3:
0x268: {  	s15 =	simm.s32 $0x780;
	s31 =	simm.s32 $0x700;
	s30 =	simm.s32 $0x680  }
0x269: {  	s29 =	simm.s32 $0x600;
	s28 =	simm.s32 $0x980;
	s26 =	simm.s32 $0x900  }
.Ltmp4:
0x26a: {  	s25 =	simm.s32 $0x880;
	s24 =	simm.s32 $0x800;
	(pc) =	sbr.rel .LBB2_6-.Ltmp4, $4  }
0x26b: {  	s23 =	simm.s32 $0xB80;
	s22 =	simm.s32 $0xB00;
	s21 =	simm.s32 $0xA80  }
0x26c: {  	s20 =	simm.s32 $0xA00;
	s19 =	simm.s32 $0xD80;
	s18 =	simm.s32 $0xD00  }
0x26d: {  	s17 =	simm.s32 $0xC80;
	s16 =	simm.s32 $0xC00;
	s14 =	simm.s32 $0xF00  }
0x26e: {  	s13 =	simm.s32 $0xE80;
	s12 =	simm.s32 $0xE00;
	s11 =	stileid.u32  }
.Lfunc_end2:
_tile_overlayer_lowered:
.L_overlay_start_2:
0x26f: {  	(tag) =	ssettag $0x2  }
0x270: {  	s0 =	rddreg [dreg:$0x0];
	s2 =	stileid.u32  }
0x271: {  	s1 =	rddreg [dreg:$0x1];
	p0 =	sne.s32 s2, $0x0  }
0x272: {  	s3 =	rddreg [dreg:$0x2];
	[bflag:$0x3] =	sbarrier.arrive $0xFFFF;
	s2 =	simm.s32 @!p0 $0x1C02  }
0x273: {  	[timem:s3], [sflag:s2] =	dma.local @!p0 [hbm:s0], s1  }
0x274: {  	s0 =	simm.s32 @!p0 $0x2  }
0x275: {  	_ =	swait.ge @!p0 [sflag:s0], s1  }
0x276: {  	s1 =	ssub.s32 @!p0 $0x0, s1;
	[sflag:s0] =	ssyncset.done @!p0 $0x0  }
0x277: {  	[sflag:s0] =	ssyncadd.s32 @!p0 s1  }
0x278: {  	[bflag:$0x3] =	sbarrier.arrive $0xFFFF  }
0x279: {  	_ =	shalt  }

</sc_bundles>
